<compile_context>
chip_gen: v7x
topology: tpu7x:2x2x1
jax: 0.10.2.dev20260603
libtpu: 0.0.44.dev20260713+nightly
codegen_flags: <defaults>
</compile_context>

<pallas_src>
import numpy as np
import jax
import jax.numpy as jnp
from jax import lax
from jax.experimental import pallas as pl
from jax.experimental.pallas import tpu as pltpu
from jax.experimental.pallas import tpu_sc as plsc

_VOCAB = 100000
_D = 1024
_PE_LEN = 2048
_BATCH = 4
_B = _BATCH * _PE_LEN
_NC, _NS, _L = 2, 16, 16
_NW = _NC * _NS
_TW = _PE_LEN // _NW
_CH = 8
_NSTEP = _TW // _CH
_RPS = _BATCH * _CH
_VPR = _D // _L
_SCALE = float(np.sqrt(float(_D)))


def _sc_body(table_hbm, idx_hbm, out_hbm, idx_v, rows_v, gsem, osem):
    wid = lax.axis_index("s") * _NC + lax.axis_index("c")
    t0 = wid * _TW

    pltpu.sync_copy(idx_hbm.at[pl.ds(wid * _NSTEP * _RPS, _NSTEP * _RPS)],
                    idx_v)

    def gather_start(tc):
        return pltpu.async_copy(
            table_hbm.at[idx_v.at[pl.ds(tc * _RPS, _RPS)]],
            rows_v.at[tc % 3], gsem.at[tc % 3])

    g = [gather_start(0), None, None]
    st = [None, None, None]
    for tc in range(_NSTEP):
        p = tc % 3
        g[p].wait()
        if st[(tc + 1) % 3] is not None:
            for d in st[(tc + 1) % 3]:
                d.wait()
        if tc + 1 < _NSTEP:
            g[(tc + 1) % 3] = gather_start(tc + 1)

        @plsc.parallel_loop(0, _CH * _VPR, unroll=2)
        def _compute(k, p=p):
            i = k // _VPR
            j = (k % _VPR) * _L
            for b in range(_BATCH):
                rows_v[p, b * _CH + i, pl.ds(j, _L)] = (
                    rows_v[p, b * _CH + i, pl.ds(j, _L)] * _SCALE
                )

        st[p] = [
            pltpu.async_copy(
                rows_v.at[p, pl.ds(b * _CH, _CH)],
                out_hbm.at[pl.ds(b * _PE_LEN + t0 + tc * _CH, _CH)],
                osem.at[p])
            for b in range(_BATCH)
        ]
    for k in (_NSTEP - 2, _NSTEP - 1):
        for d in st[k % 3]:
            d.wait()


_sc_fn = pl.kernel(
    _sc_body,
    out_type=jax.ShapeDtypeStruct((_B, _D), jnp.float32),
    mesh=plsc.VectorSubcoreMesh(core_axis_name="c", subcore_axis_name="s"),
    scratch_types=[
        pltpu.VMEM((_NSTEP * _RPS,), jnp.int32),
        pltpu.VMEM((3, _RPS, _D), jnp.float32),
        pltpu.SemaphoreType.DMA((3,)),
        pltpu.SemaphoreType.DMA((3,)),
    ],
)


@jax.jit
def kernel(x, table):
    idx = (x.reshape(_BATCH, _NW, _NSTEP, _CH)
             .transpose(1, 2, 0, 3)
             .reshape(_B))
    out = _sc_fn(table, idx)
    return out.reshape(_BATCH, _PE_LEN, _D)

# --- scband reference (transcript-rebuilt; emitter-appended) ---
"""Pipeline reference for scband-positional-embedding-56590489092689 (READ-ONLY COPY).

The authoritative reference and input builder live on the scoring server;
editing this copy changes nothing except your own understanding.
"""

import jax, jax.numpy as jnp
import numpy as np

VOCAB = 100000
D_MODEL = 1024
PE_LEN = 2048


def positional_encoding(length, depth):
    depth_h = depth / 2
    positions = np.arange(length)[:, np.newaxis]
    depths = np.arange(depth_h)[np.newaxis, :] / depth_h
    angle_rates = 1 / 10000 ** depths
    angle_rads = positions * angle_rates
    pos_encoding = np.concatenate([np.sin(angle_rads), np.cos(angle_rads)], axis=-1)
    return jnp.asarray(pos_encoding, dtype=jnp.float32)


def setup_inputs(seed: int = 0) -> dict:
    key = jax.random.key(seed)
    k1, k2 = jax.random.split(key)
    x = jax.random.randint(k1, (4, 2048), 0, VOCAB, dtype=jnp.int64 if jax.config.jax_enable_x64 else jnp.int32).astype(jnp.int32)
    table = jax.random.normal(k2, (VOCAB, D_MODEL), dtype=jnp.float32) * 0.02
    return {"x": x, "table": table}


def reference(x, table):
    pe = positional_encoding(PE_LEN, D_MODEL)
    emb = jnp.take(table, x, axis=0)
    length = x.shape[1]
    emb = emb * jnp.sqrt(jnp.asarray(float(D_MODEL), dtype=emb.dtype))
    out = emb + pe[jnp.newaxis, :length, :].astype(emb.dtype)
    return out

if __name__ == "__main__":
    import jax
    _d = setup_inputs()
    print(jax.jit(kernel)(*tuple(_d.values())))

</pallas_src>

<mosaic_0001>
#map = affine_map<(d0, d1) -> (0, 0)>
#map1 = affine_map<(d0, d1) -> (0)>
module attributes {stable_mosaic.version = 14 : i64} {
  func.func @_sc_body(%arg0: i32, %arg1: i32, %arg2: memref<100000x1024xf32, #tpu.memory_space<hbm>>, %arg3: memref<8192xi32, #tpu.memory_space<hbm>>, %arg4: memref<8192x1024xf32, #tpu.memory_space<hbm>>, %arg5: memref<256xi32, #tpu.memory_space<vmem>>, %arg6: memref<3x32x1024xf32, #tpu.memory_space<vmem>>, %arg7: memref<3x!tpu.dma_semaphore, #tpu.memory_space<semaphore_mem>>, %arg8: memref<3x!tpu.dma_semaphore, #tpu.memory_space<semaphore_mem>>) attributes {dimension_semantics = [#tpu.dimension_semantics<core_parallel>, #tpu.dimension_semantics<subcore_parallel>], iteration_bounds = array<i64: 2, 16>, scalar_prefetch = 0 : i64, scratch_operands = 4 : i64, tpu.core_type = #tpu.core_type<sc_vector_subcore>, window_params = [{transform_indices = #map}, {transform_indices = #map1}, {transform_indices = #map}]} {
    %mul3A = arith.constant 2 : i32
    %mul3A_0 = arith.muli %arg1, %mul3A : i32
    %add3A = arith.addi %mul3A_0, %arg0 : i32
    %mul3A_1 = arith.constant 64 : i32
    %mul3A_2 = arith.muli %add3A, %mul3A_1 : i32
    %mul3A_3 = arith.constant 8 : i32
    %mul3A_4 = arith.muli %add3A, %mul3A_3 : i32
    %mul3A_5 = arith.constant 32 : i32
    %mul3A_6 = arith.muli %mul3A_4, %mul3A_5 : i32
    "tpu.region"() ({
      %run_scoped3A = tpu.sem_alloc : memref<!tpu.dma_semaphore, #tpu.memory_space<semaphore_mem>>
      %dma_start3A_1388 = tpu.memref_slice %arg3[%mul3A_6] : memref<8192xi32, #tpu.memory_space<hbm>> -> memref<256xi32, #tpu.memory_space<hbm>>
      %dma_start3A_1389 = tpu.memref_slice %arg3[%mul3A_6] : memref<8192xi32, #tpu.memory_space<hbm>> -> memref<256xi32, #tpu.memory_space<hbm>>
      tpu.enqueue_dma source(%dma_start3A_1389 : memref<256xi32, #tpu.memory_space<hbm>>) target(%arg5 : memref<256xi32, #tpu.memory_space<vmem>>) target_semaphore(%run_scoped3A : memref<!tpu.dma_semaphore, #tpu.memory_space<semaphore_mem>>)
      %dma_wait3A_1390 = tpu.memref_slice %arg3[%mul3A_6] : memref<8192xi32, #tpu.memory_space<hbm>> -> memref<256xi32, #tpu.memory_space<hbm>>
      %dma_wait3A_1391 = tpu.memref_slice %arg3[%mul3A_6] : memref<8192xi32, #tpu.memory_space<hbm>> -> memref<256xi32, #tpu.memory_space<hbm>>
      tpu.wait_dma2 semaphore(%run_scoped3A : memref<!tpu.dma_semaphore, #tpu.memory_space<semaphore_mem>>) src(%dma_wait3A_1391 : memref<256xi32, #tpu.memory_space<hbm>>) dst(%arg5 : memref<256xi32, #tpu.memory_space<vmem>>)
      tpu.yield
    }) : () -> ()
    %dma_start3A = arith.constant 0 : i32
    %dma_start3A_7 = arith.constant 0 : i32
    %dma_start3A_8 = arith.constant 0 : i32
    %dma_start3A_9 = arith.constant 0 : i32
    %dma_start3A_10 = tpu.memref_slice %arg6[%dma_start3A, %dma_start3A_8, %dma_start3A_9] : memref<3x32x1024xf32, #tpu.memory_space<vmem>> -> memref<1x32x1024xf32, #tpu.memory_space<vmem>>
    %dma_start3A_11 = tpu.memref_squeeze %dma_start3A_10 : memref<1x32x1024xf32, #tpu.memory_space<vmem>> -> memref<32x1024xf32, #tpu.memory_space<vmem>>
    %dma_start3A_12 = arith.constant 0 : i32
    %dma_start3A_13 = tpu.memref_slice %arg5[%dma_start3A_12] : memref<256xi32, #tpu.memory_space<vmem>> -> memref<32xi32, #tpu.memory_space<vmem>>
    %dma_start3A_14 = arith.constant 0 : i32
    %dma_start3A_15 = arith.constant 0 : i32
    %dma_start3A_16 = tpu.memref_slice %arg2[%dma_start3A_14, %dma_start3A_15] : memref<100000x1024xf32, #tpu.memory_space<hbm>> -> memref<100000x1024xf32, #tpu.memory_space<hbm>>
    %dma_start3A_17 = tpu.memref_slice %arg7[%dma_start3A_7] : memref<3x!tpu.dma_semaphore, #tpu.memory_space<semaphore_mem>> -> memref<1x!tpu.dma_semaphore, #tpu.memory_space<semaphore_mem>>
    %dma_start3A_18 = tpu.memref_squeeze %dma_start3A_17 : memref<1x!tpu.dma_semaphore, #tpu.memory_space<semaphore_mem>> -> memref<!tpu.dma_semaphore, #tpu.memory_space<semaphore_mem>>
    tpu.enqueue_indirect_dma source(%dma_start3A_16 : memref<100000x1024xf32, #tpu.memory_space<hbm>>) target(%dma_start3A_11 : memref<32x1024xf32, #tpu.memory_space<vmem>>) offsets(%dma_start3A_13 : memref<32xi32, #tpu.memory_space<vmem>>) semaphore(%dma_start3A_18 : memref<!tpu.dma_semaphore, #tpu.memory_space<semaphore_mem>>)
    %dma_wait3A = arith.constant 0 : i32
    %dma_wait3A_19 = arith.constant 0 : i32
    %dma_wait3A_20 = arith.constant 0 : i32
    %dma_wait3A_21 = arith.constant 0 : i32
    %dma_wait3A_22 = tpu.memref_slice %arg6[%dma_wait3A, %dma_wait3A_20, %dma_wait3A_21] : memref<3x32x1024xf32, #tpu.memory_space<vmem>> -> memref<1x32x1024xf32, #tpu.memory_space<vmem>>
    %dma_wait3A_23 = tpu.memref_squeeze %dma_wait3A_22 : memref<1x32x1024xf32, #tpu.memory_space<vmem>> -> memref<32x1024xf32, #tpu.memory_space<vmem>>
    %dma_wait3A_24 = arith.constant 0 : i32
    %dma_wait3A_25 = tpu.memref_slice %arg5[%dma_wait3A_24] : memref<256xi32, #tpu.memory_space<vmem>> -> memref<32xi32, #tpu.memory_space<vmem>>
    %dma_wait3A_26 = arith.constant 0 : i32
    %dma_wait3A_27 = arith.constant 0 : i32
    %dma_wait3A_28 = tpu.memref_slice %arg2[%dma_wait3A_26, %dma_wait3A_27] : memref<100000x1024xf32, #tpu.memory_space<hbm>> -> memref<100000x1024xf32, #tpu.memory_space<hbm>>
    %dma_wait3A_29 = tpu.memref_slice %arg7[%dma_wait3A_19] : memref<3x!tpu.dma_semaphore, #tpu.memory_space<semaphore_mem>> -> memref<1x!tpu.dma_semaphore, #tpu.memory_space<semaphore_mem>>
    %dma_wait3A_30 = tpu.memref_squeeze %dma_wait3A_29 : memref<1x!tpu.dma_semaphore, #tpu.memory_space<semaphore_mem>> -> memref<!tpu.dma_semaphore, #tpu.memory_space<semaphore_mem>>
    tpu.wait_indirect_dma semaphore(%dma_wait3A_30 : memref<!tpu.dma_semaphore, #tpu.memory_space<semaphore_mem>>) src(%dma_wait3A_28 : memref<100000x1024xf32, #tpu.memory_space<hbm>>) dst(%dma_wait3A_23 : memref<32x1024xf32, #tpu.memory_space<vmem>>)
    %dma_start3A_31 = arith.constant 1 : i32
    %dma_start3A_32 = arith.constant 1 : i32
    %dma_start3A_33 = arith.constant 0 : i32
    %dma_start3A_34 = arith.constant 0 : i32
    %dma_start3A_35 = tpu.memref_slice %arg6[%dma_start3A_31, %dma_start3A_33, %dma_start3A_34] : memref<3x32x1024xf32, #tpu.memory_space<vmem>> -> memref<1x32x1024xf32, #tpu.memory_space<vmem>>
    %dma_start3A_36 = tpu.memref_squeeze %dma_start3A_35 : memref<1x32x1024xf32, #tpu.memory_space<vmem>> -> memref<32x1024xf32, #tpu.memory_space<vmem>>
    %dma_start3A_37 = arith.constant 32 : i32
    %dma_start3A_38 = tpu.memref_slice %arg5[%dma_start3A_37] : memref<256xi32, #tpu.memory_space<vmem>> -> memref<32xi32, #tpu.memory_space<vmem>>
    %dma_start3A_39 = arith.constant 0 : i32
    %dma_start3A_40 = arith.constant 0 : i32
    %dma_start3A_41 = tpu.memref_slice %arg2[%dma_start3A_39, %dma_start3A_40] : memref<100000x1024xf32, #tpu.memory_space<hbm>> -> memref<100000x1024xf32, #tpu.memory_space<hbm>>
    %dma_start3A_42 = tpu.memref_slice %arg7[%dma_start3A_32] : memref<3x!tpu.dma_semaphore, #tpu.memory_space<semaphore_mem>> -> memref<1x!tpu.dma_semaphore, #tpu.memory_space<semaphore_mem>>
    %dma_start3A_43 = tpu.memref_squeeze %dma_start3A_42 : memref<1x!tpu.dma_semaphore, #tpu.memory_space<semaphore_mem>> -> memref<!tpu.dma_semaphore, #tpu.memory_space<semaphore_mem>>
    tpu.enqueue_indirect_dma source(%dma_start3A_41 : memref<100000x1024xf32, #tpu.memory_space<hbm>>) target(%dma_start3A_36 : memref<32x1024xf32, #tpu.memory_space<vmem>>) offsets(%dma_start3A_38 : memref<32xi32, #tpu.memory_space<vmem>>) semaphore(%dma_start3A_43 : memref<!tpu.dma_semaphore, #tpu.memory_space<semaphore_mem>>)
    %parallel_loop3A = arith.constant 0 : i32
    %parallel_loop3A_44 = arith.constant 512 : i32
    %parallel_loop3A_45 = arith.constant 1 : i32
    scf.for %parallel_loop3A_1388 = %parallel_loop3A to %parallel_loop3A_44 step %parallel_loop3A_45  : i32 {
      %parallel_loop3A_1389 = arith.constant 64 : i32
      %parallel_loop3A_1390 = arith.divsi %parallel_loop3A_1388, %parallel_loop3A_1389 : i32
      %parallel_loop3A_1391 = arith.constant 0 : i32
      %parallel_loop3A_1392 = arith.cmpi sgt, %parallel_loop3A_1388, %parallel_loop3A_1391 : i32
      %parallel_loop3A_1393 = arith.extui %parallel_loop3A_1392 : i1 to i32
      %parallel_loop3A_1394 = arith.constant 0 : i32
      %parallel_loop3A_1395 = arith.cmpi slt, %parallel_loop3A_1388, %parallel_loop3A_1394 : i32
      %parallel_loop3A_1396 = arith.extui %parallel_loop3A_1395 : i1 to i32
      %parallel_loop3A_1397 = arith.subi %parallel_loop3A_1393, %parallel_loop3A_1396 : i32
      %parallel_loop3A_1398 = arith.constant 0 : i32
      %parallel_loop3A_1399 = arith.cmpi sgt, %parallel_loop3A_1389, %parallel_loop3A_1398 : i32
      %parallel_loop3A_1400 = arith.extui %parallel_loop3A_1399 : i1 to i32
      %parallel_loop3A_1401 = arith.constant 0 : i32
      %parallel_loop3A_1402 = arith.cmpi slt, %parallel_loop3A_1389, %parallel_loop3A_1401 : i32
      %parallel_loop3A_1403 = arith.extui %parallel_loop3A_1402 : i1 to i32
      %parallel_loop3A_1404 = arith.subi %parallel_loop3A_1400, %parallel_loop3A_1403 : i32
      %parallel_loop3A_1405 = arith.cmpi ne, %parallel_loop3A_1397, %parallel_loop3A_1404 : i32
      %parallel_loop3A_1406 = arith.remsi %parallel_loop3A_1388, %parallel_loop3A_1389 : i32
      %parallel_loop3A_1407 = arith.constant 0 : i32
      %parallel_loop3A_1408 = arith.cmpi ne, %parallel_loop3A_1406, %parallel_loop3A_1407 : i32
      %parallel_loop3A_1409 = arith.andi %parallel_loop3A_1405, %parallel_loop3A_1408 : i1
      %parallel_loop3A_1410 = arith.constant 1 : i32
      %parallel_loop3A_1411 = arith.subi %parallel_loop3A_1390, %parallel_loop3A_1410 : i32
      %parallel_loop3A_1412 = arith.select %parallel_loop3A_1409, %parallel_loop3A_1411, %parallel_loop3A_1390 : i32
      %parallel_loop3A_1413 = arith.constant 64 : i32
      %parallel_loop3A_1414 = arith.constant 0 : i32
      %parallel_loop3A_1415 = arith.cmpi eq, %parallel_loop3A_1413, %parallel_loop3A_1414 : i32
      %parallel_loop3A_1416 = arith.constant 1 : i32
      %parallel_loop3A_1417 = arith.select %parallel_loop3A_1415, %parallel_loop3A_1416, %parallel_loop3A_1413 : i32
      %parallel_loop3A_1418 = arith.remsi %parallel_loop3A_1388, %parallel_loop3A_1417 : i32
      %parallel_loop3A_1419 = arith.constant 0 : i32
      %parallel_loop3A_1420 = arith.cmpi ne, %parallel_loop3A_1418, %parallel_loop3A_1419 : i32
      %parallel_loop3A_1421 = arith.constant 0 : i32
      %parallel_loop3A_1422 = arith.cmpi slt, %parallel_loop3A_1418, %parallel_loop3A_1421 : i32
      %parallel_loop3A_1423 = arith.constant 0 : i32
      %parallel_loop3A_1424 = arith.cmpi slt, %parallel_loop3A_1417, %parallel_loop3A_1423 : i32
      %parallel_loop3A_1425 = arith.xori %parallel_loop3A_1422, %parallel_loop3A_1424 : i1
      %parallel_loop3A_1426 = arith.andi %parallel_loop3A_1425, %parallel_loop3A_1420 : i1
      %parallel_loop3A_1427 = arith.addi %parallel_loop3A_1418, %parallel_loop3A_1417 : i32
      %parallel_loop3A_1428 = arith.select %parallel_loop3A_1426, %parallel_loop3A_1427, %parallel_loop3A_1418 : i32
      %parallel_loop3A_1429 = arith.constant 16 : i32
      %parallel_loop3A_1430 = arith.muli %parallel_loop3A_1428, %parallel_loop3A_1429 : i32
      %parallel_loop3A_1431 = arith.constant 0 : i32
      %parallel_loop3A_1432 = arith.addi %parallel_loop3A_1431, %parallel_loop3A_1412 : i32
      %parallel_loop3A_1433 = arith.constant 0 : i32
      %parallel_loop3A_1434 = arith.index_cast %parallel_loop3A_1433 : i32 to index
      %parallel_loop3A_1435 = arith.index_cast %parallel_loop3A_1432 : i32 to index
      %parallel_loop3A_1436 = arith.index_cast %parallel_loop3A_1430 : i32 to index
      %parallel_loop3A_1437 = tpu.vector_load %arg6[%parallel_loop3A_1434, %parallel_loop3A_1435, %parallel_loop3A_1436] {strides = array<i32>} : memref<3x32x1024xf32, #tpu.memory_space<vmem>>, vector<1x1x16xf32>,
      %parallel_loop3A_1438 = vector.shape_cast %parallel_loop3A_1437 : vector<1x1x16xf32> to vector<16xf32>
      %parallel_loop3A_1439 = arith.constant 3.200000e+01 : f32
      %parallel_loop3A_1440 = vector.broadcast %parallel_loop3A_1439 : f32 to vector<16xf32>
      %parallel_loop3A_1441 = arith.mulf %parallel_loop3A_1438, %parallel_loop3A_1440 : vector<16xf32>
      %parallel_loop3A_1442 = arith.constant 0 : i32
      %parallel_loop3A_1443 = arith.addi %parallel_loop3A_1442, %parallel_loop3A_1412 : i32
      %parallel_loop3A_1444 = arith.constant 0 : i32
      %parallel_loop3A_1445 = arith.index_cast %parallel_loop3A_1444 : i32 to index
      %parallel_loop3A_1446 = arith.index_cast %parallel_loop3A_1443 : i32 to index
      %parallel_loop3A_1447 = arith.index_cast %parallel_loop3A_1430 : i32 to index
      %parallel_loop3A_1448 = tpu.vector_load %arg6[%parallel_loop3A_1445, %parallel_loop3A_1446, %parallel_loop3A_1447] {strides = array<i32>} : memref<3x32x1024xf32, #tpu.memory_space<vmem>>, vector<1x1x16xf32>,
      %parallel_loop3A_1449 = vector.shape_cast %parallel_loop3A_1448 : vector<1x1x16xf32> to vector<16xf32>
      %parallel_loop3A_1450 = vector.shape_cast %parallel_loop3A_1441 : vector<16xf32> to vector<1x1x16xf32>
      tpu.vector_store %arg6[%parallel_loop3A_1445, %parallel_loop3A_1446, %parallel_loop3A_1447], %parallel_loop3A_1450 {strides = array<i32>} : memref<3x32x1024xf32, #tpu.memory_space<vmem>>, vector<1x1x16xf32>,
      %parallel_loop3A_1451 = arith.constant 8 : i32
      %parallel_loop3A_1452 = arith.addi %parallel_loop3A_1451, %parallel_loop3A_1412 : i32
      %parallel_loop3A_1453 = arith.constant 0 : i32
      %parallel_loop3A_1454 = arith.index_cast %parallel_loop3A_1453 : i32 to index
      %parallel_loop3A_1455 = arith.index_cast %parallel_loop3A_1452 : i32 to index
      %parallel_loop3A_1456 = arith.index_cast %parallel_loop3A_1430 : i32 to index
      %parallel_loop3A_1457 = tpu.vector_load %arg6[%parallel_loop3A_1454, %parallel_loop3A_1455, %parallel_loop3A_1456] {strides = array<i32>} : memref<3x32x1024xf32, #tpu.memory_space<vmem>>, vector<1x1x16xf32>,
      %parallel_loop3A_1458 = vector.shape_cast %parallel_loop3A_1457 : vector<1x1x16xf32> to vector<16xf32>
      %parallel_loop3A_1459 = arith.constant 3.200000e+01 : f32
      %parallel_loop3A_1460 = vector.broadcast %parallel_loop3A_1459 : f32 to vector<16xf32>
      %parallel_loop3A_1461 = arith.mulf %parallel_loop3A_1458, %parallel_loop3A_1460 : vector<16xf32>
      %parallel_loop3A_1462 = arith.constant 8 : i32
      %parallel_loop3A_1463 = arith.addi %parallel_loop3A_1462, %parallel_loop3A_1412 : i32
      %parallel_loop3A_1464 = arith.constant 0 : i32
      %parallel_loop3A_1465 = arith.index_cast %parallel_loop3A_1464 : i32 to index
      %parallel_loop3A_1466 = arith.index_cast %parallel_loop3A_1463 : i32 to index
      %parallel_loop3A_1467 = arith.index_cast %parallel_loop3A_1430 : i32 to index
      %parallel_loop3A_1468 = tpu.vector_load %arg6[%parallel_loop3A_1465, %parallel_loop3A_1466, %parallel_loop3A_1467] {strides = array<i32>} : memref<3x32x1024xf32, #tpu.memory_space<vmem>>, vector<1x1x16xf32>,
      %parallel_loop3A_1469 = vector.shape_cast %parallel_loop3A_1468 : vector<1x1x16xf32> to vector<16xf32>
      %parallel_loop3A_1470 = vector.shape_cast %parallel_loop3A_1461 : vector<16xf32> to vector<1x1x16xf32>
      tpu.vector_store %arg6[%parallel_loop3A_1465, %parallel_loop3A_1466, %parallel_loop3A_1467], %parallel_loop3A_1470 {strides = array<i32>} : memref<3x32x1024xf32, #tpu.memory_space<vmem>>, vector<1x1x16xf32>,
      %parallel_loop3A_1471 = arith.constant 16 : i32
      %parallel_loop3A_1472 = arith.addi %parallel_loop3A_1471, %parallel_loop3A_1412 : i32
      %parallel_loop3A_1473 = arith.constant 0 : i32
      %parallel_loop3A_1474 = arith.index_cast %parallel_loop3A_1473 : i32 to index
      %parallel_loop3A_1475 = arith.index_cast %parallel_loop3A_1472 : i32 to index
      %parallel_loop3A_1476 = arith.index_cast %parallel_loop3A_1430 : i32 to index
      %parallel_loop3A_1477 = tpu.vector_load %arg6[%parallel_loop3A_1474, %parallel_loop3A_1475, %parallel_loop3A_1476] {strides = array<i32>} : memref<3x32x1024xf32, #tpu.memory_space<vmem>>, vector<1x1x16xf32>,
      %parallel_loop3A_1478 = vector.shape_cast %parallel_loop3A_1477 : vector<1x1x16xf32> to vector<16xf32>
      %parallel_loop3A_1479 = arith.constant 3.200000e+01 : f32
      %parallel_loop3A_1480 = vector.broadcast %parallel_loop3A_1479 : f32 to vector<16xf32>
      %parallel_loop3A_1481 = arith.mulf %parallel_loop3A_1478, %parallel_loop3A_1480 : vector<16xf32>
      %parallel_loop3A_1482 = arith.constant 16 : i32
      %parallel_loop3A_1483 = arith.addi %parallel_loop3A_1482, %parallel_loop3A_1412 : i32
      %parallel_loop3A_1484 = arith.constant 0 : i32
      %parallel_loop3A_1485 = arith.index_cast %parallel_loop3A_1484 : i32 to index
      %parallel_loop3A_1486 = arith.index_cast %parallel_loop3A_1483 : i32 to index
      %parallel_loop3A_1487 = arith.index_cast %parallel_loop3A_1430 : i32 to index
      %parallel_loop3A_1488 = tpu.vector_load %arg6[%parallel_loop3A_1485, %parallel_loop3A_1486, %parallel_loop3A_1487] {strides = array<i32>} : memref<3x32x1024xf32, #tpu.memory_space<vmem>>, vector<1x1x16xf32>,
      %parallel_loop3A_1489 = vector.shape_cast %parallel_loop3A_1488 : vector<1x1x16xf32> to vector<16xf32>
      %parallel_loop3A_1490 = vector.shape_cast %parallel_loop3A_1481 : vector<16xf32> to vector<1x1x16xf32>
      tpu.vector_store %arg6[%parallel_loop3A_1485, %parallel_loop3A_1486, %parallel_loop3A_1487], %parallel_loop3A_1490 {strides = array<i32>} : memref<3x32x1024xf32, #tpu.memory_space<vmem>>, vector<1x1x16xf32>,
      %parallel_loop3A_1491 = arith.constant 24 : i32
      %parallel_loop3A_1492 = arith.addi %parallel_loop3A_1491, %parallel_loop3A_1412 : i32
      %parallel_loop3A_1493 = arith.constant 0 : i32
      %parallel_loop3A_1494 = arith.index_cast %parallel_loop3A_1493 : i32 to index
      %parallel_loop3A_1495 = arith.index_cast %parallel_loop3A_1492 : i32 to index
      %parallel_loop3A_1496 = arith.index_cast %parallel_loop3A_1430 : i32 to index
      %parallel_loop3A_1497 = tpu.vector_load %arg6[%parallel_loop3A_1494, %parallel_loop3A_1495, %parallel_loop3A_1496] {strides = array<i32>} : memref<3x32x1024xf32, #tpu.memory_space<vmem>>, vector<1x1x16xf32>,
      %parallel_loop3A_1498 = vector.shape_cast %parallel_loop3A_1497 : vector<1x1x16xf32> to vector<16xf32>
      %parallel_loop3A_1499 = arith.constant 3.200000e+01 : f32
      %parallel_loop3A_1500 = vector.broadcast %parallel_loop3A_1499 : f32 to vector<16xf32>
      %parallel_loop3A_1501 = arith.mulf %parallel_loop3A_1498, %parallel_loop3A_1500 : vector<16xf32>
      %parallel_loop3A_1502 = arith.constant 24 : i32
      %parallel_loop3A_1503 = arith.addi %parallel_loop3A_1502, %parallel_loop3A_1412 : i32
      %parallel_loop3A_1504 = arith.constant 0 : i32
      %parallel_loop3A_1505 = arith.index_cast %parallel_loop3A_1504 : i32 to index
      %parallel_loop3A_1506 = arith.index_cast %parallel_loop3A_1503 : i32 to index
      %parallel_loop3A_1507 = arith.index_cast %parallel_loop3A_1430 : i32 to index
      %parallel_loop3A_1508 = tpu.vector_load %arg6[%parallel_loop3A_1505, %parallel_loop3A_1506, %parallel_loop3A_1507] {strides = array<i32>} : memref<3x32x1024xf32, #tpu.memory_space<vmem>>, vector<1x1x16xf32>,
      %parallel_loop3A_1509 = vector.shape_cast %parallel_loop3A_1508 : vector<1x1x16xf32> to vector<16xf32>
      %parallel_loop3A_1510 = vector.shape_cast %parallel_loop3A_1501 : vector<16xf32> to vector<1x1x16xf32>
      tpu.vector_store %arg6[%parallel_loop3A_1505, %parallel_loop3A_1506, %parallel_loop3A_1507], %parallel_loop3A_1510 {strides = array<i32>} : memref<3x32x1024xf32, #tpu.memory_space<vmem>>, vector<1x1x16xf32>,
    } {sc.loop_unroll_factor = 2 : i64, sc.parallel_access}
    %add3A_46 = arith.constant 0 : i32
    %add3A_47 = arith.addi %add3A_46, %mul3A_2 : i32
    %add3A_48 = arith.constant 0 : i32
    %add3A_49 = arith.addi %add3A_47, %add3A_48 : i32
    %dma_start3A_50 = arith.constant 0 : i32
    %dma_start3A_51 = arith.constant 0 : i32
    %dma_start3A_52 = arith.constant 0 : i32
    %dma_start3A_53 = arith.constant 0 : i32
    %dma_start3A_54 = tpu.memref_slice %arg6[%dma_start3A_50, %dma_start3A_52, %dma_start3A_53] : memref<3x32x1024xf32, #tpu.memory_space<vmem>> -> memref<1x8x1024xf32, #tpu.memory_space<vmem>>
    %dma_start3A_55 = tpu.memref_squeeze %dma_start3A_54 : memref<1x8x1024xf32, #tpu.memory_space<vmem>> -> memref<8x1024xf32, #tpu.memory_space<vmem>>
    %dma_start3A_56 = arith.constant 0 : i32
    %dma_start3A_57 = tpu.memref_slice %arg4[%add3A_49, %dma_start3A_56] : memref<8192x1024xf32, #tpu.memory_space<hbm>> -> memref<8x1024xf32, #tpu.memory_space<hbm>>
    %dma_start3A_58 = tpu.memref_slice %arg8[%dma_start3A_51] : memref<3x!tpu.dma_semaphore, #tpu.memory_space<semaphore_mem>> -> memref<1x!tpu.dma_semaphore, #tpu.memory_space<semaphore_mem>>
    %dma_start3A_59 = tpu.memref_squeeze %dma_start3A_58 : memref<1x!tpu.dma_semaphore, #tpu.memory_space<semaphore_mem>> -> memref<!tpu.dma_semaphore, #tpu.memory_space<semaphore_mem>>
    %dma_start3A_60 = arith.constant 0 : i32
    %dma_start3A_61 = tpu.memref_slice %arg4[%add3A_49, %dma_start3A_60] : memref<8192x1024xf32, #tpu.memory_space<hbm>> -> memref<8x1024xf32, #tpu.memory_space<hbm>>
    %dma_start3A_62 = arith.constant 0 : i32
    %dma_start3A_63 = arith.constant 0 : i32
    %dma_start3A_64 = tpu.memref_slice %arg6[%dma_start3A_50, %dma_start3A_62, %dma_start3A_63] : memref<3x32x1024xf32, #tpu.memory_space<vmem>> -> memref<1x8x1024xf32, #tpu.memory_space<vmem>>
    %dma_start3A_65 = tpu.memref_squeeze %dma_start3A_64 : memref<1x8x1024xf32, #tpu.memory_space<vmem>> -> memref<8x1024xf32, #tpu.memory_space<vmem>>
    tpu.enqueue_dma source(%dma_start3A_65 : memref<8x1024xf32, #tpu.memory_space<vmem>>) target(%dma_start3A_61 : memref<8x1024xf32, #tpu.memory_space<hbm>>) target_semaphore(%dma_start3A_59 : memref<!tpu.dma_semaphore, #tpu.memory_space<semaphore_mem>>)
    %add3A_66 = arith.constant 2048 : i32
    %add3A_67 = arith.addi %add3A_66, %mul3A_2 : i32
    %add3A_68 = arith.constant 0 : i32
    %add3A_69 = arith.addi %add3A_67, %add3A_68 : i32
    %dma_start3A_70 = arith.constant 0 : i32
    %dma_start3A_71 = arith.constant 0 : i32
    %dma_start3A_72 = arith.constant 8 : i32
    %dma_start3A_73 = arith.constant 0 : i32
    %dma_start3A_74 = tpu.memref_slice %arg6[%dma_start3A_70, %dma_start3A_72, %dma_start3A_73] : memref<3x32x1024xf32, #tpu.memory_space<vmem>> -> memref<1x8x1024xf32, #tpu.memory_space<vmem>>
    %dma_start3A_75 = tpu.memref_squeeze %dma_start3A_74 : memref<1x8x1024xf32, #tpu.memory_space<vmem>> -> memref<8x1024xf32, #tpu.memory_space<vmem>>
    %dma_start3A_76 = arith.constant 0 : i32
    %dma_start3A_77 = tpu.memref_slice %arg4[%add3A_69, %dma_start3A_76] : memref<8192x1024xf32, #tpu.memory_space<hbm>> -> memref<8x1024xf32, #tpu.memory_space<hbm>>
    %dma_start3A_78 = tpu.memref_slice %arg8[%dma_start3A_71] : memref<3x!tpu.dma_semaphore, #tpu.memory_space<semaphore_mem>> -> memref<1x!tpu.dma_semaphore, #tpu.memory_space<semaphore_mem>>
    %dma_start3A_79 = tpu.memref_squeeze %dma_start3A_78 : memref<1x!tpu.dma_semaphore, #tpu.memory_space<semaphore_mem>> -> memref<!tpu.dma_semaphore, #tpu.memory_space<semaphore_mem>>
    %dma_start3A_80 = arith.constant 0 : i32
    %dma_start3A_81 = tpu.memref_slice %arg4[%add3A_69, %dma_start3A_80] : memref<8192x1024xf32, #tpu.memory_space<hbm>> -> memref<8x1024xf32, #tpu.memory_space<hbm>>
    %dma_start3A_82 = arith.constant 8 : i32
    %dma_start3A_83 = arith.constant 0 : i32
    %dma_start3A_84 = tpu.memref_slice %arg6[%dma_start3A_70, %dma_start3A_82, %dma_start3A_83] : memref<3x32x1024xf32, #tpu.memory_space<vmem>> -> memref<1x8x1024xf32, #tpu.memory_space<vmem>>
    %dma_start3A_85 = tpu.memref_squeeze %dma_start3A_84 : memref<1x8x1024xf32, #tpu.memory_space<vmem>> -> memref<8x1024xf32, #tpu.memory_space<vmem>>
    tpu.enqueue_dma source(%dma_start3A_85 : memref<8x1024xf32, #tpu.memory_space<vmem>>) target(%dma_start3A_81 : memref<8x1024xf32, #tpu.memory_space<hbm>>) target_semaphore(%dma_start3A_79 : memref<!tpu.dma_semaphore, #tpu.memory_space<semaphore_mem>>)
    %add3A_86 = arith.constant 4096 : i32
    %add3A_87 = arith.addi %add3A_86, %mul3A_2 : i32
    %add3A_88 = arith.constant 0 : i32
    %add3A_89 = arith.addi %add3A_87, %add3A_88 : i32
    %dma_start3A_90 = arith.constant 0 : i32
    %dma_start3A_91 = arith.constant 0 : i32
    %dma_start3A_92 = arith.constant 16 : i32
    %dma_start3A_93 = arith.constant 0 : i32
    %dma_start3A_94 = tpu.memref_slice %arg6[%dma_start3A_90, %dma_start3A_92, %dma_start3A_93] : memref<3x32x1024xf32, #tpu.memory_space<vmem>> -> memref<1x8x1024xf32, #tpu.memory_space<vmem>>
    %dma_start3A_95 = tpu.memref_squeeze %dma_start3A_94 : memref<1x8x1024xf32, #tpu.memory_space<vmem>> -> memref<8x1024xf32, #tpu.memory_space<vmem>>
    %dma_start3A_96 = arith.constant 0 : i32
    %dma_start3A_97 = tpu.memref_slice %arg4[%add3A_89, %dma_start3A_96] : memref<8192x1024xf32, #tpu.memory_space<hbm>> -> memref<8x1024xf32, #tpu.memory_space<hbm>>
    %dma_start3A_98 = tpu.memref_slice %arg8[%dma_start3A_91] : memref<3x!tpu.dma_semaphore, #tpu.memory_space<semaphore_mem>> -> memref<1x!tpu.dma_semaphore, #tpu.memory_space<semaphore_mem>>
    %dma_start3A_99 = tpu.memref_squeeze %dma_start3A_98 : memref<1x!tpu.dma_semaphore, #tpu.memory_space<semaphore_mem>> -> memref<!tpu.dma_semaphore, #tpu.memory_space<semaphore_mem>>
    %dma_start3A_100 = arith.constant 0 : i32
    %dma_start3A_101 = tpu.memref_slice %arg4[%add3A_89, %dma_start3A_100] : memref<8192x1024xf32, #tpu.memory_space<hbm>> -> memref<8x1024xf32, #tpu.memory_space<hbm>>
    %dma_start3A_102 = arith.constant 16 : i32
    %dma_start3A_103 = arith.constant 0 : i32
    %dma_start3A_104 = tpu.memref_slice %arg6[%dma_start3A_90, %dma_start3A_102, %dma_start3A_103] : memref<3x32x1024xf32, #tpu.memory_space<vmem>> -> memref<1x8x1024xf32, #tpu.memory_space<vmem>>
    %dma_start3A_105 = tpu.memref_squeeze %dma_start3A_104 : memref<1x8x1024xf32, #tpu.memory_space<vmem>> -> memref<8x1024xf32, #tpu.memory_space<vmem>>
    tpu.enqueue_dma source(%dma_start3A_105 : memref<8x1024xf32, #tpu.memory_space<vmem>>) target(%dma_start3A_101 : memref<8x1024xf32, #tpu.memory_space<hbm>>) target_semaphore(%dma_start3A_99 : memref<!tpu.dma_semaphore, #tpu.memory_space<semaphore_mem>>)
    %add3A_106 = arith.constant 6144 : i32
    %add3A_107 = arith.addi %add3A_106, %mul3A_2 : i32
    %add3A_108 = arith.constant 0 : i32
    %add3A_109 = arith.addi %add3A_107, %add3A_108 : i32
    %dma_start3A_110 = arith.constant 0 : i32
    %dma_start3A_111 = arith.constant 0 : i32
    %dma_start3A_112 = arith.constant 24 : i32
    %dma_start3A_113 = arith.constant 0 : i32
    %dma_start3A_114 = tpu.memref_slice %arg6[%dma_start3A_110, %dma_start3A_112, %dma_start3A_113] : memref<3x32x1024xf32, #tpu.memory_space<vmem>> -> memref<1x8x1024xf32, #tpu.memory_space<vmem>>
    %dma_start3A_115 = tpu.memref_squeeze %dma_start3A_114 : memref<1x8x1024xf32, #tpu.memory_space<vmem>> -> memref<8x1024xf32, #tpu.memory_space<vmem>>
    %dma_start3A_116 = arith.constant 0 : i32
    %dma_start3A_117 = tpu.memref_slice %arg4[%add3A_109, %dma_start3A_116] : memref<8192x1024xf32, #tpu.memory_space<hbm>> -> memref<8x1024xf32, #tpu.memory_space<hbm>>
    %dma_start3A_118 = tpu.memref_slice %arg8[%dma_start3A_111] : memref<3x!tpu.dma_semaphore, #tpu.memory_space<semaphore_mem>> -> memref<1x!tpu.dma_semaphore, #tpu.memory_space<semaphore_mem>>
    %dma_start3A_119 = tpu.memref_squeeze %dma_start3A_118 : memref<1x!tpu.dma_semaphore, #tpu.memory_space<semaphore_mem>> -> memref<!tpu.dma_semaphore, #tpu.memory_space<semaphore_mem>>
    %dma_start3A_120 = arith.constant 0 : i32
    %dma_start3A_121 = tpu.memref_slice %arg4[%add3A_109, %dma_start3A_120] : memref<8192x1024xf32, #tpu.memory_space<hbm>> -> memref<8x1024xf32, #tpu.memory_space<hbm>>
    %dma_start3A_122 = arith.constant 24 : i32
    %dma_start3A_123 = arith.constant 0 : i32
    %dma_start3A_124 = tpu.memref_slice %arg6[%dma_start3A_110, %dma_start3A_122, %dma_start3A_123] : memref<3x32x1024xf32, #tpu.memory_space<vmem>> -> memref<1x8x1024xf32, #tpu.memory_space<vmem>>
    %dma_start3A_125 = tpu.memref_squeeze %dma_start3A_124 : memref<1x8x1024xf32, #tpu.memory_space<vmem>> -> memref<8x1024xf32, #tpu.memory_space<vmem>>
    tpu.enqueue_dma source(%dma_start3A_125 : memref<8x1024xf32, #tpu.memory_space<vmem>>) target(%dma_start3A_121 : memref<8x1024xf32, #tpu.memory_space<hbm>>) target_semaphore(%dma_start3A_119 : memref<!tpu.dma_semaphore, #tpu.memory_space<semaphore_mem>>)
    %dma_wait3A_126 = arith.constant 1 : i32
    %dma_wait3A_127 = arith.constant 1 : i32
    %dma_wait3A_128 = arith.constant 0 : i32
    %dma_wait3A_129 = arith.constant 0 : i32
    %dma_wait3A_130 = tpu.memref_slice %arg6[%dma_wait3A_126, %dma_wait3A_128, %dma_wait3A_129] : memref<3x32x1024xf32, #tpu.memory_space<vmem>> -> memref<1x32x1024xf32, #tpu.memory_space<vmem>>
    %dma_wait3A_131 = tpu.memref_squeeze %dma_wait3A_130 : memref<1x32x1024xf32, #tpu.memory_space<vmem>> -> memref<32x1024xf32, #tpu.memory_space<vmem>>
    %dma_wait3A_132 = arith.constant 32 : i32
    %dma_wait3A_133 = tpu.memref_slice %arg5[%dma_wait3A_132] : memref<256xi32, #tpu.memory_space<vmem>> -> memref<32xi32, #tpu.memory_space<vmem>>
    %dma_wait3A_134 = arith.constant 0 : i32
    %dma_wait3A_135 = arith.constant 0 : i32
    %dma_wait3A_136 = tpu.memref_slice %arg2[%dma_wait3A_134, %dma_wait3A_135] : memref<100000x1024xf32, #tpu.memory_space<hbm>> -> memref<100000x1024xf32, #tpu.memory_space<hbm>>
    %dma_wait3A_137 = tpu.memref_slice %arg7[%dma_wait3A_127] : memref<3x!tpu.dma_semaphore, #tpu.memory_space<semaphore_mem>> -> memref<1x!tpu.dma_semaphore, #tpu.memory_space<semaphore_mem>>
    %dma_wait3A_138 = tpu.memref_squeeze %dma_wait3A_137 : memref<1x!tpu.dma_semaphore, #tpu.memory_space<semaphore_mem>> -> memref<!tpu.dma_semaphore, #tpu.memory_space<semaphore_mem>>
    tpu.wait_indirect_dma semaphore(%dma_wait3A_138 : memref<!tpu.dma_semaphore, #tpu.memory_space<semaphore_mem>>) src(%dma_wait3A_136 : memref<100000x1024xf32, #tpu.memory_space<hbm>>) dst(%dma_wait3A_131 : memref<32x1024xf32, #tpu.memory_space<vmem>>)
    %dma_start3A_139 = arith.constant 2 : i32
    %dma_start3A_140 = arith.constant 2 : i32
    %dma_start3A_141 = arith.constant 0 : i32
    %dma_start3A_142 = arith.constant 0 : i32
    %dma_start3A_143 = tpu.memref_slice %arg6[%dma_start3A_139, %dma_start3A_141, %dma_start3A_142] : memref<3x32x1024xf32, #tpu.memory_space<vmem>> -> memref<1x32x1024xf32, #tpu.memory_space<vmem>>
    %dma_start3A_144 = tpu.memref_squeeze %dma_start3A_143 : memref<1x32x1024xf32, #tpu.memory_space<vmem>> -> memref<32x1024xf32, #tpu.memory_space<vmem>>
    %dma_start3A_145 = arith.constant 64 : i32
    %dma_start3A_146 = tpu.memref_slice %arg5[%dma_start3A_145] : memref<256xi32, #tpu.memory_space<vmem>> -> memref<32xi32, #tpu.memory_space<vmem>>
    %dma_start3A_147 = arith.constant 0 : i32
    %dma_start3A_148 = arith.constant 0 : i32
    %dma_start3A_149 = tpu.memref_slice %arg2[%dma_start3A_147, %dma_start3A_148] : memref<100000x1024xf32, #tpu.memory_space<hbm>> -> memref<100000x1024xf32, #tpu.memory_space<hbm>>
    %dma_start3A_150 = tpu.memref_slice %arg7[%dma_start3A_140] : memref<3x!tpu.dma_semaphore, #tpu.memory_space<semaphore_mem>> -> memref<1x!tpu.dma_semaphore, #tpu.memory_space<semaphore_mem>>
    %dma_start3A_151 = tpu.memref_squeeze %dma_start3A_150 : memref<1x!tpu.dma_semaphore, #tpu.memory_space<semaphore_mem>> -> memref<!tpu.dma_semaphore, #tpu.memory_space<semaphore_mem>>
    tpu.enqueue_indirect_dma source(%dma_start3A_149 : memref<100000x1024xf32, #tpu.memory_space<hbm>>) target(%dma_start3A_144 : memref<32x1024xf32, #tpu.memory_space<vmem>>) offsets(%dma_start3A_146 : memref<32xi32, #tpu.memory_space<vmem>>) semaphore(%dma_start3A_151 : memref<!tpu.dma_semaphore, #tpu.memory_space<semaphore_mem>>)
    %parallel_loop3A_152 = arith.constant 0 : i32
    %parallel_loop3A_153 = arith.constant 512 : i32
    %parallel_loop3A_154 = arith.constant 1 : i32
    scf.for %parallel_loop3A_1388 = %parallel_loop3A_152 to %parallel_loop3A_153 step %parallel_loop3A_154  : i32 {
      %parallel_loop3A_1389 = arith.constant 64 : i32
      %parallel_loop3A_1390 = arith.divsi %parallel_loop3A_1388, %parallel_loop3A_1389 : i32
      %parallel_loop3A_1391 = arith.constant 0 : i32
      %parallel_loop3A_1392 = arith.cmpi sgt, %parallel_loop3A_1388, %parallel_loop3A_1391 : i32
      %parallel_loop3A_1393 = arith.extui %parallel_loop3A_1392 : i1 to i32
      %parallel_loop3A_1394 = arith.constant 0 : i32
      %parallel_loop3A_1395 = arith.cmpi slt, %parallel_loop3A_1388, %parallel_loop3A_1394 : i32
      %parallel_loop3A_1396 = arith.extui %parallel_loop3A_1395 : i1 to i32
      %parallel_loop3A_1397 = arith.subi %parallel_loop3A_1393, %parallel_loop3A_1396 : i32
      %parallel_loop3A_1398 = arith.constant 0 : i32
      %parallel_loop3A_1399 = arith.cmpi sgt, %parallel_loop3A_1389, %parallel_loop3A_1398 : i32
      %parallel_loop3A_1400 = arith.extui %parallel_loop3A_1399 : i1 to i32
      %parallel_loop3A_1401 = arith.constant 0 : i32
      %parallel_loop3A_1402 = arith.cmpi slt, %parallel_loop3A_1389, %parallel_loop3A_1401 : i32
      %parallel_loop3A_1403 = arith.extui %parallel_loop3A_1402 : i1 to i32
      %parallel_loop3A_1404 = arith.subi %parallel_loop3A_1400, %parallel_loop3A_1403 : i32
      %parallel_loop3A_1405 = arith.cmpi ne, %parallel_loop3A_1397, %parallel_loop3A_1404 : i32
      %parallel_loop3A_1406 = arith.remsi %parallel_loop3A_1388, %parallel_loop3A_1389 : i32
      %parallel_loop3A_1407 = arith.constant 0 : i32
      %parallel_loop3A_1408 = arith.cmpi ne, %parallel_loop3A_1406, %parallel_loop3A_1407 : i32
      %parallel_loop3A_1409 = arith.andi %parallel_loop3A_1405, %parallel_loop3A_1408 : i1
      %parallel_loop3A_1410 = arith.constant 1 : i32
      %parallel_loop3A_1411 = arith.subi %parallel_loop3A_1390, %parallel_loop3A_1410 : i32
      %parallel_loop3A_1412 = arith.select %parallel_loop3A_1409, %parallel_loop3A_1411, %parallel_loop3A_1390 : i32
      %parallel_loop3A_1413 = arith.constant 64 : i32
      %parallel_loop3A_1414 = arith.constant 0 : i32
      %parallel_loop3A_1415 = arith.cmpi eq, %parallel_loop3A_1413, %parallel_loop3A_1414 : i32
      %parallel_loop3A_1416 = arith.constant 1 : i32
      %parallel_loop3A_1417 = arith.select %parallel_loop3A_1415, %parallel_loop3A_1416, %parallel_loop3A_1413 : i32
      %parallel_loop3A_1418 = arith.remsi %parallel_loop3A_1388, %parallel_loop3A_1417 : i32
      %parallel_loop3A_1419 = arith.constant 0 : i32
      %parallel_loop3A_1420 = arith.cmpi ne, %parallel_loop3A_1418, %parallel_loop3A_1419 : i32
      %parallel_loop3A_1421 = arith.constant 0 : i32
      %parallel_loop3A_1422 = arith.cmpi slt, %parallel_loop3A_1418, %parallel_loop3A_1421 : i32
      %parallel_loop3A_1423 = arith.constant 0 : i32
      %parallel_loop3A_1424 = arith.cmpi slt, %parallel_loop3A_1417, %parallel_loop3A_1423 : i32
      %parallel_loop3A_1425 = arith.xori %parallel_loop3A_1422, %parallel_loop3A_1424 : i1
      %parallel_loop3A_1426 = arith.andi %parallel_loop3A_1425, %parallel_loop3A_1420 : i1
      %parallel_loop3A_1427 = arith.addi %parallel_loop3A_1418, %parallel_loop3A_1417 : i32
      %parallel_loop3A_1428 = arith.select %parallel_loop3A_1426, %parallel_loop3A_1427, %parallel_loop3A_1418 : i32
      %parallel_loop3A_1429 = arith.constant 16 : i32
      %parallel_loop3A_1430 = arith.muli %parallel_loop3A_1428, %parallel_loop3A_1429 : i32
      %parallel_loop3A_1431 = arith.constant 0 : i32
      %parallel_loop3A_1432 = arith.addi %parallel_loop3A_1431, %parallel_loop3A_1412 : i32
      %parallel_loop3A_1433 = arith.constant 1 : i32
      %parallel_loop3A_1434 = arith.index_cast %parallel_loop3A_1433 : i32 to index
      %parallel_loop3A_1435 = arith.index_cast %parallel_loop3A_1432 : i32 to index
      %parallel_loop3A_1436 = arith.index_cast %parallel_loop3A_1430 : i32 to index
      %parallel_loop3A_1437 = tpu.vector_load %arg6[%parallel_loop3A_1434, %parallel_loop3A_1435, %parallel_loop3A_1436] {strides = array<i32>} : memref<3x32x1024xf32, #tpu.memory_space<vmem>>, vector<1x1x16xf32>,
      %parallel_loop3A_1438 = vector.shape_cast %parallel_loop3A_1437 : vector<1x1x16xf32> to vector<16xf32>
      %parallel_loop3A_1439 = arith.constant 3.200000e+01 : f32
      %parallel_loop3A_1440 = vector.broadcast %parallel_loop3A_1439 : f32 to vector<16xf32>
      %parallel_loop3A_1441 = arith.mulf %parallel_loop3A_1438, %parallel_loop3A_1440 : vector<16xf32>
      %parallel_loop3A_1442 = arith.constant 0 : i32
      %parallel_loop3A_1443 = arith.addi %parallel_loop3A_1442, %parallel_loop3A_1412 : i32
      %parallel_loop3A_1444 = arith.constant 1 : i32
      %parallel_loop3A_1445 = arith.index_cast %parallel_loop3A_1444 : i32 to index
      %parallel_loop3A_1446 = arith.index_cast %parallel_loop3A_1443 : i32 to index
      %parallel_loop3A_1447 = arith.index_cast %parallel_loop3A_1430 : i32 to index
      %parallel_loop3A_1448 = tpu.vector_load %arg6[%parallel_loop3A_1445, %parallel_loop3A_1446, %parallel_loop3A_1447] {strides = array<i32>} : memref<3x32x1024xf32, #tpu.memory_space<vmem>>, vector<1x1x16xf32>,
      %parallel_loop3A_1449 = vector.shape_cast %parallel_loop3A_1448 : vector<1x1x16xf32> to vector<16xf32>
      %parallel_loop3A_1450 = vector.shape_cast %parallel_loop3A_1441 : vector<16xf32> to vector<1x1x16xf32>
      tpu.vector_store %arg6[%parallel_loop3A_1445, %parallel_loop3A_1446, %parallel_loop3A_1447], %parallel_loop3A_1450 {strides = array<i32>} : memref<3x32x1024xf32, #tpu.memory_space<vmem>>, vector<1x1x16xf32>,
      %parallel_loop3A_1451 = arith.constant 8 : i32
      %parallel_loop3A_1452 = arith.addi %parallel_loop3A_1451, %parallel_loop3A_1412 : i32
      %parallel_loop3A_1453 = arith.constant 1 : i32
      %parallel_loop3A_1454 = arith.index_cast %parallel_loop3A_1453 : i32 to index
      %parallel_loop3A_1455 = arith.index_cast %parallel_loop3A_1452 : i32 to index
      %parallel_loop3A_1456 = arith.index_cast %parallel_loop3A_1430 : i32 to index
      %parallel_loop3A_1457 = tpu.vector_load %arg6[%parallel_loop3A_1454, %parallel_loop3A_1455, %parallel_loop3A_1456] {strides = array<i32>} : memref<3x32x1024xf32, #tpu.memory_space<vmem>>, vector<1x1x16xf32>,
      %parallel_loop3A_1458 = vector.shape_cast %parallel_loop3A_1457 : vector<1x1x16xf32> to vector<16xf32>
      %parallel_loop3A_1459 = arith.constant 3.200000e+01 : f32
      %parallel_loop3A_1460 = vector.broadcast %parallel_loop3A_1459 : f32 to vector<16xf32>
      %parallel_loop3A_1461 = arith.mulf %parallel_loop3A_1458, %parallel_loop3A_1460 : vector<16xf32>
      %parallel_loop3A_1462 = arith.constant 8 : i32
      %parallel_loop3A_1463 = arith.addi %parallel_loop3A_1462, %parallel_loop3A_1412 : i32
      %parallel_loop3A_1464 = arith.constant 1 : i32
      %parallel_loop3A_1465 = arith.index_cast %parallel_loop3A_1464 : i32 to index
      %parallel_loop3A_1466 = arith.index_cast %parallel_loop3A_1463 : i32 to index
      %parallel_loop3A_1467 = arith.index_cast %parallel_loop3A_1430 : i32 to index
      %parallel_loop3A_1468 = tpu.vector_load %arg6[%parallel_loop3A_1465, %parallel_loop3A_1466, %parallel_loop3A_1467] {strides = array<i32>} : memref<3x32x1024xf32, #tpu.memory_space<vmem>>, vector<1x1x16xf32>,
      %parallel_loop3A_1469 = vector.shape_cast %parallel_loop3A_1468 : vector<1x1x16xf32> to vector<16xf32>
      %parallel_loop3A_1470 = vector.shape_cast %parallel_loop3A_1461 : vector<16xf32> to vector<1x1x16xf32>
      tpu.vector_store %arg6[%parallel_loop3A_1465, %parallel_loop3A_1466, %parallel_loop3A_1467], %parallel_loop3A_1470 {strides = array<i32>} : memref<3x32x1024xf32, #tpu.memory_space<vmem>>, vector<1x1x16xf32>,
      %parallel_loop3A_1471 = arith.constant 16 : i32
      %parallel_loop3A_1472 = arith.addi %parallel_loop3A_1471, %parallel_loop3A_1412 : i32
      %parallel_loop3A_1473 = arith.constant 1 : i32
      %parallel_loop3A_1474 = arith.index_cast %parallel_loop3A_1473 : i32 to index
      %parallel_loop3A_1475 = arith.index_cast %parallel_loop3A_1472 : i32 to index
      %parallel_loop3A_1476 = arith.index_cast %parallel_loop3A_1430 : i32 to index
      %parallel_loop3A_1477 = tpu.vector_load %arg6[%parallel_loop3A_1474, %parallel_loop3A_1475, %parallel_loop3A_1476] {strides = array<i32>} : memref<3x32x1024xf32, #tpu.memory_space<vmem>>, vector<1x1x16xf32>,
      %parallel_loop3A_1478 = vector.shape_cast %parallel_loop3A_1477 : vector<1x1x16xf32> to vector<16xf32>
      %parallel_loop3A_1479 = arith.constant 3.200000e+01 : f32
      %parallel_loop3A_1480 = vector.broadcast %parallel_loop3A_1479 : f32 to vector<16xf32>
      %parallel_loop3A_1481 = arith.mulf %parallel_loop3A_1478, %parallel_loop3A_1480 : vector<16xf32>
      %parallel_loop3A_1482 = arith.constant 16 : i32
      %parallel_loop3A_1483 = arith.addi %parallel_loop3A_1482, %parallel_loop3A_1412 : i32
      %parallel_loop3A_1484 = arith.constant 1 : i32
      %parallel_loop3A_1485 = arith.index_cast %parallel_loop3A_1484 : i32 to index
      %parallel_loop3A_1486 = arith.index_cast %parallel_loop3A_1483 : i32 to index
      %parallel_loop3A_1487 = arith.index_cast %parallel_loop3A_1430 : i32 to index
      %parallel_loop3A_1488 = tpu.vector_load %arg6[%parallel_loop3A_1485, %parallel_loop3A_1486, %parallel_loop3A_1487] {strides = array<i32>} : memref<3x32x1024xf32, #tpu.memory_space<vmem>>, vector<1x1x16xf32>,
      %parallel_loop3A_1489 = vector.shape_cast %parallel_loop3A_1488 : vector<1x1x16xf32> to vector<16xf32>
      %parallel_loop3A_1490 = vector.shape_cast %parallel_loop3A_1481 : vector<16xf32> to vector<1x1x16xf32>
      tpu.vector_store %arg6[%parallel_loop3A_1485, %parallel_loop3A_1486, %parallel_loop3A_1487], %parallel_loop3A_1490 {strides = array<i32>} : memref<3x32x1024xf32, #tpu.memory_space<vmem>>, vector<1x1x16xf32>,
      %parallel_loop3A_1491 = arith.constant 24 : i32
      %parallel_loop3A_1492 = arith.addi %parallel_loop3A_1491, %parallel_loop3A_1412 : i32
      %parallel_loop3A_1493 = arith.constant 1 : i32
      %parallel_loop3A_1494 = arith.index_cast %parallel_loop3A_1493 : i32 to index
      %parallel_loop3A_1495 = arith.index_cast %parallel_loop3A_1492 : i32 to index
      %parallel_loop3A_1496 = arith.index_cast %parallel_loop3A_1430 : i32 to index
      %parallel_loop3A_1497 = tpu.vector_load %arg6[%parallel_loop3A_1494, %parallel_loop3A_1495, %parallel_loop3A_1496] {strides = array<i32>} : memref<3x32x1024xf32, #tpu.memory_space<vmem>>, vector<1x1x16xf32>,
      %parallel_loop3A_1498 = vector.shape_cast %parallel_loop3A_1497 : vector<1x1x16xf32> to vector<16xf32>
      %parallel_loop3A_1499 = arith.constant 3.200000e+01 : f32
      %parallel_loop3A_1500 = vector.broadcast %parallel_loop3A_1499 : f32 to vector<16xf32>
      %parallel_loop3A_1501 = arith.mulf %parallel_loop3A_1498, %parallel_loop3A_1500 : vector<16xf32>
      %parallel_loop3A_1502 = arith.constant 24 : i32
      %parallel_loop3A_1503 = arith.addi %parallel_loop3A_1502, %parallel_loop3A_1412 : i32
      %parallel_loop3A_1504 = arith.constant 1 : i32
      %parallel_loop3A_1505 = arith.index_cast %parallel_loop3A_1504 : i32 to index
      %parallel_loop3A_1506 = arith.index_cast %parallel_loop3A_1503 : i32 to index
      %parallel_loop3A_1507 = arith.index_cast %parallel_loop3A_1430 : i32 to index
      %parallel_loop3A_1508 = tpu.vector_load %arg6[%parallel_loop3A_1505, %parallel_loop3A_1506, %parallel_loop3A_1507] {strides = array<i32>} : memref<3x32x1024xf32, #tpu.memory_space<vmem>>, vector<1x1x16xf32>,
      %parallel_loop3A_1509 = vector.shape_cast %parallel_loop3A_1508 : vector<1x1x16xf32> to vector<16xf32>
      %parallel_loop3A_1510 = vector.shape_cast %parallel_loop3A_1501 : vector<16xf32> to vector<1x1x16xf32>
      tpu.vector_store %arg6[%parallel_loop3A_1505, %parallel_loop3A_1506, %parallel_loop3A_1507], %parallel_loop3A_1510 {strides = array<i32>} : memref<3x32x1024xf32, #tpu.memory_space<vmem>>, vector<1x1x16xf32>,
    } {sc.loop_unroll_factor = 2 : i64, sc.parallel_access}
    %add3A_155 = arith.constant 0 : i32
    %add3A_156 = arith.addi %add3A_155, %mul3A_2 : i32
    %add3A_157 = arith.constant 8 : i32
    %add3A_158 = arith.addi %add3A_156, %add3A_157 : i32
    %dma_start3A_159 = arith.constant 1 : i32
    %dma_start3A_160 = arith.constant 1 : i32
    %dma_start3A_161 = arith.constant 0 : i32
    %dma_start3A_162 = arith.constant 0 : i32
    %dma_start3A_163 = tpu.memref_slice %arg6[%dma_start3A_159, %dma_start3A_161, %dma_start3A_162] : memref<3x32x1024xf32, #tpu.memory_space<vmem>> -> memref<1x8x1024xf32, #tpu.memory_space<vmem>>
    %dma_start3A_164 = tpu.memref_squeeze %dma_start3A_163 : memref<1x8x1024xf32, #tpu.memory_space<vmem>> -> memref<8x1024xf32, #tpu.memory_space<vmem>>
    %dma_start3A_165 = arith.constant 0 : i32
    %dma_start3A_166 = tpu.memref_slice %arg4[%add3A_158, %dma_start3A_165] : memref<8192x1024xf32, #tpu.memory_space<hbm>> -> memref<8x1024xf32, #tpu.memory_space<hbm>>
    %dma_start3A_167 = tpu.memref_slice %arg8[%dma_start3A_160] : memref<3x!tpu.dma_semaphore, #tpu.memory_space<semaphore_mem>> -> memref<1x!tpu.dma_semaphore, #tpu.memory_space<semaphore_mem>>
    %dma_start3A_168 = tpu.memref_squeeze %dma_start3A_167 : memref<1x!tpu.dma_semaphore, #tpu.memory_space<semaphore_mem>> -> memref<!tpu.dma_semaphore, #tpu.memory_space<semaphore_mem>>
    %dma_start3A_169 = arith.constant 0 : i32
    %dma_start3A_170 = tpu.memref_slice %arg4[%add3A_158, %dma_start3A_169] : memref<8192x1024xf32, #tpu.memory_space<hbm>> -> memref<8x1024xf32, #tpu.memory_space<hbm>>
    %dma_start3A_171 = arith.constant 0 : i32
    %dma_start3A_172 = arith.constant 0 : i32
    %dma_start3A_173 = tpu.memref_slice %arg6[%dma_start3A_159, %dma_start3A_171, %dma_start3A_172] : memref<3x32x1024xf32, #tpu.memory_space<vmem>> -> memref<1x8x1024xf32, #tpu.memory_space<vmem>>
    %dma_start3A_174 = tpu.memref_squeeze %dma_start3A_173 : memref<1x8x1024xf32, #tpu.memory_space<vmem>> -> memref<8x1024xf32, #tpu.memory_space<vmem>>
    tpu.enqueue_dma source(%dma_start3A_174 : memref<8x1024xf32, #tpu.memory_space<vmem>>) target(%dma_start3A_170 : memref<8x1024xf32, #tpu.memory_space<hbm>>) target_semaphore(%dma_start3A_168 : memref<!tpu.dma_semaphore, #tpu.memory_space<semaphore_mem>>)
    %add3A_175 = arith.constant 2048 : i32
    %add3A_176 = arith.addi %add3A_175, %mul3A_2 : i32
    %add3A_177 = arith.constant 8 : i32
    %add3A_178 = arith.addi %add3A_176, %add3A_177 : i32
    %dma_start3A_179 = arith.constant 1 : i32
    %dma_start3A_180 = arith.constant 1 : i32
    %dma_start3A_181 = arith.constant 8 : i32
    %dma_start3A_182 = arith.constant 0 : i32
    %dma_start3A_183 = tpu.memref_slice %arg6[%dma_start3A_179, %dma_start3A_181, %dma_start3A_182] : memref<3x32x1024xf32, #tpu.memory_space<vmem>> -> memref<1x8x1024xf32, #tpu.memory_space<vmem>>
    %dma_start3A_184 = tpu.memref_squeeze %dma_start3A_183 : memref<1x8x1024xf32, #tpu.memory_space<vmem>> -> memref<8x1024xf32, #tpu.memory_space<vmem>>
    %dma_start3A_185 = arith.constant 0 : i32
    %dma_start3A_186 = tpu.memref_slice %arg4[%add3A_178, %dma_start3A_185] : memref<8192x1024xf32, #tpu.memory_space<hbm>> -> memref<8x1024xf32, #tpu.memory_space<hbm>>
    %dma_start3A_187 = tpu.memref_slice %arg8[%dma_start3A_180] : memref<3x!tpu.dma_semaphore, #tpu.memory_space<semaphore_mem>> -> memref<1x!tpu.dma_semaphore, #tpu.memory_space<semaphore_mem>>
    %dma_start3A_188 = tpu.memref_squeeze %dma_start3A_187 : memref<1x!tpu.dma_semaphore, #tpu.memory_space<semaphore_mem>> -> memref<!tpu.dma_semaphore, #tpu.memory_space<semaphore_mem>>
    %dma_start3A_189 = arith.constant 0 : i32
    %dma_start3A_190 = tpu.memref_slice %arg4[%add3A_178, %dma_start3A_189] : memref<8192x1024xf32, #tpu.memory_space<hbm>> -> memref<8x1024xf32, #tpu.memory_space<hbm>>
    %dma_start3A_191 = arith.constant 8 : i32
    %dma_start3A_192 = arith.constant 0 : i32
    %dma_start3A_193 = tpu.memref_slice %arg6[%dma_start3A_179, %dma_start3A_191, %dma_start3A_192] : memref<3x32x1024xf32, #tpu.memory_space<vmem>> -> memref<1x8x1024xf32, #tpu.memory_space<vmem>>
    %dma_start3A_194 = tpu.memref_squeeze %dma_start3A_193 : memref<1x8x1024xf32, #tpu.memory_space<vmem>> -> memref<8x1024xf32, #tpu.memory_space<vmem>>
    tpu.enqueue_dma source(%dma_start3A_194 : memref<8x1024xf32, #tpu.memory_space<vmem>>) target(%dma_start3A_190 : memref<8x1024xf32, #tpu.memory_space<hbm>>) target_semaphore(%dma_start3A_188 : memref<!tpu.dma_semaphore, #tpu.memory_space<semaphore_mem>>)
    %add3A_195 = arith.constant 4096 : i32
    %add3A_196 = arith.addi %add3A_195, %mul3A_2 : i32
    %add3A_197 = arith.constant 8 : i32
    %add3A_198 = arith.addi %add3A_196, %add3A_197 : i32
    %dma_start3A_199 = arith.constant 1 : i32
    %dma_start3A_200 = arith.constant 1 : i32
    %dma_start3A_201 = arith.constant 16 : i32
    %dma_start3A_202 = arith.constant 0 : i32
    %dma_start3A_203 = tpu.memref_slice %arg6[%dma_start3A_199, %dma_start3A_201, %dma_start3A_202] : memref<3x32x1024xf32, #tpu.memory_space<vmem>> -> memref<1x8x1024xf32, #tpu.memory_space<vmem>>
    %dma_start3A_204 = tpu.memref_squeeze %dma_start3A_203 : memref<1x8x1024xf32, #tpu.memory_space<vmem>> -> memref<8x1024xf32, #tpu.memory_space<vmem>>
    %dma_start3A_205 = arith.constant 0 : i32
    %dma_start3A_206 = tpu.memref_slice %arg4[%add3A_198, %dma_start3A_205] : memref<8192x1024xf32, #tpu.memory_space<hbm>> -> memref<8x1024xf32, #tpu.memory_space<hbm>>
    %dma_start3A_207 = tpu.memref_slice %arg8[%dma_start3A_200] : memref<3x!tpu.dma_semaphore, #tpu.memory_space<semaphore_mem>> -> memref<1x!tpu.dma_semaphore, #tpu.memory_space<semaphore_mem>>
    %dma_start3A_208 = tpu.memref_squeeze %dma_start3A_207 : memref<1x!tpu.dma_semaphore, #tpu.memory_space<semaphore_mem>> -> memref<!tpu.dma_semaphore, #tpu.memory_space<semaphore_mem>>
    %dma_start3A_209 = arith.constant 0 : i32
    %dma_start3A_210 = tpu.memref_slice %arg4[%add3A_198, %dma_start3A_209] : memref<8192x1024xf32, #tpu.memory_space<hbm>> -> memref<8x1024xf32, #tpu.memory_space<hbm>>
    %dma_start3A_211 = arith.constant 16 : i32
    %dma_start3A_212 = arith.constant 0 : i32
    %dma_start3A_213 = tpu.memref_slice %arg6[%dma_start3A_199, %dma_start3A_211, %dma_start3A_212] : memref<3x32x1024xf32, #tpu.memory_space<vmem>> -> memref<1x8x1024xf32, #tpu.memory_space<vmem>>
    %dma_start3A_214 = tpu.memref_squeeze %dma_start3A_213 : memref<1x8x1024xf32, #tpu.memory_space<vmem>> -> memref<8x1024xf32, #tpu.memory_space<vmem>>
    tpu.enqueue_dma source(%dma_start3A_214 : memref<8x1024xf32, #tpu.memory_space<vmem>>) target(%dma_start3A_210 : memref<8x1024xf32, #tpu.memory_space<hbm>>) target_semaphore(%dma_start3A_208 : memref<!tpu.dma_semaphore, #tpu.memory_space<semaphore_mem>>)
    %add3A_215 = arith.constant 6144 : i32
    %add3A_216 = arith.addi %add3A_215, %mul3A_2 : i32
    %add3A_217 = arith.constant 8 : i32
    %add3A_218 = arith.addi %add3A_216, %add3A_217 : i32
    %dma_start3A_219 = arith.constant 1 : i32
    %dma_start3A_220 = arith.constant 1 : i32
    %dma_start3A_221 = arith.constant 24 : i32
    %dma_start3A_222 = arith.constant 0 : i32
    %dma_start3A_223 = tpu.memref_slice %arg6[%dma_start3A_219, %dma_start3A_221, %dma_start3A_222] : memref<3x32x1024xf32, #tpu.memory_space<vmem>> -> memref<1x8x1024xf32, #tpu.memory_space<vmem>>
    %dma_start3A_224 = tpu.memref_squeeze %dma_start3A_223 : memref<1x8x1024xf32, #tpu.memory_space<vmem>> -> memref<8x1024xf32, #tpu.memory_space<vmem>>
    %dma_start3A_225 = arith.constant 0 : i32
    %dma_start3A_226 = tpu.memref_slice %arg4[%add3A_218, %dma_start3A_225] : memref<8192x1024xf32, #tpu.memory_space<hbm>> -> memref<8x1024xf32, #tpu.memory_space<hbm>>
    %dma_start3A_227 = tpu.memref_slice %arg8[%dma_start3A_220] : memref<3x!tpu.dma_semaphore, #tpu.memory_space<semaphore_mem>> -> memref<1x!tpu.dma_semaphore, #tpu.memory_space<semaphore_mem>>
    %dma_start3A_228 = tpu.memref_squeeze %dma_start3A_227 : memref<1x!tpu.dma_semaphore, #tpu.memory_space<semaphore_mem>> -> memref<!tpu.dma_semaphore, #tpu.memory_space<semaphore_mem>>
    %dma_start3A_229 = arith.constant 0 : i32
    %dma_start3A_230 = tpu.memref_slice %arg4[%add3A_218, %dma_start3A_229] : memref<8192x1024xf32, #tpu.memory_space<hbm>> -> memref<8x1024xf32, #tpu.memory_space<hbm>>
    %dma_start3A_231 = arith.constant 24 : i32
    %dma_start3A_232 = arith.constant 0 : i32
    %dma_start3A_233 = tpu.memref_slice %arg6[%dma_start3A_219, %dma_start3A_231, %dma_start3A_232] : memref<3x32x1024xf32, #tpu.memory_space<vmem>> -> memref<1x8x1024xf32, #tpu.memory_space<vmem>>
    %dma_start3A_234 = tpu.memref_squeeze %dma_start3A_233 : memref<1x8x1024xf32, #tpu.memory_space<vmem>> -> memref<8x1024xf32, #tpu.memory_space<vmem>>
    tpu.enqueue_dma source(%dma_start3A_234 : memref<8x1024xf32, #tpu.memory_space<vmem>>) target(%dma_start3A_230 : memref<8x1024xf32, #tpu.memory_space<hbm>>) target_semaphore(%dma_start3A_228 : memref<!tpu.dma_semaphore, #tpu.memory_space<semaphore_mem>>)
    %dma_wait3A_235 = arith.constant 2 : i32
    %dma_wait3A_236 = arith.constant 2 : i32
    %dma_wait3A_237 = arith.constant 0 : i32
    %dma_wait3A_238 = arith.constant 0 : i32
    %dma_wait3A_239 = tpu.memref_slice %arg6[%dma_wait3A_235, %dma_wait3A_237, %dma_wait3A_238] : memref<3x32x1024xf32, #tpu.memory_space<vmem>> -> memref<1x32x1024xf32, #tpu.memory_space<vmem>>
    %dma_wait3A_240 = tpu.memref_squeeze %dma_wait3A_239 : memref<1x32x1024xf32, #tpu.memory_space<vmem>> -> memref<32x1024xf32, #tpu.memory_space<vmem>>
    %dma_wait3A_241 = arith.constant 64 : i32
    %dma_wait3A_242 = tpu.memref_slice %arg5[%dma_wait3A_241] : memref<256xi32, #tpu.memory_space<vmem>> -> memref<32xi32, #tpu.memory_space<vmem>>
    %dma_wait3A_243 = arith.constant 0 : i32
    %dma_wait3A_244 = arith.constant 0 : i32
    %dma_wait3A_245 = tpu.memref_slice %arg2[%dma_wait3A_243, %dma_wait3A_244] : memref<100000x1024xf32, #tpu.memory_space<hbm>> -> memref<100000x1024xf32, #tpu.memory_space<hbm>>
    %dma_wait3A_246 = tpu.memref_slice %arg7[%dma_wait3A_236] : memref<3x!tpu.dma_semaphore, #tpu.memory_space<semaphore_mem>> -> memref<1x!tpu.dma_semaphore, #tpu.memory_space<semaphore_mem>>
    %dma_wait3A_247 = tpu.memref_squeeze %dma_wait3A_246 : memref<1x!tpu.dma_semaphore, #tpu.memory_space<semaphore_mem>> -> memref<!tpu.dma_semaphore, #tpu.memory_space<semaphore_mem>>
    tpu.wait_indirect_dma semaphore(%dma_wait3A_247 : memref<!tpu.dma_semaphore, #tpu.memory_space<semaphore_mem>>) src(%dma_wait3A_245 : memref<100000x1024xf32, #tpu.memory_space<hbm>>) dst(%dma_wait3A_240 : memref<32x1024xf32, #tpu.memory_space<vmem>>)
    %dma_wait3A_248 = arith.constant 0 : i32
    %dma_wait3A_249 = arith.constant 0 : i32
    %dma_wait3A_250 = arith.constant 0 : i32
    %dma_wait3A_251 = arith.constant 0 : i32
    %dma_wait3A_252 = tpu.memref_slice %arg6[%dma_wait3A_248, %dma_wait3A_250, %dma_wait3A_251] : memref<3x32x1024xf32, #tpu.memory_space<vmem>> -> memref<1x8x1024xf32, #tpu.memory_space<vmem>>
    %dma_wait3A_253 = tpu.memref_squeeze %dma_wait3A_252 : memref<1x8x1024xf32, #tpu.memory_space<vmem>> -> memref<8x1024xf32, #tpu.memory_space<vmem>>
    %dma_wait3A_254 = arith.constant 0 : i32
    %dma_wait3A_255 = tpu.memref_slice %arg4[%add3A_49, %dma_wait3A_254] : memref<8192x1024xf32, #tpu.memory_space<hbm>> -> memref<8x1024xf32, #tpu.memory_space<hbm>>
    %dma_wait3A_256 = tpu.memref_slice %arg8[%dma_wait3A_249] : memref<3x!tpu.dma_semaphore, #tpu.memory_space<semaphore_mem>> -> memref<1x!tpu.dma_semaphore, #tpu.memory_space<semaphore_mem>>
    %dma_wait3A_257 = tpu.memref_squeeze %dma_wait3A_256 : memref<1x!tpu.dma_semaphore, #tpu.memory_space<semaphore_mem>> -> memref<!tpu.dma_semaphore, #tpu.memory_space<semaphore_mem>>
    %dma_wait3A_258 = arith.constant 0 : i32
    %dma_wait3A_259 = tpu.memref_slice %arg4[%add3A_49, %dma_wait3A_258] : memref<8192x1024xf32, #tpu.memory_space<hbm>> -> memref<8x1024xf32, #tpu.memory_space<hbm>>
    %dma_wait3A_260 = arith.constant 0 : i32
    %dma_wait3A_261 = arith.constant 0 : i32
    %dma_wait3A_262 = tpu.memref_slice %arg6[%dma_wait3A_248, %dma_wait3A_260, %dma_wait3A_261] : memref<3x32x1024xf32, #tpu.memory_space<vmem>> -> memref<1x8x1024xf32, #tpu.memory_space<vmem>>
    %dma_wait3A_263 = tpu.memref_squeeze %dma_wait3A_262 : memref<1x8x1024xf32, #tpu.memory_space<vmem>> -> memref<8x1024xf32, #tpu.memory_space<vmem>>
    tpu.wait_dma2 semaphore(%dma_wait3A_257 : memref<!tpu.dma_semaphore, #tpu.memory_space<semaphore_mem>>) src(%dma_wait3A_263 : memref<8x1024xf32, #tpu.memory_space<vmem>>) dst(%dma_wait3A_259 : memref<8x1024xf32, #tpu.memory_space<hbm>>)
    %dma_wait3A_264 = arith.constant 0 : i32
    %dma_wait3A_265 = arith.constant 0 : i32
    %dma_wait3A_266 = arith.constant 8 : i32
    %dma_wait3A_267 = arith.constant 0 : i32
    %dma_wait3A_268 = tpu.memref_slice %arg6[%dma_wait3A_264, %dma_wait3A_266, %dma_wait3A_267] : memref<3x32x1024xf32, #tpu.memory_space<vmem>> -> memref<1x8x1024xf32, #tpu.memory_space<vmem>>
    %dma_wait3A_269 = tpu.memref_squeeze %dma_wait3A_268 : memref<1x8x1024xf32, #tpu.memory_space<vmem>> -> memref<8x1024xf32, #tpu.memory_space<vmem>>
    %dma_wait3A_270 = arith.constant 0 : i32
    %dma_wait3A_271 = tpu.memref_slice %arg4[%add3A_69, %dma_wait3A_270] : memref<8192x1024xf32, #tpu.memory_space<hbm>> -> memref<8x1024xf32, #tpu.memory_space<hbm>>
    %dma_wait3A_272 = tpu.memref_slice %arg8[%dma_wait3A_265] : memref<3x!tpu.dma_semaphore, #tpu.memory_space<semaphore_mem>> -> memref<1x!tpu.dma_semaphore, #tpu.memory_space<semaphore_mem>>
    %dma_wait3A_273 = tpu.memref_squeeze %dma_wait3A_272 : memref<1x!tpu.dma_semaphore, #tpu.memory_space<semaphore_mem>> -> memref<!tpu.dma_semaphore, #tpu.memory_space<semaphore_mem>>
    %dma_wait3A_274 = arith.constant 0 : i32
    %dma_wait3A_275 = tpu.memref_slice %arg4[%add3A_69, %dma_wait3A_274] : memref<8192x1024xf32, #tpu.memory_space<hbm>> -> memref<8x1024xf32, #tpu.memory_space<hbm>>
    %dma_wait3A_276 = arith.constant 8 : i32
    %dma_wait3A_277 = arith.constant 0 : i32
    %dma_wait3A_278 = tpu.memref_slice %arg6[%dma_wait3A_264, %dma_wait3A_276, %dma_wait3A_277] : memref<3x32x1024xf32, #tpu.memory_space<vmem>> -> memref<1x8x1024xf32, #tpu.memory_space<vmem>>
    %dma_wait3A_279 = tpu.memref_squeeze %dma_wait3A_278 : memref<1x8x1024xf32, #tpu.memory_space<vmem>> -> memref<8x1024xf32, #tpu.memory_space<vmem>>
    tpu.wait_dma2 semaphore(%dma_wait3A_273 : memref<!tpu.dma_semaphore, #tpu.memory_space<semaphore_mem>>) src(%dma_wait3A_279 : memref<8x1024xf32, #tpu.memory_space<vmem>>) dst(%dma_wait3A_275 : memref<8x1024xf32, #tpu.memory_space<hbm>>)
    %dma_wait3A_280 = arith.constant 0 : i32
    %dma_wait3A_281 = arith.constant 0 : i32
    %dma_wait3A_282 = arith.constant 16 : i32
    %dma_wait3A_283 = arith.constant 0 : i32
    %dma_wait3A_284 = tpu.memref_slice %arg6[%dma_wait3A_280, %dma_wait3A_282, %dma_wait3A_283] : memref<3x32x1024xf32, #tpu.memory_space<vmem>> -> memref<1x8x1024xf32, #tpu.memory_space<vmem>>
    %dma_wait3A_285 = tpu.memref_squeeze %dma_wait3A_284 : memref<1x8x1024xf32, #tpu.memory_space<vmem>> -> memref<8x1024xf32, #tpu.memory_space<vmem>>
    %dma_wait3A_286 = arith.constant 0 : i32
    %dma_wait3A_287 = tpu.memref_slice %arg4[%add3A_89, %dma_wait3A_286] : memref<8192x1024xf32, #tpu.memory_space<hbm>> -> memref<8x1024xf32, #tpu.memory_space<hbm>>
    %dma_wait3A_288 = tpu.memref_slice %arg8[%dma_wait3A_281] : memref<3x!tpu.dma_semaphore, #tpu.memory_space<semaphore_mem>> -> memref<1x!tpu.dma_semaphore, #tpu.memory_space<semaphore_mem>>
    %dma_wait3A_289 = tpu.memref_squeeze %dma_wait3A_288 : memref<1x!tpu.dma_semaphore, #tpu.memory_space<semaphore_mem>> -> memref<!tpu.dma_semaphore, #tpu.memory_space<semaphore_mem>>
    %dma_wait3A_290 = arith.constant 0 : i32
    %dma_wait3A_291 = tpu.memref_slice %arg4[%add3A_89, %dma_wait3A_290] : memref<8192x1024xf32, #tpu.memory_space<hbm>> -> memref<8x1024xf32, #tpu.memory_space<hbm>>
    %dma_wait3A_292 = arith.constant 16 : i32
    %dma_wait3A_293 = arith.constant 0 : i32
    %dma_wait3A_294 = tpu.memref_slice %arg6[%dma_wait3A_280, %dma_wait3A_292, %dma_wait3A_293] : memref<3x32x1024xf32, #tpu.memory_space<vmem>> -> memref<1x8x1024xf32, #tpu.memory_space<vmem>>
    %dma_wait3A_295 = tpu.memref_squeeze %dma_wait3A_294 : memref<1x8x1024xf32, #tpu.memory_space<vmem>> -> memref<8x1024xf32, #tpu.memory_space<vmem>>
    tpu.wait_dma2 semaphore(%dma_wait3A_289 : memref<!tpu.dma_semaphore, #tpu.memory_space<semaphore_mem>>) src(%dma_wait3A_295 : memref<8x1024xf32, #tpu.memory_space<vmem>>) dst(%dma_wait3A_291 : memref<8x1024xf32, #tpu.memory_space<hbm>>)
    %dma_wait3A_296 = arith.constant 0 : i32
    %dma_wait3A_297 = arith.constant 0 : i32
    %dma_wait3A_298 = arith.constant 24 : i32
    %dma_wait3A_299 = arith.constant 0 : i32
    %dma_wait3A_300 = tpu.memref_slice %arg6[%dma_wait3A_296, %dma_wait3A_298, %dma_wait3A_299] : memref<3x32x1024xf32, #tpu.memory_space<vmem>> -> memref<1x8x1024xf32, #tpu.memory_space<vmem>>
    %dma_wait3A_301 = tpu.memref_squeeze %dma_wait3A_300 : memref<1x8x1024xf32, #tpu.memory_space<vmem>> -> memref<8x1024xf32, #tpu.memory_space<vmem>>
    %dma_wait3A_302 = arith.constant 0 : i32
    %dma_wait3A_303 = tpu.memref_slice %arg4[%add3A_109, %dma_wait3A_302] : memref<8192x1024xf32, #tpu.memory_space<hbm>> -> memref<8x1024xf32, #tpu.memory_space<hbm>>
    %dma_wait3A_304 = tpu.memref_slice %arg8[%dma_wait3A_297] : memref<3x!tpu.dma_semaphore, #tpu.memory_space<semaphore_mem>> -> memref<1x!tpu.dma_semaphore, #tpu.memory_space<semaphore_mem>>
    %dma_wait3A_305 = tpu.memref_squeeze %dma_wait3A_304 : memref<1x!tpu.dma_semaphore, #tpu.memory_space<semaphore_mem>> -> memref<!tpu.dma_semaphore, #tpu.memory_space<semaphore_mem>>
    %dma_wait3A_306 = arith.constant 0 : i32
    %dma_wait3A_307 = tpu.memref_slice %arg4[%add3A_109, %dma_wait3A_306] : memref<8192x1024xf32, #tpu.memory_space<hbm>> -> memref<8x1024xf32, #tpu.memory_space<hbm>>
    %dma_wait3A_308 = arith.constant 24 : i32
    %dma_wait3A_309 = arith.constant 0 : i32
    %dma_wait3A_310 = tpu.memref_slice %arg6[%dma_wait3A_296, %dma_wait3A_308, %dma_wait3A_309] : memref<3x32x1024xf32, #tpu.memory_space<vmem>> -> memref<1x8x1024xf32, #tpu.memory_space<vmem>>
    %dma_wait3A_311 = tpu.memref_squeeze %dma_wait3A_310 : memref<1x8x1024xf32, #tpu.memory_space<vmem>> -> memref<8x1024xf32, #tpu.memory_space<vmem>>
    tpu.wait_dma2 semaphore(%dma_wait3A_305 : memref<!tpu.dma_semaphore, #tpu.memory_space<semaphore_mem>>) src(%dma_wait3A_311 : memref<8x1024xf32, #tpu.memory_space<vmem>>) dst(%dma_wait3A_307 : memref<8x1024xf32, #tpu.memory_space<hbm>>)
    %dma_start3A_312 = arith.constant 0 : i32
    %dma_start3A_313 = arith.constant 0 : i32
    %dma_start3A_314 = arith.constant 0 : i32
    %dma_start3A_315 = arith.constant 0 : i32
    %dma_start3A_316 = tpu.memref_slice %arg6[%dma_start3A_312, %dma_start3A_314, %dma_start3A_315] : memref<3x32x1024xf32, #tpu.memory_space<vmem>> -> memref<1x32x1024xf32, #tpu.memory_space<vmem>>
    %dma_start3A_317 = tpu.memref_squeeze %dma_start3A_316 : memref<1x32x1024xf32, #tpu.memory_space<vmem>> -> memref<32x1024xf32, #tpu.memory_space<vmem>>
    %dma_start3A_318 = arith.constant 96 : i32
    %dma_start3A_319 = tpu.memref_slice %arg5[%dma_start3A_318] : memref<256xi32, #tpu.memory_space<vmem>> -> memref<32xi32, #tpu.memory_space<vmem>>
    %dma_start3A_320 = arith.constant 0 : i32
    %dma_start3A_321 = arith.constant 0 : i32
    %dma_start3A_322 = tpu.memref_slice %arg2[%dma_start3A_320, %dma_start3A_321] : memref<100000x1024xf32, #tpu.memory_space<hbm>> -> memref<100000x1024xf32, #tpu.memory_space<hbm>>
    %dma_start3A_323 = tpu.memref_slice %arg7[%dma_start3A_313] : memref<3x!tpu.dma_semaphore, #tpu.memory_space<semaphore_mem>> -> memref<1x!tpu.dma_semaphore, #tpu.memory_space<semaphore_mem>>
    %dma_start3A_324 = tpu.memref_squeeze %dma_start3A_323 : memref<1x!tpu.dma_semaphore, #tpu.memory_space<semaphore_mem>> -> memref<!tpu.dma_semaphore, #tpu.memory_space<semaphore_mem>>
    tpu.enqueue_indirect_dma source(%dma_start3A_322 : memref<100000x1024xf32, #tpu.memory_space<hbm>>) target(%dma_start3A_317 : memref<32x1024xf32, #tpu.memory_space<vmem>>) offsets(%dma_start3A_319 : memref<32xi32, #tpu.memory_space<vmem>>) semaphore(%dma_start3A_324 : memref<!tpu.dma_semaphore, #tpu.memory_space<semaphore_mem>>)
    %parallel_loop3A_325 = arith.constant 0 : i32
    %parallel_loop3A_326 = arith.constant 512 : i32
    %parallel_loop3A_327 = arith.constant 1 : i32
    scf.for %parallel_loop3A_1388 = %parallel_loop3A_325 to %parallel_loop3A_326 step %parallel_loop3A_327  : i32 {
      %parallel_loop3A_1389 = arith.constant 64 : i32
      %parallel_loop3A_1390 = arith.divsi %parallel_loop3A_1388, %parallel_loop3A_1389 : i32
      %parallel_loop3A_1391 = arith.constant 0 : i32
      %parallel_loop3A_1392 = arith.cmpi sgt, %parallel_loop3A_1388, %parallel_loop3A_1391 : i32
      %parallel_loop3A_1393 = arith.extui %parallel_loop3A_1392 : i1 to i32
      %parallel_loop3A_1394 = arith.constant 0 : i32
      %parallel_loop3A_1395 = arith.cmpi slt, %parallel_loop3A_1388, %parallel_loop3A_1394 : i32
      %parallel_loop3A_1396 = arith.extui %parallel_loop3A_1395 : i1 to i32
      %parallel_loop3A_1397 = arith.subi %parallel_loop3A_1393, %parallel_loop3A_1396 : i32
      %parallel_loop3A_1398 = arith.constant 0 : i32
      %parallel_loop3A_1399 = arith.cmpi sgt, %parallel_loop3A_1389, %parallel_loop3A_1398 : i32
      %parallel_loop3A_1400 = arith.extui %parallel_loop3A_1399 : i1 to i32
      %parallel_loop3A_1401 = arith.constant 0 : i32
      %parallel_loop3A_1402 = arith.cmpi slt, %parallel_loop3A_1389, %parallel_loop3A_1401 : i32
      %parallel_loop3A_1403 = arith.extui %parallel_loop3A_1402 : i1 to i32
      %parallel_loop3A_1404 = arith.subi %parallel_loop3A_1400, %parallel_loop3A_1403 : i32
      %parallel_loop3A_1405 = arith.cmpi ne, %parallel_loop3A_1397, %parallel_loop3A_1404 : i32
      %parallel_loop3A_1406 = arith.remsi %parallel_loop3A_1388, %parallel_loop3A_1389 : i32
      %parallel_loop3A_1407 = arith.constant 0 : i32
      %parallel_loop3A_1408 = arith.cmpi ne, %parallel_loop3A_1406, %parallel_loop3A_1407 : i32
      %parallel_loop3A_1409 = arith.andi %parallel_loop3A_1405, %parallel_loop3A_1408 : i1
      %parallel_loop3A_1410 = arith.constant 1 : i32
      %parallel_loop3A_1411 = arith.subi %parallel_loop3A_1390, %parallel_loop3A_1410 : i32
      %parallel_loop3A_1412 = arith.select %parallel_loop3A_1409, %parallel_loop3A_1411, %parallel_loop3A_1390 : i32
      %parallel_loop3A_1413 = arith.constant 64 : i32
      %parallel_loop3A_1414 = arith.constant 0 : i32
      %parallel_loop3A_1415 = arith.cmpi eq, %parallel_loop3A_1413, %parallel_loop3A_1414 : i32
      %parallel_loop3A_1416 = arith.constant 1 : i32
      %parallel_loop3A_1417 = arith.select %parallel_loop3A_1415, %parallel_loop3A_1416, %parallel_loop3A_1413 : i32
      %parallel_loop3A_1418 = arith.remsi %parallel_loop3A_1388, %parallel_loop3A_1417 : i32
      %parallel_loop3A_1419 = arith.constant 0 : i32
      %parallel_loop3A_1420 = arith.cmpi ne, %parallel_loop3A_1418, %parallel_loop3A_1419 : i32
      %parallel_loop3A_1421 = arith.constant 0 : i32
      %parallel_loop3A_1422 = arith.cmpi slt, %parallel_loop3A_1418, %parallel_loop3A_1421 : i32
      %parallel_loop3A_1423 = arith.constant 0 : i32
      %parallel_loop3A_1424 = arith.cmpi slt, %parallel_loop3A_1417, %parallel_loop3A_1423 : i32
      %parallel_loop3A_1425 = arith.xori %parallel_loop3A_1422, %parallel_loop3A_1424 : i1
      %parallel_loop3A_1426 = arith.andi %parallel_loop3A_1425, %parallel_loop3A_1420 : i1
      %parallel_loop3A_1427 = arith.addi %parallel_loop3A_1418, %parallel_loop3A_1417 : i32
      %parallel_loop3A_1428 = arith.select %parallel_loop3A_1426, %parallel_loop3A_1427, %parallel_loop3A_1418 : i32
      %parallel_loop3A_1429 = arith.constant 16 : i32
      %parallel_loop3A_1430 = arith.muli %parallel_loop3A_1428, %parallel_loop3A_1429 : i32
      %parallel_loop3A_1431 = arith.constant 0 : i32
      %parallel_loop3A_1432 = arith.addi %parallel_loop3A_1431, %parallel_loop3A_1412 : i32
      %parallel_loop3A_1433 = arith.constant 2 : i32
      %parallel_loop3A_1434 = arith.index_cast %parallel_loop3A_1433 : i32 to index
      %parallel_loop3A_1435 = arith.index_cast %parallel_loop3A_1432 : i32 to index
      %parallel_loop3A_1436 = arith.index_cast %parallel_loop3A_1430 : i32 to index
      %parallel_loop3A_1437 = tpu.vector_load %arg6[%parallel_loop3A_1434, %parallel_loop3A_1435, %parallel_loop3A_1436] {strides = array<i32>} : memref<3x32x1024xf32, #tpu.memory_space<vmem>>, vector<1x1x16xf32>,
      %parallel_loop3A_1438 = vector.shape_cast %parallel_loop3A_1437 : vector<1x1x16xf32> to vector<16xf32>
      %parallel_loop3A_1439 = arith.constant 3.200000e+01 : f32
      %parallel_loop3A_1440 = vector.broadcast %parallel_loop3A_1439 : f32 to vector<16xf32>
      %parallel_loop3A_1441 = arith.mulf %parallel_loop3A_1438, %parallel_loop3A_1440 : vector<16xf32>
      %parallel_loop3A_1442 = arith.constant 0 : i32
      %parallel_loop3A_1443 = arith.addi %parallel_loop3A_1442, %parallel_loop3A_1412 : i32
      %parallel_loop3A_1444 = arith.constant 2 : i32
      %parallel_loop3A_1445 = arith.index_cast %parallel_loop3A_1444 : i32 to index
      %parallel_loop3A_1446 = arith.index_cast %parallel_loop3A_1443 : i32 to index
      %parallel_loop3A_1447 = arith.index_cast %parallel_loop3A_1430 : i32 to index
      %parallel_loop3A_1448 = tpu.vector_load %arg6[%parallel_loop3A_1445, %parallel_loop3A_1446, %parallel_loop3A_1447] {strides = array<i32>} : memref<3x32x1024xf32, #tpu.memory_space<vmem>>, vector<1x1x16xf32>,
      %parallel_loop3A_1449 = vector.shape_cast %parallel_loop3A_1448 : vector<1x1x16xf32> to vector<16xf32>
      %parallel_loop3A_1450 = vector.shape_cast %parallel_loop3A_1441 : vector<16xf32> to vector<1x1x16xf32>
      tpu.vector_store %arg6[%parallel_loop3A_1445, %parallel_loop3A_1446, %parallel_loop3A_1447], %parallel_loop3A_1450 {strides = array<i32>} : memref<3x32x1024xf32, #tpu.memory_space<vmem>>, vector<1x1x16xf32>,
      %parallel_loop3A_1451 = arith.constant 8 : i32
      %parallel_loop3A_1452 = arith.addi %parallel_loop3A_1451, %parallel_loop3A_1412 : i32
      %parallel_loop3A_1453 = arith.constant 2 : i32
      %parallel_loop3A_1454 = arith.index_cast %parallel_loop3A_1453 : i32 to index
      %parallel_loop3A_1455 = arith.index_cast %parallel_loop3A_1452 : i32 to index
      %parallel_loop3A_1456 = arith.index_cast %parallel_loop3A_1430 : i32 to index
      %parallel_loop3A_1457 = tpu.vector_load %arg6[%parallel_loop3A_1454, %parallel_loop3A_1455, %parallel_loop3A_1456] {strides = array<i32>} : memref<3x32x1024xf32, #tpu.memory_space<vmem>>, vector<1x1x16xf32>,
      %parallel_loop3A_1458 = vector.shape_cast %parallel_loop3A_1457 : vector<1x1x16xf32> to vector<16xf32>
      %parallel_loop3A_1459 = arith.constant 3.200000e+01 : f32
      %parallel_loop3A_1460 = vector.broadcast %parallel_loop3A_1459 : f32 to vector<16xf32>
      %parallel_loop3A_1461 = arith.mulf %parallel_loop3A_1458, %parallel_loop3A_1460 : vector<16xf32>
      %parallel_loop3A_1462 = arith.constant 8 : i32
      %parallel_loop3A_1463 = arith.addi %parallel_loop3A_1462, %parallel_loop3A_1412 : i32
      %parallel_loop3A_1464 = arith.constant 2 : i32
      %parallel_loop3A_1465 = arith.index_cast %parallel_loop3A_1464 : i32 to index
      %parallel_loop3A_1466 = arith.index_cast %parallel_loop3A_1463 : i32 to index
      %parallel_loop3A_1467 = arith.index_cast %parallel_loop3A_1430 : i32 to index
      %parallel_loop3A_1468 = tpu.vector_load %arg6[%parallel_loop3A_1465, %parallel_loop3A_1466, %parallel_loop3A_1467] {strides = array<i32>} : memref<3x32x1024xf32, #tpu.memory_space<vmem>>, vector<1x1x16xf32>,
      %parallel_loop3A_1469 = vector.shape_cast %parallel_loop3A_1468 : vector<1x1x16xf32> to vector<16xf32>
      %parallel_loop3A_1470 = vector.shape_cast %parallel_loop3A_1461 : vector<16xf32> to vector<1x1x16xf32>
      tpu.vector_store %arg6[%parallel_loop3A_1465, %parallel_loop3A_1466, %parallel_loop3A_1467], %parallel_loop3A_1470 {strides = array<i32>} : memref<3x32x1024xf32, #tpu.memory_space<vmem>>, vector<1x1x16xf32>,
      %parallel_loop3A_1471 = arith.constant 16 : i32
      %parallel_loop3A_1472 = arith.addi %parallel_loop3A_1471, %parallel_loop3A_1412 : i32
      %parallel_loop3A_1473 = arith.constant 2 : i32
      %parallel_loop3A_1474 = arith.index_cast %parallel_loop3A_1473 : i32 to index
      %parallel_loop3A_1475 = arith.index_cast %parallel_loop3A_1472 : i32 to index
      %parallel_loop3A_1476 = arith.index_cast %parallel_loop3A_1430 : i32 to index
      %parallel_loop3A_1477 = tpu.vector_load %arg6[%parallel_loop3A_1474, %parallel_loop3A_1475, %parallel_loop3A_1476] {strides = array<i32>} : memref<3x32x1024xf32, #tpu.memory_space<vmem>>, vector<1x1x16xf32>,
      %parallel_loop3A_1478 = vector.shape_cast %parallel_loop3A_1477 : vector<1x1x16xf32> to vector<16xf32>
      %parallel_loop3A_1479 = arith.constant 3.200000e+01 : f32
      %parallel_loop3A_1480 = vector.broadcast %parallel_loop3A_1479 : f32 to vector<16xf32>
      %parallel_loop3A_1481 = arith.mulf %parallel_loop3A_1478, %parallel_loop3A_1480 : vector<16xf32>
      %parallel_loop3A_1482 = arith.constant 16 : i32
      %parallel_loop3A_1483 = arith.addi %parallel_loop3A_1482, %parallel_loop3A_1412 : i32
      %parallel_loop3A_1484 = arith.constant 2 : i32
      %parallel_loop3A_1485 = arith.index_cast %parallel_loop3A_1484 : i32 to index
      %parallel_loop3A_1486 = arith.index_cast %parallel_loop3A_1483 : i32 to index
      %parallel_loop3A_1487 = arith.index_cast %parallel_loop3A_1430 : i32 to index
      %parallel_loop3A_1488 = tpu.vector_load %arg6[%parallel_loop3A_1485, %parallel_loop3A_1486, %parallel_loop3A_1487] {strides = array<i32>} : memref<3x32x1024xf32, #tpu.memory_space<vmem>>, vector<1x1x16xf32>,
      %parallel_loop3A_1489 = vector.shape_cast %parallel_loop3A_1488 : vector<1x1x16xf32> to vector<16xf32>
      %parallel_loop3A_1490 = vector.shape_cast %parallel_loop3A_1481 : vector<16xf32> to vector<1x1x16xf32>
      tpu.vector_store %arg6[%parallel_loop3A_1485, %parallel_loop3A_1486, %parallel_loop3A_1487], %parallel_loop3A_1490 {strides = array<i32>} : memref<3x32x1024xf32, #tpu.memory_space<vmem>>, vector<1x1x16xf32>,
      %parallel_loop3A_1491 = arith.constant 24 : i32
      %parallel_loop3A_1492 = arith.addi %parallel_loop3A_1491, %parallel_loop3A_1412 : i32
      %parallel_loop3A_1493 = arith.constant 2 : i32
      %parallel_loop3A_1494 = arith.index_cast %parallel_loop3A_1493 : i32 to index
      %parallel_loop3A_1495 = arith.index_cast %parallel_loop3A_1492 : i32 to index
      %parallel_loop3A_1496 = arith.index_cast %parallel_loop3A_1430 : i32 to index
      %parallel_loop3A_1497 = tpu.vector_load %arg6[%parallel_loop3A_1494, %parallel_loop3A_1495, %parallel_loop3A_1496] {strides = array<i32>} : memref<3x32x1024xf32, #tpu.memory_space<vmem>>, vector<1x1x16xf32>,
      %parallel_loop3A_1498 = vector.shape_cast %parallel_loop3A_1497 : vector<1x1x16xf32> to vector<16xf32>
      %parallel_loop3A_1499 = arith.constant 3.200000e+01 : f32
      %parallel_loop3A_1500 = vector.broadcast %parallel_loop3A_1499 : f32 to vector<16xf32>
      %parallel_loop3A_1501 = arith.mulf %parallel_loop3A_1498, %parallel_loop3A_1500 : vector<16xf32>
      %parallel_loop3A_1502 = arith.constant 24 : i32
      %parallel_loop3A_1503 = arith.addi %parallel_loop3A_1502, %parallel_loop3A_1412 : i32
      %parallel_loop3A_1504 = arith.constant 2 : i32
      %parallel_loop3A_1505 = arith.index_cast %parallel_loop3A_1504 : i32 to index
      %parallel_loop3A_1506 = arith.index_cast %parallel_loop3A_1503 : i32 to index
      %parallel_loop3A_1507 = arith.index_cast %parallel_loop3A_1430 : i32 to index
      %parallel_loop3A_1508 = tpu.vector_load %arg6[%parallel_loop3A_1505, %parallel_loop3A_1506, %parallel_loop3A_1507] {strides = array<i32>} : memref<3x32x1024xf32, #tpu.memory_space<vmem>>, vector<1x1x16xf32>,
      %parallel_loop3A_1509 = vector.shape_cast %parallel_loop3A_1508 : vector<1x1x16xf32> to vector<16xf32>
      %parallel_loop3A_1510 = vector.shape_cast %parallel_loop3A_1501 : vector<16xf32> to vector<1x1x16xf32>
      tpu.vector_store %arg6[%parallel_loop3A_1505, %parallel_loop3A_1506, %parallel_loop3A_1507], %parallel_loop3A_1510 {strides = array<i32>} : memref<3x32x1024xf32, #tpu.memory_space<vmem>>, vector<1x1x16xf32>,
    } {sc.loop_unroll_factor = 2 : i64, sc.parallel_access}
    %add3A_328 = arith.constant 0 : i32
    %add3A_329 = arith.addi %add3A_328, %mul3A_2 : i32
    %add3A_330 = arith.constant 16 : i32
    %add3A_331 = arith.addi %add3A_329, %add3A_330 : i32
    %dma_start3A_332 = arith.constant 2 : i32
    %dma_start3A_333 = arith.constant 2 : i32
    %dma_start3A_334 = arith.constant 0 : i32
    %dma_start3A_335 = arith.constant 0 : i32
    %dma_start3A_336 = tpu.memref_slice %arg6[%dma_start3A_332, %dma_start3A_334, %dma_start3A_335] : memref<3x32x1024xf32, #tpu.memory_space<vmem>> -> memref<1x8x1024xf32, #tpu.memory_space<vmem>>
    %dma_start3A_337 = tpu.memref_squeeze %dma_start3A_336 : memref<1x8x1024xf32, #tpu.memory_space<vmem>> -> memref<8x1024xf32, #tpu.memory_space<vmem>>
    %dma_start3A_338 = arith.constant 0 : i32
    %dma_start3A_339 = tpu.memref_slice %arg4[%add3A_331, %dma_start3A_338] : memref<8192x1024xf32, #tpu.memory_space<hbm>> -> memref<8x1024xf32, #tpu.memory_space<hbm>>
    %dma_start3A_340 = tpu.memref_slice %arg8[%dma_start3A_333] : memref<3x!tpu.dma_semaphore, #tpu.memory_space<semaphore_mem>> -> memref<1x!tpu.dma_semaphore, #tpu.memory_space<semaphore_mem>>
    %dma_start3A_341 = tpu.memref_squeeze %dma_start3A_340 : memref<1x!tpu.dma_semaphore, #tpu.memory_space<semaphore_mem>> -> memref<!tpu.dma_semaphore, #tpu.memory_space<semaphore_mem>>
    %dma_start3A_342 = arith.constant 0 : i32
    %dma_start3A_343 = tpu.memref_slice %arg4[%add3A_331, %dma_start3A_342] : memref<8192x1024xf32, #tpu.memory_space<hbm>> -> memref<8x1024xf32, #tpu.memory_space<hbm>>
    %dma_start3A_344 = arith.constant 0 : i32
    %dma_start3A_345 = arith.constant 0 : i32
    %dma_start3A_346 = tpu.memref_slice %arg6[%dma_start3A_332, %dma_start3A_344, %dma_start3A_345] : memref<3x32x1024xf32, #tpu.memory_space<vmem>> -> memref<1x8x1024xf32, #tpu.memory_space<vmem>>
    %dma_start3A_347 = tpu.memref_squeeze %dma_start3A_346 : memref<1x8x1024xf32, #tpu.memory_space<vmem>> -> memref<8x1024xf32, #tpu.memory_space<vmem>>
    tpu.enqueue_dma source(%dma_start3A_347 : memref<8x1024xf32, #tpu.memory_space<vmem>>) target(%dma_start3A_343 : memref<8x1024xf32, #tpu.memory_space<hbm>>) target_semaphore(%dma_start3A_341 : memref<!tpu.dma_semaphore, #tpu.memory_space<semaphore_mem>>)
    %add3A_348 = arith.constant 2048 : i32
    %add3A_349 = arith.addi %add3A_348, %mul3A_2 : i32
    %add3A_350 = arith.constant 16 : i32
    %add3A_351 = arith.addi %add3A_349, %add3A_350 : i32
    %dma_start3A_352 = arith.constant 2 : i32
    %dma_start3A_353 = arith.constant 2 : i32
    %dma_start3A_354 = arith.constant 8 : i32
    %dma_start3A_355 = arith.constant 0 : i32
    %dma_start3A_356 = tpu.memref_slice %arg6[%dma_start3A_352, %dma_start3A_354, %dma_start3A_355] : memref<3x32x1024xf32, #tpu.memory_space<vmem>> -> memref<1x8x1024xf32, #tpu.memory_space<vmem>>
    %dma_start3A_357 = tpu.memref_squeeze %dma_start3A_356 : memref<1x8x1024xf32, #tpu.memory_space<vmem>> -> memref<8x1024xf32, #tpu.memory_space<vmem>>
    %dma_start3A_358 = arith.constant 0 : i32
    %dma_start3A_359 = tpu.memref_slice %arg4[%add3A_351, %dma_start3A_358] : memref<8192x1024xf32, #tpu.memory_space<hbm>> -> memref<8x1024xf32, #tpu.memory_space<hbm>>
    %dma_start3A_360 = tpu.memref_slice %arg8[%dma_start3A_353] : memref<3x!tpu.dma_semaphore, #tpu.memory_space<semaphore_mem>> -> memref<1x!tpu.dma_semaphore, #tpu.memory_space<semaphore_mem>>
    %dma_start3A_361 = tpu.memref_squeeze %dma_start3A_360 : memref<1x!tpu.dma_semaphore, #tpu.memory_space<semaphore_mem>> -> memref<!tpu.dma_semaphore, #tpu.memory_space<semaphore_mem>>
    %dma_start3A_362 = arith.constant 0 : i32
    %dma_start3A_363 = tpu.memref_slice %arg4[%add3A_351, %dma_start3A_362] : memref<8192x1024xf32, #tpu.memory_space<hbm>> -> memref<8x1024xf32, #tpu.memory_space<hbm>>
    %dma_start3A_364 = arith.constant 8 : i32
    %dma_start3A_365 = arith.constant 0 : i32
    %dma_start3A_366 = tpu.memref_slice %arg6[%dma_start3A_352, %dma_start3A_364, %dma_start3A_365] : memref<3x32x1024xf32, #tpu.memory_space<vmem>> -> memref<1x8x1024xf32, #tpu.memory_space<vmem>>
    %dma_start3A_367 = tpu.memref_squeeze %dma_start3A_366 : memref<1x8x1024xf32, #tpu.memory_space<vmem>> -> memref<8x1024xf32, #tpu.memory_space<vmem>>
    tpu.enqueue_dma source(%dma_start3A_367 : memref<8x1024xf32, #tpu.memory_space<vmem>>) target(%dma_start3A_363 : memref<8x1024xf32, #tpu.memory_space<hbm>>) target_semaphore(%dma_start3A_361 : memref<!tpu.dma_semaphore, #tpu.memory_space<semaphore_mem>>)
    %add3A_368 = arith.constant 4096 : i32
    %add3A_369 = arith.addi %add3A_368, %mul3A_2 : i32
    %add3A_370 = arith.constant 16 : i32
    %add3A_371 = arith.addi %add3A_369, %add3A_370 : i32
    %dma_start3A_372 = arith.constant 2 : i32
    %dma_start3A_373 = arith.constant 2 : i32
    %dma_start3A_374 = arith.constant 16 : i32
    %dma_start3A_375 = arith.constant 0 : i32
    %dma_start3A_376 = tpu.memref_slice %arg6[%dma_start3A_372, %dma_start3A_374, %dma_start3A_375] : memref<3x32x1024xf32, #tpu.memory_space<vmem>> -> memref<1x8x1024xf32, #tpu.memory_space<vmem>>
    %dma_start3A_377 = tpu.memref_squeeze %dma_start3A_376 : memref<1x8x1024xf32, #tpu.memory_space<vmem>> -> memref<8x1024xf32, #tpu.memory_space<vmem>>
    %dma_start3A_378 = arith.constant 0 : i32
    %dma_start3A_379 = tpu.memref_slice %arg4[%add3A_371, %dma_start3A_378] : memref<8192x1024xf32, #tpu.memory_space<hbm>> -> memref<8x1024xf32, #tpu.memory_space<hbm>>
    %dma_start3A_380 = tpu.memref_slice %arg8[%dma_start3A_373] : memref<3x!tpu.dma_semaphore, #tpu.memory_space<semaphore_mem>> -> memref<1x!tpu.dma_semaphore, #tpu.memory_space<semaphore_mem>>
    %dma_start3A_381 = tpu.memref_squeeze %dma_start3A_380 : memref<1x!tpu.dma_semaphore, #tpu.memory_space<semaphore_mem>> -> memref<!tpu.dma_semaphore, #tpu.memory_space<semaphore_mem>>
    %dma_start3A_382 = arith.constant 0 : i32
    %dma_start3A_383 = tpu.memref_slice %arg4[%add3A_371, %dma_start3A_382] : memref<8192x1024xf32, #tpu.memory_space<hbm>> -> memref<8x1024xf32, #tpu.memory_space<hbm>>
    %dma_start3A_384 = arith.constant 16 : i32
    %dma_start3A_385 = arith.constant 0 : i32
    %dma_start3A_386 = tpu.memref_slice %arg6[%dma_start3A_372, %dma_start3A_384, %dma_start3A_385] : memref<3x32x1024xf32, #tpu.memory_space<vmem>> -> memref<1x8x1024xf32, #tpu.memory_space<vmem>>
    %dma_start3A_387 = tpu.memref_squeeze %dma_start3A_386 : memref<1x8x1024xf32, #tpu.memory_space<vmem>> -> memref<8x1024xf32, #tpu.memory_space<vmem>>
    tpu.enqueue_dma source(%dma_start3A_387 : memref<8x1024xf32, #tpu.memory_space<vmem>>) target(%dma_start3A_383 : memref<8x1024xf32, #tpu.memory_space<hbm>>) target_semaphore(%dma_start3A_381 : memref<!tpu.dma_semaphore, #tpu.memory_space<semaphore_mem>>)
    %add3A_388 = arith.constant 6144 : i32
    %add3A_389 = arith.addi %add3A_388, %mul3A_2 : i32
    %add3A_390 = arith.constant 16 : i32
    %add3A_391 = arith.addi %add3A_389, %add3A_390 : i32
    %dma_start3A_392 = arith.constant 2 : i32
    %dma_start3A_393 = arith.constant 2 : i32
    %dma_start3A_394 = arith.constant 24 : i32
    %dma_start3A_395 = arith.constant 0 : i32
    %dma_start3A_396 = tpu.memref_slice %arg6[%dma_start3A_392, %dma_start3A_394, %dma_start3A_395] : memref<3x32x1024xf32, #tpu.memory_space<vmem>> -> memref<1x8x1024xf32, #tpu.memory_space<vmem>>
    %dma_start3A_397 = tpu.memref_squeeze %dma_start3A_396 : memref<1x8x1024xf32, #tpu.memory_space<vmem>> -> memref<8x1024xf32, #tpu.memory_space<vmem>>
    %dma_start3A_398 = arith.constant 0 : i32
    %dma_start3A_399 = tpu.memref_slice %arg4[%add3A_391, %dma_start3A_398] : memref<8192x1024xf32, #tpu.memory_space<hbm>> -> memref<8x1024xf32, #tpu.memory_space<hbm>>
    %dma_start3A_400 = tpu.memref_slice %arg8[%dma_start3A_393] : memref<3x!tpu.dma_semaphore, #tpu.memory_space<semaphore_mem>> -> memref<1x!tpu.dma_semaphore, #tpu.memory_space<semaphore_mem>>
    %dma_start3A_401 = tpu.memref_squeeze %dma_start3A_400 : memref<1x!tpu.dma_semaphore, #tpu.memory_space<semaphore_mem>> -> memref<!tpu.dma_semaphore, #tpu.memory_space<semaphore_mem>>
    %dma_start3A_402 = arith.constant 0 : i32
    %dma_start3A_403 = tpu.memref_slice %arg4[%add3A_391, %dma_start3A_402] : memref<8192x1024xf32, #tpu.memory_space<hbm>> -> memref<8x1024xf32, #tpu.memory_space<hbm>>
    %dma_start3A_404 = arith.constant 24 : i32
    %dma_start3A_405 = arith.constant 0 : i32
    %dma_start3A_406 = tpu.memref_slice %arg6[%dma_start3A_392, %dma_start3A_404, %dma_start3A_405] : memref<3x32x1024xf32, #tpu.memory_space<vmem>> -> memref<1x8x1024xf32, #tpu.memory_space<vmem>>
    %dma_start3A_407 = tpu.memref_squeeze %dma_start3A_406 : memref<1x8x1024xf32, #tpu.memory_space<vmem>> -> memref<8x1024xf32, #tpu.memory_space<vmem>>
    tpu.enqueue_dma source(%dma_start3A_407 : memref<8x1024xf32, #tpu.memory_space<vmem>>) target(%dma_start3A_403 : memref<8x1024xf32, #tpu.memory_space<hbm>>) target_semaphore(%dma_start3A_401 : memref<!tpu.dma_semaphore, #tpu.memory_space<semaphore_mem>>)
    %dma_wait3A_408 = arith.constant 0 : i32
    %dma_wait3A_409 = arith.constant 0 : i32
    %dma_wait3A_410 = arith.constant 0 : i32
    %dma_wait3A_411 = arith.constant 0 : i32
    %dma_wait3A_412 = tpu.memref_slice %arg6[%dma_wait3A_408, %dma_wait3A_410, %dma_wait3A_411] : memref<3x32x1024xf32, #tpu.memory_space<vmem>> -> memref<1x32x1024xf32, #tpu.memory_space<vmem>>
    %dma_wait3A_413 = tpu.memref_squeeze %dma_wait3A_412 : memref<1x32x1024xf32, #tpu.memory_space<vmem>> -> memref<32x1024xf32, #tpu.memory_space<vmem>>
    %dma_wait3A_414 = arith.constant 96 : i32
    %dma_wait3A_415 = tpu.memref_slice %arg5[%dma_wait3A_414] : memref<256xi32, #tpu.memory_space<vmem>> -> memref<32xi32, #tpu.memory_space<vmem>>
    %dma_wait3A_416 = arith.constant 0 : i32
    %dma_wait3A_417 = arith.constant 0 : i32
    %dma_wait3A_418 = tpu.memref_slice %arg2[%dma_wait3A_416, %dma_wait3A_417] : memref<100000x1024xf32, #tpu.memory_space<hbm>> -> memref<100000x1024xf32, #tpu.memory_space<hbm>>
    %dma_wait3A_419 = tpu.memref_slice %arg7[%dma_wait3A_409] : memref<3x!tpu.dma_semaphore, #tpu.memory_space<semaphore_mem>> -> memref<1x!tpu.dma_semaphore, #tpu.memory_space<semaphore_mem>>
    %dma_wait3A_420 = tpu.memref_squeeze %dma_wait3A_419 : memref<1x!tpu.dma_semaphore, #tpu.memory_space<semaphore_mem>> -> memref<!tpu.dma_semaphore, #tpu.memory_space<semaphore_mem>>
    tpu.wait_indirect_dma semaphore(%dma_wait3A_420 : memref<!tpu.dma_semaphore, #tpu.memory_space<semaphore_mem>>) src(%dma_wait3A_418 : memref<100000x1024xf32, #tpu.memory_space<hbm>>) dst(%dma_wait3A_413 : memref<32x1024xf32, #tpu.memory_space<vmem>>)
    %dma_wait3A_421 = arith.constant 1 : i32
    %dma_wait3A_422 = arith.constant 1 : i32
    %dma_wait3A_423 = arith.constant 0 : i32
    %dma_wait3A_424 = arith.constant 0 : i32
    %dma_wait3A_425 = tpu.memref_slice %arg6[%dma_wait3A_421, %dma_wait3A_423, %dma_wait3A_424] : memref<3x32x1024xf32, #tpu.memory_space<vmem>> -> memref<1x8x1024xf32, #tpu.memory_space<vmem>>
    %dma_wait3A_426 = tpu.memref_squeeze %dma_wait3A_425 : memref<1x8x1024xf32, #tpu.memory_space<vmem>> -> memref<8x1024xf32, #tpu.memory_space<vmem>>
    %dma_wait3A_427 = arith.constant 0 : i32
    %dma_wait3A_428 = tpu.memref_slice %arg4[%add3A_158, %dma_wait3A_427] : memref<8192x1024xf32, #tpu.memory_space<hbm>> -> memref<8x1024xf32, #tpu.memory_space<hbm>>
    %dma_wait3A_429 = tpu.memref_slice %arg8[%dma_wait3A_422] : memref<3x!tpu.dma_semaphore, #tpu.memory_space<semaphore_mem>> -> memref<1x!tpu.dma_semaphore, #tpu.memory_space<semaphore_mem>>
    %dma_wait3A_430 = tpu.memref_squeeze %dma_wait3A_429 : memref<1x!tpu.dma_semaphore, #tpu.memory_space<semaphore_mem>> -> memref<!tpu.dma_semaphore, #tpu.memory_space<semaphore_mem>>
    %dma_wait3A_431 = arith.constant 0 : i32
    %dma_wait3A_432 = tpu.memref_slice %arg4[%add3A_158, %dma_wait3A_431] : memref<8192x1024xf32, #tpu.memory_space<hbm>> -> memref<8x1024xf32, #tpu.memory_space<hbm>>
    %dma_wait3A_433 = arith.constant 0 : i32
    %dma_wait3A_434 = arith.constant 0 : i32
    %dma_wait3A_435 = tpu.memref_slice %arg6[%dma_wait3A_421, %dma_wait3A_433, %dma_wait3A_434] : memref<3x32x1024xf32, #tpu.memory_space<vmem>> -> memref<1x8x1024xf32, #tpu.memory_space<vmem>>
    %dma_wait3A_436 = tpu.memref_squeeze %dma_wait3A_435 : memref<1x8x1024xf32, #tpu.memory_space<vmem>> -> memref<8x1024xf32, #tpu.memory_space<vmem>>
    tpu.wait_dma2 semaphore(%dma_wait3A_430 : memref<!tpu.dma_semaphore, #tpu.memory_space<semaphore_mem>>) src(%dma_wait3A_436 : memref<8x1024xf32, #tpu.memory_space<vmem>>) dst(%dma_wait3A_432 : memref<8x1024xf32, #tpu.memory_space<hbm>>)
    %dma_wait3A_437 = arith.constant 1 : i32
    %dma_wait3A_438 = arith.constant 1 : i32
    %dma_wait3A_439 = arith.constant 8 : i32
    %dma_wait3A_440 = arith.constant 0 : i32
    %dma_wait3A_441 = tpu.memref_slice %arg6[%dma_wait3A_437, %dma_wait3A_439, %dma_wait3A_440] : memref<3x32x1024xf32, #tpu.memory_space<vmem>> -> memref<1x8x1024xf32, #tpu.memory_space<vmem>>
    %dma_wait3A_442 = tpu.memref_squeeze %dma_wait3A_441 : memref<1x8x1024xf32, #tpu.memory_space<vmem>> -> memref<8x1024xf32, #tpu.memory_space<vmem>>
    %dma_wait3A_443 = arith.constant 0 : i32
    %dma_wait3A_444 = tpu.memref_slice %arg4[%add3A_178, %dma_wait3A_443] : memref<8192x1024xf32, #tpu.memory_space<hbm>> -> memref<8x1024xf32, #tpu.memory_space<hbm>>
    %dma_wait3A_445 = tpu.memref_slice %arg8[%dma_wait3A_438] : memref<3x!tpu.dma_semaphore, #tpu.memory_space<semaphore_mem>> -> memref<1x!tpu.dma_semaphore, #tpu.memory_space<semaphore_mem>>
    %dma_wait3A_446 = tpu.memref_squeeze %dma_wait3A_445 : memref<1x!tpu.dma_semaphore, #tpu.memory_space<semaphore_mem>> -> memref<!tpu.dma_semaphore, #tpu.memory_space<semaphore_mem>>
    %dma_wait3A_447 = arith.constant 0 : i32
    %dma_wait3A_448 = tpu.memref_slice %arg4[%add3A_178, %dma_wait3A_447] : memref<8192x1024xf32, #tpu.memory_space<hbm>> -> memref<8x1024xf32, #tpu.memory_space<hbm>>
    %dma_wait3A_449 = arith.constant 8 : i32
    %dma_wait3A_450 = arith.constant 0 : i32
    %dma_wait3A_451 = tpu.memref_slice %arg6[%dma_wait3A_437, %dma_wait3A_449, %dma_wait3A_450] : memref<3x32x1024xf32, #tpu.memory_space<vmem>> -> memref<1x8x1024xf32, #tpu.memory_space<vmem>>
    %dma_wait3A_452 = tpu.memref_squeeze %dma_wait3A_451 : memref<1x8x1024xf32, #tpu.memory_space<vmem>> -> memref<8x1024xf32, #tpu.memory_space<vmem>>
    tpu.wait_dma2 semaphore(%dma_wait3A_446 : memref<!tpu.dma_semaphore, #tpu.memory_space<semaphore_mem>>) src(%dma_wait3A_452 : memref<8x1024xf32, #tpu.memory_space<vmem>>) dst(%dma_wait3A_448 : memref<8x1024xf32, #tpu.memory_space<hbm>>)
    %dma_wait3A_453 = arith.constant 1 : i32
    %dma_wait3A_454 = arith.constant 1 : i32
    %dma_wait3A_455 = arith.constant 16 : i32
    %dma_wait3A_456 = arith.constant 0 : i32
    %dma_wait3A_457 = tpu.memref_slice %arg6[%dma_wait3A_453, %dma_wait3A_455, %dma_wait3A_456] : memref<3x32x1024xf32, #tpu.memory_space<vmem>> -> memref<1x8x1024xf32, #tpu.memory_space<vmem>>
    %dma_wait3A_458 = tpu.memref_squeeze %dma_wait3A_457 : memref<1x8x1024xf32, #tpu.memory_space<vmem>> -> memref<8x1024xf32, #tpu.memory_space<vmem>>
    %dma_wait3A_459 = arith.constant 0 : i32
    %dma_wait3A_460 = tpu.memref_slice %arg4[%add3A_198, %dma_wait3A_459] : memref<8192x1024xf32, #tpu.memory_space<hbm>> -> memref<8x1024xf32, #tpu.memory_space<hbm>>
    %dma_wait3A_461 = tpu.memref_slice %arg8[%dma_wait3A_454] : memref<3x!tpu.dma_semaphore, #tpu.memory_space<semaphore_mem>> -> memref<1x!tpu.dma_semaphore, #tpu.memory_space<semaphore_mem>>
    %dma_wait3A_462 = tpu.memref_squeeze %dma_wait3A_461 : memref<1x!tpu.dma_semaphore, #tpu.memory_space<semaphore_mem>> -> memref<!tpu.dma_semaphore, #tpu.memory_space<semaphore_mem>>
    %dma_wait3A_463 = arith.constant 0 : i32
    %dma_wait3A_464 = tpu.memref_slice %arg4[%add3A_198, %dma_wait3A_463] : memref<8192x1024xf32, #tpu.memory_space<hbm>> -> memref<8x1024xf32, #tpu.memory_space<hbm>>
    %dma_wait3A_465 = arith.constant 16 : i32
    %dma_wait3A_466 = arith.constant 0 : i32
    %dma_wait3A_467 = tpu.memref_slice %arg6[%dma_wait3A_453, %dma_wait3A_465, %dma_wait3A_466] : memref<3x32x1024xf32, #tpu.memory_space<vmem>> -> memref<1x8x1024xf32, #tpu.memory_space<vmem>>
    %dma_wait3A_468 = tpu.memref_squeeze %dma_wait3A_467 : memref<1x8x1024xf32, #tpu.memory_space<vmem>> -> memref<8x1024xf32, #tpu.memory_space<vmem>>
    tpu.wait_dma2 semaphore(%dma_wait3A_462 : memref<!tpu.dma_semaphore, #tpu.memory_space<semaphore_mem>>) src(%dma_wait3A_468 : memref<8x1024xf32, #tpu.memory_space<vmem>>) dst(%dma_wait3A_464 : memref<8x1024xf32, #tpu.memory_space<hbm>>)
    %dma_wait3A_469 = arith.constant 1 : i32
    %dma_wait3A_470 = arith.constant 1 : i32
    %dma_wait3A_471 = arith.constant 24 : i32
    %dma_wait3A_472 = arith.constant 0 : i32
    %dma_wait3A_473 = tpu.memref_slice %arg6[%dma_wait3A_469, %dma_wait3A_471, %dma_wait3A_472] : memref<3x32x1024xf32, #tpu.memory_space<vmem>> -> memref<1x8x1024xf32, #tpu.memory_space<vmem>>
    %dma_wait3A_474 = tpu.memref_squeeze %dma_wait3A_473 : memref<1x8x1024xf32, #tpu.memory_space<vmem>> -> memref<8x1024xf32, #tpu.memory_space<vmem>>
    %dma_wait3A_475 = arith.constant 0 : i32
    %dma_wait3A_476 = tpu.memref_slice %arg4[%add3A_218, %dma_wait3A_475] : memref<8192x1024xf32, #tpu.memory_space<hbm>> -> memref<8x1024xf32, #tpu.memory_space<hbm>>
    %dma_wait3A_477 = tpu.memref_slice %arg8[%dma_wait3A_470] : memref<3x!tpu.dma_semaphore, #tpu.memory_space<semaphore_mem>> -> memref<1x!tpu.dma_semaphore, #tpu.memory_space<semaphore_mem>>
    %dma_wait3A_478 = tpu.memref_squeeze %dma_wait3A_477 : memref<1x!tpu.dma_semaphore, #tpu.memory_space<semaphore_mem>> -> memref<!tpu.dma_semaphore, #tpu.memory_space<semaphore_mem>>
    %dma_wait3A_479 = arith.constant 0 : i32
    %dma_wait3A_480 = tpu.memref_slice %arg4[%add3A_218, %dma_wait3A_479] : memref<8192x1024xf32, #tpu.memory_space<hbm>> -> memref<8x1024xf32, #tpu.memory_space<hbm>>
    %dma_wait3A_481 = arith.constant 24 : i32
    %dma_wait3A_482 = arith.constant 0 : i32
    %dma_wait3A_483 = tpu.memref_slice %arg6[%dma_wait3A_469, %dma_wait3A_481, %dma_wait3A_482] : memref<3x32x1024xf32, #tpu.memory_space<vmem>> -> memref<1x8x1024xf32, #tpu.memory_space<vmem>>
    %dma_wait3A_484 = tpu.memref_squeeze %dma_wait3A_483 : memref<1x8x1024xf32, #tpu.memory_space<vmem>> -> memref<8x1024xf32, #tpu.memory_space<vmem>>
    tpu.wait_dma2 semaphore(%dma_wait3A_478 : memref<!tpu.dma_semaphore, #tpu.memory_space<semaphore_mem>>) src(%dma_wait3A_484 : memref<8x1024xf32, #tpu.memory_space<vmem>>) dst(%dma_wait3A_480 : memref<8x1024xf32, #tpu.memory_space<hbm>>)
    %dma_start3A_485 = arith.constant 1 : i32
    %dma_start3A_486 = arith.constant 1 : i32
    %dma_start3A_487 = arith.constant 0 : i32
    %dma_start3A_488 = arith.constant 0 : i32
    %dma_start3A_489 = tpu.memref_slice %arg6[%dma_start3A_485, %dma_start3A_487, %dma_start3A_488] : memref<3x32x1024xf32, #tpu.memory_space<vmem>> -> memref<1x32x1024xf32, #tpu.memory_space<vmem>>
    %dma_start3A_490 = tpu.memref_squeeze %dma_start3A_489 : memref<1x32x1024xf32, #tpu.memory_space<vmem>> -> memref<32x1024xf32, #tpu.memory_space<vmem>>
    %dma_start3A_491 = arith.constant 128 : i32
    %dma_start3A_492 = tpu.memref_slice %arg5[%dma_start3A_491] : memref<256xi32, #tpu.memory_space<vmem>> -> memref<32xi32, #tpu.memory_space<vmem>>
    %dma_start3A_493 = arith.constant 0 : i32
    %dma_start3A_494 = arith.constant 0 : i32
    %dma_start3A_495 = tpu.memref_slice %arg2[%dma_start3A_493, %dma_start3A_494] : memref<100000x1024xf32, #tpu.memory_space<hbm>> -> memref<100000x1024xf32, #tpu.memory_space<hbm>>
    %dma_start3A_496 = tpu.memref_slice %arg7[%dma_start3A_486] : memref<3x!tpu.dma_semaphore, #tpu.memory_space<semaphore_mem>> -> memref<1x!tpu.dma_semaphore, #tpu.memory_space<semaphore_mem>>
    %dma_start3A_497 = tpu.memref_squeeze %dma_start3A_496 : memref<1x!tpu.dma_semaphore, #tpu.memory_space<semaphore_mem>> -> memref<!tpu.dma_semaphore, #tpu.memory_space<semaphore_mem>>
    tpu.enqueue_indirect_dma source(%dma_start3A_495 : memref<100000x1024xf32, #tpu.memory_space<hbm>>) target(%dma_start3A_490 : memref<32x1024xf32, #tpu.memory_space<vmem>>) offsets(%dma_start3A_492 : memref<32xi32, #tpu.memory_space<vmem>>) semaphore(%dma_start3A_497 : memref<!tpu.dma_semaphore, #tpu.memory_space<semaphore_mem>>)
    %parallel_loop3A_498 = arith.constant 0 : i32
    %parallel_loop3A_499 = arith.constant 512 : i32
    %parallel_loop3A_500 = arith.constant 1 : i32
    scf.for %parallel_loop3A_1388 = %parallel_loop3A_498 to %parallel_loop3A_499 step %parallel_loop3A_500  : i32 {
      %parallel_loop3A_1389 = arith.constant 64 : i32
      %parallel_loop3A_1390 = arith.divsi %parallel_loop3A_1388, %parallel_loop3A_1389 : i32
      %parallel_loop3A_1391 = arith.constant 0 : i32
      %parallel_loop3A_1392 = arith.cmpi sgt, %parallel_loop3A_1388, %parallel_loop3A_1391 : i32
      %parallel_loop3A_1393 = arith.extui %parallel_loop3A_1392 : i1 to i32
      %parallel_loop3A_1394 = arith.constant 0 : i32
      %parallel_loop3A_1395 = arith.cmpi slt, %parallel_loop3A_1388, %parallel_loop3A_1394 : i32
      %parallel_loop3A_1396 = arith.extui %parallel_loop3A_1395 : i1 to i32
      %parallel_loop3A_1397 = arith.subi %parallel_loop3A_1393, %parallel_loop3A_1396 : i32
      %parallel_loop3A_1398 = arith.constant 0 : i32
      %parallel_loop3A_1399 = arith.cmpi sgt, %parallel_loop3A_1389, %parallel_loop3A_1398 : i32
      %parallel_loop3A_1400 = arith.extui %parallel_loop3A_1399 : i1 to i32
      %parallel_loop3A_1401 = arith.constant 0 : i32
      %parallel_loop3A_1402 = arith.cmpi slt, %parallel_loop3A_1389, %parallel_loop3A_1401 : i32
      %parallel_loop3A_1403 = arith.extui %parallel_loop3A_1402 : i1 to i32
      %parallel_loop3A_1404 = arith.subi %parallel_loop3A_1400, %parallel_loop3A_1403 : i32
      %parallel_loop3A_1405 = arith.cmpi ne, %parallel_loop3A_1397, %parallel_loop3A_1404 : i32
      %parallel_loop3A_1406 = arith.remsi %parallel_loop3A_1388, %parallel_loop3A_1389 : i32
      %parallel_loop3A_1407 = arith.constant 0 : i32
      %parallel_loop3A_1408 = arith.cmpi ne, %parallel_loop3A_1406, %parallel_loop3A_1407 : i32
      %parallel_loop3A_1409 = arith.andi %parallel_loop3A_1405, %parallel_loop3A_1408 : i1
      %parallel_loop3A_1410 = arith.constant 1 : i32
      %parallel_loop3A_1411 = arith.subi %parallel_loop3A_1390, %parallel_loop3A_1410 : i32
      %parallel_loop3A_1412 = arith.select %parallel_loop3A_1409, %parallel_loop3A_1411, %parallel_loop3A_1390 : i32
      %parallel_loop3A_1413 = arith.constant 64 : i32
      %parallel_loop3A_1414 = arith.constant 0 : i32
      %parallel_loop3A_1415 = arith.cmpi eq, %parallel_loop3A_1413, %parallel_loop3A_1414 : i32
      %parallel_loop3A_1416 = arith.constant 1 : i32
      %parallel_loop3A_1417 = arith.select %parallel_loop3A_1415, %parallel_loop3A_1416, %parallel_loop3A_1413 : i32
      %parallel_loop3A_1418 = arith.remsi %parallel_loop3A_1388, %parallel_loop3A_1417 : i32
      %parallel_loop3A_1419 = arith.constant 0 : i32
      %parallel_loop3A_1420 = arith.cmpi ne, %parallel_loop3A_1418, %parallel_loop3A_1419 : i32
      %parallel_loop3A_1421 = arith.constant 0 : i32
      %parallel_loop3A_1422 = arith.cmpi slt, %parallel_loop3A_1418, %parallel_loop3A_1421 : i32
      %parallel_loop3A_1423 = arith.constant 0 : i32
      %parallel_loop3A_1424 = arith.cmpi slt, %parallel_loop3A_1417, %parallel_loop3A_1423 : i32
      %parallel_loop3A_1425 = arith.xori %parallel_loop3A_1422, %parallel_loop3A_1424 : i1
      %parallel_loop3A_1426 = arith.andi %parallel_loop3A_1425, %parallel_loop3A_1420 : i1
      %parallel_loop3A_1427 = arith.addi %parallel_loop3A_1418, %parallel_loop3A_1417 : i32
      %parallel_loop3A_1428 = arith.select %parallel_loop3A_1426, %parallel_loop3A_1427, %parallel_loop3A_1418 : i32
      %parallel_loop3A_1429 = arith.constant 16 : i32
      %parallel_loop3A_1430 = arith.muli %parallel_loop3A_1428, %parallel_loop3A_1429 : i32
      %parallel_loop3A_1431 = arith.constant 0 : i32
      %parallel_loop3A_1432 = arith.addi %parallel_loop3A_1431, %parallel_loop3A_1412 : i32
      %parallel_loop3A_1433 = arith.constant 0 : i32
      %parallel_loop3A_1434 = arith.index_cast %parallel_loop3A_1433 : i32 to index
      %parallel_loop3A_1435 = arith.index_cast %parallel_loop3A_1432 : i32 to index
      %parallel_loop3A_1436 = arith.index_cast %parallel_loop3A_1430 : i32 to index
      %parallel_loop3A_1437 = tpu.vector_load %arg6[%parallel_loop3A_1434, %parallel_loop3A_1435, %parallel_loop3A_1436] {strides = array<i32>} : memref<3x32x1024xf32, #tpu.memory_space<vmem>>, vector<1x1x16xf32>,
      %parallel_loop3A_1438 = vector.shape_cast %parallel_loop3A_1437 : vector<1x1x16xf32> to vector<16xf32>
      %parallel_loop3A_1439 = arith.constant 3.200000e+01 : f32
      %parallel_loop3A_1440 = vector.broadcast %parallel_loop3A_1439 : f32 to vector<16xf32>
      %parallel_loop3A_1441 = arith.mulf %parallel_loop3A_1438, %parallel_loop3A_1440 : vector<16xf32>
      %parallel_loop3A_1442 = arith.constant 0 : i32
      %parallel_loop3A_1443 = arith.addi %parallel_loop3A_1442, %parallel_loop3A_1412 : i32
      %parallel_loop3A_1444 = arith.constant 0 : i32
      %parallel_loop3A_1445 = arith.index_cast %parallel_loop3A_1444 : i32 to index
      %parallel_loop3A_1446 = arith.index_cast %parallel_loop3A_1443 : i32 to index
      %parallel_loop3A_1447 = arith.index_cast %parallel_loop3A_1430 : i32 to index
      %parallel_loop3A_1448 = tpu.vector_load %arg6[%parallel_loop3A_1445, %parallel_loop3A_1446, %parallel_loop3A_1447] {strides = array<i32>} : memref<3x32x1024xf32, #tpu.memory_space<vmem>>, vector<1x1x16xf32>,
      %parallel_loop3A_1449 = vector.shape_cast %parallel_loop3A_1448 : vector<1x1x16xf32> to vector<16xf32>
      %parallel_loop3A_1450 = vector.shape_cast %parallel_loop3A_1441 : vector<16xf32> to vector<1x1x16xf32>
      tpu.vector_store %arg6[%parallel_loop3A_1445, %parallel_loop3A_1446, %parallel_loop3A_1447], %parallel_loop3A_1450 {strides = array<i32>} : memref<3x32x1024xf32, #tpu.memory_space<vmem>>, vector<1x1x16xf32>,
      %parallel_loop3A_1451 = arith.constant 8 : i32
      %parallel_loop3A_1452 = arith.addi %parallel_loop3A_1451, %parallel_loop3A_1412 : i32
      %parallel_loop3A_1453 = arith.constant 0 : i32
      %parallel_loop3A_1454 = arith.index_cast %parallel_loop3A_1453 : i32 to index
      %parallel_loop3A_1455 = arith.index_cast %parallel_loop3A_1452 : i32 to index
      %parallel_loop3A_1456 = arith.index_cast %parallel_loop3A_1430 : i32 to index
      %parallel_loop3A_1457 = tpu.vector_load %arg6[%parallel_loop3A_1454, %parallel_loop3A_1455, %parallel_loop3A_1456] {strides = array<i32>} : memref<3x32x1024xf32, #tpu.memory_space<vmem>>, vector<1x1x16xf32>,
      %parallel_loop3A_1458 = vector.shape_cast %parallel_loop3A_1457 : vector<1x1x16xf32> to vector<16xf32>
      %parallel_loop3A_1459 = arith.constant 3.200000e+01 : f32
      %parallel_loop3A_1460 = vector.broadcast %parallel_loop3A_1459 : f32 to vector<16xf32>
      %parallel_loop3A_1461 = arith.mulf %parallel_loop3A_1458, %parallel_loop3A_1460 : vector<16xf32>
      %parallel_loop3A_1462 = arith.constant 8 : i32
      %parallel_loop3A_1463 = arith.addi %parallel_loop3A_1462, %parallel_loop3A_1412 : i32
      %parallel_loop3A_1464 = arith.constant 0 : i32
      %parallel_loop3A_1465 = arith.index_cast %parallel_loop3A_1464 : i32 to index
      %parallel_loop3A_1466 = arith.index_cast %parallel_loop3A_1463 : i32 to index
      %parallel_loop3A_1467 = arith.index_cast %parallel_loop3A_1430 : i32 to index
      %parallel_loop3A_1468 = tpu.vector_load %arg6[%parallel_loop3A_1465, %parallel_loop3A_1466, %parallel_loop3A_1467] {strides = array<i32>} : memref<3x32x1024xf32, #tpu.memory_space<vmem>>, vector<1x1x16xf32>,
      %parallel_loop3A_1469 = vector.shape_cast %parallel_loop3A_1468 : vector<1x1x16xf32> to vector<16xf32>
      %parallel_loop3A_1470 = vector.shape_cast %parallel_loop3A_1461 : vector<16xf32> to vector<1x1x16xf32>
      tpu.vector_store %arg6[%parallel_loop3A_1465, %parallel_loop3A_1466, %parallel_loop3A_1467], %parallel_loop3A_1470 {strides = array<i32>} : memref<3x32x1024xf32, #tpu.memory_space<vmem>>, vector<1x1x16xf32>,
      %parallel_loop3A_1471 = arith.constant 16 : i32
      %parallel_loop3A_1472 = arith.addi %parallel_loop3A_1471, %parallel_loop3A_1412 : i32
      %parallel_loop3A_1473 = arith.constant 0 : i32
      %parallel_loop3A_1474 = arith.index_cast %parallel_loop3A_1473 : i32 to index
      %parallel_loop3A_1475 = arith.index_cast %parallel_loop3A_1472 : i32 to index
      %parallel_loop3A_1476 = arith.index_cast %parallel_loop3A_1430 : i32 to index
      %parallel_loop3A_1477 = tpu.vector_load %arg6[%parallel_loop3A_1474, %parallel_loop3A_1475, %parallel_loop3A_1476] {strides = array<i32>} : memref<3x32x1024xf32, #tpu.memory_space<vmem>>, vector<1x1x16xf32>,
      %parallel_loop3A_1478 = vector.shape_cast %parallel_loop3A_1477 : vector<1x1x16xf32> to vector<16xf32>
      %parallel_loop3A_1479 = arith.constant 3.200000e+01 : f32
      %parallel_loop3A_1480 = vector.broadcast %parallel_loop3A_1479 : f32 to vector<16xf32>
      %parallel_loop3A_1481 = arith.mulf %parallel_loop3A_1478, %parallel_loop3A_1480 : vector<16xf32>
      %parallel_loop3A_1482 = arith.constant 16 : i32
      %parallel_loop3A_1483 = arith.addi %parallel_loop3A_1482, %parallel_loop3A_1412 : i32
      %parallel_loop3A_1484 = arith.constant 0 : i32
      %parallel_loop3A_1485 = arith.index_cast %parallel_loop3A_1484 : i32 to index
      %parallel_loop3A_1486 = arith.index_cast %parallel_loop3A_1483 : i32 to index
      %parallel_loop3A_1487 = arith.index_cast %parallel_loop3A_1430 : i32 to index
      %parallel_loop3A_1488 = tpu.vector_load %arg6[%parallel_loop3A_1485, %parallel_loop3A_1486, %parallel_loop3A_1487] {strides = array<i32>} : memref<3x32x1024xf32, #tpu.memory_space<vmem>>, vector<1x1x16xf32>,
      %parallel_loop3A_1489 = vector.shape_cast %parallel_loop3A_1488 : vector<1x1x16xf32> to vector<16xf32>
      %parallel_loop3A_1490 = vector.shape_cast %parallel_loop3A_1481 : vector<16xf32> to vector<1x1x16xf32>
      tpu.vector_store %arg6[%parallel_loop3A_1485, %parallel_loop3A_1486, %parallel_loop3A_1487], %parallel_loop3A_1490 {strides = array<i32>} : memref<3x32x1024xf32, #tpu.memory_space<vmem>>, vector<1x1x16xf32>,
      %parallel_loop3A_1491 = arith.constant 24 : i32
      %parallel_loop3A_1492 = arith.addi %parallel_loop3A_1491, %parallel_loop3A_1412 : i32
      %parallel_loop3A_1493 = arith.constant 0 : i32
      %parallel_loop3A_1494 = arith.index_cast %parallel_loop3A_1493 : i32 to index
      %parallel_loop3A_1495 = arith.index_cast %parallel_loop3A_1492 : i32 to index
      %parallel_loop3A_1496 = arith.index_cast %parallel_loop3A_1430 : i32 to index
      %parallel_loop3A_1497 = tpu.vector_load %arg6[%parallel_loop3A_1494, %parallel_loop3A_1495, %parallel_loop3A_1496] {strides = array<i32>} : memref<3x32x1024xf32, #tpu.memory_space<vmem>>, vector<1x1x16xf32>,
      %parallel_loop3A_1498 = vector.shape_cast %parallel_loop3A_1497 : vector<1x1x16xf32> to vector<16xf32>
      %parallel_loop3A_1499 = arith.constant 3.200000e+01 : f32
      %parallel_loop3A_1500 = vector.broadcast %parallel_loop3A_1499 : f32 to vector<16xf32>
      %parallel_loop3A_1501 = arith.mulf %parallel_loop3A_1498, %parallel_loop3A_1500 : vector<16xf32>
      %parallel_loop3A_1502 = arith.constant 24 : i32
      %parallel_loop3A_1503 = arith.addi %parallel_loop3A_1502, %parallel_loop3A_1412 : i32
      %parallel_loop3A_1504 = arith.constant 0 : i32
      %parallel_loop3A_1505 = arith.index_cast %parallel_loop3A_1504 : i32 to index
      %parallel_loop3A_1506 = arith.index_cast %parallel_loop3A_1503 : i32 to index
      %parallel_loop3A_1507 = arith.index_cast %parallel_loop3A_1430 : i32 to index
      %parallel_loop3A_1508 = tpu.vector_load %arg6[%parallel_loop3A_1505, %parallel_loop3A_1506, %parallel_loop3A_1507] {strides = array<i32>} : memref<3x32x1024xf32, #tpu.memory_space<vmem>>, vector<1x1x16xf32>,
      %parallel_loop3A_1509 = vector.shape_cast %parallel_loop3A_1508 : vector<1x1x16xf32> to vector<16xf32>
      %parallel_loop3A_1510 = vector.shape_cast %parallel_loop3A_1501 : vector<16xf32> to vector<1x1x16xf32>
      tpu.vector_store %arg6[%parallel_loop3A_1505, %parallel_loop3A_1506, %parallel_loop3A_1507], %parallel_loop3A_1510 {strides = array<i32>} : memref<3x32x1024xf32, #tpu.memory_space<vmem>>, vector<1x1x16xf32>,
    } {sc.loop_unroll_factor = 2 : i64, sc.parallel_access}
    %add3A_501 = arith.constant 0 : i32
    %add3A_502 = arith.addi %add3A_501, %mul3A_2 : i32
    %add3A_503 = arith.constant 24 : i32
    %add3A_504 = arith.addi %add3A_502, %add3A_503 : i32
    %dma_start3A_505 = arith.constant 0 : i32
    %dma_start3A_506 = arith.constant 0 : i32
    %dma_start3A_507 = arith.constant 0 : i32
    %dma_start3A_508 = arith.constant 0 : i32
    %dma_start3A_509 = tpu.memref_slice %arg6[%dma_start3A_505, %dma_start3A_507, %dma_start3A_508] : memref<3x32x1024xf32, #tpu.memory_space<vmem>> -> memref<1x8x1024xf32, #tpu.memory_space<vmem>>
    %dma_start3A_510 = tpu.memref_squeeze %dma_start3A_509 : memref<1x8x1024xf32, #tpu.memory_space<vmem>> -> memref<8x1024xf32, #tpu.memory_space<vmem>>
    %dma_start3A_511 = arith.constant 0 : i32
    %dma_start3A_512 = tpu.memref_slice %arg4[%add3A_504, %dma_start3A_511] : memref<8192x1024xf32, #tpu.memory_space<hbm>> -> memref<8x1024xf32, #tpu.memory_space<hbm>>
    %dma_start3A_513 = tpu.memref_slice %arg8[%dma_start3A_506] : memref<3x!tpu.dma_semaphore, #tpu.memory_space<semaphore_mem>> -> memref<1x!tpu.dma_semaphore, #tpu.memory_space<semaphore_mem>>
    %dma_start3A_514 = tpu.memref_squeeze %dma_start3A_513 : memref<1x!tpu.dma_semaphore, #tpu.memory_space<semaphore_mem>> -> memref<!tpu.dma_semaphore, #tpu.memory_space<semaphore_mem>>
    %dma_start3A_515 = arith.constant 0 : i32
    %dma_start3A_516 = tpu.memref_slice %arg4[%add3A_504, %dma_start3A_515] : memref<8192x1024xf32, #tpu.memory_space<hbm>> -> memref<8x1024xf32, #tpu.memory_space<hbm>>
    %dma_start3A_517 = arith.constant 0 : i32
    %dma_start3A_518 = arith.constant 0 : i32
    %dma_start3A_519 = tpu.memref_slice %arg6[%dma_start3A_505, %dma_start3A_517, %dma_start3A_518] : memref<3x32x1024xf32, #tpu.memory_space<vmem>> -> memref<1x8x1024xf32, #tpu.memory_space<vmem>>
    %dma_start3A_520 = tpu.memref_squeeze %dma_start3A_519 : memref<1x8x1024xf32, #tpu.memory_space<vmem>> -> memref<8x1024xf32, #tpu.memory_space<vmem>>
    tpu.enqueue_dma source(%dma_start3A_520 : memref<8x1024xf32, #tpu.memory_space<vmem>>) target(%dma_start3A_516 : memref<8x1024xf32, #tpu.memory_space<hbm>>) target_semaphore(%dma_start3A_514 : memref<!tpu.dma_semaphore, #tpu.memory_space<semaphore_mem>>)
    %add3A_521 = arith.constant 2048 : i32
    %add3A_522 = arith.addi %add3A_521, %mul3A_2 : i32
    %add3A_523 = arith.constant 24 : i32
    %add3A_524 = arith.addi %add3A_522, %add3A_523 : i32
    %dma_start3A_525 = arith.constant 0 : i32
    %dma_start3A_526 = arith.constant 0 : i32
    %dma_start3A_527 = arith.constant 8 : i32
    %dma_start3A_528 = arith.constant 0 : i32
    %dma_start3A_529 = tpu.memref_slice %arg6[%dma_start3A_525, %dma_start3A_527, %dma_start3A_528] : memref<3x32x1024xf32, #tpu.memory_space<vmem>> -> memref<1x8x1024xf32, #tpu.memory_space<vmem>>
    %dma_start3A_530 = tpu.memref_squeeze %dma_start3A_529 : memref<1x8x1024xf32, #tpu.memory_space<vmem>> -> memref<8x1024xf32, #tpu.memory_space<vmem>>
    %dma_start3A_531 = arith.constant 0 : i32
    %dma_start3A_532 = tpu.memref_slice %arg4[%add3A_524, %dma_start3A_531] : memref<8192x1024xf32, #tpu.memory_space<hbm>> -> memref<8x1024xf32, #tpu.memory_space<hbm>>
    %dma_start3A_533 = tpu.memref_slice %arg8[%dma_start3A_526] : memref<3x!tpu.dma_semaphore, #tpu.memory_space<semaphore_mem>> -> memref<1x!tpu.dma_semaphore, #tpu.memory_space<semaphore_mem>>
    %dma_start3A_534 = tpu.memref_squeeze %dma_start3A_533 : memref<1x!tpu.dma_semaphore, #tpu.memory_space<semaphore_mem>> -> memref<!tpu.dma_semaphore, #tpu.memory_space<semaphore_mem>>
    %dma_start3A_535 = arith.constant 0 : i32
    %dma_start3A_536 = tpu.memref_slice %arg4[%add3A_524, %dma_start3A_535] : memref<8192x1024xf32, #tpu.memory_space<hbm>> -> memref<8x1024xf32, #tpu.memory_space<hbm>>
    %dma_start3A_537 = arith.constant 8 : i32
    %dma_start3A_538 = arith.constant 0 : i32
    %dma_start3A_539 = tpu.memref_slice %arg6[%dma_start3A_525, %dma_start3A_537, %dma_start3A_538] : memref<3x32x1024xf32, #tpu.memory_space<vmem>> -> memref<1x8x1024xf32, #tpu.memory_space<vmem>>
    %dma_start3A_540 = tpu.memref_squeeze %dma_start3A_539 : memref<1x8x1024xf32, #tpu.memory_space<vmem>> -> memref<8x1024xf32, #tpu.memory_space<vmem>>
    tpu.enqueue_dma source(%dma_start3A_540 : memref<8x1024xf32, #tpu.memory_space<vmem>>) target(%dma_start3A_536 : memref<8x1024xf32, #tpu.memory_space<hbm>>) target_semaphore(%dma_start3A_534 : memref<!tpu.dma_semaphore, #tpu.memory_space<semaphore_mem>>)
    %add3A_541 = arith.constant 4096 : i32
    %add3A_542 = arith.addi %add3A_541, %mul3A_2 : i32
    %add3A_543 = arith.constant 24 : i32
    %add3A_544 = arith.addi %add3A_542, %add3A_543 : i32
    %dma_start3A_545 = arith.constant 0 : i32
    %dma_start3A_546 = arith.constant 0 : i32
    %dma_start3A_547 = arith.constant 16 : i32
    %dma_start3A_548 = arith.constant 0 : i32
    %dma_start3A_549 = tpu.memref_slice %arg6[%dma_start3A_545, %dma_start3A_547, %dma_start3A_548] : memref<3x32x1024xf32, #tpu.memory_space<vmem>> -> memref<1x8x1024xf32, #tpu.memory_space<vmem>>
    %dma_start3A_550 = tpu.memref_squeeze %dma_start3A_549 : memref<1x8x1024xf32, #tpu.memory_space<vmem>> -> memref<8x1024xf32, #tpu.memory_space<vmem>>
    %dma_start3A_551 = arith.constant 0 : i32
    %dma_start3A_552 = tpu.memref_slice %arg4[%add3A_544, %dma_start3A_551] : memref<8192x1024xf32, #tpu.memory_space<hbm>> -> memref<8x1024xf32, #tpu.memory_space<hbm>>
    %dma_start3A_553 = tpu.memref_slice %arg8[%dma_start3A_546] : memref<3x!tpu.dma_semaphore, #tpu.memory_space<semaphore_mem>> -> memref<1x!tpu.dma_semaphore, #tpu.memory_space<semaphore_mem>>
    %dma_start3A_554 = tpu.memref_squeeze %dma_start3A_553 : memref<1x!tpu.dma_semaphore, #tpu.memory_space<semaphore_mem>> -> memref<!tpu.dma_semaphore, #tpu.memory_space<semaphore_mem>>
    %dma_start3A_555 = arith.constant 0 : i32
    %dma_start3A_556 = tpu.memref_slice %arg4[%add3A_544, %dma_start3A_555] : memref<8192x1024xf32, #tpu.memory_space<hbm>> -> memref<8x1024xf32, #tpu.memory_space<hbm>>
    %dma_start3A_557 = arith.constant 16 : i32
    %dma_start3A_558 = arith.constant 0 : i32
    %dma_start3A_559 = tpu.memref_slice %arg6[%dma_start3A_545, %dma_start3A_557, %dma_start3A_558] : memref<3x32x1024xf32, #tpu.memory_space<vmem>> -> memref<1x8x1024xf32, #tpu.memory_space<vmem>>
    %dma_start3A_560 = tpu.memref_squeeze %dma_start3A_559 : memref<1x8x1024xf32, #tpu.memory_space<vmem>> -> memref<8x1024xf32, #tpu.memory_space<vmem>>
    tpu.enqueue_dma source(%dma_start3A_560 : memref<8x1024xf32, #tpu.memory_space<vmem>>) target(%dma_start3A_556 : memref<8x1024xf32, #tpu.memory_space<hbm>>) target_semaphore(%dma_start3A_554 : memref<!tpu.dma_semaphore, #tpu.memory_space<semaphore_mem>>)
    %add3A_561 = arith.constant 6144 : i32
    %add3A_562 = arith.addi %add3A_561, %mul3A_2 : i32
    %add3A_563 = arith.constant 24 : i32
    %add3A_564 = arith.addi %add3A_562, %add3A_563 : i32
    %dma_start3A_565 = arith.constant 0 : i32
    %dma_start3A_566 = arith.constant 0 : i32
    %dma_start3A_567 = arith.constant 24 : i32
    %dma_start3A_568 = arith.constant 0 : i32
    %dma_start3A_569 = tpu.memref_slice %arg6[%dma_start3A_565, %dma_start3A_567, %dma_start3A_568] : memref<3x32x1024xf32, #tpu.memory_space<vmem>> -> memref<1x8x1024xf32, #tpu.memory_space<vmem>>
    %dma_start3A_570 = tpu.memref_squeeze %dma_start3A_569 : memref<1x8x1024xf32, #tpu.memory_space<vmem>> -> memref<8x1024xf32, #tpu.memory_space<vmem>>
    %dma_start3A_571 = arith.constant 0 : i32
    %dma_start3A_572 = tpu.memref_slice %arg4[%add3A_564, %dma_start3A_571] : memref<8192x1024xf32, #tpu.memory_space<hbm>> -> memref<8x1024xf32, #tpu.memory_space<hbm>>
    %dma_start3A_573 = tpu.memref_slice %arg8[%dma_start3A_566] : memref<3x!tpu.dma_semaphore, #tpu.memory_space<semaphore_mem>> -> memref<1x!tpu.dma_semaphore, #tpu.memory_space<semaphore_mem>>
    %dma_start3A_574 = tpu.memref_squeeze %dma_start3A_573 : memref<1x!tpu.dma_semaphore, #tpu.memory_space<semaphore_mem>> -> memref<!tpu.dma_semaphore, #tpu.memory_space<semaphore_mem>>
    %dma_start3A_575 = arith.constant 0 : i32
    %dma_start3A_576 = tpu.memref_slice %arg4[%add3A_564, %dma_start3A_575] : memref<8192x1024xf32, #tpu.memory_space<hbm>> -> memref<8x1024xf32, #tpu.memory_space<hbm>>
    %dma_start3A_577 = arith.constant 24 : i32
    %dma_start3A_578 = arith.constant 0 : i32
    %dma_start3A_579 = tpu.memref_slice %arg6[%dma_start3A_565, %dma_start3A_577, %dma_start3A_578] : memref<3x32x1024xf32, #tpu.memory_space<vmem>> -> memref<1x8x1024xf32, #tpu.memory_space<vmem>>
    %dma_start3A_580 = tpu.memref_squeeze %dma_start3A_579 : memref<1x8x1024xf32, #tpu.memory_space<vmem>> -> memref<8x1024xf32, #tpu.memory_space<vmem>>
    tpu.enqueue_dma source(%dma_start3A_580 : memref<8x1024xf32, #tpu.memory_space<vmem>>) target(%dma_start3A_576 : memref<8x1024xf32, #tpu.memory_space<hbm>>) target_semaphore(%dma_start3A_574 : memref<!tpu.dma_semaphore, #tpu.memory_space<semaphore_mem>>)
    %dma_wait3A_581 = arith.constant 1 : i32
    %dma_wait3A_582 = arith.constant 1 : i32
    %dma_wait3A_583 = arith.constant 0 : i32
    %dma_wait3A_584 = arith.constant 0 : i32
    %dma_wait3A_585 = tpu.memref_slice %arg6[%dma_wait3A_581, %dma_wait3A_583, %dma_wait3A_584] : memref<3x32x1024xf32, #tpu.memory_space<vmem>> -> memref<1x32x1024xf32, #tpu.memory_space<vmem>>
    %dma_wait3A_586 = tpu.memref_squeeze %dma_wait3A_585 : memref<1x32x1024xf32, #tpu.memory_space<vmem>> -> memref<32x1024xf32, #tpu.memory_space<vmem>>
    %dma_wait3A_587 = arith.constant 128 : i32
    %dma_wait3A_588 = tpu.memref_slice %arg5[%dma_wait3A_587] : memref<256xi32, #tpu.memory_space<vmem>> -> memref<32xi32, #tpu.memory_space<vmem>>
    %dma_wait3A_589 = arith.constant 0 : i32
    %dma_wait3A_590 = arith.constant 0 : i32
    %dma_wait3A_591 = tpu.memref_slice %arg2[%dma_wait3A_589, %dma_wait3A_590] : memref<100000x1024xf32, #tpu.memory_space<hbm>> -> memref<100000x1024xf32, #tpu.memory_space<hbm>>
    %dma_wait3A_592 = tpu.memref_slice %arg7[%dma_wait3A_582] : memref<3x!tpu.dma_semaphore, #tpu.memory_space<semaphore_mem>> -> memref<1x!tpu.dma_semaphore, #tpu.memory_space<semaphore_mem>>
    %dma_wait3A_593 = tpu.memref_squeeze %dma_wait3A_592 : memref<1x!tpu.dma_semaphore, #tpu.memory_space<semaphore_mem>> -> memref<!tpu.dma_semaphore, #tpu.memory_space<semaphore_mem>>
    tpu.wait_indirect_dma semaphore(%dma_wait3A_593 : memref<!tpu.dma_semaphore, #tpu.memory_space<semaphore_mem>>) src(%dma_wait3A_591 : memref<100000x1024xf32, #tpu.memory_space<hbm>>) dst(%dma_wait3A_586 : memref<32x1024xf32, #tpu.memory_space<vmem>>)
    %dma_wait3A_594 = arith.constant 2 : i32
    %dma_wait3A_595 = arith.constant 2 : i32
    %dma_wait3A_596 = arith.constant 0 : i32
    %dma_wait3A_597 = arith.constant 0 : i32
    %dma_wait3A_598 = tpu.memref_slice %arg6[%dma_wait3A_594, %dma_wait3A_596, %dma_wait3A_597] : memref<3x32x1024xf32, #tpu.memory_space<vmem>> -> memref<1x8x1024xf32, #tpu.memory_space<vmem>>
    %dma_wait3A_599 = tpu.memref_squeeze %dma_wait3A_598 : memref<1x8x1024xf32, #tpu.memory_space<vmem>> -> memref<8x1024xf32, #tpu.memory_space<vmem>>
    %dma_wait3A_600 = arith.constant 0 : i32
    %dma_wait3A_601 = tpu.memref_slice %arg4[%add3A_331, %dma_wait3A_600] : memref<8192x1024xf32, #tpu.memory_space<hbm>> -> memref<8x1024xf32, #tpu.memory_space<hbm>>
    %dma_wait3A_602 = tpu.memref_slice %arg8[%dma_wait3A_595] : memref<3x!tpu.dma_semaphore, #tpu.memory_space<semaphore_mem>> -> memref<1x!tpu.dma_semaphore, #tpu.memory_space<semaphore_mem>>
    %dma_wait3A_603 = tpu.memref_squeeze %dma_wait3A_602 : memref<1x!tpu.dma_semaphore, #tpu.memory_space<semaphore_mem>> -> memref<!tpu.dma_semaphore, #tpu.memory_space<semaphore_mem>>
    %dma_wait3A_604 = arith.constant 0 : i32
    %dma_wait3A_605 = tpu.memref_slice %arg4[%add3A_331, %dma_wait3A_604] : memref<8192x1024xf32, #tpu.memory_space<hbm>> -> memref<8x1024xf32, #tpu.memory_space<hbm>>
    %dma_wait3A_606 = arith.constant 0 : i32
    %dma_wait3A_607 = arith.constant 0 : i32
    %dma_wait3A_608 = tpu.memref_slice %arg6[%dma_wait3A_594, %dma_wait3A_606, %dma_wait3A_607] : memref<3x32x1024xf32, #tpu.memory_space<vmem>> -> memref<1x8x1024xf32, #tpu.memory_space<vmem>>
    %dma_wait3A_609 = tpu.memref_squeeze %dma_wait3A_608 : memref<1x8x1024xf32, #tpu.memory_space<vmem>> -> memref<8x1024xf32, #tpu.memory_space<vmem>>
    tpu.wait_dma2 semaphore(%dma_wait3A_603 : memref<!tpu.dma_semaphore, #tpu.memory_space<semaphore_mem>>) src(%dma_wait3A_609 : memref<8x1024xf32, #tpu.memory_space<vmem>>) dst(%dma_wait3A_605 : memref<8x1024xf32, #tpu.memory_space<hbm>>)
    %dma_wait3A_610 = arith.constant 2 : i32
    %dma_wait3A_611 = arith.constant 2 : i32
    %dma_wait3A_612 = arith.constant 8 : i32
    %dma_wait3A_613 = arith.constant 0 : i32
    %dma_wait3A_614 = tpu.memref_slice %arg6[%dma_wait3A_610, %dma_wait3A_612, %dma_wait3A_613] : memref<3x32x1024xf32, #tpu.memory_space<vmem>> -> memref<1x8x1024xf32, #tpu.memory_space<vmem>>
    %dma_wait3A_615 = tpu.memref_squeeze %dma_wait3A_614 : memref<1x8x1024xf32, #tpu.memory_space<vmem>> -> memref<8x1024xf32, #tpu.memory_space<vmem>>
    %dma_wait3A_616 = arith.constant 0 : i32
    %dma_wait3A_617 = tpu.memref_slice %arg4[%add3A_351, %dma_wait3A_616] : memref<8192x1024xf32, #tpu.memory_space<hbm>> -> memref<8x1024xf32, #tpu.memory_space<hbm>>
    %dma_wait3A_618 = tpu.memref_slice %arg8[%dma_wait3A_611] : memref<3x!tpu.dma_semaphore, #tpu.memory_space<semaphore_mem>> -> memref<1x!tpu.dma_semaphore, #tpu.memory_space<semaphore_mem>>
    %dma_wait3A_619 = tpu.memref_squeeze %dma_wait3A_618 : memref<1x!tpu.dma_semaphore, #tpu.memory_space<semaphore_mem>> -> memref<!tpu.dma_semaphore, #tpu.memory_space<semaphore_mem>>
    %dma_wait3A_620 = arith.constant 0 : i32
    %dma_wait3A_621 = tpu.memref_slice %arg4[%add3A_351, %dma_wait3A_620] : memref<8192x1024xf32, #tpu.memory_space<hbm>> -> memref<8x1024xf32, #tpu.memory_space<hbm>>
    %dma_wait3A_622 = arith.constant 8 : i32
    %dma_wait3A_623 = arith.constant 0 : i32
    %dma_wait3A_624 = tpu.memref_slice %arg6[%dma_wait3A_610, %dma_wait3A_622, %dma_wait3A_623] : memref<3x32x1024xf32, #tpu.memory_space<vmem>> -> memref<1x8x1024xf32, #tpu.memory_space<vmem>>
    %dma_wait3A_625 = tpu.memref_squeeze %dma_wait3A_624 : memref<1x8x1024xf32, #tpu.memory_space<vmem>> -> memref<8x1024xf32, #tpu.memory_space<vmem>>
    tpu.wait_dma2 semaphore(%dma_wait3A_619 : memref<!tpu.dma_semaphore, #tpu.memory_space<semaphore_mem>>) src(%dma_wait3A_625 : memref<8x1024xf32, #tpu.memory_space<vmem>>) dst(%dma_wait3A_621 : memref<8x1024xf32, #tpu.memory_space<hbm>>)
    %dma_wait3A_626 = arith.constant 2 : i32
    %dma_wait3A_627 = arith.constant 2 : i32
    %dma_wait3A_628 = arith.constant 16 : i32
    %dma_wait3A_629 = arith.constant 0 : i32
    %dma_wait3A_630 = tpu.memref_slice %arg6[%dma_wait3A_626, %dma_wait3A_628, %dma_wait3A_629] : memref<3x32x1024xf32, #tpu.memory_space<vmem>> -> memref<1x8x1024xf32, #tpu.memory_space<vmem>>
    %dma_wait3A_631 = tpu.memref_squeeze %dma_wait3A_630 : memref<1x8x1024xf32, #tpu.memory_space<vmem>> -> memref<8x1024xf32, #tpu.memory_space<vmem>>
    %dma_wait3A_632 = arith.constant 0 : i32
    %dma_wait3A_633 = tpu.memref_slice %arg4[%add3A_371, %dma_wait3A_632] : memref<8192x1024xf32, #tpu.memory_space<hbm>> -> memref<8x1024xf32, #tpu.memory_space<hbm>>
    %dma_wait3A_634 = tpu.memref_slice %arg8[%dma_wait3A_627] : memref<3x!tpu.dma_semaphore, #tpu.memory_space<semaphore_mem>> -> memref<1x!tpu.dma_semaphore, #tpu.memory_space<semaphore_mem>>
    %dma_wait3A_635 = tpu.memref_squeeze %dma_wait3A_634 : memref<1x!tpu.dma_semaphore, #tpu.memory_space<semaphore_mem>> -> memref<!tpu.dma_semaphore, #tpu.memory_space<semaphore_mem>>
    %dma_wait3A_636 = arith.constant 0 : i32
    %dma_wait3A_637 = tpu.memref_slice %arg4[%add3A_371, %dma_wait3A_636] : memref<8192x1024xf32, #tpu.memory_space<hbm>> -> memref<8x1024xf32, #tpu.memory_space<hbm>>
    %dma_wait3A_638 = arith.constant 16 : i32
    %dma_wait3A_639 = arith.constant 0 : i32
    %dma_wait3A_640 = tpu.memref_slice %arg6[%dma_wait3A_626, %dma_wait3A_638, %dma_wait3A_639] : memref<3x32x1024xf32, #tpu.memory_space<vmem>> -> memref<1x8x1024xf32, #tpu.memory_space<vmem>>
    %dma_wait3A_641 = tpu.memref_squeeze %dma_wait3A_640 : memref<1x8x1024xf32, #tpu.memory_space<vmem>> -> memref<8x1024xf32, #tpu.memory_space<vmem>>
    tpu.wait_dma2 semaphore(%dma_wait3A_635 : memref<!tpu.dma_semaphore, #tpu.memory_space<semaphore_mem>>) src(%dma_wait3A_641 : memref<8x1024xf32, #tpu.memory_space<vmem>>) dst(%dma_wait3A_637 : memref<8x1024xf32, #tpu.memory_space<hbm>>)
    %dma_wait3A_642 = arith.constant 2 : i32
    %dma_wait3A_643 = arith.constant 2 : i32
    %dma_wait3A_644 = arith.constant 24 : i32
    %dma_wait3A_645 = arith.constant 0 : i32
    %dma_wait3A_646 = tpu.memref_slice %arg6[%dma_wait3A_642, %dma_wait3A_644, %dma_wait3A_645] : memref<3x32x1024xf32, #tpu.memory_space<vmem>> -> memref<1x8x1024xf32, #tpu.memory_space<vmem>>
    %dma_wait3A_647 = tpu.memref_squeeze %dma_wait3A_646 : memref<1x8x1024xf32, #tpu.memory_space<vmem>> -> memref<8x1024xf32, #tpu.memory_space<vmem>>
    %dma_wait3A_648 = arith.constant 0 : i32
    %dma_wait3A_649 = tpu.memref_slice %arg4[%add3A_391, %dma_wait3A_648] : memref<8192x1024xf32, #tpu.memory_space<hbm>> -> memref<8x1024xf32, #tpu.memory_space<hbm>>
    %dma_wait3A_650 = tpu.memref_slice %arg8[%dma_wait3A_643] : memref<3x!tpu.dma_semaphore, #tpu.memory_space<semaphore_mem>> -> memref<1x!tpu.dma_semaphore, #tpu.memory_space<semaphore_mem>>
    %dma_wait3A_651 = tpu.memref_squeeze %dma_wait3A_650 : memref<1x!tpu.dma_semaphore, #tpu.memory_space<semaphore_mem>> -> memref<!tpu.dma_semaphore, #tpu.memory_space<semaphore_mem>>
    %dma_wait3A_652 = arith.constant 0 : i32
    %dma_wait3A_653 = tpu.memref_slice %arg4[%add3A_391, %dma_wait3A_652] : memref<8192x1024xf32, #tpu.memory_space<hbm>> -> memref<8x1024xf32, #tpu.memory_space<hbm>>
    %dma_wait3A_654 = arith.constant 24 : i32
    %dma_wait3A_655 = arith.constant 0 : i32
    %dma_wait3A_656 = tpu.memref_slice %arg6[%dma_wait3A_642, %dma_wait3A_654, %dma_wait3A_655] : memref<3x32x1024xf32, #tpu.memory_space<vmem>> -> memref<1x8x1024xf32, #tpu.memory_space<vmem>>
    %dma_wait3A_657 = tpu.memref_squeeze %dma_wait3A_656 : memref<1x8x1024xf32, #tpu.memory_space<vmem>> -> memref<8x1024xf32, #tpu.memory_space<vmem>>
    tpu.wait_dma2 semaphore(%dma_wait3A_651 : memref<!tpu.dma_semaphore, #tpu.memory_space<semaphore_mem>>) src(%dma_wait3A_657 : memref<8x1024xf32, #tpu.memory_space<vmem>>) dst(%dma_wait3A_653 : memref<8x1024xf32, #tpu.memory_space<hbm>>)
    %dma_start3A_658 = arith.constant 2 : i32
    %dma_start3A_659 = arith.constant 2 : i32
    %dma_start3A_660 = arith.constant 0 : i32
    %dma_start3A_661 = arith.constant 0 : i32
    %dma_start3A_662 = tpu.memref_slice %arg6[%dma_start3A_658, %dma_start3A_660, %dma_start3A_661] : memref<3x32x1024xf32, #tpu.memory_space<vmem>> -> memref<1x32x1024xf32, #tpu.memory_space<vmem>>
    %dma_start3A_663 = tpu.memref_squeeze %dma_start3A_662 : memref<1x32x1024xf32, #tpu.memory_space<vmem>> -> memref<32x1024xf32, #tpu.memory_space<vmem>>
    %dma_start3A_664 = arith.constant 160 : i32
    %dma_start3A_665 = tpu.memref_slice %arg5[%dma_start3A_664] : memref<256xi32, #tpu.memory_space<vmem>> -> memref<32xi32, #tpu.memory_space<vmem>>
    %dma_start3A_666 = arith.constant 0 : i32
    %dma_start3A_667 = arith.constant 0 : i32
    %dma_start3A_668 = tpu.memref_slice %arg2[%dma_start3A_666, %dma_start3A_667] : memref<100000x1024xf32, #tpu.memory_space<hbm>> -> memref<100000x1024xf32, #tpu.memory_space<hbm>>
    %dma_start3A_669 = tpu.memref_slice %arg7[%dma_start3A_659] : memref<3x!tpu.dma_semaphore, #tpu.memory_space<semaphore_mem>> -> memref<1x!tpu.dma_semaphore, #tpu.memory_space<semaphore_mem>>
    %dma_start3A_670 = tpu.memref_squeeze %dma_start3A_669 : memref<1x!tpu.dma_semaphore, #tpu.memory_space<semaphore_mem>> -> memref<!tpu.dma_semaphore, #tpu.memory_space<semaphore_mem>>
    tpu.enqueue_indirect_dma source(%dma_start3A_668 : memref<100000x1024xf32, #tpu.memory_space<hbm>>) target(%dma_start3A_663 : memref<32x1024xf32, #tpu.memory_space<vmem>>) offsets(%dma_start3A_665 : memref<32xi32, #tpu.memory_space<vmem>>) semaphore(%dma_start3A_670 : memref<!tpu.dma_semaphore, #tpu.memory_space<semaphore_mem>>)
    %parallel_loop3A_671 = arith.constant 0 : i32
    %parallel_loop3A_672 = arith.constant 512 : i32
    %parallel_loop3A_673 = arith.constant 1 : i32
    scf.for %parallel_loop3A_1388 = %parallel_loop3A_671 to %parallel_loop3A_672 step %parallel_loop3A_673  : i32 {
      %parallel_loop3A_1389 = arith.constant 64 : i32
      %parallel_loop3A_1390 = arith.divsi %parallel_loop3A_1388, %parallel_loop3A_1389 : i32
      %parallel_loop3A_1391 = arith.constant 0 : i32
      %parallel_loop3A_1392 = arith.cmpi sgt, %parallel_loop3A_1388, %parallel_loop3A_1391 : i32
      %parallel_loop3A_1393 = arith.extui %parallel_loop3A_1392 : i1 to i32
      %parallel_loop3A_1394 = arith.constant 0 : i32
      %parallel_loop3A_1395 = arith.cmpi slt, %parallel_loop3A_1388, %parallel_loop3A_1394 : i32
      %parallel_loop3A_1396 = arith.extui %parallel_loop3A_1395 : i1 to i32
      %parallel_loop3A_1397 = arith.subi %parallel_loop3A_1393, %parallel_loop3A_1396 : i32
      %parallel_loop3A_1398 = arith.constant 0 : i32
      %parallel_loop3A_1399 = arith.cmpi sgt, %parallel_loop3A_1389, %parallel_loop3A_1398 : i32
      %parallel_loop3A_1400 = arith.extui %parallel_loop3A_1399 : i1 to i32
      %parallel_loop3A_1401 = arith.constant 0 : i32
      %parallel_loop3A_1402 = arith.cmpi slt, %parallel_loop3A_1389, %parallel_loop3A_1401 : i32
      %parallel_loop3A_1403 = arith.extui %parallel_loop3A_1402 : i1 to i32
      %parallel_loop3A_1404 = arith.subi %parallel_loop3A_1400, %parallel_loop3A_1403 : i32
      %parallel_loop3A_1405 = arith.cmpi ne, %parallel_loop3A_1397, %parallel_loop3A_1404 : i32
      %parallel_loop3A_1406 = arith.remsi %parallel_loop3A_1388, %parallel_loop3A_1389 : i32
      %parallel_loop3A_1407 = arith.constant 0 : i32
      %parallel_loop3A_1408 = arith.cmpi ne, %parallel_loop3A_1406, %parallel_loop3A_1407 : i32
      %parallel_loop3A_1409 = arith.andi %parallel_loop3A_1405, %parallel_loop3A_1408 : i1
      %parallel_loop3A_1410 = arith.constant 1 : i32
      %parallel_loop3A_1411 = arith.subi %parallel_loop3A_1390, %parallel_loop3A_1410 : i32
      %parallel_loop3A_1412 = arith.select %parallel_loop3A_1409, %parallel_loop3A_1411, %parallel_loop3A_1390 : i32
      %parallel_loop3A_1413 = arith.constant 64 : i32
      %parallel_loop3A_1414 = arith.constant 0 : i32
      %parallel_loop3A_1415 = arith.cmpi eq, %parallel_loop3A_1413, %parallel_loop3A_1414 : i32
      %parallel_loop3A_1416 = arith.constant 1 : i32
      %parallel_loop3A_1417 = arith.select %parallel_loop3A_1415, %parallel_loop3A_1416, %parallel_loop3A_1413 : i32
      %parallel_loop3A_1418 = arith.remsi %parallel_loop3A_1388, %parallel_loop3A_1417 : i32
      %parallel_loop3A_1419 = arith.constant 0 : i32
      %parallel_loop3A_1420 = arith.cmpi ne, %parallel_loop3A_1418, %parallel_loop3A_1419 : i32
      %parallel_loop3A_1421 = arith.constant 0 : i32
      %parallel_loop3A_1422 = arith.cmpi slt, %parallel_loop3A_1418, %parallel_loop3A_1421 : i32
      %parallel_loop3A_1423 = arith.constant 0 : i32
      %parallel_loop3A_1424 = arith.cmpi slt, %parallel_loop3A_1417, %parallel_loop3A_1423 : i32
      %parallel_loop3A_1425 = arith.xori %parallel_loop3A_1422, %parallel_loop3A_1424 : i1
      %parallel_loop3A_1426 = arith.andi %parallel_loop3A_1425, %parallel_loop3A_1420 : i1
      %parallel_loop3A_1427 = arith.addi %parallel_loop3A_1418, %parallel_loop3A_1417 : i32
      %parallel_loop3A_1428 = arith.select %parallel_loop3A_1426, %parallel_loop3A_1427, %parallel_loop3A_1418 : i32
      %parallel_loop3A_1429 = arith.constant 16 : i32
      %parallel_loop3A_1430 = arith.muli %parallel_loop3A_1428, %parallel_loop3A_1429 : i32
      %parallel_loop3A_1431 = arith.constant 0 : i32
      %parallel_loop3A_1432 = arith.addi %parallel_loop3A_1431, %parallel_loop3A_1412 : i32
      %parallel_loop3A_1433 = arith.constant 1 : i32
      %parallel_loop3A_1434 = arith.index_cast %parallel_loop3A_1433 : i32 to index
      %parallel_loop3A_1435 = arith.index_cast %parallel_loop3A_1432 : i32 to index
      %parallel_loop3A_1436 = arith.index_cast %parallel_loop3A_1430 : i32 to index
      %parallel_loop3A_1437 = tpu.vector_load %arg6[%parallel_loop3A_1434, %parallel_loop3A_1435, %parallel_loop3A_1436] {strides = array<i32>} : memref<3x32x1024xf32, #tpu.memory_space<vmem>>, vector<1x1x16xf32>,
      %parallel_loop3A_1438 = vector.shape_cast %parallel_loop3A_1437 : vector<1x1x16xf32> to vector<16xf32>
      %parallel_loop3A_1439 = arith.constant 3.200000e+01 : f32
      %parallel_loop3A_1440 = vector.broadcast %parallel_loop3A_1439 : f32 to vector<16xf32>
      %parallel_loop3A_1441 = arith.mulf %parallel_loop3A_1438, %parallel_loop3A_1440 : vector<16xf32>
      %parallel_loop3A_1442 = arith.constant 0 : i32
      %parallel_loop3A_1443 = arith.addi %parallel_loop3A_1442, %parallel_loop3A_1412 : i32
      %parallel_loop3A_1444 = arith.constant 1 : i32
      %parallel_loop3A_1445 = arith.index_cast %parallel_loop3A_1444 : i32 to index
      %parallel_loop3A_1446 = arith.index_cast %parallel_loop3A_1443 : i32 to index
      %parallel_loop3A_1447 = arith.index_cast %parallel_loop3A_1430 : i32 to index
      %parallel_loop3A_1448 = tpu.vector_load %arg6[%parallel_loop3A_1445, %parallel_loop3A_1446, %parallel_loop3A_1447] {strides = array<i32>} : memref<3x32x1024xf32, #tpu.memory_space<vmem>>, vector<1x1x16xf32>,
      %parallel_loop3A_1449 = vector.shape_cast %parallel_loop3A_1448 : vector<1x1x16xf32> to vector<16xf32>
      %parallel_loop3A_1450 = vector.shape_cast %parallel_loop3A_1441 : vector<16xf32> to vector<1x1x16xf32>
      tpu.vector_store %arg6[%parallel_loop3A_1445, %parallel_loop3A_1446, %parallel_loop3A_1447], %parallel_loop3A_1450 {strides = array<i32>} : memref<3x32x1024xf32, #tpu.memory_space<vmem>>, vector<1x1x16xf32>,
      %parallel_loop3A_1451 = arith.constant 8 : i32
      %parallel_loop3A_1452 = arith.addi %parallel_loop3A_1451, %parallel_loop3A_1412 : i32
      %parallel_loop3A_1453 = arith.constant 1 : i32
      %parallel_loop3A_1454 = arith.index_cast %parallel_loop3A_1453 : i32 to index
      %parallel_loop3A_1455 = arith.index_cast %parallel_loop3A_1452 : i32 to index
      %parallel_loop3A_1456 = arith.index_cast %parallel_loop3A_1430 : i32 to index
      %parallel_loop3A_1457 = tpu.vector_load %arg6[%parallel_loop3A_1454, %parallel_loop3A_1455, %parallel_loop3A_1456] {strides = array<i32>} : memref<3x32x1024xf32, #tpu.memory_space<vmem>>, vector<1x1x16xf32>,
      %parallel_loop3A_1458 = vector.shape_cast %parallel_loop3A_1457 : vector<1x1x16xf32> to vector<16xf32>
      %parallel_loop3A_1459 = arith.constant 3.200000e+01 : f32
      %parallel_loop3A_1460 = vector.broadcast %parallel_loop3A_1459 : f32 to vector<16xf32>
      %parallel_loop3A_1461 = arith.mulf %parallel_loop3A_1458, %parallel_loop3A_1460 : vector<16xf32>
      %parallel_loop3A_1462 = arith.constant 8 : i32
      %parallel_loop3A_1463 = arith.addi %parallel_loop3A_1462, %parallel_loop3A_1412 : i32
      %parallel_loop3A_1464 = arith.constant 1 : i32
      %parallel_loop3A_1465 = arith.index_cast %parallel_loop3A_1464 : i32 to index
      %parallel_loop3A_1466 = arith.index_cast %parallel_loop3A_1463 : i32 to index
      %parallel_loop3A_1467 = arith.index_cast %parallel_loop3A_1430 : i32 to index
      %parallel_loop3A_1468 = tpu.vector_load %arg6[%parallel_loop3A_1465, %parallel_loop3A_1466, %parallel_loop3A_1467] {strides = array<i32>} : memref<3x32x1024xf32, #tpu.memory_space<vmem>>, vector<1x1x16xf32>,
      %parallel_loop3A_1469 = vector.shape_cast %parallel_loop3A_1468 : vector<1x1x16xf32> to vector<16xf32>
      %parallel_loop3A_1470 = vector.shape_cast %parallel_loop3A_1461 : vector<16xf32> to vector<1x1x16xf32>
      tpu.vector_store %arg6[%parallel_loop3A_1465, %parallel_loop3A_1466, %parallel_loop3A_1467], %parallel_loop3A_1470 {strides = array<i32>} : memref<3x32x1024xf32, #tpu.memory_space<vmem>>, vector<1x1x16xf32>,
      %parallel_loop3A_1471 = arith.constant 16 : i32
      %parallel_loop3A_1472 = arith.addi %parallel_loop3A_1471, %parallel_loop3A_1412 : i32
      %parallel_loop3A_1473 = arith.constant 1 : i32
      %parallel_loop3A_1474 = arith.index_cast %parallel_loop3A_1473 : i32 to index
      %parallel_loop3A_1475 = arith.index_cast %parallel_loop3A_1472 : i32 to index
      %parallel_loop3A_1476 = arith.index_cast %parallel_loop3A_1430 : i32 to index
      %parallel_loop3A_1477 = tpu.vector_load %arg6[%parallel_loop3A_1474, %parallel_loop3A_1475, %parallel_loop3A_1476] {strides = array<i32>} : memref<3x32x1024xf32, #tpu.memory_space<vmem>>, vector<1x1x16xf32>,
      %parallel_loop3A_1478 = vector.shape_cast %parallel_loop3A_1477 : vector<1x1x16xf32> to vector<16xf32>
      %parallel_loop3A_1479 = arith.constant 3.200000e+01 : f32
      %parallel_loop3A_1480 = vector.broadcast %parallel_loop3A_1479 : f32 to vector<16xf32>
      %parallel_loop3A_1481 = arith.mulf %parallel_loop3A_1478, %parallel_loop3A_1480 : vector<16xf32>
      %parallel_loop3A_1482 = arith.constant 16 : i32
      %parallel_loop3A_1483 = arith.addi %parallel_loop3A_1482, %parallel_loop3A_1412 : i32
      %parallel_loop3A_1484 = arith.constant 1 : i32
      %parallel_loop3A_1485 = arith.index_cast %parallel_loop3A_1484 : i32 to index
      %parallel_loop3A_1486 = arith.index_cast %parallel_loop3A_1483 : i32 to index
      %parallel_loop3A_1487 = arith.index_cast %parallel_loop3A_1430 : i32 to index
      %parallel_loop3A_1488 = tpu.vector_load %arg6[%parallel_loop3A_1485, %parallel_loop3A_1486, %parallel_loop3A_1487] {strides = array<i32>} : memref<3x32x1024xf32, #tpu.memory_space<vmem>>, vector<1x1x16xf32>,
      %parallel_loop3A_1489 = vector.shape_cast %parallel_loop3A_1488 : vector<1x1x16xf32> to vector<16xf32>
      %parallel_loop3A_1490 = vector.shape_cast %parallel_loop3A_1481 : vector<16xf32> to vector<1x1x16xf32>
      tpu.vector_store %arg6[%parallel_loop3A_1485, %parallel_loop3A_1486, %parallel_loop3A_1487], %parallel_loop3A_1490 {strides = array<i32>} : memref<3x32x1024xf32, #tpu.memory_space<vmem>>, vector<1x1x16xf32>,
      %parallel_loop3A_1491 = arith.constant 24 : i32
      %parallel_loop3A_1492 = arith.addi %parallel_loop3A_1491, %parallel_loop3A_1412 : i32
      %parallel_loop3A_1493 = arith.constant 1 : i32
      %parallel_loop3A_1494 = arith.index_cast %parallel_loop3A_1493 : i32 to index
      %parallel_loop3A_1495 = arith.index_cast %parallel_loop3A_1492 : i32 to index
      %parallel_loop3A_1496 = arith.index_cast %parallel_loop3A_1430 : i32 to index
      %parallel_loop3A_1497 = tpu.vector_load %arg6[%parallel_loop3A_1494, %parallel_loop3A_1495, %parallel_loop3A_1496] {strides = array<i32>} : memref<3x32x1024xf32, #tpu.memory_space<vmem>>, vector<1x1x16xf32>,
      %parallel_loop3A_1498 = vector.shape_cast %parallel_loop3A_1497 : vector<1x1x16xf32> to vector<16xf32>
      %parallel_loop3A_1499 = arith.constant 3.200000e+01 : f32
      %parallel_loop3A_1500 = vector.broadcast %parallel_loop3A_1499 : f32 to vector<16xf32>
      %parallel_loop3A_1501 = arith.mulf %parallel_loop3A_1498, %parallel_loop3A_1500 : vector<16xf32>
      %parallel_loop3A_1502 = arith.constant 24 : i32
      %parallel_loop3A_1503 = arith.addi %parallel_loop3A_1502, %parallel_loop3A_1412 : i32
      %parallel_loop3A_1504 = arith.constant 1 : i32
      %parallel_loop3A_1505 = arith.index_cast %parallel_loop3A_1504 : i32 to index
      %parallel_loop3A_1506 = arith.index_cast %parallel_loop3A_1503 : i32 to index
      %parallel_loop3A_1507 = arith.index_cast %parallel_loop3A_1430 : i32 to index
      %parallel_loop3A_1508 = tpu.vector_load %arg6[%parallel_loop3A_1505, %parallel_loop3A_1506, %parallel_loop3A_1507] {strides = array<i32>} : memref<3x32x1024xf32, #tpu.memory_space<vmem>>, vector<1x1x16xf32>,
      %parallel_loop3A_1509 = vector.shape_cast %parallel_loop3A_1508 : vector<1x1x16xf32> to vector<16xf32>
      %parallel_loop3A_1510 = vector.shape_cast %parallel_loop3A_1501 : vector<16xf32> to vector<1x1x16xf32>
      tpu.vector_store %arg6[%parallel_loop3A_1505, %parallel_loop3A_1506, %parallel_loop3A_1507], %parallel_loop3A_1510 {strides = array<i32>} : memref<3x32x1024xf32, #tpu.memory_space<vmem>>, vector<1x1x16xf32>,
    } {sc.loop_unroll_factor = 2 : i64, sc.parallel_access}
    %add3A_674 = arith.constant 0 : i32
    %add3A_675 = arith.addi %add3A_674, %mul3A_2 : i32
    %add3A_676 = arith.constant 32 : i32
    %add3A_677 = arith.addi %add3A_675, %add3A_676 : i32
    %dma_start3A_678 = arith.constant 1 : i32
    %dma_start3A_679 = arith.constant 1 : i32
    %dma_start3A_680 = arith.constant 0 : i32
    %dma_start3A_681 = arith.constant 0 : i32
    %dma_start3A_682 = tpu.memref_slice %arg6[%dma_start3A_678, %dma_start3A_680, %dma_start3A_681] : memref<3x32x1024xf32, #tpu.memory_space<vmem>> -> memref<1x8x1024xf32, #tpu.memory_space<vmem>>
    %dma_start3A_683 = tpu.memref_squeeze %dma_start3A_682 : memref<1x8x1024xf32, #tpu.memory_space<vmem>> -> memref<8x1024xf32, #tpu.memory_space<vmem>>
    %dma_start3A_684 = arith.constant 0 : i32
    %dma_start3A_685 = tpu.memref_slice %arg4[%add3A_677, %dma_start3A_684] : memref<8192x1024xf32, #tpu.memory_space<hbm>> -> memref<8x1024xf32, #tpu.memory_space<hbm>>
    %dma_start3A_686 = tpu.memref_slice %arg8[%dma_start3A_679] : memref<3x!tpu.dma_semaphore, #tpu.memory_space<semaphore_mem>> -> memref<1x!tpu.dma_semaphore, #tpu.memory_space<semaphore_mem>>
    %dma_start3A_687 = tpu.memref_squeeze %dma_start3A_686 : memref<1x!tpu.dma_semaphore, #tpu.memory_space<semaphore_mem>> -> memref<!tpu.dma_semaphore, #tpu.memory_space<semaphore_mem>>
    %dma_start3A_688 = arith.constant 0 : i32
    %dma_start3A_689 = tpu.memref_slice %arg4[%add3A_677, %dma_start3A_688] : memref<8192x1024xf32, #tpu.memory_space<hbm>> -> memref<8x1024xf32, #tpu.memory_space<hbm>>
    %dma_start3A_690 = arith.constant 0 : i32
    %dma_start3A_691 = arith.constant 0 : i32
    %dma_start3A_692 = tpu.memref_slice %arg6[%dma_start3A_678, %dma_start3A_690, %dma_start3A_691] : memref<3x32x1024xf32, #tpu.memory_space<vmem>> -> memref<1x8x1024xf32, #tpu.memory_space<vmem>>
    %dma_start3A_693 = tpu.memref_squeeze %dma_start3A_692 : memref<1x8x1024xf32, #tpu.memory_space<vmem>> -> memref<8x1024xf32, #tpu.memory_space<vmem>>
    tpu.enqueue_dma source(%dma_start3A_693 : memref<8x1024xf32, #tpu.memory_space<vmem>>) target(%dma_start3A_689 : memref<8x1024xf32, #tpu.memory_space<hbm>>) target_semaphore(%dma_start3A_687 : memref<!tpu.dma_semaphore, #tpu.memory_space<semaphore_mem>>)
    %add3A_694 = arith.constant 2048 : i32
    %add3A_695 = arith.addi %add3A_694, %mul3A_2 : i32
    %add3A_696 = arith.constant 32 : i32
    %add3A_697 = arith.addi %add3A_695, %add3A_696 : i32
    %dma_start3A_698 = arith.constant 1 : i32
    %dma_start3A_699 = arith.constant 1 : i32
    %dma_start3A_700 = arith.constant 8 : i32
    %dma_start3A_701 = arith.constant 0 : i32
    %dma_start3A_702 = tpu.memref_slice %arg6[%dma_start3A_698, %dma_start3A_700, %dma_start3A_701] : memref<3x32x1024xf32, #tpu.memory_space<vmem>> -> memref<1x8x1024xf32, #tpu.memory_space<vmem>>
    %dma_start3A_703 = tpu.memref_squeeze %dma_start3A_702 : memref<1x8x1024xf32, #tpu.memory_space<vmem>> -> memref<8x1024xf32, #tpu.memory_space<vmem>>
    %dma_start3A_704 = arith.constant 0 : i32
    %dma_start3A_705 = tpu.memref_slice %arg4[%add3A_697, %dma_start3A_704] : memref<8192x1024xf32, #tpu.memory_space<hbm>> -> memref<8x1024xf32, #tpu.memory_space<hbm>>
    %dma_start3A_706 = tpu.memref_slice %arg8[%dma_start3A_699] : memref<3x!tpu.dma_semaphore, #tpu.memory_space<semaphore_mem>> -> memref<1x!tpu.dma_semaphore, #tpu.memory_space<semaphore_mem>>
    %dma_start3A_707 = tpu.memref_squeeze %dma_start3A_706 : memref<1x!tpu.dma_semaphore, #tpu.memory_space<semaphore_mem>> -> memref<!tpu.dma_semaphore, #tpu.memory_space<semaphore_mem>>
    %dma_start3A_708 = arith.constant 0 : i32
    %dma_start3A_709 = tpu.memref_slice %arg4[%add3A_697, %dma_start3A_708] : memref<8192x1024xf32, #tpu.memory_space<hbm>> -> memref<8x1024xf32, #tpu.memory_space<hbm>>
    %dma_start3A_710 = arith.constant 8 : i32
    %dma_start3A_711 = arith.constant 0 : i32
    %dma_start3A_712 = tpu.memref_slice %arg6[%dma_start3A_698, %dma_start3A_710, %dma_start3A_711] : memref<3x32x1024xf32, #tpu.memory_space<vmem>> -> memref<1x8x1024xf32, #tpu.memory_space<vmem>>
    %dma_start3A_713 = tpu.memref_squeeze %dma_start3A_712 : memref<1x8x1024xf32, #tpu.memory_space<vmem>> -> memref<8x1024xf32, #tpu.memory_space<vmem>>
    tpu.enqueue_dma source(%dma_start3A_713 : memref<8x1024xf32, #tpu.memory_space<vmem>>) target(%dma_start3A_709 : memref<8x1024xf32, #tpu.memory_space<hbm>>) target_semaphore(%dma_start3A_707 : memref<!tpu.dma_semaphore, #tpu.memory_space<semaphore_mem>>)
    %add3A_714 = arith.constant 4096 : i32
    %add3A_715 = arith.addi %add3A_714, %mul3A_2 : i32
    %add3A_716 = arith.constant 32 : i32
    %add3A_717 = arith.addi %add3A_715, %add3A_716 : i32
    %dma_start3A_718 = arith.constant 1 : i32
    %dma_start3A_719 = arith.constant 1 : i32
    %dma_start3A_720 = arith.constant 16 : i32
    %dma_start3A_721 = arith.constant 0 : i32
    %dma_start3A_722 = tpu.memref_slice %arg6[%dma_start3A_718, %dma_start3A_720, %dma_start3A_721] : memref<3x32x1024xf32, #tpu.memory_space<vmem>> -> memref<1x8x1024xf32, #tpu.memory_space<vmem>>
    %dma_start3A_723 = tpu.memref_squeeze %dma_start3A_722 : memref<1x8x1024xf32, #tpu.memory_space<vmem>> -> memref<8x1024xf32, #tpu.memory_space<vmem>>
    %dma_start3A_724 = arith.constant 0 : i32
    %dma_start3A_725 = tpu.memref_slice %arg4[%add3A_717, %dma_start3A_724] : memref<8192x1024xf32, #tpu.memory_space<hbm>> -> memref<8x1024xf32, #tpu.memory_space<hbm>>
    %dma_start3A_726 = tpu.memref_slice %arg8[%dma_start3A_719] : memref<3x!tpu.dma_semaphore, #tpu.memory_space<semaphore_mem>> -> memref<1x!tpu.dma_semaphore, #tpu.memory_space<semaphore_mem>>
    %dma_start3A_727 = tpu.memref_squeeze %dma_start3A_726 : memref<1x!tpu.dma_semaphore, #tpu.memory_space<semaphore_mem>> -> memref<!tpu.dma_semaphore, #tpu.memory_space<semaphore_mem>>
    %dma_start3A_728 = arith.constant 0 : i32
    %dma_start3A_729 = tpu.memref_slice %arg4[%add3A_717, %dma_start3A_728] : memref<8192x1024xf32, #tpu.memory_space<hbm>> -> memref<8x1024xf32, #tpu.memory_space<hbm>>
    %dma_start3A_730 = arith.constant 16 : i32
    %dma_start3A_731 = arith.constant 0 : i32
    %dma_start3A_732 = tpu.memref_slice %arg6[%dma_start3A_718, %dma_start3A_730, %dma_start3A_731] : memref<3x32x1024xf32, #tpu.memory_space<vmem>> -> memref<1x8x1024xf32, #tpu.memory_space<vmem>>
    %dma_start3A_733 = tpu.memref_squeeze %dma_start3A_732 : memref<1x8x1024xf32, #tpu.memory_space<vmem>> -> memref<8x1024xf32, #tpu.memory_space<vmem>>
    tpu.enqueue_dma source(%dma_start3A_733 : memref<8x1024xf32, #tpu.memory_space<vmem>>) target(%dma_start3A_729 : memref<8x1024xf32, #tpu.memory_space<hbm>>) target_semaphore(%dma_start3A_727 : memref<!tpu.dma_semaphore, #tpu.memory_space<semaphore_mem>>)
    %add3A_734 = arith.constant 6144 : i32
    %add3A_735 = arith.addi %add3A_734, %mul3A_2 : i32
    %add3A_736 = arith.constant 32 : i32
    %add3A_737 = arith.addi %add3A_735, %add3A_736 : i32
    %dma_start3A_738 = arith.constant 1 : i32
    %dma_start3A_739 = arith.constant 1 : i32
    %dma_start3A_740 = arith.constant 24 : i32
    %dma_start3A_741 = arith.constant 0 : i32
    %dma_start3A_742 = tpu.memref_slice %arg6[%dma_start3A_738, %dma_start3A_740, %dma_start3A_741] : memref<3x32x1024xf32, #tpu.memory_space<vmem>> -> memref<1x8x1024xf32, #tpu.memory_space<vmem>>
    %dma_start3A_743 = tpu.memref_squeeze %dma_start3A_742 : memref<1x8x1024xf32, #tpu.memory_space<vmem>> -> memref<8x1024xf32, #tpu.memory_space<vmem>>
    %dma_start3A_744 = arith.constant 0 : i32
    %dma_start3A_745 = tpu.memref_slice %arg4[%add3A_737, %dma_start3A_744] : memref<8192x1024xf32, #tpu.memory_space<hbm>> -> memref<8x1024xf32, #tpu.memory_space<hbm>>
    %dma_start3A_746 = tpu.memref_slice %arg8[%dma_start3A_739] : memref<3x!tpu.dma_semaphore, #tpu.memory_space<semaphore_mem>> -> memref<1x!tpu.dma_semaphore, #tpu.memory_space<semaphore_mem>>
    %dma_start3A_747 = tpu.memref_squeeze %dma_start3A_746 : memref<1x!tpu.dma_semaphore, #tpu.memory_space<semaphore_mem>> -> memref<!tpu.dma_semaphore, #tpu.memory_space<semaphore_mem>>
    %dma_start3A_748 = arith.constant 0 : i32
    %dma_start3A_749 = tpu.memref_slice %arg4[%add3A_737, %dma_start3A_748] : memref<8192x1024xf32, #tpu.memory_space<hbm>> -> memref<8x1024xf32, #tpu.memory_space<hbm>>
    %dma_start3A_750 = arith.constant 24 : i32
    %dma_start3A_751 = arith.constant 0 : i32
    %dma_start3A_752 = tpu.memref_slice %arg6[%dma_start3A_738, %dma_start3A_750, %dma_start3A_751] : memref<3x32x1024xf32, #tpu.memory_space<vmem>> -> memref<1x8x1024xf32, #tpu.memory_space<vmem>>
    %dma_start3A_753 = tpu.memref_squeeze %dma_start3A_752 : memref<1x8x1024xf32, #tpu.memory_space<vmem>> -> memref<8x1024xf32, #tpu.memory_space<vmem>>
    tpu.enqueue_dma source(%dma_start3A_753 : memref<8x1024xf32, #tpu.memory_space<vmem>>) target(%dma_start3A_749 : memref<8x1024xf32, #tpu.memory_space<hbm>>) target_semaphore(%dma_start3A_747 : memref<!tpu.dma_semaphore, #tpu.memory_space<semaphore_mem>>)
    %dma_wait3A_754 = arith.constant 2 : i32
    %dma_wait3A_755 = arith.constant 2 : i32
    %dma_wait3A_756 = arith.constant 0 : i32
    %dma_wait3A_757 = arith.constant 0 : i32
    %dma_wait3A_758 = tpu.memref_slice %arg6[%dma_wait3A_754, %dma_wait3A_756, %dma_wait3A_757] : memref<3x32x1024xf32, #tpu.memory_space<vmem>> -> memref<1x32x1024xf32, #tpu.memory_space<vmem>>
    %dma_wait3A_759 = tpu.memref_squeeze %dma_wait3A_758 : memref<1x32x1024xf32, #tpu.memory_space<vmem>> -> memref<32x1024xf32, #tpu.memory_space<vmem>>
    %dma_wait3A_760 = arith.constant 160 : i32
    %dma_wait3A_761 = tpu.memref_slice %arg5[%dma_wait3A_760] : memref<256xi32, #tpu.memory_space<vmem>> -> memref<32xi32, #tpu.memory_space<vmem>>
    %dma_wait3A_762 = arith.constant 0 : i32
    %dma_wait3A_763 = arith.constant 0 : i32
    %dma_wait3A_764 = tpu.memref_slice %arg2[%dma_wait3A_762, %dma_wait3A_763] : memref<100000x1024xf32, #tpu.memory_space<hbm>> -> memref<100000x1024xf32, #tpu.memory_space<hbm>>
    %dma_wait3A_765 = tpu.memref_slice %arg7[%dma_wait3A_755] : memref<3x!tpu.dma_semaphore, #tpu.memory_space<semaphore_mem>> -> memref<1x!tpu.dma_semaphore, #tpu.memory_space<semaphore_mem>>
    %dma_wait3A_766 = tpu.memref_squeeze %dma_wait3A_765 : memref<1x!tpu.dma_semaphore, #tpu.memory_space<semaphore_mem>> -> memref<!tpu.dma_semaphore, #tpu.memory_space<semaphore_mem>>
    tpu.wait_indirect_dma semaphore(%dma_wait3A_766 : memref<!tpu.dma_semaphore, #tpu.memory_space<semaphore_mem>>) src(%dma_wait3A_764 : memref<100000x1024xf32, #tpu.memory_space<hbm>>) dst(%dma_wait3A_759 : memref<32x1024xf32, #tpu.memory_space<vmem>>)
    %dma_wait3A_767 = arith.constant 0 : i32
    %dma_wait3A_768 = arith.constant 0 : i32
    %dma_wait3A_769 = arith.constant 0 : i32
    %dma_wait3A_770 = arith.constant 0 : i32
    %dma_wait3A_771 = tpu.memref_slice %arg6[%dma_wait3A_767, %dma_wait3A_769, %dma_wait3A_770] : memref<3x32x1024xf32, #tpu.memory_space<vmem>> -> memref<1x8x1024xf32, #tpu.memory_space<vmem>>
    %dma_wait3A_772 = tpu.memref_squeeze %dma_wait3A_771 : memref<1x8x1024xf32, #tpu.memory_space<vmem>> -> memref<8x1024xf32, #tpu.memory_space<vmem>>
    %dma_wait3A_773 = arith.constant 0 : i32
    %dma_wait3A_774 = tpu.memref_slice %arg4[%add3A_504, %dma_wait3A_773] : memref<8192x1024xf32, #tpu.memory_space<hbm>> -> memref<8x1024xf32, #tpu.memory_space<hbm>>
    %dma_wait3A_775 = tpu.memref_slice %arg8[%dma_wait3A_768] : memref<3x!tpu.dma_semaphore, #tpu.memory_space<semaphore_mem>> -> memref<1x!tpu.dma_semaphore, #tpu.memory_space<semaphore_mem>>
    %dma_wait3A_776 = tpu.memref_squeeze %dma_wait3A_775 : memref<1x!tpu.dma_semaphore, #tpu.memory_space<semaphore_mem>> -> memref<!tpu.dma_semaphore, #tpu.memory_space<semaphore_mem>>
    %dma_wait3A_777 = arith.constant 0 : i32
    %dma_wait3A_778 = tpu.memref_slice %arg4[%add3A_504, %dma_wait3A_777] : memref<8192x1024xf32, #tpu.memory_space<hbm>> -> memref<8x1024xf32, #tpu.memory_space<hbm>>
    %dma_wait3A_779 = arith.constant 0 : i32
    %dma_wait3A_780 = arith.constant 0 : i32
    %dma_wait3A_781 = tpu.memref_slice %arg6[%dma_wait3A_767, %dma_wait3A_779, %dma_wait3A_780] : memref<3x32x1024xf32, #tpu.memory_space<vmem>> -> memref<1x8x1024xf32, #tpu.memory_space<vmem>>
    %dma_wait3A_782 = tpu.memref_squeeze %dma_wait3A_781 : memref<1x8x1024xf32, #tpu.memory_space<vmem>> -> memref<8x1024xf32, #tpu.memory_space<vmem>>
    tpu.wait_dma2 semaphore(%dma_wait3A_776 : memref<!tpu.dma_semaphore, #tpu.memory_space<semaphore_mem>>) src(%dma_wait3A_782 : memref<8x1024xf32, #tpu.memory_space<vmem>>) dst(%dma_wait3A_778 : memref<8x1024xf32, #tpu.memory_space<hbm>>)
    %dma_wait3A_783 = arith.constant 0 : i32
    %dma_wait3A_784 = arith.constant 0 : i32
    %dma_wait3A_785 = arith.constant 8 : i32
    %dma_wait3A_786 = arith.constant 0 : i32
    %dma_wait3A_787 = tpu.memref_slice %arg6[%dma_wait3A_783, %dma_wait3A_785, %dma_wait3A_786] : memref<3x32x1024xf32, #tpu.memory_space<vmem>> -> memref<1x8x1024xf32, #tpu.memory_space<vmem>>
    %dma_wait3A_788 = tpu.memref_squeeze %dma_wait3A_787 : memref<1x8x1024xf32, #tpu.memory_space<vmem>> -> memref<8x1024xf32, #tpu.memory_space<vmem>>
    %dma_wait3A_789 = arith.constant 0 : i32
    %dma_wait3A_790 = tpu.memref_slice %arg4[%add3A_524, %dma_wait3A_789] : memref<8192x1024xf32, #tpu.memory_space<hbm>> -> memref<8x1024xf32, #tpu.memory_space<hbm>>
    %dma_wait3A_791 = tpu.memref_slice %arg8[%dma_wait3A_784] : memref<3x!tpu.dma_semaphore, #tpu.memory_space<semaphore_mem>> -> memref<1x!tpu.dma_semaphore, #tpu.memory_space<semaphore_mem>>
    %dma_wait3A_792 = tpu.memref_squeeze %dma_wait3A_791 : memref<1x!tpu.dma_semaphore, #tpu.memory_space<semaphore_mem>> -> memref<!tpu.dma_semaphore, #tpu.memory_space<semaphore_mem>>
    %dma_wait3A_793 = arith.constant 0 : i32
    %dma_wait3A_794 = tpu.memref_slice %arg4[%add3A_524, %dma_wait3A_793] : memref<8192x1024xf32, #tpu.memory_space<hbm>> -> memref<8x1024xf32, #tpu.memory_space<hbm>>
    %dma_wait3A_795 = arith.constant 8 : i32
    %dma_wait3A_796 = arith.constant 0 : i32
    %dma_wait3A_797 = tpu.memref_slice %arg6[%dma_wait3A_783, %dma_wait3A_795, %dma_wait3A_796] : memref<3x32x1024xf32, #tpu.memory_space<vmem>> -> memref<1x8x1024xf32, #tpu.memory_space<vmem>>
    %dma_wait3A_798 = tpu.memref_squeeze %dma_wait3A_797 : memref<1x8x1024xf32, #tpu.memory_space<vmem>> -> memref<8x1024xf32, #tpu.memory_space<vmem>>
    tpu.wait_dma2 semaphore(%dma_wait3A_792 : memref<!tpu.dma_semaphore, #tpu.memory_space<semaphore_mem>>) src(%dma_wait3A_798 : memref<8x1024xf32, #tpu.memory_space<vmem>>) dst(%dma_wait3A_794 : memref<8x1024xf32, #tpu.memory_space<hbm>>)
    %dma_wait3A_799 = arith.constant 0 : i32
    %dma_wait3A_800 = arith.constant 0 : i32
    %dma_wait3A_801 = arith.constant 16 : i32
    %dma_wait3A_802 = arith.constant 0 : i32
    %dma_wait3A_803 = tpu.memref_slice %arg6[%dma_wait3A_799, %dma_wait3A_801, %dma_wait3A_802] : memref<3x32x1024xf32, #tpu.memory_space<vmem>> -> memref<1x8x1024xf32, #tpu.memory_space<vmem>>
    %dma_wait3A_804 = tpu.memref_squeeze %dma_wait3A_803 : memref<1x8x1024xf32, #tpu.memory_space<vmem>> -> memref<8x1024xf32, #tpu.memory_space<vmem>>
    %dma_wait3A_805 = arith.constant 0 : i32
    %dma_wait3A_806 = tpu.memref_slice %arg4[%add3A_544, %dma_wait3A_805] : memref<8192x1024xf32, #tpu.memory_space<hbm>> -> memref<8x1024xf32, #tpu.memory_space<hbm>>
    %dma_wait3A_807 = tpu.memref_slice %arg8[%dma_wait3A_800] : memref<3x!tpu.dma_semaphore, #tpu.memory_space<semaphore_mem>> -> memref<1x!tpu.dma_semaphore, #tpu.memory_space<semaphore_mem>>
    %dma_wait3A_808 = tpu.memref_squeeze %dma_wait3A_807 : memref<1x!tpu.dma_semaphore, #tpu.memory_space<semaphore_mem>> -> memref<!tpu.dma_semaphore, #tpu.memory_space<semaphore_mem>>
    %dma_wait3A_809 = arith.constant 0 : i32
    %dma_wait3A_810 = tpu.memref_slice %arg4[%add3A_544, %dma_wait3A_809] : memref<8192x1024xf32, #tpu.memory_space<hbm>> -> memref<8x1024xf32, #tpu.memory_space<hbm>>
    %dma_wait3A_811 = arith.constant 16 : i32
    %dma_wait3A_812 = arith.constant 0 : i32
    %dma_wait3A_813 = tpu.memref_slice %arg6[%dma_wait3A_799, %dma_wait3A_811, %dma_wait3A_812] : memref<3x32x1024xf32, #tpu.memory_space<vmem>> -> memref<1x8x1024xf32, #tpu.memory_space<vmem>>
    %dma_wait3A_814 = tpu.memref_squeeze %dma_wait3A_813 : memref<1x8x1024xf32, #tpu.memory_space<vmem>> -> memref<8x1024xf32, #tpu.memory_space<vmem>>
    tpu.wait_dma2 semaphore(%dma_wait3A_808 : memref<!tpu.dma_semaphore, #tpu.memory_space<semaphore_mem>>) src(%dma_wait3A_814 : memref<8x1024xf32, #tpu.memory_space<vmem>>) dst(%dma_wait3A_810 : memref<8x1024xf32, #tpu.memory_space<hbm>>)
    %dma_wait3A_815 = arith.constant 0 : i32
    %dma_wait3A_816 = arith.constant 0 : i32
    %dma_wait3A_817 = arith.constant 24 : i32
    %dma_wait3A_818 = arith.constant 0 : i32
    %dma_wait3A_819 = tpu.memref_slice %arg6[%dma_wait3A_815, %dma_wait3A_817, %dma_wait3A_818] : memref<3x32x1024xf32, #tpu.memory_space<vmem>> -> memref<1x8x1024xf32, #tpu.memory_space<vmem>>
    %dma_wait3A_820 = tpu.memref_squeeze %dma_wait3A_819 : memref<1x8x1024xf32, #tpu.memory_space<vmem>> -> memref<8x1024xf32, #tpu.memory_space<vmem>>
    %dma_wait3A_821 = arith.constant 0 : i32
    %dma_wait3A_822 = tpu.memref_slice %arg4[%add3A_564, %dma_wait3A_821] : memref<8192x1024xf32, #tpu.memory_space<hbm>> -> memref<8x1024xf32, #tpu.memory_space<hbm>>
    %dma_wait3A_823 = tpu.memref_slice %arg8[%dma_wait3A_816] : memref<3x!tpu.dma_semaphore, #tpu.memory_space<semaphore_mem>> -> memref<1x!tpu.dma_semaphore, #tpu.memory_space<semaphore_mem>>
    %dma_wait3A_824 = tpu.memref_squeeze %dma_wait3A_823 : memref<1x!tpu.dma_semaphore, #tpu.memory_space<semaphore_mem>> -> memref<!tpu.dma_semaphore, #tpu.memory_space<semaphore_mem>>
    %dma_wait3A_825 = arith.constant 0 : i32
    %dma_wait3A_826 = tpu.memref_slice %arg4[%add3A_564, %dma_wait3A_825] : memref<8192x1024xf32, #tpu.memory_space<hbm>> -> memref<8x1024xf32, #tpu.memory_space<hbm>>
    %dma_wait3A_827 = arith.constant 24 : i32
    %dma_wait3A_828 = arith.constant 0 : i32
    %dma_wait3A_829 = tpu.memref_slice %arg6[%dma_wait3A_815, %dma_wait3A_827, %dma_wait3A_828] : memref<3x32x1024xf32, #tpu.memory_space<vmem>> -> memref<1x8x1024xf32, #tpu.memory_space<vmem>>
    %dma_wait3A_830 = tpu.memref_squeeze %dma_wait3A_829 : memref<1x8x1024xf32, #tpu.memory_space<vmem>> -> memref<8x1024xf32, #tpu.memory_space<vmem>>
    tpu.wait_dma2 semaphore(%dma_wait3A_824 : memref<!tpu.dma_semaphore, #tpu.memory_space<semaphore_mem>>) src(%dma_wait3A_830 : memref<8x1024xf32, #tpu.memory_space<vmem>>) dst(%dma_wait3A_826 : memref<8x1024xf32, #tpu.memory_space<hbm>>)
    %dma_start3A_831 = arith.constant 0 : i32
    %dma_start3A_832 = arith.constant 0 : i32
    %dma_start3A_833 = arith.constant 0 : i32
    %dma_start3A_834 = arith.constant 0 : i32
    %dma_start3A_835 = tpu.memref_slice %arg6[%dma_start3A_831, %dma_start3A_833, %dma_start3A_834] : memref<3x32x1024xf32, #tpu.memory_space<vmem>> -> memref<1x32x1024xf32, #tpu.memory_space<vmem>>
    %dma_start3A_836 = tpu.memref_squeeze %dma_start3A_835 : memref<1x32x1024xf32, #tpu.memory_space<vmem>> -> memref<32x1024xf32, #tpu.memory_space<vmem>>
    %dma_start3A_837 = arith.constant 192 : i32
    %dma_start3A_838 = tpu.memref_slice %arg5[%dma_start3A_837] : memref<256xi32, #tpu.memory_space<vmem>> -> memref<32xi32, #tpu.memory_space<vmem>>
    %dma_start3A_839 = arith.constant 0 : i32
    %dma_start3A_840 = arith.constant 0 : i32
    %dma_start3A_841 = tpu.memref_slice %arg2[%dma_start3A_839, %dma_start3A_840] : memref<100000x1024xf32, #tpu.memory_space<hbm>> -> memref<100000x1024xf32, #tpu.memory_space<hbm>>
    %dma_start3A_842 = tpu.memref_slice %arg7[%dma_start3A_832] : memref<3x!tpu.dma_semaphore, #tpu.memory_space<semaphore_mem>> -> memref<1x!tpu.dma_semaphore, #tpu.memory_space<semaphore_mem>>
    %dma_start3A_843 = tpu.memref_squeeze %dma_start3A_842 : memref<1x!tpu.dma_semaphore, #tpu.memory_space<semaphore_mem>> -> memref<!tpu.dma_semaphore, #tpu.memory_space<semaphore_mem>>
    tpu.enqueue_indirect_dma source(%dma_start3A_841 : memref<100000x1024xf32, #tpu.memory_space<hbm>>) target(%dma_start3A_836 : memref<32x1024xf32, #tpu.memory_space<vmem>>) offsets(%dma_start3A_838 : memref<32xi32, #tpu.memory_space<vmem>>) semaphore(%dma_start3A_843 : memref<!tpu.dma_semaphore, #tpu.memory_space<semaphore_mem>>)
    %parallel_loop3A_844 = arith.constant 0 : i32
    %parallel_loop3A_845 = arith.constant 512 : i32
    %parallel_loop3A_846 = arith.constant 1 : i32
    scf.for %parallel_loop3A_1388 = %parallel_loop3A_844 to %parallel_loop3A_845 step %parallel_loop3A_846  : i32 {
      %parallel_loop3A_1389 = arith.constant 64 : i32
      %parallel_loop3A_1390 = arith.divsi %parallel_loop3A_1388, %parallel_loop3A_1389 : i32
      %parallel_loop3A_1391 = arith.constant 0 : i32
      %parallel_loop3A_1392 = arith.cmpi sgt, %parallel_loop3A_1388, %parallel_loop3A_1391 : i32
      %parallel_loop3A_1393 = arith.extui %parallel_loop3A_1392 : i1 to i32
      %parallel_loop3A_1394 = arith.constant 0 : i32
      %parallel_loop3A_1395 = arith.cmpi slt, %parallel_loop3A_1388, %parallel_loop3A_1394 : i32
      %parallel_loop3A_1396 = arith.extui %parallel_loop3A_1395 : i1 to i32
      %parallel_loop3A_1397 = arith.subi %parallel_loop3A_1393, %parallel_loop3A_1396 : i32
      %parallel_loop3A_1398 = arith.constant 0 : i32
      %parallel_loop3A_1399 = arith.cmpi sgt, %parallel_loop3A_1389, %parallel_loop3A_1398 : i32
      %parallel_loop3A_1400 = arith.extui %parallel_loop3A_1399 : i1 to i32
      %parallel_loop3A_1401 = arith.constant 0 : i32
      %parallel_loop3A_1402 = arith.cmpi slt, %parallel_loop3A_1389, %parallel_loop3A_1401 : i32
      %parallel_loop3A_1403 = arith.extui %parallel_loop3A_1402 : i1 to i32
      %parallel_loop3A_1404 = arith.subi %parallel_loop3A_1400, %parallel_loop3A_1403 : i32
      %parallel_loop3A_1405 = arith.cmpi ne, %parallel_loop3A_1397, %parallel_loop3A_1404 : i32
      %parallel_loop3A_1406 = arith.remsi %parallel_loop3A_1388, %parallel_loop3A_1389 : i32
      %parallel_loop3A_1407 = arith.constant 0 : i32
      %parallel_loop3A_1408 = arith.cmpi ne, %parallel_loop3A_1406, %parallel_loop3A_1407 : i32
      %parallel_loop3A_1409 = arith.andi %parallel_loop3A_1405, %parallel_loop3A_1408 : i1
      %parallel_loop3A_1410 = arith.constant 1 : i32
      %parallel_loop3A_1411 = arith.subi %parallel_loop3A_1390, %parallel_loop3A_1410 : i32
      %parallel_loop3A_1412 = arith.select %parallel_loop3A_1409, %parallel_loop3A_1411, %parallel_loop3A_1390 : i32
      %parallel_loop3A_1413 = arith.constant 64 : i32
      %parallel_loop3A_1414 = arith.constant 0 : i32
      %parallel_loop3A_1415 = arith.cmpi eq, %parallel_loop3A_1413, %parallel_loop3A_1414 : i32
      %parallel_loop3A_1416 = arith.constant 1 : i32
      %parallel_loop3A_1417 = arith.select %parallel_loop3A_1415, %parallel_loop3A_1416, %parallel_loop3A_1413 : i32
      %parallel_loop3A_1418 = arith.remsi %parallel_loop3A_1388, %parallel_loop3A_1417 : i32
      %parallel_loop3A_1419 = arith.constant 0 : i32
      %parallel_loop3A_1420 = arith.cmpi ne, %parallel_loop3A_1418, %parallel_loop3A_1419 : i32
      %parallel_loop3A_1421 = arith.constant 0 : i32
      %parallel_loop3A_1422 = arith.cmpi slt, %parallel_loop3A_1418, %parallel_loop3A_1421 : i32
      %parallel_loop3A_1423 = arith.constant 0 : i32
      %parallel_loop3A_1424 = arith.cmpi slt, %parallel_loop3A_1417, %parallel_loop3A_1423 : i32
      %parallel_loop3A_1425 = arith.xori %parallel_loop3A_1422, %parallel_loop3A_1424 : i1
      %parallel_loop3A_1426 = arith.andi %parallel_loop3A_1425, %parallel_loop3A_1420 : i1
      %parallel_loop3A_1427 = arith.addi %parallel_loop3A_1418, %parallel_loop3A_1417 : i32
      %parallel_loop3A_1428 = arith.select %parallel_loop3A_1426, %parallel_loop3A_1427, %parallel_loop3A_1418 : i32
      %parallel_loop3A_1429 = arith.constant 16 : i32
      %parallel_loop3A_1430 = arith.muli %parallel_loop3A_1428, %parallel_loop3A_1429 : i32
      %parallel_loop3A_1431 = arith.constant 0 : i32
      %parallel_loop3A_1432 = arith.addi %parallel_loop3A_1431, %parallel_loop3A_1412 : i32
      %parallel_loop3A_1433 = arith.constant 2 : i32
      %parallel_loop3A_1434 = arith.index_cast %parallel_loop3A_1433 : i32 to index
      %parallel_loop3A_1435 = arith.index_cast %parallel_loop3A_1432 : i32 to index
      %parallel_loop3A_1436 = arith.index_cast %parallel_loop3A_1430 : i32 to index
      %parallel_loop3A_1437 = tpu.vector_load %arg6[%parallel_loop3A_1434, %parallel_loop3A_1435, %parallel_loop3A_1436] {strides = array<i32>} : memref<3x32x1024xf32, #tpu.memory_space<vmem>>, vector<1x1x16xf32>,
      %parallel_loop3A_1438 = vector.shape_cast %parallel_loop3A_1437 : vector<1x1x16xf32> to vector<16xf32>
      %parallel_loop3A_1439 = arith.constant 3.200000e+01 : f32
      %parallel_loop3A_1440 = vector.broadcast %parallel_loop3A_1439 : f32 to vector<16xf32>
      %parallel_loop3A_1441 = arith.mulf %parallel_loop3A_1438, %parallel_loop3A_1440 : vector<16xf32>
      %parallel_loop3A_1442 = arith.constant 0 : i32
      %parallel_loop3A_1443 = arith.addi %parallel_loop3A_1442, %parallel_loop3A_1412 : i32
      %parallel_loop3A_1444 = arith.constant 2 : i32
      %parallel_loop3A_1445 = arith.index_cast %parallel_loop3A_1444 : i32 to index
      %parallel_loop3A_1446 = arith.index_cast %parallel_loop3A_1443 : i32 to index
      %parallel_loop3A_1447 = arith.index_cast %parallel_loop3A_1430 : i32 to index
      %parallel_loop3A_1448 = tpu.vector_load %arg6[%parallel_loop3A_1445, %parallel_loop3A_1446, %parallel_loop3A_1447] {strides = array<i32>} : memref<3x32x1024xf32, #tpu.memory_space<vmem>>, vector<1x1x16xf32>,
      %parallel_loop3A_1449 = vector.shape_cast %parallel_loop3A_1448 : vector<1x1x16xf32> to vector<16xf32>
      %parallel_loop3A_1450 = vector.shape_cast %parallel_loop3A_1441 : vector<16xf32> to vector<1x1x16xf32>
      tpu.vector_store %arg6[%parallel_loop3A_1445, %parallel_loop3A_1446, %parallel_loop3A_1447], %parallel_loop3A_1450 {strides = array<i32>} : memref<3x32x1024xf32, #tpu.memory_space<vmem>>, vector<1x1x16xf32>,
      %parallel_loop3A_1451 = arith.constant 8 : i32
      %parallel_loop3A_1452 = arith.addi %parallel_loop3A_1451, %parallel_loop3A_1412 : i32
      %parallel_loop3A_1453 = arith.constant 2 : i32
      %parallel_loop3A_1454 = arith.index_cast %parallel_loop3A_1453 : i32 to index
      %parallel_loop3A_1455 = arith.index_cast %parallel_loop3A_1452 : i32 to index
      %parallel_loop3A_1456 = arith.index_cast %parallel_loop3A_1430 : i32 to index
      %parallel_loop3A_1457 = tpu.vector_load %arg6[%parallel_loop3A_1454, %parallel_loop3A_1455, %parallel_loop3A_1456] {strides = array<i32>} : memref<3x32x1024xf32, #tpu.memory_space<vmem>>, vector<1x1x16xf32>,
      %parallel_loop3A_1458 = vector.shape_cast %parallel_loop3A_1457 : vector<1x1x16xf32> to vector<16xf32>
      %parallel_loop3A_1459 = arith.constant 3.200000e+01 : f32
      %parallel_loop3A_1460 = vector.broadcast %parallel_loop3A_1459 : f32 to vector<16xf32>
      %parallel_loop3A_1461 = arith.mulf %parallel_loop3A_1458, %parallel_loop3A_1460 : vector<16xf32>
      %parallel_loop3A_1462 = arith.constant 8 : i32
      %parallel_loop3A_1463 = arith.addi %parallel_loop3A_1462, %parallel_loop3A_1412 : i32
      %parallel_loop3A_1464 = arith.constant 2 : i32
      %parallel_loop3A_1465 = arith.index_cast %parallel_loop3A_1464 : i32 to index
      %parallel_loop3A_1466 = arith.index_cast %parallel_loop3A_1463 : i32 to index
      %parallel_loop3A_1467 = arith.index_cast %parallel_loop3A_1430 : i32 to index
      %parallel_loop3A_1468 = tpu.vector_load %arg6[%parallel_loop3A_1465, %parallel_loop3A_1466, %parallel_loop3A_1467] {strides = array<i32>} : memref<3x32x1024xf32, #tpu.memory_space<vmem>>, vector<1x1x16xf32>,
      %parallel_loop3A_1469 = vector.shape_cast %parallel_loop3A_1468 : vector<1x1x16xf32> to vector<16xf32>
      %parallel_loop3A_1470 = vector.shape_cast %parallel_loop3A_1461 : vector<16xf32> to vector<1x1x16xf32>
      tpu.vector_store %arg6[%parallel_loop3A_1465, %parallel_loop3A_1466, %parallel_loop3A_1467], %parallel_loop3A_1470 {strides = array<i32>} : memref<3x32x1024xf32, #tpu.memory_space<vmem>>, vector<1x1x16xf32>,
      %parallel_loop3A_1471 = arith.constant 16 : i32
      %parallel_loop3A_1472 = arith.addi %parallel_loop3A_1471, %parallel_loop3A_1412 : i32
      %parallel_loop3A_1473 = arith.constant 2 : i32
      %parallel_loop3A_1474 = arith.index_cast %parallel_loop3A_1473 : i32 to index
      %parallel_loop3A_1475 = arith.index_cast %parallel_loop3A_1472 : i32 to index
      %parallel_loop3A_1476 = arith.index_cast %parallel_loop3A_1430 : i32 to index
      %parallel_loop3A_1477 = tpu.vector_load %arg6[%parallel_loop3A_1474, %parallel_loop3A_1475, %parallel_loop3A_1476] {strides = array<i32>} : memref<3x32x1024xf32, #tpu.memory_space<vmem>>, vector<1x1x16xf32>,
      %parallel_loop3A_1478 = vector.shape_cast %parallel_loop3A_1477 : vector<1x1x16xf32> to vector<16xf32>
      %parallel_loop3A_1479 = arith.constant 3.200000e+01 : f32
      %parallel_loop3A_1480 = vector.broadcast %parallel_loop3A_1479 : f32 to vector<16xf32>
      %parallel_loop3A_1481 = arith.mulf %parallel_loop3A_1478, %parallel_loop3A_1480 : vector<16xf32>
      %parallel_loop3A_1482 = arith.constant 16 : i32
      %parallel_loop3A_1483 = arith.addi %parallel_loop3A_1482, %parallel_loop3A_1412 : i32
      %parallel_loop3A_1484 = arith.constant 2 : i32
      %parallel_loop3A_1485 = arith.index_cast %parallel_loop3A_1484 : i32 to index
      %parallel_loop3A_1486 = arith.index_cast %parallel_loop3A_1483 : i32 to index
      %parallel_loop3A_1487 = arith.index_cast %parallel_loop3A_1430 : i32 to index
      %parallel_loop3A_1488 = tpu.vector_load %arg6[%parallel_loop3A_1485, %parallel_loop3A_1486, %parallel_loop3A_1487] {strides = array<i32>} : memref<3x32x1024xf32, #tpu.memory_space<vmem>>, vector<1x1x16xf32>,
      %parallel_loop3A_1489 = vector.shape_cast %parallel_loop3A_1488 : vector<1x1x16xf32> to vector<16xf32>
      %parallel_loop3A_1490 = vector.shape_cast %parallel_loop3A_1481 : vector<16xf32> to vector<1x1x16xf32>
      tpu.vector_store %arg6[%parallel_loop3A_1485, %parallel_loop3A_1486, %parallel_loop3A_1487], %parallel_loop3A_1490 {strides = array<i32>} : memref<3x32x1024xf32, #tpu.memory_space<vmem>>, vector<1x1x16xf32>,
      %parallel_loop3A_1491 = arith.constant 24 : i32
      %parallel_loop3A_1492 = arith.addi %parallel_loop3A_1491, %parallel_loop3A_1412 : i32
      %parallel_loop3A_1493 = arith.constant 2 : i32
      %parallel_loop3A_1494 = arith.index_cast %parallel_loop3A_1493 : i32 to index
      %parallel_loop3A_1495 = arith.index_cast %parallel_loop3A_1492 : i32 to index
      %parallel_loop3A_1496 = arith.index_cast %parallel_loop3A_1430 : i32 to index
      %parallel_loop3A_1497 = tpu.vector_load %arg6[%parallel_loop3A_1494, %parallel_loop3A_1495, %parallel_loop3A_1496] {strides = array<i32>} : memref<3x32x1024xf32, #tpu.memory_space<vmem>>, vector<1x1x16xf32>,
      %parallel_loop3A_1498 = vector.shape_cast %parallel_loop3A_1497 : vector<1x1x16xf32> to vector<16xf32>
      %parallel_loop3A_1499 = arith.constant 3.200000e+01 : f32
      %parallel_loop3A_1500 = vector.broadcast %parallel_loop3A_1499 : f32 to vector<16xf32>
      %parallel_loop3A_1501 = arith.mulf %parallel_loop3A_1498, %parallel_loop3A_1500 : vector<16xf32>
      %parallel_loop3A_1502 = arith.constant 24 : i32
      %parallel_loop3A_1503 = arith.addi %parallel_loop3A_1502, %parallel_loop3A_1412 : i32
      %parallel_loop3A_1504 = arith.constant 2 : i32
      %parallel_loop3A_1505 = arith.index_cast %parallel_loop3A_1504 : i32 to index
      %parallel_loop3A_1506 = arith.index_cast %parallel_loop3A_1503 : i32 to index
      %parallel_loop3A_1507 = arith.index_cast %parallel_loop3A_1430 : i32 to index
      %parallel_loop3A_1508 = tpu.vector_load %arg6[%parallel_loop3A_1505, %parallel_loop3A_1506, %parallel_loop3A_1507] {strides = array<i32>} : memref<3x32x1024xf32, #tpu.memory_space<vmem>>, vector<1x1x16xf32>,
      %parallel_loop3A_1509 = vector.shape_cast %parallel_loop3A_1508 : vector<1x1x16xf32> to vector<16xf32>
      %parallel_loop3A_1510 = vector.shape_cast %parallel_loop3A_1501 : vector<16xf32> to vector<1x1x16xf32>
      tpu.vector_store %arg6[%parallel_loop3A_1505, %parallel_loop3A_1506, %parallel_loop3A_1507], %parallel_loop3A_1510 {strides = array<i32>} : memref<3x32x1024xf32, #tpu.memory_space<vmem>>, vector<1x1x16xf32>,
    } {sc.loop_unroll_factor = 2 : i64, sc.parallel_access}
    %add3A_847 = arith.constant 0 : i32
    %add3A_848 = arith.addi %add3A_847, %mul3A_2 : i32
    %add3A_849 = arith.constant 40 : i32
    %add3A_850 = arith.addi %add3A_848, %add3A_849 : i32
    %dma_start3A_851 = arith.constant 2 : i32
    %dma_start3A_852 = arith.constant 2 : i32
    %dma_start3A_853 = arith.constant 0 : i32
    %dma_start3A_854 = arith.constant 0 : i32
    %dma_start3A_855 = tpu.memref_slice %arg6[%dma_start3A_851, %dma_start3A_853, %dma_start3A_854] : memref<3x32x1024xf32, #tpu.memory_space<vmem>> -> memref<1x8x1024xf32, #tpu.memory_space<vmem>>
    %dma_start3A_856 = tpu.memref_squeeze %dma_start3A_855 : memref<1x8x1024xf32, #tpu.memory_space<vmem>> -> memref<8x1024xf32, #tpu.memory_space<vmem>>
    %dma_start3A_857 = arith.constant 0 : i32
    %dma_start3A_858 = tpu.memref_slice %arg4[%add3A_850, %dma_start3A_857] : memref<8192x1024xf32, #tpu.memory_space<hbm>> -> memref<8x1024xf32, #tpu.memory_space<hbm>>
    %dma_start3A_859 = tpu.memref_slice %arg8[%dma_start3A_852] : memref<3x!tpu.dma_semaphore, #tpu.memory_space<semaphore_mem>> -> memref<1x!tpu.dma_semaphore, #tpu.memory_space<semaphore_mem>>
    %dma_start3A_860 = tpu.memref_squeeze %dma_start3A_859 : memref<1x!tpu.dma_semaphore, #tpu.memory_space<semaphore_mem>> -> memref<!tpu.dma_semaphore, #tpu.memory_space<semaphore_mem>>
    %dma_start3A_861 = arith.constant 0 : i32
    %dma_start3A_862 = tpu.memref_slice %arg4[%add3A_850, %dma_start3A_861] : memref<8192x1024xf32, #tpu.memory_space<hbm>> -> memref<8x1024xf32, #tpu.memory_space<hbm>>
    %dma_start3A_863 = arith.constant 0 : i32
    %dma_start3A_864 = arith.constant 0 : i32
    %dma_start3A_865 = tpu.memref_slice %arg6[%dma_start3A_851, %dma_start3A_863, %dma_start3A_864] : memref<3x32x1024xf32, #tpu.memory_space<vmem>> -> memref<1x8x1024xf32, #tpu.memory_space<vmem>>
    %dma_start3A_866 = tpu.memref_squeeze %dma_start3A_865 : memref<1x8x1024xf32, #tpu.memory_space<vmem>> -> memref<8x1024xf32, #tpu.memory_space<vmem>>
    tpu.enqueue_dma source(%dma_start3A_866 : memref<8x1024xf32, #tpu.memory_space<vmem>>) target(%dma_start3A_862 : memref<8x1024xf32, #tpu.memory_space<hbm>>) target_semaphore(%dma_start3A_860 : memref<!tpu.dma_semaphore, #tpu.memory_space<semaphore_mem>>)
    %add3A_867 = arith.constant 2048 : i32
    %add3A_868 = arith.addi %add3A_867, %mul3A_2 : i32
    %add3A_869 = arith.constant 40 : i32
    %add3A_870 = arith.addi %add3A_868, %add3A_869 : i32
    %dma_start3A_871 = arith.constant 2 : i32
    %dma_start3A_872 = arith.constant 2 : i32
    %dma_start3A_873 = arith.constant 8 : i32
    %dma_start3A_874 = arith.constant 0 : i32
    %dma_start3A_875 = tpu.memref_slice %arg6[%dma_start3A_871, %dma_start3A_873, %dma_start3A_874] : memref<3x32x1024xf32, #tpu.memory_space<vmem>> -> memref<1x8x1024xf32, #tpu.memory_space<vmem>>
    %dma_start3A_876 = tpu.memref_squeeze %dma_start3A_875 : memref<1x8x1024xf32, #tpu.memory_space<vmem>> -> memref<8x1024xf32, #tpu.memory_space<vmem>>
    %dma_start3A_877 = arith.constant 0 : i32
    %dma_start3A_878 = tpu.memref_slice %arg4[%add3A_870, %dma_start3A_877] : memref<8192x1024xf32, #tpu.memory_space<hbm>> -> memref<8x1024xf32, #tpu.memory_space<hbm>>
    %dma_start3A_879 = tpu.memref_slice %arg8[%dma_start3A_872] : memref<3x!tpu.dma_semaphore, #tpu.memory_space<semaphore_mem>> -> memref<1x!tpu.dma_semaphore, #tpu.memory_space<semaphore_mem>>
    %dma_start3A_880 = tpu.memref_squeeze %dma_start3A_879 : memref<1x!tpu.dma_semaphore, #tpu.memory_space<semaphore_mem>> -> memref<!tpu.dma_semaphore, #tpu.memory_space<semaphore_mem>>
    %dma_start3A_881 = arith.constant 0 : i32
    %dma_start3A_882 = tpu.memref_slice %arg4[%add3A_870, %dma_start3A_881] : memref<8192x1024xf32, #tpu.memory_space<hbm>> -> memref<8x1024xf32, #tpu.memory_space<hbm>>
    %dma_start3A_883 = arith.constant 8 : i32
    %dma_start3A_884 = arith.constant 0 : i32
    %dma_start3A_885 = tpu.memref_slice %arg6[%dma_start3A_871, %dma_start3A_883, %dma_start3A_884] : memref<3x32x1024xf32, #tpu.memory_space<vmem>> -> memref<1x8x1024xf32, #tpu.memory_space<vmem>>
    %dma_start3A_886 = tpu.memref_squeeze %dma_start3A_885 : memref<1x8x1024xf32, #tpu.memory_space<vmem>> -> memref<8x1024xf32, #tpu.memory_space<vmem>>
    tpu.enqueue_dma source(%dma_start3A_886 : memref<8x1024xf32, #tpu.memory_space<vmem>>) target(%dma_start3A_882 : memref<8x1024xf32, #tpu.memory_space<hbm>>) target_semaphore(%dma_start3A_880 : memref<!tpu.dma_semaphore, #tpu.memory_space<semaphore_mem>>)
    %add3A_887 = arith.constant 4096 : i32
    %add3A_888 = arith.addi %add3A_887, %mul3A_2 : i32
    %add3A_889 = arith.constant 40 : i32
    %add3A_890 = arith.addi %add3A_888, %add3A_889 : i32
    %dma_start3A_891 = arith.constant 2 : i32
    %dma_start3A_892 = arith.constant 2 : i32
    %dma_start3A_893 = arith.constant 16 : i32
    %dma_start3A_894 = arith.constant 0 : i32
    %dma_start3A_895 = tpu.memref_slice %arg6[%dma_start3A_891, %dma_start3A_893, %dma_start3A_894] : memref<3x32x1024xf32, #tpu.memory_space<vmem>> -> memref<1x8x1024xf32, #tpu.memory_space<vmem>>
    %dma_start3A_896 = tpu.memref_squeeze %dma_start3A_895 : memref<1x8x1024xf32, #tpu.memory_space<vmem>> -> memref<8x1024xf32, #tpu.memory_space<vmem>>
    %dma_start3A_897 = arith.constant 0 : i32
    %dma_start3A_898 = tpu.memref_slice %arg4[%add3A_890, %dma_start3A_897] : memref<8192x1024xf32, #tpu.memory_space<hbm>> -> memref<8x1024xf32, #tpu.memory_space<hbm>>
    %dma_start3A_899 = tpu.memref_slice %arg8[%dma_start3A_892] : memref<3x!tpu.dma_semaphore, #tpu.memory_space<semaphore_mem>> -> memref<1x!tpu.dma_semaphore, #tpu.memory_space<semaphore_mem>>
    %dma_start3A_900 = tpu.memref_squeeze %dma_start3A_899 : memref<1x!tpu.dma_semaphore, #tpu.memory_space<semaphore_mem>> -> memref<!tpu.dma_semaphore, #tpu.memory_space<semaphore_mem>>
    %dma_start3A_901 = arith.constant 0 : i32
    %dma_start3A_902 = tpu.memref_slice %arg4[%add3A_890, %dma_start3A_901] : memref<8192x1024xf32, #tpu.memory_space<hbm>> -> memref<8x1024xf32, #tpu.memory_space<hbm>>
    %dma_start3A_903 = arith.constant 16 : i32
    %dma_start3A_904 = arith.constant 0 : i32
    %dma_start3A_905 = tpu.memref_slice %arg6[%dma_start3A_891, %dma_start3A_903, %dma_start3A_904] : memref<3x32x1024xf32, #tpu.memory_space<vmem>> -> memref<1x8x1024xf32, #tpu.memory_space<vmem>>
    %dma_start3A_906 = tpu.memref_squeeze %dma_start3A_905 : memref<1x8x1024xf32, #tpu.memory_space<vmem>> -> memref<8x1024xf32, #tpu.memory_space<vmem>>
    tpu.enqueue_dma source(%dma_start3A_906 : memref<8x1024xf32, #tpu.memory_space<vmem>>) target(%dma_start3A_902 : memref<8x1024xf32, #tpu.memory_space<hbm>>) target_semaphore(%dma_start3A_900 : memref<!tpu.dma_semaphore, #tpu.memory_space<semaphore_mem>>)
    %add3A_907 = arith.constant 6144 : i32
    %add3A_908 = arith.addi %add3A_907, %mul3A_2 : i32
    %add3A_909 = arith.constant 40 : i32
    %add3A_910 = arith.addi %add3A_908, %add3A_909 : i32
    %dma_start3A_911 = arith.constant 2 : i32
    %dma_start3A_912 = arith.constant 2 : i32
    %dma_start3A_913 = arith.constant 24 : i32
    %dma_start3A_914 = arith.constant 0 : i32
    %dma_start3A_915 = tpu.memref_slice %arg6[%dma_start3A_911, %dma_start3A_913, %dma_start3A_914] : memref<3x32x1024xf32, #tpu.memory_space<vmem>> -> memref<1x8x1024xf32, #tpu.memory_space<vmem>>
    %dma_start3A_916 = tpu.memref_squeeze %dma_start3A_915 : memref<1x8x1024xf32, #tpu.memory_space<vmem>> -> memref<8x1024xf32, #tpu.memory_space<vmem>>
    %dma_start3A_917 = arith.constant 0 : i32
    %dma_start3A_918 = tpu.memref_slice %arg4[%add3A_910, %dma_start3A_917] : memref<8192x1024xf32, #tpu.memory_space<hbm>> -> memref<8x1024xf32, #tpu.memory_space<hbm>>
    %dma_start3A_919 = tpu.memref_slice %arg8[%dma_start3A_912] : memref<3x!tpu.dma_semaphore, #tpu.memory_space<semaphore_mem>> -> memref<1x!tpu.dma_semaphore, #tpu.memory_space<semaphore_mem>>
    %dma_start3A_920 = tpu.memref_squeeze %dma_start3A_919 : memref<1x!tpu.dma_semaphore, #tpu.memory_space<semaphore_mem>> -> memref<!tpu.dma_semaphore, #tpu.memory_space<semaphore_mem>>
    %dma_start3A_921 = arith.constant 0 : i32
    %dma_start3A_922 = tpu.memref_slice %arg4[%add3A_910, %dma_start3A_921] : memref<8192x1024xf32, #tpu.memory_space<hbm>> -> memref<8x1024xf32, #tpu.memory_space<hbm>>
    %dma_start3A_923 = arith.constant 24 : i32
    %dma_start3A_924 = arith.constant 0 : i32
    %dma_start3A_925 = tpu.memref_slice %arg6[%dma_start3A_911, %dma_start3A_923, %dma_start3A_924] : memref<3x32x1024xf32, #tpu.memory_space<vmem>> -> memref<1x8x1024xf32, #tpu.memory_space<vmem>>
    %dma_start3A_926 = tpu.memref_squeeze %dma_start3A_925 : memref<1x8x1024xf32, #tpu.memory_space<vmem>> -> memref<8x1024xf32, #tpu.memory_space<vmem>>
    tpu.enqueue_dma source(%dma_start3A_926 : memref<8x1024xf32, #tpu.memory_space<vmem>>) target(%dma_start3A_922 : memref<8x1024xf32, #tpu.memory_space<hbm>>) target_semaphore(%dma_start3A_920 : memref<!tpu.dma_semaphore, #tpu.memory_space<semaphore_mem>>)
    %dma_wait3A_927 = arith.constant 0 : i32
    %dma_wait3A_928 = arith.constant 0 : i32
    %dma_wait3A_929 = arith.constant 0 : i32
    %dma_wait3A_930 = arith.constant 0 : i32
    %dma_wait3A_931 = tpu.memref_slice %arg6[%dma_wait3A_927, %dma_wait3A_929, %dma_wait3A_930] : memref<3x32x1024xf32, #tpu.memory_space<vmem>> -> memref<1x32x1024xf32, #tpu.memory_space<vmem>>
    %dma_wait3A_932 = tpu.memref_squeeze %dma_wait3A_931 : memref<1x32x1024xf32, #tpu.memory_space<vmem>> -> memref<32x1024xf32, #tpu.memory_space<vmem>>
    %dma_wait3A_933 = arith.constant 192 : i32
    %dma_wait3A_934 = tpu.memref_slice %arg5[%dma_wait3A_933] : memref<256xi32, #tpu.memory_space<vmem>> -> memref<32xi32, #tpu.memory_space<vmem>>
    %dma_wait3A_935 = arith.constant 0 : i32
    %dma_wait3A_936 = arith.constant 0 : i32
    %dma_wait3A_937 = tpu.memref_slice %arg2[%dma_wait3A_935, %dma_wait3A_936] : memref<100000x1024xf32, #tpu.memory_space<hbm>> -> memref<100000x1024xf32, #tpu.memory_space<hbm>>
    %dma_wait3A_938 = tpu.memref_slice %arg7[%dma_wait3A_928] : memref<3x!tpu.dma_semaphore, #tpu.memory_space<semaphore_mem>> -> memref<1x!tpu.dma_semaphore, #tpu.memory_space<semaphore_mem>>
    %dma_wait3A_939 = tpu.memref_squeeze %dma_wait3A_938 : memref<1x!tpu.dma_semaphore, #tpu.memory_space<semaphore_mem>> -> memref<!tpu.dma_semaphore, #tpu.memory_space<semaphore_mem>>
    tpu.wait_indirect_dma semaphore(%dma_wait3A_939 : memref<!tpu.dma_semaphore, #tpu.memory_space<semaphore_mem>>) src(%dma_wait3A_937 : memref<100000x1024xf32, #tpu.memory_space<hbm>>) dst(%dma_wait3A_932 : memref<32x1024xf32, #tpu.memory_space<vmem>>)
    %dma_wait3A_940 = arith.constant 1 : i32
    %dma_wait3A_941 = arith.constant 1 : i32
    %dma_wait3A_942 = arith.constant 0 : i32
    %dma_wait3A_943 = arith.constant 0 : i32
    %dma_wait3A_944 = tpu.memref_slice %arg6[%dma_wait3A_940, %dma_wait3A_942, %dma_wait3A_943] : memref<3x32x1024xf32, #tpu.memory_space<vmem>> -> memref<1x8x1024xf32, #tpu.memory_space<vmem>>
    %dma_wait3A_945 = tpu.memref_squeeze %dma_wait3A_944 : memref<1x8x1024xf32, #tpu.memory_space<vmem>> -> memref<8x1024xf32, #tpu.memory_space<vmem>>
    %dma_wait3A_946 = arith.constant 0 : i32
    %dma_wait3A_947 = tpu.memref_slice %arg4[%add3A_677, %dma_wait3A_946] : memref<8192x1024xf32, #tpu.memory_space<hbm>> -> memref<8x1024xf32, #tpu.memory_space<hbm>>
    %dma_wait3A_948 = tpu.memref_slice %arg8[%dma_wait3A_941] : memref<3x!tpu.dma_semaphore, #tpu.memory_space<semaphore_mem>> -> memref<1x!tpu.dma_semaphore, #tpu.memory_space<semaphore_mem>>
    %dma_wait3A_949 = tpu.memref_squeeze %dma_wait3A_948 : memref<1x!tpu.dma_semaphore, #tpu.memory_space<semaphore_mem>> -> memref<!tpu.dma_semaphore, #tpu.memory_space<semaphore_mem>>
    %dma_wait3A_950 = arith.constant 0 : i32
    %dma_wait3A_951 = tpu.memref_slice %arg4[%add3A_677, %dma_wait3A_950] : memref<8192x1024xf32, #tpu.memory_space<hbm>> -> memref<8x1024xf32, #tpu.memory_space<hbm>>
    %dma_wait3A_952 = arith.constant 0 : i32
    %dma_wait3A_953 = arith.constant 0 : i32
    %dma_wait3A_954 = tpu.memref_slice %arg6[%dma_wait3A_940, %dma_wait3A_952, %dma_wait3A_953] : memref<3x32x1024xf32, #tpu.memory_space<vmem>> -> memref<1x8x1024xf32, #tpu.memory_space<vmem>>
    %dma_wait3A_955 = tpu.memref_squeeze %dma_wait3A_954 : memref<1x8x1024xf32, #tpu.memory_space<vmem>> -> memref<8x1024xf32, #tpu.memory_space<vmem>>
    tpu.wait_dma2 semaphore(%dma_wait3A_949 : memref<!tpu.dma_semaphore, #tpu.memory_space<semaphore_mem>>) src(%dma_wait3A_955 : memref<8x1024xf32, #tpu.memory_space<vmem>>) dst(%dma_wait3A_951 : memref<8x1024xf32, #tpu.memory_space<hbm>>)
    %dma_wait3A_956 = arith.constant 1 : i32
    %dma_wait3A_957 = arith.constant 1 : i32
    %dma_wait3A_958 = arith.constant 8 : i32
    %dma_wait3A_959 = arith.constant 0 : i32
    %dma_wait3A_960 = tpu.memref_slice %arg6[%dma_wait3A_956, %dma_wait3A_958, %dma_wait3A_959] : memref<3x32x1024xf32, #tpu.memory_space<vmem>> -> memref<1x8x1024xf32, #tpu.memory_space<vmem>>
    %dma_wait3A_961 = tpu.memref_squeeze %dma_wait3A_960 : memref<1x8x1024xf32, #tpu.memory_space<vmem>> -> memref<8x1024xf32, #tpu.memory_space<vmem>>
    %dma_wait3A_962 = arith.constant 0 : i32
    %dma_wait3A_963 = tpu.memref_slice %arg4[%add3A_697, %dma_wait3A_962] : memref<8192x1024xf32, #tpu.memory_space<hbm>> -> memref<8x1024xf32, #tpu.memory_space<hbm>>
    %dma_wait3A_964 = tpu.memref_slice %arg8[%dma_wait3A_957] : memref<3x!tpu.dma_semaphore, #tpu.memory_space<semaphore_mem>> -> memref<1x!tpu.dma_semaphore, #tpu.memory_space<semaphore_mem>>
    %dma_wait3A_965 = tpu.memref_squeeze %dma_wait3A_964 : memref<1x!tpu.dma_semaphore, #tpu.memory_space<semaphore_mem>> -> memref<!tpu.dma_semaphore, #tpu.memory_space<semaphore_mem>>
    %dma_wait3A_966 = arith.constant 0 : i32
    %dma_wait3A_967 = tpu.memref_slice %arg4[%add3A_697, %dma_wait3A_966] : memref<8192x1024xf32, #tpu.memory_space<hbm>> -> memref<8x1024xf32, #tpu.memory_space<hbm>>
    %dma_wait3A_968 = arith.constant 8 : i32
    %dma_wait3A_969 = arith.constant 0 : i32
    %dma_wait3A_970 = tpu.memref_slice %arg6[%dma_wait3A_956, %dma_wait3A_968, %dma_wait3A_969] : memref<3x32x1024xf32, #tpu.memory_space<vmem>> -> memref<1x8x1024xf32, #tpu.memory_space<vmem>>
    %dma_wait3A_971 = tpu.memref_squeeze %dma_wait3A_970 : memref<1x8x1024xf32, #tpu.memory_space<vmem>> -> memref<8x1024xf32, #tpu.memory_space<vmem>>
    tpu.wait_dma2 semaphore(%dma_wait3A_965 : memref<!tpu.dma_semaphore, #tpu.memory_space<semaphore_mem>>) src(%dma_wait3A_971 : memref<8x1024xf32, #tpu.memory_space<vmem>>) dst(%dma_wait3A_967 : memref<8x1024xf32, #tpu.memory_space<hbm>>)
    %dma_wait3A_972 = arith.constant 1 : i32
    %dma_wait3A_973 = arith.constant 1 : i32
    %dma_wait3A_974 = arith.constant 16 : i32
    %dma_wait3A_975 = arith.constant 0 : i32
    %dma_wait3A_976 = tpu.memref_slice %arg6[%dma_wait3A_972, %dma_wait3A_974, %dma_wait3A_975] : memref<3x32x1024xf32, #tpu.memory_space<vmem>> -> memref<1x8x1024xf32, #tpu.memory_space<vmem>>
    %dma_wait3A_977 = tpu.memref_squeeze %dma_wait3A_976 : memref<1x8x1024xf32, #tpu.memory_space<vmem>> -> memref<8x1024xf32, #tpu.memory_space<vmem>>
    %dma_wait3A_978 = arith.constant 0 : i32
    %dma_wait3A_979 = tpu.memref_slice %arg4[%add3A_717, %dma_wait3A_978] : memref<8192x1024xf32, #tpu.memory_space<hbm>> -> memref<8x1024xf32, #tpu.memory_space<hbm>>
    %dma_wait3A_980 = tpu.memref_slice %arg8[%dma_wait3A_973] : memref<3x!tpu.dma_semaphore, #tpu.memory_space<semaphore_mem>> -> memref<1x!tpu.dma_semaphore, #tpu.memory_space<semaphore_mem>>
    %dma_wait3A_981 = tpu.memref_squeeze %dma_wait3A_980 : memref<1x!tpu.dma_semaphore, #tpu.memory_space<semaphore_mem>> -> memref<!tpu.dma_semaphore, #tpu.memory_space<semaphore_mem>>
    %dma_wait3A_982 = arith.constant 0 : i32
    %dma_wait3A_983 = tpu.memref_slice %arg4[%add3A_717, %dma_wait3A_982] : memref<8192x1024xf32, #tpu.memory_space<hbm>> -> memref<8x1024xf32, #tpu.memory_space<hbm>>
    %dma_wait3A_984 = arith.constant 16 : i32
    %dma_wait3A_985 = arith.constant 0 : i32
    %dma_wait3A_986 = tpu.memref_slice %arg6[%dma_wait3A_972, %dma_wait3A_984, %dma_wait3A_985] : memref<3x32x1024xf32, #tpu.memory_space<vmem>> -> memref<1x8x1024xf32, #tpu.memory_space<vmem>>
    %dma_wait3A_987 = tpu.memref_squeeze %dma_wait3A_986 : memref<1x8x1024xf32, #tpu.memory_space<vmem>> -> memref<8x1024xf32, #tpu.memory_space<vmem>>
    tpu.wait_dma2 semaphore(%dma_wait3A_981 : memref<!tpu.dma_semaphore, #tpu.memory_space<semaphore_mem>>) src(%dma_wait3A_987 : memref<8x1024xf32, #tpu.memory_space<vmem>>) dst(%dma_wait3A_983 : memref<8x1024xf32, #tpu.memory_space<hbm>>)
    %dma_wait3A_988 = arith.constant 1 : i32
    %dma_wait3A_989 = arith.constant 1 : i32
    %dma_wait3A_990 = arith.constant 24 : i32
    %dma_wait3A_991 = arith.constant 0 : i32
    %dma_wait3A_992 = tpu.memref_slice %arg6[%dma_wait3A_988, %dma_wait3A_990, %dma_wait3A_991] : memref<3x32x1024xf32, #tpu.memory_space<vmem>> -> memref<1x8x1024xf32, #tpu.memory_space<vmem>>
    %dma_wait3A_993 = tpu.memref_squeeze %dma_wait3A_992 : memref<1x8x1024xf32, #tpu.memory_space<vmem>> -> memref<8x1024xf32, #tpu.memory_space<vmem>>
    %dma_wait3A_994 = arith.constant 0 : i32
    %dma_wait3A_995 = tpu.memref_slice %arg4[%add3A_737, %dma_wait3A_994] : memref<8192x1024xf32, #tpu.memory_space<hbm>> -> memref<8x1024xf32, #tpu.memory_space<hbm>>
    %dma_wait3A_996 = tpu.memref_slice %arg8[%dma_wait3A_989] : memref<3x!tpu.dma_semaphore, #tpu.memory_space<semaphore_mem>> -> memref<1x!tpu.dma_semaphore, #tpu.memory_space<semaphore_mem>>
    %dma_wait3A_997 = tpu.memref_squeeze %dma_wait3A_996 : memref<1x!tpu.dma_semaphore, #tpu.memory_space<semaphore_mem>> -> memref<!tpu.dma_semaphore, #tpu.memory_space<semaphore_mem>>
    %dma_wait3A_998 = arith.constant 0 : i32
    %dma_wait3A_999 = tpu.memref_slice %arg4[%add3A_737, %dma_wait3A_998] : memref<8192x1024xf32, #tpu.memory_space<hbm>> -> memref<8x1024xf32, #tpu.memory_space<hbm>>
    %dma_wait3A_1000 = arith.constant 24 : i32
    %dma_wait3A_1001 = arith.constant 0 : i32
    %dma_wait3A_1002 = tpu.memref_slice %arg6[%dma_wait3A_988, %dma_wait3A_1000, %dma_wait3A_1001] : memref<3x32x1024xf32, #tpu.memory_space<vmem>> -> memref<1x8x1024xf32, #tpu.memory_space<vmem>>
    %dma_wait3A_1003 = tpu.memref_squeeze %dma_wait3A_1002 : memref<1x8x1024xf32, #tpu.memory_space<vmem>> -> memref<8x1024xf32, #tpu.memory_space<vmem>>
    tpu.wait_dma2 semaphore(%dma_wait3A_997 : memref<!tpu.dma_semaphore, #tpu.memory_space<semaphore_mem>>) src(%dma_wait3A_1003 : memref<8x1024xf32, #tpu.memory_space<vmem>>) dst(%dma_wait3A_999 : memref<8x1024xf32, #tpu.memory_space<hbm>>)
    %dma_start3A_1004 = arith.constant 1 : i32
    %dma_start3A_1005 = arith.constant 1 : i32
    %dma_start3A_1006 = arith.constant 0 : i32
    %dma_start3A_1007 = arith.constant 0 : i32
    %dma_start3A_1008 = tpu.memref_slice %arg6[%dma_start3A_1004, %dma_start3A_1006, %dma_start3A_1007] : memref<3x32x1024xf32, #tpu.memory_space<vmem>> -> memref<1x32x1024xf32, #tpu.memory_space<vmem>>
    %dma_start3A_1009 = tpu.memref_squeeze %dma_start3A_1008 : memref<1x32x1024xf32, #tpu.memory_space<vmem>> -> memref<32x1024xf32, #tpu.memory_space<vmem>>
    %dma_start3A_1010 = arith.constant 224 : i32
    %dma_start3A_1011 = tpu.memref_slice %arg5[%dma_start3A_1010] : memref<256xi32, #tpu.memory_space<vmem>> -> memref<32xi32, #tpu.memory_space<vmem>>
    %dma_start3A_1012 = arith.constant 0 : i32
    %dma_start3A_1013 = arith.constant 0 : i32
    %dma_start3A_1014 = tpu.memref_slice %arg2[%dma_start3A_1012, %dma_start3A_1013] : memref<100000x1024xf32, #tpu.memory_space<hbm>> -> memref<100000x1024xf32, #tpu.memory_space<hbm>>
    %dma_start3A_1015 = tpu.memref_slice %arg7[%dma_start3A_1005] : memref<3x!tpu.dma_semaphore, #tpu.memory_space<semaphore_mem>> -> memref<1x!tpu.dma_semaphore, #tpu.memory_space<semaphore_mem>>
    %dma_start3A_1016 = tpu.memref_squeeze %dma_start3A_1015 : memref<1x!tpu.dma_semaphore, #tpu.memory_space<semaphore_mem>> -> memref<!tpu.dma_semaphore, #tpu.memory_space<semaphore_mem>>
    tpu.enqueue_indirect_dma source(%dma_start3A_1014 : memref<100000x1024xf32, #tpu.memory_space<hbm>>) target(%dma_start3A_1009 : memref<32x1024xf32, #tpu.memory_space<vmem>>) offsets(%dma_start3A_1011 : memref<32xi32, #tpu.memory_space<vmem>>) semaphore(%dma_start3A_1016 : memref<!tpu.dma_semaphore, #tpu.memory_space<semaphore_mem>>)
    %parallel_loop3A_1017 = arith.constant 0 : i32
    %parallel_loop3A_1018 = arith.constant 512 : i32
    %parallel_loop3A_1019 = arith.constant 1 : i32
    scf.for %parallel_loop3A_1388 = %parallel_loop3A_1017 to %parallel_loop3A_1018 step %parallel_loop3A_1019  : i32 {
      %parallel_loop3A_1389 = arith.constant 64 : i32
      %parallel_loop3A_1390 = arith.divsi %parallel_loop3A_1388, %parallel_loop3A_1389 : i32
      %parallel_loop3A_1391 = arith.constant 0 : i32
      %parallel_loop3A_1392 = arith.cmpi sgt, %parallel_loop3A_1388, %parallel_loop3A_1391 : i32
      %parallel_loop3A_1393 = arith.extui %parallel_loop3A_1392 : i1 to i32
      %parallel_loop3A_1394 = arith.constant 0 : i32
      %parallel_loop3A_1395 = arith.cmpi slt, %parallel_loop3A_1388, %parallel_loop3A_1394 : i32
      %parallel_loop3A_1396 = arith.extui %parallel_loop3A_1395 : i1 to i32
      %parallel_loop3A_1397 = arith.subi %parallel_loop3A_1393, %parallel_loop3A_1396 : i32
      %parallel_loop3A_1398 = arith.constant 0 : i32
      %parallel_loop3A_1399 = arith.cmpi sgt, %parallel_loop3A_1389, %parallel_loop3A_1398 : i32
      %parallel_loop3A_1400 = arith.extui %parallel_loop3A_1399 : i1 to i32
      %parallel_loop3A_1401 = arith.constant 0 : i32
      %parallel_loop3A_1402 = arith.cmpi slt, %parallel_loop3A_1389, %parallel_loop3A_1401 : i32
      %parallel_loop3A_1403 = arith.extui %parallel_loop3A_1402 : i1 to i32
      %parallel_loop3A_1404 = arith.subi %parallel_loop3A_1400, %parallel_loop3A_1403 : i32
      %parallel_loop3A_1405 = arith.cmpi ne, %parallel_loop3A_1397, %parallel_loop3A_1404 : i32
      %parallel_loop3A_1406 = arith.remsi %parallel_loop3A_1388, %parallel_loop3A_1389 : i32
      %parallel_loop3A_1407 = arith.constant 0 : i32
      %parallel_loop3A_1408 = arith.cmpi ne, %parallel_loop3A_1406, %parallel_loop3A_1407 : i32
      %parallel_loop3A_1409 = arith.andi %parallel_loop3A_1405, %parallel_loop3A_1408 : i1
      %parallel_loop3A_1410 = arith.constant 1 : i32
      %parallel_loop3A_1411 = arith.subi %parallel_loop3A_1390, %parallel_loop3A_1410 : i32
      %parallel_loop3A_1412 = arith.select %parallel_loop3A_1409, %parallel_loop3A_1411, %parallel_loop3A_1390 : i32
      %parallel_loop3A_1413 = arith.constant 64 : i32
      %parallel_loop3A_1414 = arith.constant 0 : i32
      %parallel_loop3A_1415 = arith.cmpi eq, %parallel_loop3A_1413, %parallel_loop3A_1414 : i32
      %parallel_loop3A_1416 = arith.constant 1 : i32
      %parallel_loop3A_1417 = arith.select %parallel_loop3A_1415, %parallel_loop3A_1416, %parallel_loop3A_1413 : i32
      %parallel_loop3A_1418 = arith.remsi %parallel_loop3A_1388, %parallel_loop3A_1417 : i32
      %parallel_loop3A_1419 = arith.constant 0 : i32
      %parallel_loop3A_1420 = arith.cmpi ne, %parallel_loop3A_1418, %parallel_loop3A_1419 : i32
      %parallel_loop3A_1421 = arith.constant 0 : i32
      %parallel_loop3A_1422 = arith.cmpi slt, %parallel_loop3A_1418, %parallel_loop3A_1421 : i32
      %parallel_loop3A_1423 = arith.constant 0 : i32
      %parallel_loop3A_1424 = arith.cmpi slt, %parallel_loop3A_1417, %parallel_loop3A_1423 : i32
      %parallel_loop3A_1425 = arith.xori %parallel_loop3A_1422, %parallel_loop3A_1424 : i1
      %parallel_loop3A_1426 = arith.andi %parallel_loop3A_1425, %parallel_loop3A_1420 : i1
      %parallel_loop3A_1427 = arith.addi %parallel_loop3A_1418, %parallel_loop3A_1417 : i32
      %parallel_loop3A_1428 = arith.select %parallel_loop3A_1426, %parallel_loop3A_1427, %parallel_loop3A_1418 : i32
      %parallel_loop3A_1429 = arith.constant 16 : i32
      %parallel_loop3A_1430 = arith.muli %parallel_loop3A_1428, %parallel_loop3A_1429 : i32
      %parallel_loop3A_1431 = arith.constant 0 : i32
      %parallel_loop3A_1432 = arith.addi %parallel_loop3A_1431, %parallel_loop3A_1412 : i32
      %parallel_loop3A_1433 = arith.constant 0 : i32
      %parallel_loop3A_1434 = arith.index_cast %parallel_loop3A_1433 : i32 to index
      %parallel_loop3A_1435 = arith.index_cast %parallel_loop3A_1432 : i32 to index
      %parallel_loop3A_1436 = arith.index_cast %parallel_loop3A_1430 : i32 to index
      %parallel_loop3A_1437 = tpu.vector_load %arg6[%parallel_loop3A_1434, %parallel_loop3A_1435, %parallel_loop3A_1436] {strides = array<i32>} : memref<3x32x1024xf32, #tpu.memory_space<vmem>>, vector<1x1x16xf32>,
      %parallel_loop3A_1438 = vector.shape_cast %parallel_loop3A_1437 : vector<1x1x16xf32> to vector<16xf32>
      %parallel_loop3A_1439 = arith.constant 3.200000e+01 : f32
      %parallel_loop3A_1440 = vector.broadcast %parallel_loop3A_1439 : f32 to vector<16xf32>
      %parallel_loop3A_1441 = arith.mulf %parallel_loop3A_1438, %parallel_loop3A_1440 : vector<16xf32>
      %parallel_loop3A_1442 = arith.constant 0 : i32
      %parallel_loop3A_1443 = arith.addi %parallel_loop3A_1442, %parallel_loop3A_1412 : i32
      %parallel_loop3A_1444 = arith.constant 0 : i32
      %parallel_loop3A_1445 = arith.index_cast %parallel_loop3A_1444 : i32 to index
      %parallel_loop3A_1446 = arith.index_cast %parallel_loop3A_1443 : i32 to index
      %parallel_loop3A_1447 = arith.index_cast %parallel_loop3A_1430 : i32 to index
      %parallel_loop3A_1448 = tpu.vector_load %arg6[%parallel_loop3A_1445, %parallel_loop3A_1446, %parallel_loop3A_1447] {strides = array<i32>} : memref<3x32x1024xf32, #tpu.memory_space<vmem>>, vector<1x1x16xf32>,
      %parallel_loop3A_1449 = vector.shape_cast %parallel_loop3A_1448 : vector<1x1x16xf32> to vector<16xf32>
      %parallel_loop3A_1450 = vector.shape_cast %parallel_loop3A_1441 : vector<16xf32> to vector<1x1x16xf32>
      tpu.vector_store %arg6[%parallel_loop3A_1445, %parallel_loop3A_1446, %parallel_loop3A_1447], %parallel_loop3A_1450 {strides = array<i32>} : memref<3x32x1024xf32, #tpu.memory_space<vmem>>, vector<1x1x16xf32>,
      %parallel_loop3A_1451 = arith.constant 8 : i32
      %parallel_loop3A_1452 = arith.addi %parallel_loop3A_1451, %parallel_loop3A_1412 : i32
      %parallel_loop3A_1453 = arith.constant 0 : i32
      %parallel_loop3A_1454 = arith.index_cast %parallel_loop3A_1453 : i32 to index
      %parallel_loop3A_1455 = arith.index_cast %parallel_loop3A_1452 : i32 to index
      %parallel_loop3A_1456 = arith.index_cast %parallel_loop3A_1430 : i32 to index
      %parallel_loop3A_1457 = tpu.vector_load %arg6[%parallel_loop3A_1454, %parallel_loop3A_1455, %parallel_loop3A_1456] {strides = array<i32>} : memref<3x32x1024xf32, #tpu.memory_space<vmem>>, vector<1x1x16xf32>,
      %parallel_loop3A_1458 = vector.shape_cast %parallel_loop3A_1457 : vector<1x1x16xf32> to vector<16xf32>
      %parallel_loop3A_1459 = arith.constant 3.200000e+01 : f32
      %parallel_loop3A_1460 = vector.broadcast %parallel_loop3A_1459 : f32 to vector<16xf32>
      %parallel_loop3A_1461 = arith.mulf %parallel_loop3A_1458, %parallel_loop3A_1460 : vector<16xf32>
      %parallel_loop3A_1462 = arith.constant 8 : i32
      %parallel_loop3A_1463 = arith.addi %parallel_loop3A_1462, %parallel_loop3A_1412 : i32
      %parallel_loop3A_1464 = arith.constant 0 : i32
      %parallel_loop3A_1465 = arith.index_cast %parallel_loop3A_1464 : i32 to index
      %parallel_loop3A_1466 = arith.index_cast %parallel_loop3A_1463 : i32 to index
      %parallel_loop3A_1467 = arith.index_cast %parallel_loop3A_1430 : i32 to index
      %parallel_loop3A_1468 = tpu.vector_load %arg6[%parallel_loop3A_1465, %parallel_loop3A_1466, %parallel_loop3A_1467] {strides = array<i32>} : memref<3x32x1024xf32, #tpu.memory_space<vmem>>, vector<1x1x16xf32>,
      %parallel_loop3A_1469 = vector.shape_cast %parallel_loop3A_1468 : vector<1x1x16xf32> to vector<16xf32>
      %parallel_loop3A_1470 = vector.shape_cast %parallel_loop3A_1461 : vector<16xf32> to vector<1x1x16xf32>
      tpu.vector_store %arg6[%parallel_loop3A_1465, %parallel_loop3A_1466, %parallel_loop3A_1467], %parallel_loop3A_1470 {strides = array<i32>} : memref<3x32x1024xf32, #tpu.memory_space<vmem>>, vector<1x1x16xf32>,
      %parallel_loop3A_1471 = arith.constant 16 : i32
      %parallel_loop3A_1472 = arith.addi %parallel_loop3A_1471, %parallel_loop3A_1412 : i32
      %parallel_loop3A_1473 = arith.constant 0 : i32
      %parallel_loop3A_1474 = arith.index_cast %parallel_loop3A_1473 : i32 to index
      %parallel_loop3A_1475 = arith.index_cast %parallel_loop3A_1472 : i32 to index
      %parallel_loop3A_1476 = arith.index_cast %parallel_loop3A_1430 : i32 to index
      %parallel_loop3A_1477 = tpu.vector_load %arg6[%parallel_loop3A_1474, %parallel_loop3A_1475, %parallel_loop3A_1476] {strides = array<i32>} : memref<3x32x1024xf32, #tpu.memory_space<vmem>>, vector<1x1x16xf32>,
      %parallel_loop3A_1478 = vector.shape_cast %parallel_loop3A_1477 : vector<1x1x16xf32> to vector<16xf32>
      %parallel_loop3A_1479 = arith.constant 3.200000e+01 : f32
      %parallel_loop3A_1480 = vector.broadcast %parallel_loop3A_1479 : f32 to vector<16xf32>
      %parallel_loop3A_1481 = arith.mulf %parallel_loop3A_1478, %parallel_loop3A_1480 : vector<16xf32>
      %parallel_loop3A_1482 = arith.constant 16 : i32
      %parallel_loop3A_1483 = arith.addi %parallel_loop3A_1482, %parallel_loop3A_1412 : i32
      %parallel_loop3A_1484 = arith.constant 0 : i32
      %parallel_loop3A_1485 = arith.index_cast %parallel_loop3A_1484 : i32 to index
      %parallel_loop3A_1486 = arith.index_cast %parallel_loop3A_1483 : i32 to index
      %parallel_loop3A_1487 = arith.index_cast %parallel_loop3A_1430 : i32 to index
      %parallel_loop3A_1488 = tpu.vector_load %arg6[%parallel_loop3A_1485, %parallel_loop3A_1486, %parallel_loop3A_1487] {strides = array<i32>} : memref<3x32x1024xf32, #tpu.memory_space<vmem>>, vector<1x1x16xf32>,
      %parallel_loop3A_1489 = vector.shape_cast %parallel_loop3A_1488 : vector<1x1x16xf32> to vector<16xf32>
      %parallel_loop3A_1490 = vector.shape_cast %parallel_loop3A_1481 : vector<16xf32> to vector<1x1x16xf32>
      tpu.vector_store %arg6[%parallel_loop3A_1485, %parallel_loop3A_1486, %parallel_loop3A_1487], %parallel_loop3A_1490 {strides = array<i32>} : memref<3x32x1024xf32, #tpu.memory_space<vmem>>, vector<1x1x16xf32>,
      %parallel_loop3A_1491 = arith.constant 24 : i32
      %parallel_loop3A_1492 = arith.addi %parallel_loop3A_1491, %parallel_loop3A_1412 : i32
      %parallel_loop3A_1493 = arith.constant 0 : i32
      %parallel_loop3A_1494 = arith.index_cast %parallel_loop3A_1493 : i32 to index
      %parallel_loop3A_1495 = arith.index_cast %parallel_loop3A_1492 : i32 to index
      %parallel_loop3A_1496 = arith.index_cast %parallel_loop3A_1430 : i32 to index
      %parallel_loop3A_1497 = tpu.vector_load %arg6[%parallel_loop3A_1494, %parallel_loop3A_1495, %parallel_loop3A_1496] {strides = array<i32>} : memref<3x32x1024xf32, #tpu.memory_space<vmem>>, vector<1x1x16xf32>,
      %parallel_loop3A_1498 = vector.shape_cast %parallel_loop3A_1497 : vector<1x1x16xf32> to vector<16xf32>
      %parallel_loop3A_1499 = arith.constant 3.200000e+01 : f32
      %parallel_loop3A_1500 = vector.broadcast %parallel_loop3A_1499 : f32 to vector<16xf32>
      %parallel_loop3A_1501 = arith.mulf %parallel_loop3A_1498, %parallel_loop3A_1500 : vector<16xf32>
      %parallel_loop3A_1502 = arith.constant 24 : i32
      %parallel_loop3A_1503 = arith.addi %parallel_loop3A_1502, %parallel_loop3A_1412 : i32
      %parallel_loop3A_1504 = arith.constant 0 : i32
      %parallel_loop3A_1505 = arith.index_cast %parallel_loop3A_1504 : i32 to index
      %parallel_loop3A_1506 = arith.index_cast %parallel_loop3A_1503 : i32 to index
      %parallel_loop3A_1507 = arith.index_cast %parallel_loop3A_1430 : i32 to index
      %parallel_loop3A_1508 = tpu.vector_load %arg6[%parallel_loop3A_1505, %parallel_loop3A_1506, %parallel_loop3A_1507] {strides = array<i32>} : memref<3x32x1024xf32, #tpu.memory_space<vmem>>, vector<1x1x16xf32>,
      %parallel_loop3A_1509 = vector.shape_cast %parallel_loop3A_1508 : vector<1x1x16xf32> to vector<16xf32>
      %parallel_loop3A_1510 = vector.shape_cast %parallel_loop3A_1501 : vector<16xf32> to vector<1x1x16xf32>
      tpu.vector_store %arg6[%parallel_loop3A_1505, %parallel_loop3A_1506, %parallel_loop3A_1507], %parallel_loop3A_1510 {strides = array<i32>} : memref<3x32x1024xf32, #tpu.memory_space<vmem>>, vector<1x1x16xf32>,
    } {sc.loop_unroll_factor = 2 : i64, sc.parallel_access}
    %add3A_1020 = arith.constant 0 : i32
    %add3A_1021 = arith.addi %add3A_1020, %mul3A_2 : i32
    %add3A_1022 = arith.constant 48 : i32
    %add3A_1023 = arith.addi %add3A_1021, %add3A_1022 : i32
    %dma_start3A_1024 = arith.constant 0 : i32
    %dma_start3A_1025 = arith.constant 0 : i32
    %dma_start3A_1026 = arith.constant 0 : i32
    %dma_start3A_1027 = arith.constant 0 : i32
    %dma_start3A_1028 = tpu.memref_slice %arg6[%dma_start3A_1024, %dma_start3A_1026, %dma_start3A_1027] : memref<3x32x1024xf32, #tpu.memory_space<vmem>> -> memref<1x8x1024xf32, #tpu.memory_space<vmem>>
    %dma_start3A_1029 = tpu.memref_squeeze %dma_start3A_1028 : memref<1x8x1024xf32, #tpu.memory_space<vmem>> -> memref<8x1024xf32, #tpu.memory_space<vmem>>
    %dma_start3A_1030 = arith.constant 0 : i32
    %dma_start3A_1031 = tpu.memref_slice %arg4[%add3A_1023, %dma_start3A_1030] : memref<8192x1024xf32, #tpu.memory_space<hbm>> -> memref<8x1024xf32, #tpu.memory_space<hbm>>
    %dma_start3A_1032 = tpu.memref_slice %arg8[%dma_start3A_1025] : memref<3x!tpu.dma_semaphore, #tpu.memory_space<semaphore_mem>> -> memref<1x!tpu.dma_semaphore, #tpu.memory_space<semaphore_mem>>
    %dma_start3A_1033 = tpu.memref_squeeze %dma_start3A_1032 : memref<1x!tpu.dma_semaphore, #tpu.memory_space<semaphore_mem>> -> memref<!tpu.dma_semaphore, #tpu.memory_space<semaphore_mem>>
    %dma_start3A_1034 = arith.constant 0 : i32
    %dma_start3A_1035 = tpu.memref_slice %arg4[%add3A_1023, %dma_start3A_1034] : memref<8192x1024xf32, #tpu.memory_space<hbm>> -> memref<8x1024xf32, #tpu.memory_space<hbm>>
    %dma_start3A_1036 = arith.constant 0 : i32
    %dma_start3A_1037 = arith.constant 0 : i32
    %dma_start3A_1038 = tpu.memref_slice %arg6[%dma_start3A_1024, %dma_start3A_1036, %dma_start3A_1037] : memref<3x32x1024xf32, #tpu.memory_space<vmem>> -> memref<1x8x1024xf32, #tpu.memory_space<vmem>>
    %dma_start3A_1039 = tpu.memref_squeeze %dma_start3A_1038 : memref<1x8x1024xf32, #tpu.memory_space<vmem>> -> memref<8x1024xf32, #tpu.memory_space<vmem>>
    tpu.enqueue_dma source(%dma_start3A_1039 : memref<8x1024xf32, #tpu.memory_space<vmem>>) target(%dma_start3A_1035 : memref<8x1024xf32, #tpu.memory_space<hbm>>) target_semaphore(%dma_start3A_1033 : memref<!tpu.dma_semaphore, #tpu.memory_space<semaphore_mem>>)
    %add3A_1040 = arith.constant 2048 : i32
    %add3A_1041 = arith.addi %add3A_1040, %mul3A_2 : i32
    %add3A_1042 = arith.constant 48 : i32
    %add3A_1043 = arith.addi %add3A_1041, %add3A_1042 : i32
    %dma_start3A_1044 = arith.constant 0 : i32
    %dma_start3A_1045 = arith.constant 0 : i32
    %dma_start3A_1046 = arith.constant 8 : i32
    %dma_start3A_1047 = arith.constant 0 : i32
    %dma_start3A_1048 = tpu.memref_slice %arg6[%dma_start3A_1044, %dma_start3A_1046, %dma_start3A_1047] : memref<3x32x1024xf32, #tpu.memory_space<vmem>> -> memref<1x8x1024xf32, #tpu.memory_space<vmem>>
    %dma_start3A_1049 = tpu.memref_squeeze %dma_start3A_1048 : memref<1x8x1024xf32, #tpu.memory_space<vmem>> -> memref<8x1024xf32, #tpu.memory_space<vmem>>
    %dma_start3A_1050 = arith.constant 0 : i32
    %dma_start3A_1051 = tpu.memref_slice %arg4[%add3A_1043, %dma_start3A_1050] : memref<8192x1024xf32, #tpu.memory_space<hbm>> -> memref<8x1024xf32, #tpu.memory_space<hbm>>
    %dma_start3A_1052 = tpu.memref_slice %arg8[%dma_start3A_1045] : memref<3x!tpu.dma_semaphore, #tpu.memory_space<semaphore_mem>> -> memref<1x!tpu.dma_semaphore, #tpu.memory_space<semaphore_mem>>
    %dma_start3A_1053 = tpu.memref_squeeze %dma_start3A_1052 : memref<1x!tpu.dma_semaphore, #tpu.memory_space<semaphore_mem>> -> memref<!tpu.dma_semaphore, #tpu.memory_space<semaphore_mem>>
    %dma_start3A_1054 = arith.constant 0 : i32
    %dma_start3A_1055 = tpu.memref_slice %arg4[%add3A_1043, %dma_start3A_1054] : memref<8192x1024xf32, #tpu.memory_space<hbm>> -> memref<8x1024xf32, #tpu.memory_space<hbm>>
    %dma_start3A_1056 = arith.constant 8 : i32
    %dma_start3A_1057 = arith.constant 0 : i32
    %dma_start3A_1058 = tpu.memref_slice %arg6[%dma_start3A_1044, %dma_start3A_1056, %dma_start3A_1057] : memref<3x32x1024xf32, #tpu.memory_space<vmem>> -> memref<1x8x1024xf32, #tpu.memory_space<vmem>>
    %dma_start3A_1059 = tpu.memref_squeeze %dma_start3A_1058 : memref<1x8x1024xf32, #tpu.memory_space<vmem>> -> memref<8x1024xf32, #tpu.memory_space<vmem>>
    tpu.enqueue_dma source(%dma_start3A_1059 : memref<8x1024xf32, #tpu.memory_space<vmem>>) target(%dma_start3A_1055 : memref<8x1024xf32, #tpu.memory_space<hbm>>) target_semaphore(%dma_start3A_1053 : memref<!tpu.dma_semaphore, #tpu.memory_space<semaphore_mem>>)
    %add3A_1060 = arith.constant 4096 : i32
    %add3A_1061 = arith.addi %add3A_1060, %mul3A_2 : i32
    %add3A_1062 = arith.constant 48 : i32
    %add3A_1063 = arith.addi %add3A_1061, %add3A_1062 : i32
    %dma_start3A_1064 = arith.constant 0 : i32
    %dma_start3A_1065 = arith.constant 0 : i32
    %dma_start3A_1066 = arith.constant 16 : i32
    %dma_start3A_1067 = arith.constant 0 : i32
    %dma_start3A_1068 = tpu.memref_slice %arg6[%dma_start3A_1064, %dma_start3A_1066, %dma_start3A_1067] : memref<3x32x1024xf32, #tpu.memory_space<vmem>> -> memref<1x8x1024xf32, #tpu.memory_space<vmem>>
    %dma_start3A_1069 = tpu.memref_squeeze %dma_start3A_1068 : memref<1x8x1024xf32, #tpu.memory_space<vmem>> -> memref<8x1024xf32, #tpu.memory_space<vmem>>
    %dma_start3A_1070 = arith.constant 0 : i32
    %dma_start3A_1071 = tpu.memref_slice %arg4[%add3A_1063, %dma_start3A_1070] : memref<8192x1024xf32, #tpu.memory_space<hbm>> -> memref<8x1024xf32, #tpu.memory_space<hbm>>
    %dma_start3A_1072 = tpu.memref_slice %arg8[%dma_start3A_1065] : memref<3x!tpu.dma_semaphore, #tpu.memory_space<semaphore_mem>> -> memref<1x!tpu.dma_semaphore, #tpu.memory_space<semaphore_mem>>
    %dma_start3A_1073 = tpu.memref_squeeze %dma_start3A_1072 : memref<1x!tpu.dma_semaphore, #tpu.memory_space<semaphore_mem>> -> memref<!tpu.dma_semaphore, #tpu.memory_space<semaphore_mem>>
    %dma_start3A_1074 = arith.constant 0 : i32
    %dma_start3A_1075 = tpu.memref_slice %arg4[%add3A_1063, %dma_start3A_1074] : memref<8192x1024xf32, #tpu.memory_space<hbm>> -> memref<8x1024xf32, #tpu.memory_space<hbm>>
    %dma_start3A_1076 = arith.constant 16 : i32
    %dma_start3A_1077 = arith.constant 0 : i32
    %dma_start3A_1078 = tpu.memref_slice %arg6[%dma_start3A_1064, %dma_start3A_1076, %dma_start3A_1077] : memref<3x32x1024xf32, #tpu.memory_space<vmem>> -> memref<1x8x1024xf32, #tpu.memory_space<vmem>>
    %dma_start3A_1079 = tpu.memref_squeeze %dma_start3A_1078 : memref<1x8x1024xf32, #tpu.memory_space<vmem>> -> memref<8x1024xf32, #tpu.memory_space<vmem>>
    tpu.enqueue_dma source(%dma_start3A_1079 : memref<8x1024xf32, #tpu.memory_space<vmem>>) target(%dma_start3A_1075 : memref<8x1024xf32, #tpu.memory_space<hbm>>) target_semaphore(%dma_start3A_1073 : memref<!tpu.dma_semaphore, #tpu.memory_space<semaphore_mem>>)
    %add3A_1080 = arith.constant 6144 : i32
    %add3A_1081 = arith.addi %add3A_1080, %mul3A_2 : i32
    %add3A_1082 = arith.constant 48 : i32
    %add3A_1083 = arith.addi %add3A_1081, %add3A_1082 : i32
    %dma_start3A_1084 = arith.constant 0 : i32
    %dma_start3A_1085 = arith.constant 0 : i32
    %dma_start3A_1086 = arith.constant 24 : i32
    %dma_start3A_1087 = arith.constant 0 : i32
    %dma_start3A_1088 = tpu.memref_slice %arg6[%dma_start3A_1084, %dma_start3A_1086, %dma_start3A_1087] : memref<3x32x1024xf32, #tpu.memory_space<vmem>> -> memref<1x8x1024xf32, #tpu.memory_space<vmem>>
    %dma_start3A_1089 = tpu.memref_squeeze %dma_start3A_1088 : memref<1x8x1024xf32, #tpu.memory_space<vmem>> -> memref<8x1024xf32, #tpu.memory_space<vmem>>
    %dma_start3A_1090 = arith.constant 0 : i32
    %dma_start3A_1091 = tpu.memref_slice %arg4[%add3A_1083, %dma_start3A_1090] : memref<8192x1024xf32, #tpu.memory_space<hbm>> -> memref<8x1024xf32, #tpu.memory_space<hbm>>
    %dma_start3A_1092 = tpu.memref_slice %arg8[%dma_start3A_1085] : memref<3x!tpu.dma_semaphore, #tpu.memory_space<semaphore_mem>> -> memref<1x!tpu.dma_semaphore, #tpu.memory_space<semaphore_mem>>
    %dma_start3A_1093 = tpu.memref_squeeze %dma_start3A_1092 : memref<1x!tpu.dma_semaphore, #tpu.memory_space<semaphore_mem>> -> memref<!tpu.dma_semaphore, #tpu.memory_space<semaphore_mem>>
    %dma_start3A_1094 = arith.constant 0 : i32
    %dma_start3A_1095 = tpu.memref_slice %arg4[%add3A_1083, %dma_start3A_1094] : memref<8192x1024xf32, #tpu.memory_space<hbm>> -> memref<8x1024xf32, #tpu.memory_space<hbm>>
    %dma_start3A_1096 = arith.constant 24 : i32
    %dma_start3A_1097 = arith.constant 0 : i32
    %dma_start3A_1098 = tpu.memref_slice %arg6[%dma_start3A_1084, %dma_start3A_1096, %dma_start3A_1097] : memref<3x32x1024xf32, #tpu.memory_space<vmem>> -> memref<1x8x1024xf32, #tpu.memory_space<vmem>>
    %dma_start3A_1099 = tpu.memref_squeeze %dma_start3A_1098 : memref<1x8x1024xf32, #tpu.memory_space<vmem>> -> memref<8x1024xf32, #tpu.memory_space<vmem>>
    tpu.enqueue_dma source(%dma_start3A_1099 : memref<8x1024xf32, #tpu.memory_space<vmem>>) target(%dma_start3A_1095 : memref<8x1024xf32, #tpu.memory_space<hbm>>) target_semaphore(%dma_start3A_1093 : memref<!tpu.dma_semaphore, #tpu.memory_space<semaphore_mem>>)
    %dma_wait3A_1100 = arith.constant 1 : i32
    %dma_wait3A_1101 = arith.constant 1 : i32
    %dma_wait3A_1102 = arith.constant 0 : i32
    %dma_wait3A_1103 = arith.constant 0 : i32
    %dma_wait3A_1104 = tpu.memref_slice %arg6[%dma_wait3A_1100, %dma_wait3A_1102, %dma_wait3A_1103] : memref<3x32x1024xf32, #tpu.memory_space<vmem>> -> memref<1x32x1024xf32, #tpu.memory_space<vmem>>
    %dma_wait3A_1105 = tpu.memref_squeeze %dma_wait3A_1104 : memref<1x32x1024xf32, #tpu.memory_space<vmem>> -> memref<32x1024xf32, #tpu.memory_space<vmem>>
    %dma_wait3A_1106 = arith.constant 224 : i32
    %dma_wait3A_1107 = tpu.memref_slice %arg5[%dma_wait3A_1106] : memref<256xi32, #tpu.memory_space<vmem>> -> memref<32xi32, #tpu.memory_space<vmem>>
    %dma_wait3A_1108 = arith.constant 0 : i32
    %dma_wait3A_1109 = arith.constant 0 : i32
    %dma_wait3A_1110 = tpu.memref_slice %arg2[%dma_wait3A_1108, %dma_wait3A_1109] : memref<100000x1024xf32, #tpu.memory_space<hbm>> -> memref<100000x1024xf32, #tpu.memory_space<hbm>>
    %dma_wait3A_1111 = tpu.memref_slice %arg7[%dma_wait3A_1101] : memref<3x!tpu.dma_semaphore, #tpu.memory_space<semaphore_mem>> -> memref<1x!tpu.dma_semaphore, #tpu.memory_space<semaphore_mem>>
    %dma_wait3A_1112 = tpu.memref_squeeze %dma_wait3A_1111 : memref<1x!tpu.dma_semaphore, #tpu.memory_space<semaphore_mem>> -> memref<!tpu.dma_semaphore, #tpu.memory_space<semaphore_mem>>
    tpu.wait_indirect_dma semaphore(%dma_wait3A_1112 : memref<!tpu.dma_semaphore, #tpu.memory_space<semaphore_mem>>) src(%dma_wait3A_1110 : memref<100000x1024xf32, #tpu.memory_space<hbm>>) dst(%dma_wait3A_1105 : memref<32x1024xf32, #tpu.memory_space<vmem>>)
    %dma_wait3A_1113 = arith.constant 2 : i32
    %dma_wait3A_1114 = arith.constant 2 : i32
    %dma_wait3A_1115 = arith.constant 0 : i32
    %dma_wait3A_1116 = arith.constant 0 : i32
    %dma_wait3A_1117 = tpu.memref_slice %arg6[%dma_wait3A_1113, %dma_wait3A_1115, %dma_wait3A_1116] : memref<3x32x1024xf32, #tpu.memory_space<vmem>> -> memref<1x8x1024xf32, #tpu.memory_space<vmem>>
    %dma_wait3A_1118 = tpu.memref_squeeze %dma_wait3A_1117 : memref<1x8x1024xf32, #tpu.memory_space<vmem>> -> memref<8x1024xf32, #tpu.memory_space<vmem>>
    %dma_wait3A_1119 = arith.constant 0 : i32
    %dma_wait3A_1120 = tpu.memref_slice %arg4[%add3A_850, %dma_wait3A_1119] : memref<8192x1024xf32, #tpu.memory_space<hbm>> -> memref<8x1024xf32, #tpu.memory_space<hbm>>
    %dma_wait3A_1121 = tpu.memref_slice %arg8[%dma_wait3A_1114] : memref<3x!tpu.dma_semaphore, #tpu.memory_space<semaphore_mem>> -> memref<1x!tpu.dma_semaphore, #tpu.memory_space<semaphore_mem>>
    %dma_wait3A_1122 = tpu.memref_squeeze %dma_wait3A_1121 : memref<1x!tpu.dma_semaphore, #tpu.memory_space<semaphore_mem>> -> memref<!tpu.dma_semaphore, #tpu.memory_space<semaphore_mem>>
    %dma_wait3A_1123 = arith.constant 0 : i32
    %dma_wait3A_1124 = tpu.memref_slice %arg4[%add3A_850, %dma_wait3A_1123] : memref<8192x1024xf32, #tpu.memory_space<hbm>> -> memref<8x1024xf32, #tpu.memory_space<hbm>>
    %dma_wait3A_1125 = arith.constant 0 : i32
    %dma_wait3A_1126 = arith.constant 0 : i32
    %dma_wait3A_1127 = tpu.memref_slice %arg6[%dma_wait3A_1113, %dma_wait3A_1125, %dma_wait3A_1126] : memref<3x32x1024xf32, #tpu.memory_space<vmem>> -> memref<1x8x1024xf32, #tpu.memory_space<vmem>>
    %dma_wait3A_1128 = tpu.memref_squeeze %dma_wait3A_1127 : memref<1x8x1024xf32, #tpu.memory_space<vmem>> -> memref<8x1024xf32, #tpu.memory_space<vmem>>
    tpu.wait_dma2 semaphore(%dma_wait3A_1122 : memref<!tpu.dma_semaphore, #tpu.memory_space<semaphore_mem>>) src(%dma_wait3A_1128 : memref<8x1024xf32, #tpu.memory_space<vmem>>) dst(%dma_wait3A_1124 : memref<8x1024xf32, #tpu.memory_space<hbm>>)
    %dma_wait3A_1129 = arith.constant 2 : i32
    %dma_wait3A_1130 = arith.constant 2 : i32
    %dma_wait3A_1131 = arith.constant 8 : i32
    %dma_wait3A_1132 = arith.constant 0 : i32
    %dma_wait3A_1133 = tpu.memref_slice %arg6[%dma_wait3A_1129, %dma_wait3A_1131, %dma_wait3A_1132] : memref<3x32x1024xf32, #tpu.memory_space<vmem>> -> memref<1x8x1024xf32, #tpu.memory_space<vmem>>
    %dma_wait3A_1134 = tpu.memref_squeeze %dma_wait3A_1133 : memref<1x8x1024xf32, #tpu.memory_space<vmem>> -> memref<8x1024xf32, #tpu.memory_space<vmem>>
    %dma_wait3A_1135 = arith.constant 0 : i32
    %dma_wait3A_1136 = tpu.memref_slice %arg4[%add3A_870, %dma_wait3A_1135] : memref<8192x1024xf32, #tpu.memory_space<hbm>> -> memref<8x1024xf32, #tpu.memory_space<hbm>>
    %dma_wait3A_1137 = tpu.memref_slice %arg8[%dma_wait3A_1130] : memref<3x!tpu.dma_semaphore, #tpu.memory_space<semaphore_mem>> -> memref<1x!tpu.dma_semaphore, #tpu.memory_space<semaphore_mem>>
    %dma_wait3A_1138 = tpu.memref_squeeze %dma_wait3A_1137 : memref<1x!tpu.dma_semaphore, #tpu.memory_space<semaphore_mem>> -> memref<!tpu.dma_semaphore, #tpu.memory_space<semaphore_mem>>
    %dma_wait3A_1139 = arith.constant 0 : i32
    %dma_wait3A_1140 = tpu.memref_slice %arg4[%add3A_870, %dma_wait3A_1139] : memref<8192x1024xf32, #tpu.memory_space<hbm>> -> memref<8x1024xf32, #tpu.memory_space<hbm>>
    %dma_wait3A_1141 = arith.constant 8 : i32
    %dma_wait3A_1142 = arith.constant 0 : i32
    %dma_wait3A_1143 = tpu.memref_slice %arg6[%dma_wait3A_1129, %dma_wait3A_1141, %dma_wait3A_1142] : memref<3x32x1024xf32, #tpu.memory_space<vmem>> -> memref<1x8x1024xf32, #tpu.memory_space<vmem>>
    %dma_wait3A_1144 = tpu.memref_squeeze %dma_wait3A_1143 : memref<1x8x1024xf32, #tpu.memory_space<vmem>> -> memref<8x1024xf32, #tpu.memory_space<vmem>>
    tpu.wait_dma2 semaphore(%dma_wait3A_1138 : memref<!tpu.dma_semaphore, #tpu.memory_space<semaphore_mem>>) src(%dma_wait3A_1144 : memref<8x1024xf32, #tpu.memory_space<vmem>>) dst(%dma_wait3A_1140 : memref<8x1024xf32, #tpu.memory_space<hbm>>)
    %dma_wait3A_1145 = arith.constant 2 : i32
    %dma_wait3A_1146 = arith.constant 2 : i32
    %dma_wait3A_1147 = arith.constant 16 : i32
    %dma_wait3A_1148 = arith.constant 0 : i32
    %dma_wait3A_1149 = tpu.memref_slice %arg6[%dma_wait3A_1145, %dma_wait3A_1147, %dma_wait3A_1148] : memref<3x32x1024xf32, #tpu.memory_space<vmem>> -> memref<1x8x1024xf32, #tpu.memory_space<vmem>>
    %dma_wait3A_1150 = tpu.memref_squeeze %dma_wait3A_1149 : memref<1x8x1024xf32, #tpu.memory_space<vmem>> -> memref<8x1024xf32, #tpu.memory_space<vmem>>
    %dma_wait3A_1151 = arith.constant 0 : i32
    %dma_wait3A_1152 = tpu.memref_slice %arg4[%add3A_890, %dma_wait3A_1151] : memref<8192x1024xf32, #tpu.memory_space<hbm>> -> memref<8x1024xf32, #tpu.memory_space<hbm>>
    %dma_wait3A_1153 = tpu.memref_slice %arg8[%dma_wait3A_1146] : memref<3x!tpu.dma_semaphore, #tpu.memory_space<semaphore_mem>> -> memref<1x!tpu.dma_semaphore, #tpu.memory_space<semaphore_mem>>
    %dma_wait3A_1154 = tpu.memref_squeeze %dma_wait3A_1153 : memref<1x!tpu.dma_semaphore, #tpu.memory_space<semaphore_mem>> -> memref<!tpu.dma_semaphore, #tpu.memory_space<semaphore_mem>>
    %dma_wait3A_1155 = arith.constant 0 : i32
    %dma_wait3A_1156 = tpu.memref_slice %arg4[%add3A_890, %dma_wait3A_1155] : memref<8192x1024xf32, #tpu.memory_space<hbm>> -> memref<8x1024xf32, #tpu.memory_space<hbm>>
    %dma_wait3A_1157 = arith.constant 16 : i32
    %dma_wait3A_1158 = arith.constant 0 : i32
    %dma_wait3A_1159 = tpu.memref_slice %arg6[%dma_wait3A_1145, %dma_wait3A_1157, %dma_wait3A_1158] : memref<3x32x1024xf32, #tpu.memory_space<vmem>> -> memref<1x8x1024xf32, #tpu.memory_space<vmem>>
    %dma_wait3A_1160 = tpu.memref_squeeze %dma_wait3A_1159 : memref<1x8x1024xf32, #tpu.memory_space<vmem>> -> memref<8x1024xf32, #tpu.memory_space<vmem>>
    tpu.wait_dma2 semaphore(%dma_wait3A_1154 : memref<!tpu.dma_semaphore, #tpu.memory_space<semaphore_mem>>) src(%dma_wait3A_1160 : memref<8x1024xf32, #tpu.memory_space<vmem>>) dst(%dma_wait3A_1156 : memref<8x1024xf32, #tpu.memory_space<hbm>>)
    %dma_wait3A_1161 = arith.constant 2 : i32
    %dma_wait3A_1162 = arith.constant 2 : i32
    %dma_wait3A_1163 = arith.constant 24 : i32
    %dma_wait3A_1164 = arith.constant 0 : i32
    %dma_wait3A_1165 = tpu.memref_slice %arg6[%dma_wait3A_1161, %dma_wait3A_1163, %dma_wait3A_1164] : memref<3x32x1024xf32, #tpu.memory_space<vmem>> -> memref<1x8x1024xf32, #tpu.memory_space<vmem>>
    %dma_wait3A_1166 = tpu.memref_squeeze %dma_wait3A_1165 : memref<1x8x1024xf32, #tpu.memory_space<vmem>> -> memref<8x1024xf32, #tpu.memory_space<vmem>>
    %dma_wait3A_1167 = arith.constant 0 : i32
    %dma_wait3A_1168 = tpu.memref_slice %arg4[%add3A_910, %dma_wait3A_1167] : memref<8192x1024xf32, #tpu.memory_space<hbm>> -> memref<8x1024xf32, #tpu.memory_space<hbm>>
    %dma_wait3A_1169 = tpu.memref_slice %arg8[%dma_wait3A_1162] : memref<3x!tpu.dma_semaphore, #tpu.memory_space<semaphore_mem>> -> memref<1x!tpu.dma_semaphore, #tpu.memory_space<semaphore_mem>>
    %dma_wait3A_1170 = tpu.memref_squeeze %dma_wait3A_1169 : memref<1x!tpu.dma_semaphore, #tpu.memory_space<semaphore_mem>> -> memref<!tpu.dma_semaphore, #tpu.memory_space<semaphore_mem>>
    %dma_wait3A_1171 = arith.constant 0 : i32
    %dma_wait3A_1172 = tpu.memref_slice %arg4[%add3A_910, %dma_wait3A_1171] : memref<8192x1024xf32, #tpu.memory_space<hbm>> -> memref<8x1024xf32, #tpu.memory_space<hbm>>
    %dma_wait3A_1173 = arith.constant 24 : i32
    %dma_wait3A_1174 = arith.constant 0 : i32
    %dma_wait3A_1175 = tpu.memref_slice %arg6[%dma_wait3A_1161, %dma_wait3A_1173, %dma_wait3A_1174] : memref<3x32x1024xf32, #tpu.memory_space<vmem>> -> memref<1x8x1024xf32, #tpu.memory_space<vmem>>
    %dma_wait3A_1176 = tpu.memref_squeeze %dma_wait3A_1175 : memref<1x8x1024xf32, #tpu.memory_space<vmem>> -> memref<8x1024xf32, #tpu.memory_space<vmem>>
    tpu.wait_dma2 semaphore(%dma_wait3A_1170 : memref<!tpu.dma_semaphore, #tpu.memory_space<semaphore_mem>>) src(%dma_wait3A_1176 : memref<8x1024xf32, #tpu.memory_space<vmem>>) dst(%dma_wait3A_1172 : memref<8x1024xf32, #tpu.memory_space<hbm>>)
    %parallel_loop3A_1177 = arith.constant 0 : i32
    %parallel_loop3A_1178 = arith.constant 512 : i32
    %parallel_loop3A_1179 = arith.constant 1 : i32
    scf.for %parallel_loop3A_1388 = %parallel_loop3A_1177 to %parallel_loop3A_1178 step %parallel_loop3A_1179  : i32 {
      %parallel_loop3A_1389 = arith.constant 64 : i32
      %parallel_loop3A_1390 = arith.divsi %parallel_loop3A_1388, %parallel_loop3A_1389 : i32
      %parallel_loop3A_1391 = arith.constant 0 : i32
      %parallel_loop3A_1392 = arith.cmpi sgt, %parallel_loop3A_1388, %parallel_loop3A_1391 : i32
      %parallel_loop3A_1393 = arith.extui %parallel_loop3A_1392 : i1 to i32
      %parallel_loop3A_1394 = arith.constant 0 : i32
      %parallel_loop3A_1395 = arith.cmpi slt, %parallel_loop3A_1388, %parallel_loop3A_1394 : i32
      %parallel_loop3A_1396 = arith.extui %parallel_loop3A_1395 : i1 to i32
      %parallel_loop3A_1397 = arith.subi %parallel_loop3A_1393, %parallel_loop3A_1396 : i32
      %parallel_loop3A_1398 = arith.constant 0 : i32
      %parallel_loop3A_1399 = arith.cmpi sgt, %parallel_loop3A_1389, %parallel_loop3A_1398 : i32
      %parallel_loop3A_1400 = arith.extui %parallel_loop3A_1399 : i1 to i32
      %parallel_loop3A_1401 = arith.constant 0 : i32
      %parallel_loop3A_1402 = arith.cmpi slt, %parallel_loop3A_1389, %parallel_loop3A_1401 : i32
      %parallel_loop3A_1403 = arith.extui %parallel_loop3A_1402 : i1 to i32
      %parallel_loop3A_1404 = arith.subi %parallel_loop3A_1400, %parallel_loop3A_1403 : i32
      %parallel_loop3A_1405 = arith.cmpi ne, %parallel_loop3A_1397, %parallel_loop3A_1404 : i32
      %parallel_loop3A_1406 = arith.remsi %parallel_loop3A_1388, %parallel_loop3A_1389 : i32
      %parallel_loop3A_1407 = arith.constant 0 : i32
      %parallel_loop3A_1408 = arith.cmpi ne, %parallel_loop3A_1406, %parallel_loop3A_1407 : i32
      %parallel_loop3A_1409 = arith.andi %parallel_loop3A_1405, %parallel_loop3A_1408 : i1
      %parallel_loop3A_1410 = arith.constant 1 : i32
      %parallel_loop3A_1411 = arith.subi %parallel_loop3A_1390, %parallel_loop3A_1410 : i32
      %parallel_loop3A_1412 = arith.select %parallel_loop3A_1409, %parallel_loop3A_1411, %parallel_loop3A_1390 : i32
      %parallel_loop3A_1413 = arith.constant 64 : i32
      %parallel_loop3A_1414 = arith.constant 0 : i32
      %parallel_loop3A_1415 = arith.cmpi eq, %parallel_loop3A_1413, %parallel_loop3A_1414 : i32
      %parallel_loop3A_1416 = arith.constant 1 : i32
      %parallel_loop3A_1417 = arith.select %parallel_loop3A_1415, %parallel_loop3A_1416, %parallel_loop3A_1413 : i32
      %parallel_loop3A_1418 = arith.remsi %parallel_loop3A_1388, %parallel_loop3A_1417 : i32
      %parallel_loop3A_1419 = arith.constant 0 : i32
      %parallel_loop3A_1420 = arith.cmpi ne, %parallel_loop3A_1418, %parallel_loop3A_1419 : i32
      %parallel_loop3A_1421 = arith.constant 0 : i32
      %parallel_loop3A_1422 = arith.cmpi slt, %parallel_loop3A_1418, %parallel_loop3A_1421 : i32
      %parallel_loop3A_1423 = arith.constant 0 : i32
      %parallel_loop3A_1424 = arith.cmpi slt, %parallel_loop3A_1417, %parallel_loop3A_1423 : i32
      %parallel_loop3A_1425 = arith.xori %parallel_loop3A_1422, %parallel_loop3A_1424 : i1
      %parallel_loop3A_1426 = arith.andi %parallel_loop3A_1425, %parallel_loop3A_1420 : i1
      %parallel_loop3A_1427 = arith.addi %parallel_loop3A_1418, %parallel_loop3A_1417 : i32
      %parallel_loop3A_1428 = arith.select %parallel_loop3A_1426, %parallel_loop3A_1427, %parallel_loop3A_1418 : i32
      %parallel_loop3A_1429 = arith.constant 16 : i32
      %parallel_loop3A_1430 = arith.muli %parallel_loop3A_1428, %parallel_loop3A_1429 : i32
      %parallel_loop3A_1431 = arith.constant 0 : i32
      %parallel_loop3A_1432 = arith.addi %parallel_loop3A_1431, %parallel_loop3A_1412 : i32
      %parallel_loop3A_1433 = arith.constant 1 : i32
      %parallel_loop3A_1434 = arith.index_cast %parallel_loop3A_1433 : i32 to index
      %parallel_loop3A_1435 = arith.index_cast %parallel_loop3A_1432 : i32 to index
      %parallel_loop3A_1436 = arith.index_cast %parallel_loop3A_1430 : i32 to index
      %parallel_loop3A_1437 = tpu.vector_load %arg6[%parallel_loop3A_1434, %parallel_loop3A_1435, %parallel_loop3A_1436] {strides = array<i32>} : memref<3x32x1024xf32, #tpu.memory_space<vmem>>, vector<1x1x16xf32>,
      %parallel_loop3A_1438 = vector.shape_cast %parallel_loop3A_1437 : vector<1x1x16xf32> to vector<16xf32>
      %parallel_loop3A_1439 = arith.constant 3.200000e+01 : f32
      %parallel_loop3A_1440 = vector.broadcast %parallel_loop3A_1439 : f32 to vector<16xf32>
      %parallel_loop3A_1441 = arith.mulf %parallel_loop3A_1438, %parallel_loop3A_1440 : vector<16xf32>
      %parallel_loop3A_1442 = arith.constant 0 : i32
      %parallel_loop3A_1443 = arith.addi %parallel_loop3A_1442, %parallel_loop3A_1412 : i32
      %parallel_loop3A_1444 = arith.constant 1 : i32
      %parallel_loop3A_1445 = arith.index_cast %parallel_loop3A_1444 : i32 to index
      %parallel_loop3A_1446 = arith.index_cast %parallel_loop3A_1443 : i32 to index
      %parallel_loop3A_1447 = arith.index_cast %parallel_loop3A_1430 : i32 to index
      %parallel_loop3A_1448 = tpu.vector_load %arg6[%parallel_loop3A_1445, %parallel_loop3A_1446, %parallel_loop3A_1447] {strides = array<i32>} : memref<3x32x1024xf32, #tpu.memory_space<vmem>>, vector<1x1x16xf32>,
      %parallel_loop3A_1449 = vector.shape_cast %parallel_loop3A_1448 : vector<1x1x16xf32> to vector<16xf32>
      %parallel_loop3A_1450 = vector.shape_cast %parallel_loop3A_1441 : vector<16xf32> to vector<1x1x16xf32>
      tpu.vector_store %arg6[%parallel_loop3A_1445, %parallel_loop3A_1446, %parallel_loop3A_1447], %parallel_loop3A_1450 {strides = array<i32>} : memref<3x32x1024xf32, #tpu.memory_space<vmem>>, vector<1x1x16xf32>,
      %parallel_loop3A_1451 = arith.constant 8 : i32
      %parallel_loop3A_1452 = arith.addi %parallel_loop3A_1451, %parallel_loop3A_1412 : i32
      %parallel_loop3A_1453 = arith.constant 1 : i32
      %parallel_loop3A_1454 = arith.index_cast %parallel_loop3A_1453 : i32 to index
      %parallel_loop3A_1455 = arith.index_cast %parallel_loop3A_1452 : i32 to index
      %parallel_loop3A_1456 = arith.index_cast %parallel_loop3A_1430 : i32 to index
      %parallel_loop3A_1457 = tpu.vector_load %arg6[%parallel_loop3A_1454, %parallel_loop3A_1455, %parallel_loop3A_1456] {strides = array<i32>} : memref<3x32x1024xf32, #tpu.memory_space<vmem>>, vector<1x1x16xf32>,
      %parallel_loop3A_1458 = vector.shape_cast %parallel_loop3A_1457 : vector<1x1x16xf32> to vector<16xf32>
      %parallel_loop3A_1459 = arith.constant 3.200000e+01 : f32
      %parallel_loop3A_1460 = vector.broadcast %parallel_loop3A_1459 : f32 to vector<16xf32>
      %parallel_loop3A_1461 = arith.mulf %parallel_loop3A_1458, %parallel_loop3A_1460 : vector<16xf32>
      %parallel_loop3A_1462 = arith.constant 8 : i32
      %parallel_loop3A_1463 = arith.addi %parallel_loop3A_1462, %parallel_loop3A_1412 : i32
      %parallel_loop3A_1464 = arith.constant 1 : i32
      %parallel_loop3A_1465 = arith.index_cast %parallel_loop3A_1464 : i32 to index
      %parallel_loop3A_1466 = arith.index_cast %parallel_loop3A_1463 : i32 to index
      %parallel_loop3A_1467 = arith.index_cast %parallel_loop3A_1430 : i32 to index
      %parallel_loop3A_1468 = tpu.vector_load %arg6[%parallel_loop3A_1465, %parallel_loop3A_1466, %parallel_loop3A_1467] {strides = array<i32>} : memref<3x32x1024xf32, #tpu.memory_space<vmem>>, vector<1x1x16xf32>,
      %parallel_loop3A_1469 = vector.shape_cast %parallel_loop3A_1468 : vector<1x1x16xf32> to vector<16xf32>
      %parallel_loop3A_1470 = vector.shape_cast %parallel_loop3A_1461 : vector<16xf32> to vector<1x1x16xf32>
      tpu.vector_store %arg6[%parallel_loop3A_1465, %parallel_loop3A_1466, %parallel_loop3A_1467], %parallel_loop3A_1470 {strides = array<i32>} : memref<3x32x1024xf32, #tpu.memory_space<vmem>>, vector<1x1x16xf32>,
      %parallel_loop3A_1471 = arith.constant 16 : i32
      %parallel_loop3A_1472 = arith.addi %parallel_loop3A_1471, %parallel_loop3A_1412 : i32
      %parallel_loop3A_1473 = arith.constant 1 : i32
      %parallel_loop3A_1474 = arith.index_cast %parallel_loop3A_1473 : i32 to index
      %parallel_loop3A_1475 = arith.index_cast %parallel_loop3A_1472 : i32 to index
      %parallel_loop3A_1476 = arith.index_cast %parallel_loop3A_1430 : i32 to index
      %parallel_loop3A_1477 = tpu.vector_load %arg6[%parallel_loop3A_1474, %parallel_loop3A_1475, %parallel_loop3A_1476] {strides = array<i32>} : memref<3x32x1024xf32, #tpu.memory_space<vmem>>, vector<1x1x16xf32>,
      %parallel_loop3A_1478 = vector.shape_cast %parallel_loop3A_1477 : vector<1x1x16xf32> to vector<16xf32>
      %parallel_loop3A_1479 = arith.constant 3.200000e+01 : f32
      %parallel_loop3A_1480 = vector.broadcast %parallel_loop3A_1479 : f32 to vector<16xf32>
      %parallel_loop3A_1481 = arith.mulf %parallel_loop3A_1478, %parallel_loop3A_1480 : vector<16xf32>
      %parallel_loop3A_1482 = arith.constant 16 : i32
      %parallel_loop3A_1483 = arith.addi %parallel_loop3A_1482, %parallel_loop3A_1412 : i32
      %parallel_loop3A_1484 = arith.constant 1 : i32
      %parallel_loop3A_1485 = arith.index_cast %parallel_loop3A_1484 : i32 to index
      %parallel_loop3A_1486 = arith.index_cast %parallel_loop3A_1483 : i32 to index
      %parallel_loop3A_1487 = arith.index_cast %parallel_loop3A_1430 : i32 to index
      %parallel_loop3A_1488 = tpu.vector_load %arg6[%parallel_loop3A_1485, %parallel_loop3A_1486, %parallel_loop3A_1487] {strides = array<i32>} : memref<3x32x1024xf32, #tpu.memory_space<vmem>>, vector<1x1x16xf32>,
      %parallel_loop3A_1489 = vector.shape_cast %parallel_loop3A_1488 : vector<1x1x16xf32> to vector<16xf32>
      %parallel_loop3A_1490 = vector.shape_cast %parallel_loop3A_1481 : vector<16xf32> to vector<1x1x16xf32>
      tpu.vector_store %arg6[%parallel_loop3A_1485, %parallel_loop3A_1486, %parallel_loop3A_1487], %parallel_loop3A_1490 {strides = array<i32>} : memref<3x32x1024xf32, #tpu.memory_space<vmem>>, vector<1x1x16xf32>,
      %parallel_loop3A_1491 = arith.constant 24 : i32
      %parallel_loop3A_1492 = arith.addi %parallel_loop3A_1491, %parallel_loop3A_1412 : i32
      %parallel_loop3A_1493 = arith.constant 1 : i32
      %parallel_loop3A_1494 = arith.index_cast %parallel_loop3A_1493 : i32 to index
      %parallel_loop3A_1495 = arith.index_cast %parallel_loop3A_1492 : i32 to index
      %parallel_loop3A_1496 = arith.index_cast %parallel_loop3A_1430 : i32 to index
      %parallel_loop3A_1497 = tpu.vector_load %arg6[%parallel_loop3A_1494, %parallel_loop3A_1495, %parallel_loop3A_1496] {strides = array<i32>} : memref<3x32x1024xf32, #tpu.memory_space<vmem>>, vector<1x1x16xf32>,
      %parallel_loop3A_1498 = vector.shape_cast %parallel_loop3A_1497 : vector<1x1x16xf32> to vector<16xf32>
      %parallel_loop3A_1499 = arith.constant 3.200000e+01 : f32
      %parallel_loop3A_1500 = vector.broadcast %parallel_loop3A_1499 : f32 to vector<16xf32>
      %parallel_loop3A_1501 = arith.mulf %parallel_loop3A_1498, %parallel_loop3A_1500 : vector<16xf32>
      %parallel_loop3A_1502 = arith.constant 24 : i32
      %parallel_loop3A_1503 = arith.addi %parallel_loop3A_1502, %parallel_loop3A_1412 : i32
      %parallel_loop3A_1504 = arith.constant 1 : i32
      %parallel_loop3A_1505 = arith.index_cast %parallel_loop3A_1504 : i32 to index
      %parallel_loop3A_1506 = arith.index_cast %parallel_loop3A_1503 : i32 to index
      %parallel_loop3A_1507 = arith.index_cast %parallel_loop3A_1430 : i32 to index
      %parallel_loop3A_1508 = tpu.vector_load %arg6[%parallel_loop3A_1505, %parallel_loop3A_1506, %parallel_loop3A_1507] {strides = array<i32>} : memref<3x32x1024xf32, #tpu.memory_space<vmem>>, vector<1x1x16xf32>,
      %parallel_loop3A_1509 = vector.shape_cast %parallel_loop3A_1508 : vector<1x1x16xf32> to vector<16xf32>
      %parallel_loop3A_1510 = vector.shape_cast %parallel_loop3A_1501 : vector<16xf32> to vector<1x1x16xf32>
      tpu.vector_store %arg6[%parallel_loop3A_1505, %parallel_loop3A_1506, %parallel_loop3A_1507], %parallel_loop3A_1510 {strides = array<i32>} : memref<3x32x1024xf32, #tpu.memory_space<vmem>>, vector<1x1x16xf32>,
    } {sc.loop_unroll_factor = 2 : i64, sc.parallel_access}
    %add3A_1180 = arith.constant 0 : i32
    %add3A_1181 = arith.addi %add3A_1180, %mul3A_2 : i32
    %add3A_1182 = arith.constant 56 : i32
    %add3A_1183 = arith.addi %add3A_1181, %add3A_1182 : i32
    %dma_start3A_1184 = arith.constant 1 : i32
    %dma_start3A_1185 = arith.constant 1 : i32
    %dma_start3A_1186 = arith.constant 0 : i32
    %dma_start3A_1187 = arith.constant 0 : i32
    %dma_start3A_1188 = tpu.memref_slice %arg6[%dma_start3A_1184, %dma_start3A_1186, %dma_start3A_1187] : memref<3x32x1024xf32, #tpu.memory_space<vmem>> -> memref<1x8x1024xf32, #tpu.memory_space<vmem>>
    %dma_start3A_1189 = tpu.memref_squeeze %dma_start3A_1188 : memref<1x8x1024xf32, #tpu.memory_space<vmem>> -> memref<8x1024xf32, #tpu.memory_space<vmem>>
    %dma_start3A_1190 = arith.constant 0 : i32
    %dma_start3A_1191 = tpu.memref_slice %arg4[%add3A_1183, %dma_start3A_1190] : memref<8192x1024xf32, #tpu.memory_space<hbm>> -> memref<8x1024xf32, #tpu.memory_space<hbm>>
    %dma_start3A_1192 = tpu.memref_slice %arg8[%dma_start3A_1185] : memref<3x!tpu.dma_semaphore, #tpu.memory_space<semaphore_mem>> -> memref<1x!tpu.dma_semaphore, #tpu.memory_space<semaphore_mem>>
    %dma_start3A_1193 = tpu.memref_squeeze %dma_start3A_1192 : memref<1x!tpu.dma_semaphore, #tpu.memory_space<semaphore_mem>> -> memref<!tpu.dma_semaphore, #tpu.memory_space<semaphore_mem>>
    %dma_start3A_1194 = arith.constant 0 : i32
    %dma_start3A_1195 = tpu.memref_slice %arg4[%add3A_1183, %dma_start3A_1194] : memref<8192x1024xf32, #tpu.memory_space<hbm>> -> memref<8x1024xf32, #tpu.memory_space<hbm>>
    %dma_start3A_1196 = arith.constant 0 : i32
    %dma_start3A_1197 = arith.constant 0 : i32
    %dma_start3A_1198 = tpu.memref_slice %arg6[%dma_start3A_1184, %dma_start3A_1196, %dma_start3A_1197] : memref<3x32x1024xf32, #tpu.memory_space<vmem>> -> memref<1x8x1024xf32, #tpu.memory_space<vmem>>
    %dma_start3A_1199 = tpu.memref_squeeze %dma_start3A_1198 : memref<1x8x1024xf32, #tpu.memory_space<vmem>> -> memref<8x1024xf32, #tpu.memory_space<vmem>>
    tpu.enqueue_dma source(%dma_start3A_1199 : memref<8x1024xf32, #tpu.memory_space<vmem>>) target(%dma_start3A_1195 : memref<8x1024xf32, #tpu.memory_space<hbm>>) target_semaphore(%dma_start3A_1193 : memref<!tpu.dma_semaphore, #tpu.memory_space<semaphore_mem>>)
    %add3A_1200 = arith.constant 2048 : i32
    %add3A_1201 = arith.addi %add3A_1200, %mul3A_2 : i32
    %add3A_1202 = arith.constant 56 : i32
    %add3A_1203 = arith.addi %add3A_1201, %add3A_1202 : i32
    %dma_start3A_1204 = arith.constant 1 : i32
    %dma_start3A_1205 = arith.constant 1 : i32
    %dma_start3A_1206 = arith.constant 8 : i32
    %dma_start3A_1207 = arith.constant 0 : i32
    %dma_start3A_1208 = tpu.memref_slice %arg6[%dma_start3A_1204, %dma_start3A_1206, %dma_start3A_1207] : memref<3x32x1024xf32, #tpu.memory_space<vmem>> -> memref<1x8x1024xf32, #tpu.memory_space<vmem>>
    %dma_start3A_1209 = tpu.memref_squeeze %dma_start3A_1208 : memref<1x8x1024xf32, #tpu.memory_space<vmem>> -> memref<8x1024xf32, #tpu.memory_space<vmem>>
    %dma_start3A_1210 = arith.constant 0 : i32
    %dma_start3A_1211 = tpu.memref_slice %arg4[%add3A_1203, %dma_start3A_1210] : memref<8192x1024xf32, #tpu.memory_space<hbm>> -> memref<8x1024xf32, #tpu.memory_space<hbm>>
    %dma_start3A_1212 = tpu.memref_slice %arg8[%dma_start3A_1205] : memref<3x!tpu.dma_semaphore, #tpu.memory_space<semaphore_mem>> -> memref<1x!tpu.dma_semaphore, #tpu.memory_space<semaphore_mem>>
    %dma_start3A_1213 = tpu.memref_squeeze %dma_start3A_1212 : memref<1x!tpu.dma_semaphore, #tpu.memory_space<semaphore_mem>> -> memref<!tpu.dma_semaphore, #tpu.memory_space<semaphore_mem>>
    %dma_start3A_1214 = arith.constant 0 : i32
    %dma_start3A_1215 = tpu.memref_slice %arg4[%add3A_1203, %dma_start3A_1214] : memref<8192x1024xf32, #tpu.memory_space<hbm>> -> memref<8x1024xf32, #tpu.memory_space<hbm>>
    %dma_start3A_1216 = arith.constant 8 : i32
    %dma_start3A_1217 = arith.constant 0 : i32
    %dma_start3A_1218 = tpu.memref_slice %arg6[%dma_start3A_1204, %dma_start3A_1216, %dma_start3A_1217] : memref<3x32x1024xf32, #tpu.memory_space<vmem>> -> memref<1x8x1024xf32, #tpu.memory_space<vmem>>
    %dma_start3A_1219 = tpu.memref_squeeze %dma_start3A_1218 : memref<1x8x1024xf32, #tpu.memory_space<vmem>> -> memref<8x1024xf32, #tpu.memory_space<vmem>>
    tpu.enqueue_dma source(%dma_start3A_1219 : memref<8x1024xf32, #tpu.memory_space<vmem>>) target(%dma_start3A_1215 : memref<8x1024xf32, #tpu.memory_space<hbm>>) target_semaphore(%dma_start3A_1213 : memref<!tpu.dma_semaphore, #tpu.memory_space<semaphore_mem>>)
    %add3A_1220 = arith.constant 4096 : i32
    %add3A_1221 = arith.addi %add3A_1220, %mul3A_2 : i32
    %add3A_1222 = arith.constant 56 : i32
    %add3A_1223 = arith.addi %add3A_1221, %add3A_1222 : i32
    %dma_start3A_1224 = arith.constant 1 : i32
    %dma_start3A_1225 = arith.constant 1 : i32
    %dma_start3A_1226 = arith.constant 16 : i32
    %dma_start3A_1227 = arith.constant 0 : i32
    %dma_start3A_1228 = tpu.memref_slice %arg6[%dma_start3A_1224, %dma_start3A_1226, %dma_start3A_1227] : memref<3x32x1024xf32, #tpu.memory_space<vmem>> -> memref<1x8x1024xf32, #tpu.memory_space<vmem>>
    %dma_start3A_1229 = tpu.memref_squeeze %dma_start3A_1228 : memref<1x8x1024xf32, #tpu.memory_space<vmem>> -> memref<8x1024xf32, #tpu.memory_space<vmem>>
    %dma_start3A_1230 = arith.constant 0 : i32
    %dma_start3A_1231 = tpu.memref_slice %arg4[%add3A_1223, %dma_start3A_1230] : memref<8192x1024xf32, #tpu.memory_space<hbm>> -> memref<8x1024xf32, #tpu.memory_space<hbm>>
    %dma_start3A_1232 = tpu.memref_slice %arg8[%dma_start3A_1225] : memref<3x!tpu.dma_semaphore, #tpu.memory_space<semaphore_mem>> -> memref<1x!tpu.dma_semaphore, #tpu.memory_space<semaphore_mem>>
    %dma_start3A_1233 = tpu.memref_squeeze %dma_start3A_1232 : memref<1x!tpu.dma_semaphore, #tpu.memory_space<semaphore_mem>> -> memref<!tpu.dma_semaphore, #tpu.memory_space<semaphore_mem>>
    %dma_start3A_1234 = arith.constant 0 : i32
    %dma_start3A_1235 = tpu.memref_slice %arg4[%add3A_1223, %dma_start3A_1234] : memref<8192x1024xf32, #tpu.memory_space<hbm>> -> memref<8x1024xf32, #tpu.memory_space<hbm>>
    %dma_start3A_1236 = arith.constant 16 : i32
    %dma_start3A_1237 = arith.constant 0 : i32
    %dma_start3A_1238 = tpu.memref_slice %arg6[%dma_start3A_1224, %dma_start3A_1236, %dma_start3A_1237] : memref<3x32x1024xf32, #tpu.memory_space<vmem>> -> memref<1x8x1024xf32, #tpu.memory_space<vmem>>
    %dma_start3A_1239 = tpu.memref_squeeze %dma_start3A_1238 : memref<1x8x1024xf32, #tpu.memory_space<vmem>> -> memref<8x1024xf32, #tpu.memory_space<vmem>>
    tpu.enqueue_dma source(%dma_start3A_1239 : memref<8x1024xf32, #tpu.memory_space<vmem>>) target(%dma_start3A_1235 : memref<8x1024xf32, #tpu.memory_space<hbm>>) target_semaphore(%dma_start3A_1233 : memref<!tpu.dma_semaphore, #tpu.memory_space<semaphore_mem>>)
    %add3A_1240 = arith.constant 6144 : i32
    %add3A_1241 = arith.addi %add3A_1240, %mul3A_2 : i32
    %add3A_1242 = arith.constant 56 : i32
    %add3A_1243 = arith.addi %add3A_1241, %add3A_1242 : i32
    %dma_start3A_1244 = arith.constant 1 : i32
    %dma_start3A_1245 = arith.constant 1 : i32
    %dma_start3A_1246 = arith.constant 24 : i32
    %dma_start3A_1247 = arith.constant 0 : i32
    %dma_start3A_1248 = tpu.memref_slice %arg6[%dma_start3A_1244, %dma_start3A_1246, %dma_start3A_1247] : memref<3x32x1024xf32, #tpu.memory_space<vmem>> -> memref<1x8x1024xf32, #tpu.memory_space<vmem>>
    %dma_start3A_1249 = tpu.memref_squeeze %dma_start3A_1248 : memref<1x8x1024xf32, #tpu.memory_space<vmem>> -> memref<8x1024xf32, #tpu.memory_space<vmem>>
    %dma_start3A_1250 = arith.constant 0 : i32
    %dma_start3A_1251 = tpu.memref_slice %arg4[%add3A_1243, %dma_start3A_1250] : memref<8192x1024xf32, #tpu.memory_space<hbm>> -> memref<8x1024xf32, #tpu.memory_space<hbm>>
    %dma_start3A_1252 = tpu.memref_slice %arg8[%dma_start3A_1245] : memref<3x!tpu.dma_semaphore, #tpu.memory_space<semaphore_mem>> -> memref<1x!tpu.dma_semaphore, #tpu.memory_space<semaphore_mem>>
    %dma_start3A_1253 = tpu.memref_squeeze %dma_start3A_1252 : memref<1x!tpu.dma_semaphore, #tpu.memory_space<semaphore_mem>> -> memref<!tpu.dma_semaphore, #tpu.memory_space<semaphore_mem>>
    %dma_start3A_1254 = arith.constant 0 : i32
    %dma_start3A_1255 = tpu.memref_slice %arg4[%add3A_1243, %dma_start3A_1254] : memref<8192x1024xf32, #tpu.memory_space<hbm>> -> memref<8x1024xf32, #tpu.memory_space<hbm>>
    %dma_start3A_1256 = arith.constant 24 : i32
    %dma_start3A_1257 = arith.constant 0 : i32
    %dma_start3A_1258 = tpu.memref_slice %arg6[%dma_start3A_1244, %dma_start3A_1256, %dma_start3A_1257] : memref<3x32x1024xf32, #tpu.memory_space<vmem>> -> memref<1x8x1024xf32, #tpu.memory_space<vmem>>
    %dma_start3A_1259 = tpu.memref_squeeze %dma_start3A_1258 : memref<1x8x1024xf32, #tpu.memory_space<vmem>> -> memref<8x1024xf32, #tpu.memory_space<vmem>>
    tpu.enqueue_dma source(%dma_start3A_1259 : memref<8x1024xf32, #tpu.memory_space<vmem>>) target(%dma_start3A_1255 : memref<8x1024xf32, #tpu.memory_space<hbm>>) target_semaphore(%dma_start3A_1253 : memref<!tpu.dma_semaphore, #tpu.memory_space<semaphore_mem>>)
    %dma_wait3A_1260 = arith.constant 0 : i32
    %dma_wait3A_1261 = arith.constant 0 : i32
    %dma_wait3A_1262 = arith.constant 0 : i32
    %dma_wait3A_1263 = arith.constant 0 : i32
    %dma_wait3A_1264 = tpu.memref_slice %arg6[%dma_wait3A_1260, %dma_wait3A_1262, %dma_wait3A_1263] : memref<3x32x1024xf32, #tpu.memory_space<vmem>> -> memref<1x8x1024xf32, #tpu.memory_space<vmem>>
    %dma_wait3A_1265 = tpu.memref_squeeze %dma_wait3A_1264 : memref<1x8x1024xf32, #tpu.memory_space<vmem>> -> memref<8x1024xf32, #tpu.memory_space<vmem>>
    %dma_wait3A_1266 = arith.constant 0 : i32
    %dma_wait3A_1267 = tpu.memref_slice %arg4[%add3A_1023, %dma_wait3A_1266] : memref<8192x1024xf32, #tpu.memory_space<hbm>> -> memref<8x1024xf32, #tpu.memory_space<hbm>>
    %dma_wait3A_1268 = tpu.memref_slice %arg8[%dma_wait3A_1261] : memref<3x!tpu.dma_semaphore, #tpu.memory_space<semaphore_mem>> -> memref<1x!tpu.dma_semaphore, #tpu.memory_space<semaphore_mem>>
    %dma_wait3A_1269 = tpu.memref_squeeze %dma_wait3A_1268 : memref<1x!tpu.dma_semaphore, #tpu.memory_space<semaphore_mem>> -> memref<!tpu.dma_semaphore, #tpu.memory_space<semaphore_mem>>
    %dma_wait3A_1270 = arith.constant 0 : i32
    %dma_wait3A_1271 = tpu.memref_slice %arg4[%add3A_1023, %dma_wait3A_1270] : memref<8192x1024xf32, #tpu.memory_space<hbm>> -> memref<8x1024xf32, #tpu.memory_space<hbm>>
    %dma_wait3A_1272 = arith.constant 0 : i32
    %dma_wait3A_1273 = arith.constant 0 : i32
    %dma_wait3A_1274 = tpu.memref_slice %arg6[%dma_wait3A_1260, %dma_wait3A_1272, %dma_wait3A_1273] : memref<3x32x1024xf32, #tpu.memory_space<vmem>> -> memref<1x8x1024xf32, #tpu.memory_space<vmem>>
    %dma_wait3A_1275 = tpu.memref_squeeze %dma_wait3A_1274 : memref<1x8x1024xf32, #tpu.memory_space<vmem>> -> memref<8x1024xf32, #tpu.memory_space<vmem>>
    tpu.wait_dma2 semaphore(%dma_wait3A_1269 : memref<!tpu.dma_semaphore, #tpu.memory_space<semaphore_mem>>) src(%dma_wait3A_1275 : memref<8x1024xf32, #tpu.memory_space<vmem>>) dst(%dma_wait3A_1271 : memref<8x1024xf32, #tpu.memory_space<hbm>>)
    %dma_wait3A_1276 = arith.constant 0 : i32
    %dma_wait3A_1277 = arith.constant 0 : i32
    %dma_wait3A_1278 = arith.constant 8 : i32
    %dma_wait3A_1279 = arith.constant 0 : i32
    %dma_wait3A_1280 = tpu.memref_slice %arg6[%dma_wait3A_1276, %dma_wait3A_1278, %dma_wait3A_1279] : memref<3x32x1024xf32, #tpu.memory_space<vmem>> -> memref<1x8x1024xf32, #tpu.memory_space<vmem>>
    %dma_wait3A_1281 = tpu.memref_squeeze %dma_wait3A_1280 : memref<1x8x1024xf32, #tpu.memory_space<vmem>> -> memref<8x1024xf32, #tpu.memory_space<vmem>>
    %dma_wait3A_1282 = arith.constant 0 : i32
    %dma_wait3A_1283 = tpu.memref_slice %arg4[%add3A_1043, %dma_wait3A_1282] : memref<8192x1024xf32, #tpu.memory_space<hbm>> -> memref<8x1024xf32, #tpu.memory_space<hbm>>
    %dma_wait3A_1284 = tpu.memref_slice %arg8[%dma_wait3A_1277] : memref<3x!tpu.dma_semaphore, #tpu.memory_space<semaphore_mem>> -> memref<1x!tpu.dma_semaphore, #tpu.memory_space<semaphore_mem>>
    %dma_wait3A_1285 = tpu.memref_squeeze %dma_wait3A_1284 : memref<1x!tpu.dma_semaphore, #tpu.memory_space<semaphore_mem>> -> memref<!tpu.dma_semaphore, #tpu.memory_space<semaphore_mem>>
    %dma_wait3A_1286 = arith.constant 0 : i32
    %dma_wait3A_1287 = tpu.memref_slice %arg4[%add3A_1043, %dma_wait3A_1286] : memref<8192x1024xf32, #tpu.memory_space<hbm>> -> memref<8x1024xf32, #tpu.memory_space<hbm>>
    %dma_wait3A_1288 = arith.constant 8 : i32
    %dma_wait3A_1289 = arith.constant 0 : i32
    %dma_wait3A_1290 = tpu.memref_slice %arg6[%dma_wait3A_1276, %dma_wait3A_1288, %dma_wait3A_1289] : memref<3x32x1024xf32, #tpu.memory_space<vmem>> -> memref<1x8x1024xf32, #tpu.memory_space<vmem>>
    %dma_wait3A_1291 = tpu.memref_squeeze %dma_wait3A_1290 : memref<1x8x1024xf32, #tpu.memory_space<vmem>> -> memref<8x1024xf32, #tpu.memory_space<vmem>>
    tpu.wait_dma2 semaphore(%dma_wait3A_1285 : memref<!tpu.dma_semaphore, #tpu.memory_space<semaphore_mem>>) src(%dma_wait3A_1291 : memref<8x1024xf32, #tpu.memory_space<vmem>>) dst(%dma_wait3A_1287 : memref<8x1024xf32, #tpu.memory_space<hbm>>)
    %dma_wait3A_1292 = arith.constant 0 : i32
    %dma_wait3A_1293 = arith.constant 0 : i32
    %dma_wait3A_1294 = arith.constant 16 : i32
    %dma_wait3A_1295 = arith.constant 0 : i32
    %dma_wait3A_1296 = tpu.memref_slice %arg6[%dma_wait3A_1292, %dma_wait3A_1294, %dma_wait3A_1295] : memref<3x32x1024xf32, #tpu.memory_space<vmem>> -> memref<1x8x1024xf32, #tpu.memory_space<vmem>>
    %dma_wait3A_1297 = tpu.memref_squeeze %dma_wait3A_1296 : memref<1x8x1024xf32, #tpu.memory_space<vmem>> -> memref<8x1024xf32, #tpu.memory_space<vmem>>
    %dma_wait3A_1298 = arith.constant 0 : i32
    %dma_wait3A_1299 = tpu.memref_slice %arg4[%add3A_1063, %dma_wait3A_1298] : memref<8192x1024xf32, #tpu.memory_space<hbm>> -> memref<8x1024xf32, #tpu.memory_space<hbm>>
    %dma_wait3A_1300 = tpu.memref_slice %arg8[%dma_wait3A_1293] : memref<3x!tpu.dma_semaphore, #tpu.memory_space<semaphore_mem>> -> memref<1x!tpu.dma_semaphore, #tpu.memory_space<semaphore_mem>>
    %dma_wait3A_1301 = tpu.memref_squeeze %dma_wait3A_1300 : memref<1x!tpu.dma_semaphore, #tpu.memory_space<semaphore_mem>> -> memref<!tpu.dma_semaphore, #tpu.memory_space<semaphore_mem>>
    %dma_wait3A_1302 = arith.constant 0 : i32
    %dma_wait3A_1303 = tpu.memref_slice %arg4[%add3A_1063, %dma_wait3A_1302] : memref<8192x1024xf32, #tpu.memory_space<hbm>> -> memref<8x1024xf32, #tpu.memory_space<hbm>>
    %dma_wait3A_1304 = arith.constant 16 : i32
    %dma_wait3A_1305 = arith.constant 0 : i32
    %dma_wait3A_1306 = tpu.memref_slice %arg6[%dma_wait3A_1292, %dma_wait3A_1304, %dma_wait3A_1305] : memref<3x32x1024xf32, #tpu.memory_space<vmem>> -> memref<1x8x1024xf32, #tpu.memory_space<vmem>>
    %dma_wait3A_1307 = tpu.memref_squeeze %dma_wait3A_1306 : memref<1x8x1024xf32, #tpu.memory_space<vmem>> -> memref<8x1024xf32, #tpu.memory_space<vmem>>
    tpu.wait_dma2 semaphore(%dma_wait3A_1301 : memref<!tpu.dma_semaphore, #tpu.memory_space<semaphore_mem>>) src(%dma_wait3A_1307 : memref<8x1024xf32, #tpu.memory_space<vmem>>) dst(%dma_wait3A_1303 : memref<8x1024xf32, #tpu.memory_space<hbm>>)
    %dma_wait3A_1308 = arith.constant 0 : i32
    %dma_wait3A_1309 = arith.constant 0 : i32
    %dma_wait3A_1310 = arith.constant 24 : i32
    %dma_wait3A_1311 = arith.constant 0 : i32
    %dma_wait3A_1312 = tpu.memref_slice %arg6[%dma_wait3A_1308, %dma_wait3A_1310, %dma_wait3A_1311] : memref<3x32x1024xf32, #tpu.memory_space<vmem>> -> memref<1x8x1024xf32, #tpu.memory_space<vmem>>
    %dma_wait3A_1313 = tpu.memref_squeeze %dma_wait3A_1312 : memref<1x8x1024xf32, #tpu.memory_space<vmem>> -> memref<8x1024xf32, #tpu.memory_space<vmem>>
    %dma_wait3A_1314 = arith.constant 0 : i32
    %dma_wait3A_1315 = tpu.memref_slice %arg4[%add3A_1083, %dma_wait3A_1314] : memref<8192x1024xf32, #tpu.memory_space<hbm>> -> memref<8x1024xf32, #tpu.memory_space<hbm>>
    %dma_wait3A_1316 = tpu.memref_slice %arg8[%dma_wait3A_1309] : memref<3x!tpu.dma_semaphore, #tpu.memory_space<semaphore_mem>> -> memref<1x!tpu.dma_semaphore, #tpu.memory_space<semaphore_mem>>
    %dma_wait3A_1317 = tpu.memref_squeeze %dma_wait3A_1316 : memref<1x!tpu.dma_semaphore, #tpu.memory_space<semaphore_mem>> -> memref<!tpu.dma_semaphore, #tpu.memory_space<semaphore_mem>>
    %dma_wait3A_1318 = arith.constant 0 : i32
    %dma_wait3A_1319 = tpu.memref_slice %arg4[%add3A_1083, %dma_wait3A_1318] : memref<8192x1024xf32, #tpu.memory_space<hbm>> -> memref<8x1024xf32, #tpu.memory_space<hbm>>
    %dma_wait3A_1320 = arith.constant 24 : i32
    %dma_wait3A_1321 = arith.constant 0 : i32
    %dma_wait3A_1322 = tpu.memref_slice %arg6[%dma_wait3A_1308, %dma_wait3A_1320, %dma_wait3A_1321] : memref<3x32x1024xf32, #tpu.memory_space<vmem>> -> memref<1x8x1024xf32, #tpu.memory_space<vmem>>
    %dma_wait3A_1323 = tpu.memref_squeeze %dma_wait3A_1322 : memref<1x8x1024xf32, #tpu.memory_space<vmem>> -> memref<8x1024xf32, #tpu.memory_space<vmem>>
    tpu.wait_dma2 semaphore(%dma_wait3A_1317 : memref<!tpu.dma_semaphore, #tpu.memory_space<semaphore_mem>>) src(%dma_wait3A_1323 : memref<8x1024xf32, #tpu.memory_space<vmem>>) dst(%dma_wait3A_1319 : memref<8x1024xf32, #tpu.memory_space<hbm>>)
    %dma_wait3A_1324 = arith.constant 1 : i32
    %dma_wait3A_1325 = arith.constant 1 : i32
    %dma_wait3A_1326 = arith.constant 0 : i32
    %dma_wait3A_1327 = arith.constant 0 : i32
    %dma_wait3A_1328 = tpu.memref_slice %arg6[%dma_wait3A_1324, %dma_wait3A_1326, %dma_wait3A_1327] : memref<3x32x1024xf32, #tpu.memory_space<vmem>> -> memref<1x8x1024xf32, #tpu.memory_space<vmem>>
    %dma_wait3A_1329 = tpu.memref_squeeze %dma_wait3A_1328 : memref<1x8x1024xf32, #tpu.memory_space<vmem>> -> memref<8x1024xf32, #tpu.memory_space<vmem>>
    %dma_wait3A_1330 = arith.constant 0 : i32
    %dma_wait3A_1331 = tpu.memref_slice %arg4[%add3A_1183, %dma_wait3A_1330] : memref<8192x1024xf32, #tpu.memory_space<hbm>> -> memref<8x1024xf32, #tpu.memory_space<hbm>>
    %dma_wait3A_1332 = tpu.memref_slice %arg8[%dma_wait3A_1325] : memref<3x!tpu.dma_semaphore, #tpu.memory_space<semaphore_mem>> -> memref<1x!tpu.dma_semaphore, #tpu.memory_space<semaphore_mem>>
    %dma_wait3A_1333 = tpu.memref_squeeze %dma_wait3A_1332 : memref<1x!tpu.dma_semaphore, #tpu.memory_space<semaphore_mem>> -> memref<!tpu.dma_semaphore, #tpu.memory_space<semaphore_mem>>
    %dma_wait3A_1334 = arith.constant 0 : i32
    %dma_wait3A_1335 = tpu.memref_slice %arg4[%add3A_1183, %dma_wait3A_1334] : memref<8192x1024xf32, #tpu.memory_space<hbm>> -> memref<8x1024xf32, #tpu.memory_space<hbm>>
    %dma_wait3A_1336 = arith.constant 0 : i32
    %dma_wait3A_1337 = arith.constant 0 : i32
    %dma_wait3A_1338 = tpu.memref_slice %arg6[%dma_wait3A_1324, %dma_wait3A_1336, %dma_wait3A_1337] : memref<3x32x1024xf32, #tpu.memory_space<vmem>> -> memref<1x8x1024xf32, #tpu.memory_space<vmem>>
    %dma_wait3A_1339 = tpu.memref_squeeze %dma_wait3A_1338 : memref<1x8x1024xf32, #tpu.memory_space<vmem>> -> memref<8x1024xf32, #tpu.memory_space<vmem>>
    tpu.wait_dma2 semaphore(%dma_wait3A_1333 : memref<!tpu.dma_semaphore, #tpu.memory_space<semaphore_mem>>) src(%dma_wait3A_1339 : memref<8x1024xf32, #tpu.memory_space<vmem>>) dst(%dma_wait3A_1335 : memref<8x1024xf32, #tpu.memory_space<hbm>>)
    %dma_wait3A_1340 = arith.constant 1 : i32
    %dma_wait3A_1341 = arith.constant 1 : i32
    %dma_wait3A_1342 = arith.constant 8 : i32
    %dma_wait3A_1343 = arith.constant 0 : i32
    %dma_wait3A_1344 = tpu.memref_slice %arg6[%dma_wait3A_1340, %dma_wait3A_1342, %dma_wait3A_1343] : memref<3x32x1024xf32, #tpu.memory_space<vmem>> -> memref<1x8x1024xf32, #tpu.memory_space<vmem>>
    %dma_wait3A_1345 = tpu.memref_squeeze %dma_wait3A_1344 : memref<1x8x1024xf32, #tpu.memory_space<vmem>> -> memref<8x1024xf32, #tpu.memory_space<vmem>>
    %dma_wait3A_1346 = arith.constant 0 : i32
    %dma_wait3A_1347 = tpu.memref_slice %arg4[%add3A_1203, %dma_wait3A_1346] : memref<8192x1024xf32, #tpu.memory_space<hbm>> -> memref<8x1024xf32, #tpu.memory_space<hbm>>
    %dma_wait3A_1348 = tpu.memref_slice %arg8[%dma_wait3A_1341] : memref<3x!tpu.dma_semaphore, #tpu.memory_space<semaphore_mem>> -> memref<1x!tpu.dma_semaphore, #tpu.memory_space<semaphore_mem>>
    %dma_wait3A_1349 = tpu.memref_squeeze %dma_wait3A_1348 : memref<1x!tpu.dma_semaphore, #tpu.memory_space<semaphore_mem>> -> memref<!tpu.dma_semaphore, #tpu.memory_space<semaphore_mem>>
    %dma_wait3A_1350 = arith.constant 0 : i32
    %dma_wait3A_1351 = tpu.memref_slice %arg4[%add3A_1203, %dma_wait3A_1350] : memref<8192x1024xf32, #tpu.memory_space<hbm>> -> memref<8x1024xf32, #tpu.memory_space<hbm>>
    %dma_wait3A_1352 = arith.constant 8 : i32
    %dma_wait3A_1353 = arith.constant 0 : i32
    %dma_wait3A_1354 = tpu.memref_slice %arg6[%dma_wait3A_1340, %dma_wait3A_1352, %dma_wait3A_1353] : memref<3x32x1024xf32, #tpu.memory_space<vmem>> -> memref<1x8x1024xf32, #tpu.memory_space<vmem>>
    %dma_wait3A_1355 = tpu.memref_squeeze %dma_wait3A_1354 : memref<1x8x1024xf32, #tpu.memory_space<vmem>> -> memref<8x1024xf32, #tpu.memory_space<vmem>>
    tpu.wait_dma2 semaphore(%dma_wait3A_1349 : memref<!tpu.dma_semaphore, #tpu.memory_space<semaphore_mem>>) src(%dma_wait3A_1355 : memref<8x1024xf32, #tpu.memory_space<vmem>>) dst(%dma_wait3A_1351 : memref<8x1024xf32, #tpu.memory_space<hbm>>)
    %dma_wait3A_1356 = arith.constant 1 : i32
    %dma_wait3A_1357 = arith.constant 1 : i32
    %dma_wait3A_1358 = arith.constant 16 : i32
    %dma_wait3A_1359 = arith.constant 0 : i32
    %dma_wait3A_1360 = tpu.memref_slice %arg6[%dma_wait3A_1356, %dma_wait3A_1358, %dma_wait3A_1359] : memref<3x32x1024xf32, #tpu.memory_space<vmem>> -> memref<1x8x1024xf32, #tpu.memory_space<vmem>>
    %dma_wait3A_1361 = tpu.memref_squeeze %dma_wait3A_1360 : memref<1x8x1024xf32, #tpu.memory_space<vmem>> -> memref<8x1024xf32, #tpu.memory_space<vmem>>
    %dma_wait3A_1362 = arith.constant 0 : i32
    %dma_wait3A_1363 = tpu.memref_slice %arg4[%add3A_1223, %dma_wait3A_1362] : memref<8192x1024xf32, #tpu.memory_space<hbm>> -> memref<8x1024xf32, #tpu.memory_space<hbm>>
    %dma_wait3A_1364 = tpu.memref_slice %arg8[%dma_wait3A_1357] : memref<3x!tpu.dma_semaphore, #tpu.memory_space<semaphore_mem>> -> memref<1x!tpu.dma_semaphore, #tpu.memory_space<semaphore_mem>>
    %dma_wait3A_1365 = tpu.memref_squeeze %dma_wait3A_1364 : memref<1x!tpu.dma_semaphore, #tpu.memory_space<semaphore_mem>> -> memref<!tpu.dma_semaphore, #tpu.memory_space<semaphore_mem>>
    %dma_wait3A_1366 = arith.constant 0 : i32
    %dma_wait3A_1367 = tpu.memref_slice %arg4[%add3A_1223, %dma_wait3A_1366] : memref<8192x1024xf32, #tpu.memory_space<hbm>> -> memref<8x1024xf32, #tpu.memory_space<hbm>>
    %dma_wait3A_1368 = arith.constant 16 : i32
    %dma_wait3A_1369 = arith.constant 0 : i32
    %dma_wait3A_1370 = tpu.memref_slice %arg6[%dma_wait3A_1356, %dma_wait3A_1368, %dma_wait3A_1369] : memref<3x32x1024xf32, #tpu.memory_space<vmem>> -> memref<1x8x1024xf32, #tpu.memory_space<vmem>>
    %dma_wait3A_1371 = tpu.memref_squeeze %dma_wait3A_1370 : memref<1x8x1024xf32, #tpu.memory_space<vmem>> -> memref<8x1024xf32, #tpu.memory_space<vmem>>
    tpu.wait_dma2 semaphore(%dma_wait3A_1365 : memref<!tpu.dma_semaphore, #tpu.memory_space<semaphore_mem>>) src(%dma_wait3A_1371 : memref<8x1024xf32, #tpu.memory_space<vmem>>) dst(%dma_wait3A_1367 : memref<8x1024xf32, #tpu.memory_space<hbm>>)
    %dma_wait3A_1372 = arith.constant 1 : i32
    %dma_wait3A_1373 = arith.constant 1 : i32
    %dma_wait3A_1374 = arith.constant 24 : i32
    %dma_wait3A_1375 = arith.constant 0 : i32
    %dma_wait3A_1376 = tpu.memref_slice %arg6[%dma_wait3A_1372, %dma_wait3A_1374, %dma_wait3A_1375] : memref<3x32x1024xf32, #tpu.memory_space<vmem>> -> memref<1x8x1024xf32, #tpu.memory_space<vmem>>
    %dma_wait3A_1377 = tpu.memref_squeeze %dma_wait3A_1376 : memref<1x8x1024xf32, #tpu.memory_space<vmem>> -> memref<8x1024xf32, #tpu.memory_space<vmem>>
    %dma_wait3A_1378 = arith.constant 0 : i32
    %dma_wait3A_1379 = tpu.memref_slice %arg4[%add3A_1243, %dma_wait3A_1378] : memref<8192x1024xf32, #tpu.memory_space<hbm>> -> memref<8x1024xf32, #tpu.memory_space<hbm>>
    %dma_wait3A_1380 = tpu.memref_slice %arg8[%dma_wait3A_1373] : memref<3x!tpu.dma_semaphore, #tpu.memory_space<semaphore_mem>> -> memref<1x!tpu.dma_semaphore, #tpu.memory_space<semaphore_mem>>
    %dma_wait3A_1381 = tpu.memref_squeeze %dma_wait3A_1380 : memref<1x!tpu.dma_semaphore, #tpu.memory_space<semaphore_mem>> -> memref<!tpu.dma_semaphore, #tpu.memory_space<semaphore_mem>>
    %dma_wait3A_1382 = arith.constant 0 : i32
    %dma_wait3A_1383 = tpu.memref_slice %arg4[%add3A_1243, %dma_wait3A_1382] : memref<8192x1024xf32, #tpu.memory_space<hbm>> -> memref<8x1024xf32, #tpu.memory_space<hbm>>
    %dma_wait3A_1384 = arith.constant 24 : i32
    %dma_wait3A_1385 = arith.constant 0 : i32
    %dma_wait3A_1386 = tpu.memref_slice %arg6[%dma_wait3A_1372, %dma_wait3A_1384, %dma_wait3A_1385] : memref<3x32x1024xf32, #tpu.memory_space<vmem>> -> memref<1x8x1024xf32, #tpu.memory_space<vmem>>
    %dma_wait3A_1387 = tpu.memref_squeeze %dma_wait3A_1386 : memref<1x8x1024xf32, #tpu.memory_space<vmem>> -> memref<8x1024xf32, #tpu.memory_space<vmem>>
    tpu.wait_dma2 semaphore(%dma_wait3A_1381 : memref<!tpu.dma_semaphore, #tpu.memory_space<semaphore_mem>>) src(%dma_wait3A_1387 : memref<8x1024xf32, #tpu.memory_space<vmem>>) dst(%dma_wait3A_1383 : memref<8x1024xf32, #tpu.memory_space<hbm>>)
    return
  }
}

</mosaic_0001>

<sc_bundles>
// kernel: kernel.3.cloned.1.call-start
scs
__scs_entry_jumppad:
0x0: {  	(pc) =	sbr.rel $0x88, $3  }
0x1: {  	(tag) =	ssettag $0x0;
	lr =	simm.s32 $0x1  }
0x2: {  	[smem:$0x3F9F] =	sst lr;
	_ =	strace $0xD0000000  }
0x3: {  	_ = 	snop  }
0x4: {  	_ = 	snop  }
0x5: {  	_ = 	snop  }
0x6: {  	_ = 	snop  }
0x7: {  	_ = 	snop  }
__scs_overlays_trampoline_lowered:
0x8: {  	[smem:$0x3FAE] =	sst s0  }
0x9: {  	[smem:$0x3FAF] =	sst s1  }
0xa: {  	[smem:$0x3FB0] =	sst s2  }
0xb: {  	[smem:$0x3FB1] =	sst s3  }
0xc: {  	[smem:$0x3FB2] =	sst s4  }
0xd: {  	[smem:$0x3FB3] =	sst s5  }
0xe: {  	[smem:$0x3FB4] =	sst s6  }
0xf: {  	[smem:$0x3FB5] =	sst s7  }
0x10: {  	[smem:$0x3FB6] =	sst s8  }
0x11: {  	[smem:$0x3FB7] =	sst s9;
	s0 =	simm.s32 @!p0 $0x0  }
0x12: {  	s1 =	sld [smem:$0x3F9D];
	s0 =	simm.s32 @p0 $0x1  }
0x13: {  	[smem:$0x3FB8] =	sst s0;
	s0 =	simm.s32 @!p1 $0x0  }
0x14: {  	s2 =	sld [smem:$0x3F9C];
	s0 =	simm.s32 @p1 $0x1  }
0x15: {  	[smem:$0x3FB9] =	sst s0;
	s0 =	simm.s32 @!p2 $0x0  }
0x16: {  	s3 =	sld [smem:$0x3FDB];
	s0 =	simm.s32 @p2 $0x1  }
0x17: {  	s4 =	simm.s32 $0x1BF5;
	[smem:$0x3FBB] =	sst s0  }
0x18: {  	s0 =	sld [smem:$0x3F9E];
	_ =	swait.ge [sflag:s4], $0x0  }
0x19: {  	s7 =	sld [smem:$0x3F9F]  }
0x1a: {  	s8 =	sadd.s32 $0xFFFFE003, lr  }
0x1b: {  	s9 =	sadd.s32 $0xFFFFFEF7, lr;
	s5 =	simm.s32 $0xFFFFFFFF;
	p2 =	slt.u32 s8, $0xFFFFF086  }
0x1c: {  	p1 =	slt.u32 s9, $0xF7A;
	s5 =	simm.s32 @!p2 $0x0  }
0x1d: {  	s5 =	simm.s32 @p1 $0x1;
	p0 =	seq.s32 s7, s2  }
0x1e: {  	s7 =	smul.u32 @!p0 $0xF7A, s2;
	p2 =	seq.s32 @!p0 s5, $0x0  }
0x1f: {  	s9 =	smul.u32 $0xF7A, s1;
	s8 =	simm.s32 @!p0 $0x1BF5;
	p2 =	por !p2, p0  }
0x20: {  	[sflag:s8] =	ssyncset.s32 @!p0 $0xFFFFF086;
	s6 =	sadd.s32 @!p0 s3, s7;
	s7 =	simm.s32 @!p0 $0x108  }
0x21: {  	s3 =	sadd.s32 s3, s9;
	s6 =	sadd.s32 @!p0 $0x88, s6;
	s7 =	simm.s32 @p2 $0x1082  }
0x22: {  	[simem:s7], [sflag:s8] =	dma.local @!p0 [hbm:s6], $0xF7A  }
0x23: {  	s9 =	sor.u32 $0xD0000000, s2;
	s6 =	simm.s32 $0x108;
	_ =	swait.ge @!p0 [sflag:s8], $0x0  }
0x24: {  	s3 =	sadd.s32 $0x88, s3;
	s6 =	simm.s32 @!p1 $0x1082;
	[sflag:s4] =	ssyncset.s32 $0xFFFFF086  }
0x25: {  	[simem:s6], [sflag:s4] =	dma.local [hbm:s3], $0xF7A  }
0x26: {  	[smem:$0x3F9F] =	sst s1;
	(tag) =	ssettag s2;
	_ =	strace s9  }
0x27: {  	s1 =	sld [smem:$0x3FAF]  }
0x28: {  	s2 =	sld [smem:$0x3FB0]  }
0x29: {  	s4 =	sld [smem:$0x3FB2]  }
0x2a: {  	p0 =	seq.s32 s5, $0x0;
	s5 =	sld [smem:$0x3FB3]  }
0x2b: {  	s6 =	sld [smem:$0x3FB4]  }
0x2c: {  	s7 =	sld [smem:$0x3FB5]  }
0x2d: {  	s3 =	simm.s32 $0x108;
	s8 =	sld [smem:$0x3FB6]  }
0x2e: {  	s3 =	simm.s32 @!p0 $0x1082;
	s9 =	sld [smem:$0x3FB7]  }
0x2f: {  	lr =	sadd.s32 s0, s3;
	s0 =	sld [smem:$0x3FAE]  }
0x30: {  	s3 =	sld [smem:$0x3FB1]  }
0x31: {  	[smem:$0x3FBA] =	sst s10  }
0x32: {  	s10 =	sld [smem:$0x3FB8];
	_ =	sdelay $0x3  }
0x33: {  	p0 =	seq.s32 s10, $0x1;
	s10 =	sld [smem:$0x3FBA];
	_ =	sdelay $0x3  }
0x34: {  	[smem:$0x3FBA] =	sst s10  }
0x35: {  	s10 =	sld [smem:$0x3FB9];
	_ =	sdelay $0x3  }
0x36: {  	p1 =	seq.s32 s10, $0x1;
	s10 =	sld [smem:$0x3FBA];
	_ =	sdelay $0x3  }
0x37: {  	[smem:$0x3FBA] =	sst s10  }
0x38: {  	s10 =	sld [smem:$0x3FBB]  }
0x39: {  	_ = 	snop;
	(pc) =	sbr.ind lr, $3  }
0x3a: {  	_ = 	snop  }
0x3b: {  	_ = 	snop  }
0x3c: {  	p2 =	seq.s32 s10, $0x1;
	s10 =	sld [smem:$0x3FBA]  }
0x3d: {  	_ =	shalt  }
0x3e: {  	_ =	shalt  }
0x3f: {  	_ =	shalt  }
0x40: {  	_ =	shalt  }
0x41: {  	_ =	shalt  }
0x42: {  	_ =	shalt  }
0x43: {  	_ =	shalt  }
0x44: {  	_ =	shalt  }
0x45: {  	_ =	shalt  }
0x46: {  	_ =	shalt  }
0x47: {  	_ =	shalt  }
0x48: {  	_ =	shalt  }
0x49: {  	_ =	shalt  }
0x4a: {  	_ =	shalt  }
0x4b: {  	_ =	shalt  }
0x4c: {  	_ =	shalt  }
0x4d: {  	_ =	shalt  }
0x4e: {  	_ =	shalt  }
0x4f: {  	_ =	shalt  }
0x50: {  	_ =	shalt  }
0x51: {  	_ =	shalt  }
0x52: {  	_ =	shalt  }
0x53: {  	_ =	shalt  }
0x54: {  	_ =	shalt  }
0x55: {  	_ =	shalt  }
0x56: {  	_ =	shalt  }
0x57: {  	_ =	shalt  }
0x58: {  	_ =	shalt  }
0x59: {  	_ =	shalt  }
0x5a: {  	_ =	shalt  }
0x5b: {  	_ =	shalt  }
0x5c: {  	_ =	shalt  }
0x5d: {  	_ =	shalt  }
0x5e: {  	_ =	shalt  }
0x5f: {  	_ =	shalt  }
0x60: {  	_ =	shalt  }
0x61: {  	_ =	shalt  }
0x62: {  	_ =	shalt  }
0x63: {  	_ =	shalt  }
0x64: {  	_ =	shalt  }
0x65: {  	_ =	shalt  }
0x66: {  	_ =	shalt  }
0x67: {  	_ =	shalt  }
0x68: {  	_ =	shalt  }
0x69: {  	_ =	shalt  }
0x6a: {  	_ =	shalt  }
0x6b: {  	_ =	shalt  }
0x6c: {  	_ =	shalt  }
0x6d: {  	_ =	shalt  }
0x6e: {  	_ =	shalt  }
0x6f: {  	_ =	shalt  }
0x70: {  	_ =	shalt  }
0x71: {  	_ =	shalt  }
0x72: {  	_ =	shalt  }
0x73: {  	_ =	shalt  }
0x74: {  	_ =	shalt  }
0x75: {  	_ =	shalt  }
0x76: {  	_ =	shalt  }
0x77: {  	_ =	shalt  }
0x78: {  	_ =	shalt  }
0x79: {  	_ =	shalt  }
0x7a: {  	_ =	shalt  }
0x7b: {  	_ =	shalt  }
0x7c: {  	_ =	shalt  }
0x7d: {  	_ =	shalt  }
0x7e: {  	_ =	shalt  }
0x7f: {  	_ =	shalt  }
0x80: {  	_ =	shalt  }
0x81: {  	_ =	shalt  }
0x82: {  	_ =	shalt  }
0x83: {  	_ =	shalt  }
0x84: {  	_ =	shalt  }
0x85: {  	_ =	shalt  }
0x86: {  	_ =	shalt  }
0x87: {  	_ =	shalt  }
.Lfunc_end0:
.L_simem_size_0:
called_computation_lowered:
.L_overlay_start_0:
0x88: {  	s2 =	sld [smem:$0x3FD9]  }
0x89: {  	s3 =	sld [smem:$0x3FFE];
	_ =	sdelay $0x1  }
0x8a: {  	s1 =	srdreg.scid  }
0x8b: {  	s0 =	sand.u32 $0x1, s1  }
0x8c: {  	s17 =	sshll.u32 s0, $0xA;
	s2 =	sadd.s32 s3, s2  }
0x8d: {  	s2 =	sadd.s32 s2, s17  }
0x8e: {  	[smem:$0x3FC6] =	sst s2  }
0x8f: {  	_ = 	snop  }
0x90: {  	s2 =	sld [smem:$0x3FC8]  }
0x91: {  	s18 =	sld [smem:$0x3FD0];
	(tm) =	ssettm $0x1  }
0x92: {  	s4 =	sld [smem:$0x3FFB];
	_ =	sdelay $0x3  }
0x93: {  	_ =	strace s4  }
0x94: {  	s4 =	sld [smem:$0x3FFC];
	_ =	sdelay $0x3  }
0x95: {  	_ =	strace s4  }
0x96: {  	s4 =	sld [smem:$0x3FFD];
	_ =	sdelay $0x3  }
0x97: {  	_ =	strace s4  }
0x98: {  	_ =	strace $0x8FFFFFFF  }
0x99: {  	s19 =	sld [smem:$0x3FDB];
	_ =	sdelay $0x1  }
0x9a: {  	s5 =	simm.s32 $_scs_section_size  }
0x9b: {  	s6 =	simm.s32 $_size__tile_overlayer_lowered;
	s7 =	simm.s32 $_tile_overlayer_lowered  }
0x9c: {  	s22 =	simm.s32 $0x1BFF;
	s21 =	sshll.u32 s7, $0x1;
	s4 =	sadd.s32 s5, s19  }
0x9d: {  	s8 =	simm.s32 $0x0;
	s20 =	sshll.u32 s6, $0x1;
	s6 =	sadd.s32 s21, s4  }
0x9e: {  	[timem:s8], [sflag:s22] =	dma.local [hbm:s6], s20  }
0x9f: {  	_ =	swait.ge [sflag:s22], s20  }
0xa0: {  	s5 =	ssub.s32 $0x0, s20;
	[sflag:s22] =	ssyncset.done $0x0  }
0xa1: {  	[sflag:s22] =	ssyncadd.s32 s5;
	_ =	sdelay $0x1  }
0xa2: {  	s23 =	simm.s32 $0x1B8B  }
0xa3: {  	_ =	swait.ge [sflag:s23], $0x1  }
0xa4: {  	[sflag:s23] =	ssyncset.done $0x0  }
0xa5: {  	s25 =	simm.s32 $0x1B8E;
	s24 =	sld [smem:$0x3FFE];
	[sflag:s23] =	ssyncadd.s32 $0xFFFFFFFF  }
0xa6: {  	s26 =	simm.s32 $execute0_lowered;
	[smem:$0x3FD2] =	sst s25  }
0xa7: {  	s6 =	sshll.u32 s26, $0x1;
	_ =	strace $0x80000046;
	[dreg:$0x1] =	wrdreg $0xFFFFFFFF  }
0xa8: {  	s28 =	simm.s32 $_size_execute0_lowered;
	s4 =	sadd.s32 s4, s6;
	[dreg:$0x0] =	wrdreg $0x0  }
0xa9: {  	s6 =	sshll.u32 s28, $0x1;
	[dreg:$0x2] =	wrdreg s4  }
0xaa: {  	[dreg:$0x3] =	wrdreg s6  }
0xab: {  	[dreg:$0x4] =	wrdreg $0xC0  }
0xac: {  	_ =	task [dreg:s8], $0x5FFFF  }
0xad: {  	[dreg:$0x1] =	wrdreg $0xFFFFFFFF  }
0xae: {  	[dreg:$0x0] =	wrdreg $0x60  }
0xaf: {  	[dreg:$0x2] =	wrdreg s2  }
0xb0: {  	[dreg:$0x3] =	wrdreg s24  }
0xb1: {  	[dreg:$0x4] =	wrdreg s18  }
0xb2: {  	[dreg:$0x5] =	wrdreg $0x9  }
0xb3: {  	_ =	task.clear_ibuf [dreg:s8], $0x6FFFF;
	_ =	strace $0x90000046  }
0xb4: {  	s29 =	simm.s32 $0x9;
	_ =	strace $0x80000048  }
0xb5: {  	_ =	swait.ge [sflag:s29], $0x1  }
0xb6: {  	[sflag:s29] =	ssyncadd.s32 $0xFFFFFFFF  }
0xb7: {  	_ =	strace $0x90000048  }
0xb8: {  	_ =	sfence  }
0xb9: {  	s30 =	sld [smem:$0x0];
	_ =	sdelay $0x2  }
0xba: {  	s31 =	sshll.u32 s1, $0xD;
	s1 =	sshrl.u32 s1, $0x2  }
0xbb: {  	s3 =	sand.u32 $0x4000, s31;
	s1 =	sadd.s32 s1, s30  }
0xbc: {  	s0 =	sor.u32 s3, s0;
	s1 =	sshll.u32 s1, $0x11  }
0xbd: {  	s0 =	sor.u32 s1, s0  }
0xbe: {  	s0 =	sadd.s32 $0x8F2B, s0  }
0xbf: {  	[sflag:s0] =	ssyncadd.remote.s32 $0x1  }
0xc0: {  	_ =	sfence.sel $0xFFFF  }
0xc1: {  	[dreg:$0x0] =	wrdreg $0xFFFFFFFF;
	(pc) =	sbr.abs _section_cstart, $3  }
0xc2: {  	[dreg:$0x1] =	wrdreg $0xFFFFFFFF  }
0xc3: {  	_ =	task.clear_ibuf [dreg:s8], $0x2FFFF;
	_ =	strace $0x9FFFFFFF  }
0xc4: {  	(tm) =	ssettm $0x7FFFFFFF  }
0xc5: {  	_ =	shalt  }
tec
execute0_lowered:
.L_overlay_start_1:
0x0: {  	(tag) =	ssettag $0x1  }
0x1: {  	s1 =	rddreg [dreg:$0x0]  }
0x2: {  	s4 =	srdreg.scid;
	s5 =	stileid.u32  }
0x3: {  	s0 =	rddreg [dreg:$0x1];
	s4 =	sand.u32 $0x1, s4;
	s5 =	sshll.u32 s5, $0x1  }
0x4: {  	s2 =	rddreg [dreg:$0x2];
	s5 =	sor.u32 s4, s5  }
0x5: {  	s3 =	simm.s32 $0x0;
	s4 =	ssub.s32 $0x2, s4;
	s6 =	sshll.u32 s5, $0x5  }
0x6: {  	[smem:$0x7FF] =	sst s3;
	s7 =	sshrl.u32 s4, $0x1;
	s0 =	sadd.s32 s6, s0  }
0x7: {  	_ =	strace $0x80000047;
	s4 =	ssub.s32 s4, s7;
	s0 =	sadd.s32 $0x400, s0  }
0x8: {  	s21 =	sshll.u32 s5, $0xD;
	s15 =	smax.u32 s4, $0x1;
	[dreg:$0x4] =	wrdreg s0  }
0x9: {  	s0 =	sadd.s32 s2, s21;
	[dreg:$0x16] =	wrdreg s15  }
0xa: {  	s2 =	sadd.s32 $0x40000, s0;
	[dreg:$0x5] =	wrdreg s0  }
0xb: {  	s22 =	sadd.s32 $0x80000, s0;
	[dreg:$0x6] =	wrdreg s2  }
0xc: {  	s23 =	sadd.s32 $0xC0000, s0;
	[dreg:$0x7] =	wrdreg s22  }
0xd: {  	s24 =	sadd.s32 $0x400, s0;
	[dreg:$0x8] =	wrdreg s23  }
0xe: {  	s25 =	sadd.s32 $0x40400, s0;
	[dreg:$0x9] =	wrdreg s24  }
0xf: {  	s26 =	sadd.s32 $0x80400, s0;
	[dreg:$0xa] =	wrdreg s25  }
0x10: {  	s28 =	sadd.s32 $0xC0400, s0;
	[dreg:$0xb] =	wrdreg s26  }
0x11: {  	s30 =	sadd.s32 $0x800, s0;
	[dreg:$0xc] =	wrdreg s28  }
0x12: {  	s31 =	sadd.s32 $0x40800, s0;
	[dreg:$0xd] =	wrdreg s30  }
0x13: {  	s6 =	sadd.s32 $0x80800, s0;
	[dreg:$0xe] =	wrdreg s31  }
0x14: {  	s9 =	sadd.s32 $0xC0800, s0;
	[dreg:$0xf] =	wrdreg s6  }
0x15: {  	s10 =	sadd.s32 $0xC00, s0;
	[dreg:$0x10] =	wrdreg s9  }
0x16: {  	s11 =	sadd.s32 $0x40C00, s0;
	[dreg:$0x11] =	wrdreg s10  }
0x17: {  	s12 =	sadd.s32 $0x80C00, s0;
	[dreg:$0x12] =	wrdreg s11  }
0x18: {  	s13 =	sadd.s32 $0xC0C00, s0;
	[dreg:$0x13] =	wrdreg s12  }
0x19: {  	s14 =	sadd.s32 $0x1000, s0;
	[dreg:$0x14] =	wrdreg s13  }
0x1a: {  	s16 =	sadd.s32 $0x41000, s0;
	[dreg:$0x15] =	wrdreg s14  }
0x1b: {  	s17 =	sadd.s32 $0x81000, s0;
	[dreg:$0x17] =	wrdreg s16  }
0x1c: {  	s18 =	sadd.s32 $0xC1000, s0;
	[dreg:$0x18] =	wrdreg s17  }
0x1d: {  	s19 =	sadd.s32 $0x1400, s0;
	[dreg:$0x19] =	wrdreg s18  }
0x1e: {  	s29 =	simm.s32 $0x2;
	s20 =	sadd.s32 $0x41400, s0;
	[dreg:$0x1a] =	wrdreg s19  }
0x1f: {  	s8 =	sadd.s32 $0x300, s1;
	s21 =	sadd.s32 $0x81400, s0;
	[dreg:$0x1b] =	wrdreg s20  }
0x20: {  	s5 =	sadd.s32 $0x100, s1;
	[dreg:$0x1c] =	wrdreg s21;
	s22 =	sadd.s32 $0xC1400, s0  }
0x21: {  	s7 =	sadd.s32 $0x200, s1;
	s23 =	sadd.s32 $0x1800, s0;
	[dreg:$0x1d] =	wrdreg s22  }
0x22: {  	s4 =	simm.s32 $0x1;
	s24 =	sadd.s32 $0x41800, s0;
	[dreg:$0x1e] =	wrdreg s23  }
0x23: {  	s15 =	simm.s32 $0x6;
	s25 =	sadd.s32 $0x81800, s0;
	[dreg:$0x1f] =	wrdreg s24  }
0x24: {  	s26 =	sadd.s32 $0xC1800, s0;
	s28 =	sadd.s32 $0x1C00, s0;
	[smem:$0x7F8] =	sst s25  }
0x25: {  	s30 =	sadd.s32 $0x41C00, s0;
	s31 =	sadd.s32 $0x81C00, s0;
	[smem:$0x7F9] =	sst s26  }
0x26: {  	s0 =	sadd.s32 $0xC1C00, s0;
	s2 =	simm.s32 $0x8100;
	[smem:$0x7FA] =	sst s28  }
0x27: {  	v2 =	vlaneseq.u32;
	s6 =	simm.s32 $0xA100;
	s9 =	simm.s32 $0xC100;
	[smem:$0x7FB] =	sst s30  }
0x28: {  	vm0 =	vmmov $0xffff;
	v1 =	vshrl.u32 v2, $0x3;
	s10 =	simm.s32 $0xE100;
	s12 =	simm.s32 $0x4;
	[smem:$0x7FC] =	sst s31  }
0x29: {  	v0 =	vand.u32 $0x7, v2;
	v2 =	vor.u32 $0x8, v2;
	v1 =	vmul.u32 $0x8, v1;
	s14 =	simm.s32 $0x5;
	s16 =	simm.s32 $0x0;
	[smem:$0x7FD] =	sst s0  }
.LBB2_1:
0x2a: {  	s0 =	rddreg [dreg:$0x4];
	s20 =	simm.s32 $0x7  }
0x2b: {  	[tilespmem:s3], [sflag:$0x7] =	stream.linear.gather [hbm4b:s0+s3], $0x100, $0x38;
	[tilespmem:$0x18100] =	vst v63  }
0x2c: {  	_ =	swait.ge [sflag:s20], $0x100  }
0x2d: {  	[sflag:s20] =	ssyncset.done $0x0  }
0x2e: {  	[sflag:s20] =	ssyncadd.s32 $0xFFFFFF00  }
0x2f: {  	v3 =	vld [tilespmem:$0x0];
	_ =	sdelay $0x4  }
0x30: {  	v4 =	vshll.u32 v3, $0x3  }
0x31: {  	v3 =	vand.u32 $0x7, v3;
	v4 =	vand.u32 $0xFFFFFFC0, v4  }
0x32: {  	v3 =	vor.u32 v3, v4  }
0x33: {  	v4 =	vperm.xlane v3, v0;
	_ =	sdelay $0x1  }
0x34: {  	v4 =	vadd.s32 v1, v4;
	_ =	sdelay $0x3  }
0x35: {  	s21 =	simm.s32 $0x100  }
0x36: {  	[tilespmem:s21], [sflag:$0x1] =	stream.indirect_vreg.gather [hbm4b:s1+s3], $0x80, v4, vm0, $0xb8;
	[tilespmem:$0x18100] =	vst v63  }
0x37: {  	s22 =	simm.s32 $0x900;
	v3 =	vperm.xlane v3, v2  }
0x38: {  	[tilespmem:s22], [sflag:$0x1] =	stream.indirect_vreg.gather [hbm4b:s5+s3], $0x80, v4, vm0, $0xb8;
	[tilespmem:$0x18100] =	vst v63  }
0x39: {  	s23 =	simm.s32 $0x1100;
	v3 =	vadd.s32 v1, v3  }
0x3a: {  	[tilespmem:s23], [sflag:$0x1] =	stream.indirect_vreg.gather [hbm4b:s7+s3], $0x80, v4, vm0, $0xb8;
	[tilespmem:$0x18100] =	vst v63  }
0x3b: {  	s24 =	simm.s32 $0x1900  }
0x3c: {  	[tilespmem:s24], [sflag:$0x1] =	stream.indirect_vreg.gather [hbm4b:s8+s3], $0x80, v4, vm0, $0xb8;
	[tilespmem:$0x18100] =	vst v63  }
0x3d: {  	s25 =	simm.s32 $0x2100  }
0x3e: {  	[tilespmem:s25], [sflag:$0x1] =	stream.indirect_vreg.gather [hbm4b:s1+s3], $0x80, v3, vm0, $0xb8;
	[tilespmem:$0x18100] =	vst v63  }
0x3f: {  	s26 =	simm.s32 $0x2900  }
0x40: {  	[tilespmem:s26], [sflag:$0x1] =	stream.indirect_vreg.gather [hbm4b:s5+s3], $0x80, v3, vm0, $0xb8;
	[tilespmem:$0x18100] =	vst v63  }
0x41: {  	s30 =	simm.s32 $0x3100  }
0x42: {  	[tilespmem:s30], [sflag:$0x1] =	stream.indirect_vreg.gather [hbm4b:s7+s3], $0x80, v3, vm0, $0xb8;
	[tilespmem:$0x18100] =	vst v63  }
0x43: {  	s11 =	simm.s32 $0x3900  }
0x44: {  	[tilespmem:s11], [sflag:$0x1] =	stream.indirect_vreg.gather [hbm4b:s8+s3], $0x80, v3, vm0, $0xb8;
	[tilespmem:$0x18100] =	vst v63  }
0x45: {  	v3 =	vld [tilespmem:$0x10];
	_ =	sdelay $0x4  }
0x46: {  	v4 =	vshll.u32 v3, $0x3  }
0x47: {  	v3 =	vand.u32 $0x7, v3;
	v4 =	vand.u32 $0xFFFFFFC0, v4  }
0x48: {  	v3 =	vor.u32 v3, v4  }
0x49: {  	v4 =	vperm.xlane v3, v0;
	_ =	sdelay $0x1  }
0x4a: {  	v4 =	vadd.s32 v1, v4;
	_ =	sdelay $0x3  }
0x4b: {  	s13 =	simm.s32 $0x4100  }
0x4c: {  	[tilespmem:s13], [sflag:$0x1] =	stream.indirect_vreg.gather [hbm4b:s1+s3], $0x80, v4, vm0, $0xb8;
	[tilespmem:$0x18100] =	vst v63  }
0x4d: {  	s17 =	simm.s32 $0x4900;
	v3 =	vperm.xlane v3, v2  }
0x4e: {  	[tilespmem:s17], [sflag:$0x1] =	stream.indirect_vreg.gather [hbm4b:s5+s3], $0x80, v4, vm0, $0xb8;
	[tilespmem:$0x18100] =	vst v63  }
0x4f: {  	s18 =	simm.s32 $0x5100;
	v3 =	vadd.s32 v1, v3  }
0x50: {  	[tilespmem:s18], [sflag:$0x1] =	stream.indirect_vreg.gather [hbm4b:s7+s3], $0x80, v4, vm0, $0xb8;
	[tilespmem:$0x18100] =	vst v63  }
0x51: {  	s19 =	simm.s32 $0x5900  }
0x52: {  	[tilespmem:s19], [sflag:$0x1] =	stream.indirect_vreg.gather [hbm4b:s8+s3], $0x80, v4, vm0, $0xb8;
	[tilespmem:$0x18100] =	vst v63  }
0x53: {  	s20 =	simm.s32 $0x6100  }
0x54: {  	[tilespmem:s20], [sflag:$0x1] =	stream.indirect_vreg.gather [hbm4b:s1+s3], $0x80, v3, vm0, $0xb8;
	[tilespmem:$0x18100] =	vst v63  }
0x55: {  	s21 =	simm.s32 $0x6900  }
0x56: {  	[tilespmem:s21], [sflag:$0x1] =	stream.indirect_vreg.gather [hbm4b:s5+s3], $0x80, v3, vm0, $0xb8;
	[tilespmem:$0x18100] =	vst v63  }
0x57: {  	s22 =	simm.s32 $0x7100  }
0x58: {  	[tilespmem:s22], [sflag:$0x1] =	stream.indirect_vreg.gather [hbm4b:s7+s3], $0x80, v3, vm0, $0xb8;
	[tilespmem:$0x18100] =	vst v63  }
0x59: {  	s23 =	simm.s32 $0x7900  }
0x5a: {  	[tilespmem:s23], [sflag:$0x1] =	stream.indirect_vreg.gather [hbm4b:s8+s3], $0x80, v3, vm0, $0xb8;
	[tilespmem:$0x18100] =	vst v63  }
0x5b: {  	_ =	swait.ge [sflag:s4], $0x8000  }
0x5c: {  	[sflag:s4] =	ssyncset.done $0x0  }
0x5d: {  	[sflag:s4] =	ssyncadd.s32 $0xFFFF8000  }
0x5e: {  	v3 =	vld [tilespmem:$0x20];
	_ =	sdelay $0x4  }
0x5f: {  	v4 =	vshll.u32 v3, $0x3  }
0x60: {  	v3 =	vand.u32 $0x7, v3;
	v4 =	vand.u32 $0xFFFFFFC0, v4  }
0x61: {  	v3 =	vor.u32 v3, v4  }
0x62: {  	v4 =	vperm.xlane v3, v0;
	_ =	sdelay $0x1  }
0x63: {  	v4 =	vadd.s32 v1, v4;
	_ =	sdelay $0x4  }
0x64: {  	[tilespmem:s2], [sflag:$0x2] =	stream.indirect_vreg.gather [hbm4b:s1+s3], $0x80, v4, vm0, $0xb8;
	[tilespmem:$0x18100] =	vst v63  }
0x65: {  	s24 =	simm.s32 $0x8900;
	v3 =	vperm.xlane v3, v2  }
0x66: {  	[tilespmem:s24], [sflag:$0x2] =	stream.indirect_vreg.gather [hbm4b:s5+s3], $0x80, v4, vm0, $0xb8;
	[tilespmem:$0x18100] =	vst v63  }
0x67: {  	s25 =	simm.s32 $0x9100;
	v3 =	vadd.s32 v1, v3  }
0x68: {  	[tilespmem:s25], [sflag:$0x2] =	stream.indirect_vreg.gather [hbm4b:s7+s3], $0x80, v4, vm0, $0xb8;
	[tilespmem:$0x18100] =	vst v63  }
0x69: {  	s26 =	simm.s32 $0x9900  }
0x6a: {  	[tilespmem:s26], [sflag:$0x2] =	stream.indirect_vreg.gather [hbm4b:s8+s3], $0x80, v4, vm0, $0xb8;
	[tilespmem:$0x18100] =	vst v63  }
0x6b: {  	_ = 	snop  }
0x6c: {  	[tilespmem:s6], [sflag:$0x2] =	stream.indirect_vreg.gather [hbm4b:s1+s3], $0x80, v3, vm0, $0xb8;
	[tilespmem:$0x18100] =	vst v63  }
0x6d: {  	s30 =	simm.s32 $0xA900  }
0x6e: {  	[tilespmem:s30], [sflag:$0x2] =	stream.indirect_vreg.gather [hbm4b:s5+s3], $0x80, v3, vm0, $0xb8;
	[tilespmem:$0x18100] =	vst v63  }
0x6f: {  	s2 =	simm.s32 $0xB100  }
0x70: {  	[tilespmem:s2], [sflag:$0x2] =	stream.indirect_vreg.gather [hbm4b:s7+s3], $0x80, v3, vm0, $0xb8;
	[tilespmem:$0x18100] =	vst v63  }
0x71: {  	s6 =	simm.s32 $0xB900  }
0x72: {  	[tilespmem:s6], [sflag:$0x2] =	stream.indirect_vreg.gather [hbm4b:s8+s3], $0x80, v3, vm0, $0xb8;
	[tilespmem:$0x18100] =	vst v63  }
0x73: {  	v3 =	vld [tilespmem:$0x30];
	_ =	sdelay $0x4  }
0x74: {  	v4 =	vshll.u32 v3, $0x3  }
0x75: {  	v3 =	vand.u32 $0x7, v3;
	v4 =	vand.u32 $0xFFFFFFC0, v4  }
0x76: {  	v3 =	vor.u32 v3, v4  }
0x77: {  	v4 =	vperm.xlane v3, v0;
	_ =	sdelay $0x1  }
0x78: {  	v4 =	vadd.s32 v1, v4;
	_ =	sdelay $0x4  }
0x79: {  	[tilespmem:s9], [sflag:$0x2] =	stream.indirect_vreg.gather [hbm4b:s1+s3], $0x80, v4, vm0, $0xb8;
	[tilespmem:$0x18100] =	vst v63  }
0x7a: {  	v3 =	vperm.xlane v3, v2;
	s9 =	simm.s32 $0xC900  }
0x7b: {  	[tilespmem:s9], [sflag:$0x2] =	stream.indirect_vreg.gather [hbm4b:s5+s3], $0x80, v4, vm0, $0xb8;
	[tilespmem:$0x18100] =	vst v63  }
0x7c: {  	s11 =	simm.s32 $0xD100;
	v3 =	vadd.s32 v1, v3  }
0x7d: {  	[tilespmem:s11], [sflag:$0x2] =	stream.indirect_vreg.gather [hbm4b:s7+s3], $0x80, v4, vm0, $0xb8;
	[tilespmem:$0x18100] =	vst v63  }
0x7e: {  	s13 =	simm.s32 $0xD900;
	s20 =	simm.s32 $0x0  }
0x7f: {  	[tilespmem:s13], [sflag:$0x2] =	stream.indirect_vreg.gather [hbm4b:s8+s3], $0x80, v4, vm0, $0xb8;
	[tilespmem:$0x18100] =	vst v63  }
0x80: {  	s0 =	sand.u32 $0x380, s20;
	s21 =	sand.u32 $0x1C00, s3  }
0x81: {  	[tilespmem:s10], [sflag:$0x2] =	stream.indirect_vreg.gather [hbm4b:s1+s3], $0x80, v3, vm0, $0xb8;
	[tilespmem:$0x18100] =	vst v63  }
0x82: {  	s17 =	simm.s32 $0xE900;
	s0 =	sor.u32 s21, s0;
	s22 =	sand.u32 $0x60, s3  }
0x83: {  	[tilespmem:s17], [sflag:$0x2] =	stream.indirect_vreg.gather [hbm4b:s5+s3], $0x80, v3, vm0, $0xb8;
	[tilespmem:$0x18100] =	vst v63  }
0x84: {  	s18 =	simm.s32 $0xF100;
	s23 =	sor.u32 $0x10, s22;
	s2 =	sadd.s32 $0x6100, s0  }
0x85: {  	[tilespmem:s18], [sflag:$0x2] =	stream.indirect_vreg.gather [hbm4b:s7+s3], $0x80, v3, vm0, $0xb8;
	[tilespmem:$0x18100] =	vst v63  }
0x86: {  	s19 =	simm.s32 $0xF900;
	s21 =	sor.u32 s23, s2;
	s17 =	sadd.s32 $0x100, s0  }
0x87: {  	[tilespmem:s19], [sflag:$0x2] =	stream.indirect_vreg.gather [hbm4b:s8+s3], $0x80, v3, vm0, $0xb8;
	[tilespmem:$0x18100] =	vst v63  }
0x88: {  	s25 =	sor.u32 s22, s17;
	s19 =	sadd.s32 $0x2100, s0;
	v3 =	vld [tilespmem:s21+$0x0]  }
0x89: {  	s26 =	sor.u32 s22, s19;
	v4 =	vld [tilespmem:s25+$0x0]  }
0x8a: {  	s17 =	sor.u32 s23, s17;
	s0 =	sadd.s32 $0x4100, s0;
	v5 =	vld [tilespmem:s26+$0x0]  }
0x8b: {  	s28 =	sor.u32 s22, s0;
	v8 =	vld [tilespmem:s17+$0x0]  }
0x8c: {  	s24 =	simm.s32 $0x4;
	s2 =	sor.u32 s22, s2;
	v6 =	vld [tilespmem:s28+$0x0]  }
0x8d: {  	s30 =	simm.s32 $0x20;
	s19 =	sor.u32 s23, s19;
	v7 =	vld [tilespmem:s2+$0x0];
	s22 =	simm.s32 $0x100;
	v3 =	vmul.f32 $3.200000000e+01, v3  }
0x8e: {  	s20 =	sor.u32 s23, s0;
	s0 =	sand.u32 $0x380, s24;
	s9 =	sand.u32 $0x1C00, s22;
	v9 =	vld [tilespmem:s19+$0x0];
	v4 =	vmul.f32 $3.200000000e+01, v4  }
0x8f: {  	s31 =	sand.u32 $0x60, s30;
	v10 =	vld [tilespmem:s20+$0x0];
	s11 =	sor.u32 s9, s0;
	v5 =	vmul.f32 $3.200000000e+01, v5;
	[tilespmem:s21+$0x0] =	vst v3  }
0x90: {  	s30 =	sor.u32 $0x10, s31;
	s10 =	sadd.s32 $0x6100, s11;
	v8 =	vmul.f32 $3.200000000e+01, v8;
	[tilespmem:s25+$0x0] =	vst v4  }
0x91: {  	s18 =	sadd.s32 $0x2100, s11;
	s24 =	sor.u32 s30, s10;
	v4 =	vmul.f32 $3.200000000e+01, v6;
	[tilespmem:s26+$0x0] =	vst v5  }
0x92: {  	s0 =	simm.s32 $0x2;
	s13 =	sadd.s32 $0x100, s11;
	s6 =	sor.u32 s31, s18;
	v3 =	vld [tilespmem:s24+$0x0];
	v5 =	vmul.f32 $3.200000000e+01, v7;
	[tilespmem:s17+$0x0] =	vst v8  }
0x93: {  	s23 =	sadd.s32 $0x4100, s11;
	s25 =	sor.u32 s30, s18;
	v6 =	vld [tilespmem:s6+$0x0];
	s26 =	sor.u32 s31, s13;
	[tilespmem:s28+$0x0] =	vst v4  }
0x94: {  	s21 =	sor.u32 s30, s23;
	s17 =	simm.s32 $0x20;
	v4 =	vld [tilespmem:s26+$0x0];
	[tilespmem:s2+$0x0] =	vst v5;
	s2 =	sor.u32 s31, s23  }
0x95: {  	v7 =	vmul.f32 $3.200000000e+01, v9;
	v8 =	vmul.f32 $3.200000000e+01, v10;
	s28 =	sor.u32 s31, s10;
	s10 =	simm.s32 $0x40;
	s31 =	sor.u32 s30, s13;
	v5 =	vld [tilespmem:s2+$0x0]  }
.LBB2_2:
0x96: {  	s9 =	sshrl.u32 s17, $0x2;
	s0 =	sadd.s32 $0x2, s0  }
0x97: {  	v9 =	vld [tilespmem:s28+$0x0];
	s22 =	sadd.s32 $0x100, s22;
	[tilespmem:s19+$0x0] =	vst v7;
	s19 =	smov.u32 s25;
	s30 =	sand.u32 $0x60, s10  }
0x98: {  	s25 =	sand.u32 $0x1C00, s22;
	s9 =	sand.u32 $0x380, s9;
	p0 =	slt.u32 s0, $0x1FE;
	v7 =	vld [tilespmem:s31+$0x0];
	v3 =	vmul.f32 $3.200000000e+01, v3;
	[tilespmem:s20+$0x0] =	vst v8  }
0x99: {  	s20 =	smov.u32 s21;
	s13 =	sor.u32 $0x10, s30;
	s9 =	sor.u32 s25, s9;
	v4 =	vmul.f32 $3.200000000e+01, v4;
	v8 =	vld [tilespmem:s19+$0x0]  }
0x9a: {  	s21 =	sadd.s32 $0x100, s9;
	s25 =	sadd.s32 $0x6100, s9;
	v6 =	vmul.f32 $3.200000000e+01, v6;
	v10 =	vld [tilespmem:s20+$0x0];
	[tilespmem:s24+$0x0] =	vst v3;
	s18 =	sadd.s32 $0x2100, s9  }
.Ltmp0:
0x9b: {  	s9 =	sadd.s32 $0x4100, s9;
	s24 =	sor.u32 s13, s25;
	[tilespmem:s26+$0x0] =	vst v4;
	v5 =	vmul.f32 $3.200000000e+01, v5;
	(pc) =	sbr.rel @p0 .LBB2_2-.Ltmp0, $4  }
0x9c: {  	s26 =	sor.u32 s30, s21;
	s23 =	sor.u32 s30, s9;
	v3 =	vld [tilespmem:s24+$0x0];
	[tilespmem:s6+$0x0] =	vst v6;
	s6 =	sor.u32 s30, s18;
	v9 =	vmul.f32 $3.200000000e+01, v9  }
0x9d: {  	s11 =	sor.u32 s13, s21;
	s30 =	sor.u32 s30, s25;
	s25 =	sor.u32 s13, s18;
	v4 =	vld [tilespmem:s26+$0x0];
	[tilespmem:s2+$0x0] =	vst v5;
	v11 =	vmul.f32 $3.200000000e+01, v7  }
0x9e: {  	s21 =	sor.u32 s13, s9;
	s2 =	smov.u32 s23;
	v6 =	vld [tilespmem:s6+$0x0];
	[tilespmem:s28+$0x0] =	vst v9;
	v7 =	vmul.f32 $3.200000000e+01, v8;
	s28 =	smov.u32 s30  }
0x9f: {  	s10 =	sadd.s32 $0x20, s10;
	s17 =	sadd.s32 $0x10, s17;
	v5 =	vld [tilespmem:s2+$0x0];
	[tilespmem:s31+$0x0] =	vst v11;
	v8 =	vmul.f32 $3.200000000e+01, v10;
	s31 =	smov.u32 s11  }
0xa0: {  	v9 =	vld [tilespmem:s28+$0x0]  }
0xa1: {  	v10 =	vld [tilespmem:s31+$0x0];
	[tilespmem:s19+$0x0] =	vst v7;
	v3 =	vmul.f32 $3.200000000e+01, v3  }
0xa2: {  	v7 =	vld [tilespmem:s25+$0x0];
	[tilespmem:s20+$0x0] =	vst v8;
	v4 =	vmul.f32 $3.200000000e+01, v4  }
0xa3: {  	v8 =	vld [tilespmem:s21+$0x0];
	v6 =	vmul.f32 $3.200000000e+01, v6;
	[tilespmem:s24+$0x0] =	vst v3  }
0xa4: {  	[tilespmem:s26+$0x0] =	vst v4;
	v3 =	vmul.f32 $3.200000000e+01, v5  }
0xa5: {  	[tilespmem:s6+$0x0] =	vst v6;
	v4 =	vmul.f32 $3.200000000e+01, v9  }
0xa6: {  	[tilespmem:s2+$0x0] =	vst v3;
	v3 =	vmul.f32 $3.200000000e+01, v10  }
0xa7: {  	[tilespmem:s28+$0x0] =	vst v4;
	v4 =	vmul.f32 $3.200000000e+01, v7  }
0xa8: {  	[tilespmem:s31+$0x0] =	vst v3;
	v3 =	vmul.f32 $3.200000000e+01, v8  }
0xa9: {  	[tilespmem:s25+$0x0] =	vst v4  }
0xaa: {  	[tilespmem:s21+$0x0] =	vst v3  }
0xab: {  	s0 =	simm.s32 $0x0;
	s21 =	simm.s32 $0x100;
	s2 =	rddreg [dreg:$0x5]  }
0xac: {  	[hbm4b:s2+s0] =	stream.linear.scatter [tilespmem:s21], [sflag:$0x4], $0x2000, $0x38;
	[tilespmem:$0x18100] =	vst v63  }
0xad: {  	s23 =	simm.s32 $0x2100;
	s22 =	rddreg [dreg:$0x6]  }
0xae: {  	[hbm4b:s22+s0] =	stream.linear.scatter [tilespmem:s23], [sflag:$0x4], $0x2000, $0x38;
	[tilespmem:$0x18100] =	vst v63  }
0xaf: {  	s25 =	simm.s32 $0x4100;
	s24 =	rddreg [dreg:$0x7]  }
0xb0: {  	[hbm4b:s24+s0] =	stream.linear.scatter [tilespmem:s25], [sflag:$0x4], $0x2000, $0x38;
	[tilespmem:$0x18100] =	vst v63  }
0xb1: {  	s30 =	simm.s32 $0x6100;
	s26 =	rddreg [dreg:$0x8]  }
0xb2: {  	[hbm4b:s26+s0] =	stream.linear.scatter [tilespmem:s30], [sflag:$0x4], $0x2000, $0x38;
	[tilespmem:$0x18100] =	vst v63  }
0xb3: {  	_ =	swait.ge [sflag:s29], $0x8000  }
0xb4: {  	[sflag:s29] =	ssyncset.done $0x0  }
0xb5: {  	[sflag:s29] =	ssyncadd.s32 $0xFFFF8000  }
0xb6: {  	v3 =	vld [tilespmem:$0x40];
	_ =	sdelay $0x4  }
0xb7: {  	v4 =	vshll.u32 v3, $0x3  }
0xb8: {  	v3 =	vand.u32 $0x7, v3;
	v4 =	vand.u32 $0xFFFFFFC0, v4  }
0xb9: {  	v3 =	vor.u32 v3, v4  }
0xba: {  	v4 =	vperm.xlane v3, v0;
	_ =	sdelay $0x1  }
0xbb: {  	v4 =	vadd.s32 v1, v4;
	_ =	sdelay $0x3  }
0xbc: {  	s6 =	simm.s32 $0x10100  }
0xbd: {  	[tilespmem:s6], [sflag:$0x3] =	stream.indirect_vreg.gather [hbm4b:s1+s0], $0x80, v4, vm0, $0xb8;
	[tilespmem:$0x18100] =	vst v63  }
0xbe: {  	s9 =	simm.s32 $0x10900;
	v3 =	vperm.xlane v3, v2  }
0xbf: {  	[tilespmem:s9], [sflag:$0x3] =	stream.indirect_vreg.gather [hbm4b:s5+s0], $0x80, v4, vm0, $0xb8;
	[tilespmem:$0x18100] =	vst v63  }
0xc0: {  	s10 =	simm.s32 $0x11100;
	v3 =	vadd.s32 v1, v3  }
0xc1: {  	[tilespmem:s10], [sflag:$0x3] =	stream.indirect_vreg.gather [hbm4b:s7+s0], $0x80, v4, vm0, $0xb8;
	[tilespmem:$0x18100] =	vst v63  }
0xc2: {  	s11 =	simm.s32 $0x11900  }
0xc3: {  	[tilespmem:s11], [sflag:$0x3] =	stream.indirect_vreg.gather [hbm4b:s8+s0], $0x80, v4, vm0, $0xb8;
	[tilespmem:$0x18100] =	vst v63  }
0xc4: {  	s13 =	simm.s32 $0x12100  }
0xc5: {  	[tilespmem:s13], [sflag:$0x3] =	stream.indirect_vreg.gather [hbm4b:s1+s0], $0x80, v3, vm0, $0xb8;
	[tilespmem:$0x18100] =	vst v63  }
0xc6: {  	s17 =	simm.s32 $0x12900  }
0xc7: {  	[tilespmem:s17], [sflag:$0x3] =	stream.indirect_vreg.gather [hbm4b:s5+s0], $0x80, v3, vm0, $0xb8;
	[tilespmem:$0x18100] =	vst v63  }
0xc8: {  	s18 =	simm.s32 $0x13100  }
0xc9: {  	[tilespmem:s18], [sflag:$0x3] =	stream.indirect_vreg.gather [hbm4b:s7+s0], $0x80, v3, vm0, $0xb8;
	[tilespmem:$0x18100] =	vst v63  }
0xca: {  	s19 =	simm.s32 $0x13900  }
0xcb: {  	[tilespmem:s19], [sflag:$0x3] =	stream.indirect_vreg.gather [hbm4b:s8+s0], $0x80, v3, vm0, $0xb8;
	[tilespmem:$0x18100] =	vst v63  }
0xcc: {  	v3 =	vld [tilespmem:$0x50];
	_ =	sdelay $0x4  }
0xcd: {  	v4 =	vshll.u32 v3, $0x3  }
0xce: {  	v3 =	vand.u32 $0x7, v3;
	v4 =	vand.u32 $0xFFFFFFC0, v4  }
0xcf: {  	v3 =	vor.u32 v3, v4  }
0xd0: {  	v4 =	vperm.xlane v3, v0;
	_ =	sdelay $0x1  }
0xd1: {  	v4 =	vadd.s32 v1, v4;
	_ =	sdelay $0x3  }
0xd2: {  	s20 =	simm.s32 $0x14100  }
0xd3: {  	[tilespmem:s20], [sflag:$0x3] =	stream.indirect_vreg.gather [hbm4b:s1+s0], $0x80, v4, vm0, $0xb8;
	[tilespmem:$0x18100] =	vst v63  }
0xd4: {  	s21 =	simm.s32 $0x14900;
	v3 =	vperm.xlane v3, v2  }
0xd5: {  	[tilespmem:s21], [sflag:$0x3] =	stream.indirect_vreg.gather [hbm4b:s5+s0], $0x80, v4, vm0, $0xb8;
	[tilespmem:$0x18100] =	vst v63  }
0xd6: {  	s22 =	simm.s32 $0x15100;
	v3 =	vadd.s32 v1, v3  }
0xd7: {  	[tilespmem:s22], [sflag:$0x3] =	stream.indirect_vreg.gather [hbm4b:s7+s0], $0x80, v4, vm0, $0xb8;
	[tilespmem:$0x18100] =	vst v63  }
0xd8: {  	s23 =	simm.s32 $0x15900  }
0xd9: {  	[tilespmem:s23], [sflag:$0x3] =	stream.indirect_vreg.gather [hbm4b:s8+s0], $0x80, v4, vm0, $0xb8;
	[tilespmem:$0x18100] =	vst v63  }
0xda: {  	s24 =	simm.s32 $0x16100  }
0xdb: {  	[tilespmem:s24], [sflag:$0x3] =	stream.indirect_vreg.gather [hbm4b:s1+s0], $0x80, v3, vm0, $0xb8;
	[tilespmem:$0x18100] =	vst v63  }
0xdc: {  	s25 =	simm.s32 $0x16900;
	s6 =	simm.s32 $0x0  }
0xdd: {  	[tilespmem:s25], [sflag:$0x3] =	stream.indirect_vreg.gather [hbm4b:s5+s0], $0x80, v3, vm0, $0xb8;
	[tilespmem:$0x18100] =	vst v63  }
0xde: {  	s26 =	simm.s32 $0x17100;
	s2 =	sand.u32 $0x380, s6;
	s9 =	sand.u32 $0x1C00, s0  }
0xdf: {  	[tilespmem:s26], [sflag:$0x3] =	stream.indirect_vreg.gather [hbm4b:s7+s0], $0x80, v3, vm0, $0xb8;
	[tilespmem:$0x18100] =	vst v63  }
0xe0: {  	s30 =	simm.s32 $0x17900;
	s2 =	sor.u32 s9, s2  }
0xe1: {  	[tilespmem:s30], [sflag:$0x3] =	stream.indirect_vreg.gather [hbm4b:s8+s0], $0x80, v3, vm0, $0xb8;
	[tilespmem:$0x18100] =	vst v63  }
0xe2: {  	s10 =	sadd.s32 $0x8100, s2;
	s0 =	sand.u32 $0x60, s0  }
0xe3: {  	s6 =	sadd.s32 $0xE100, s2;
	s9 =	sor.u32 $0x10, s0;
	s17 =	sor.u32 s0, s10  }
0xe4: {  	s13 =	sadd.s32 $0xA100, s2;
	s11 =	sor.u32 s9, s6;
	v4 =	vld [tilespmem:s17+$0x0]  }
0xe5: {  	s2 =	sadd.s32 $0xC100, s2;
	s18 =	sor.u32 s0, s13;
	v3 =	vld [tilespmem:s11+$0x0]  }
0xe6: {  	s21 =	sor.u32 s0, s2;
	v5 =	vld [tilespmem:s18+$0x0]  }
0xe7: {  	s22 =	simm.s32 $0x100;
	v6 =	vld [tilespmem:s21+$0x0];
	s30 =	sor.u32 s9, s10  }
0xe8: {  	s24 =	sand.u32 $0x1C00, s22;
	s23 =	sor.u32 s0, s6;
	s10 =	simm.s32 $0x4;
	v8 =	vld [tilespmem:s30+$0x0]  }
0xe9: {  	s19 =	sor.u32 s9, s13;
	v7 =	vld [tilespmem:s23+$0x0];
	s13 =	simm.s32 $0x20;
	s0 =	sand.u32 $0x380, s10;
	v4 =	vmul.f32 $3.200000000e+01, v4  }
0xea: {  	s20 =	sor.u32 s9, s2;
	v9 =	vld [tilespmem:s19+$0x0];
	s2 =	sand.u32 $0x60, s13;
	s6 =	sor.u32 s24, s0;
	v3 =	vmul.f32 $3.200000000e+01, v3  }
0xeb: {  	v10 =	vld [tilespmem:s20+$0x0];
	s10 =	sor.u32 $0x10, s2;
	s25 =	sadd.s32 $0xE100, s6;
	v5 =	vmul.f32 $3.200000000e+01, v5;
	[tilespmem:s17+$0x0] =	vst v4  }
0xec: {  	s13 =	sadd.s32 $0x8100, s6;
	s24 =	sor.u32 s10, s25;
	v4 =	vmul.f32 $3.200000000e+01, v6;
	[tilespmem:s11+$0x0] =	vst v3  }
0xed: {  	s0 =	simm.s32 $0x2;
	s26 =	sor.u32 s2, s13;
	v8 =	vmul.f32 $3.200000000e+01, v8;
	s17 =	sadd.s32 $0xA100, s6;
	[tilespmem:s18+$0x0] =	vst v5;
	v3 =	vld [tilespmem:s24+$0x0]  }
0xee: {  	s28 =	sor.u32 s2, s25;
	v5 =	vmul.f32 $3.200000000e+01, v7;
	s18 =	sadd.s32 $0xC100, s6;
	s6 =	sor.u32 s2, s17;
	[tilespmem:s21+$0x0] =	vst v4;
	v4 =	vld [tilespmem:s26+$0x0]  }
0xef: {  	s31 =	sor.u32 s10, s13;
	s25 =	sor.u32 s10, s17;
	s2 =	sor.u32 s2, s18;
	v6 =	vld [tilespmem:s6+$0x0];
	[tilespmem:s30+$0x0] =	vst v8  }
0xf0: {  	v7 =	vmul.f32 $3.200000000e+01, v9;
	s17 =	simm.s32 $0x20;
	s21 =	sor.u32 s10, s18;
	s10 =	simm.s32 $0x40;
	v8 =	vmul.f32 $3.200000000e+01, v10;
	[tilespmem:s23+$0x0] =	vst v5;
	v5 =	vld [tilespmem:s2+$0x0]  }
.LBB2_4:
0xf1: {  	s9 =	sshrl.u32 s17, $0x2;
	s0 =	sadd.s32 $0x2, s0  }
0xf2: {  	v9 =	vld [tilespmem:s28+$0x0];
	s22 =	sadd.s32 $0x100, s22;
	[tilespmem:s19+$0x0] =	vst v7;
	s19 =	smov.u32 s25;
	s13 =	sand.u32 $0x60, s10  }
0xf3: {  	s11 =	sand.u32 $0x1C00, s22;
	s9 =	sand.u32 $0x380, s9;
	p0 =	slt.u32 s0, $0x1FE;
	v7 =	vld [tilespmem:s31+$0x0];
	v3 =	vmul.f32 $3.200000000e+01, v3;
	[tilespmem:s20+$0x0] =	vst v8  }
0xf4: {  	s20 =	smov.u32 s21;
	s21 =	sor.u32 $0x10, s13;
	s9 =	sor.u32 s11, s9;
	v4 =	vmul.f32 $3.200000000e+01, v4;
	v8 =	vld [tilespmem:s19+$0x0]  }
0xf5: {  	s11 =	sadd.s32 $0x8100, s9;
	s18 =	sadd.s32 $0xE100, s9;
	v6 =	vmul.f32 $3.200000000e+01, v6;
	v10 =	vld [tilespmem:s20+$0x0];
	[tilespmem:s24+$0x0] =	vst v3;
	s23 =	sadd.s32 $0xA100, s9  }
.Ltmp1:
0xf6: {  	s9 =	sadd.s32 $0xC100, s9;
	s24 =	sor.u32 s21, s18;
	[tilespmem:s26+$0x0] =	vst v4;
	v5 =	vmul.f32 $3.200000000e+01, v5;
	(pc) =	sbr.rel @p0 .LBB2_4-.Ltmp1, $4  }
0xf7: {  	s26 =	sor.u32 s13, s11;
	s30 =	sor.u32 s13, s9;
	v3 =	vld [tilespmem:s24+$0x0];
	[tilespmem:s6+$0x0] =	vst v6;
	s6 =	sor.u32 s13, s23;
	v9 =	vmul.f32 $3.200000000e+01, v9  }
0xf8: {  	s11 =	sor.u32 s21, s11;
	s25 =	sor.u32 s21, s23;
	s13 =	sor.u32 s13, s18;
	v4 =	vld [tilespmem:s26+$0x0];
	[tilespmem:s2+$0x0] =	vst v5;
	v11 =	vmul.f32 $3.200000000e+01, v7  }
0xf9: {  	s21 =	sor.u32 s21, s9;
	s2 =	smov.u32 s30;
	v6 =	vld [tilespmem:s6+$0x0];
	[tilespmem:s28+$0x0] =	vst v9;
	v7 =	vmul.f32 $3.200000000e+01, v8;
	s28 =	smov.u32 s13  }
0xfa: {  	s10 =	sadd.s32 $0x20, s10;
	s17 =	sadd.s32 $0x10, s17;
	v5 =	vld [tilespmem:s2+$0x0];
	[tilespmem:s31+$0x0] =	vst v11;
	v8 =	vmul.f32 $3.200000000e+01, v10;
	s31 =	smov.u32 s11  }
0xfb: {  	v9 =	vld [tilespmem:s28+$0x0]  }
0xfc: {  	v10 =	vld [tilespmem:s31+$0x0];
	[tilespmem:s19+$0x0] =	vst v7;
	v3 =	vmul.f32 $3.200000000e+01, v3  }
0xfd: {  	v7 =	vld [tilespmem:s25+$0x0];
	[tilespmem:s20+$0x0] =	vst v8;
	v4 =	vmul.f32 $3.200000000e+01, v4  }
0xfe: {  	v8 =	vld [tilespmem:s21+$0x0];
	v6 =	vmul.f32 $3.200000000e+01, v6;
	[tilespmem:s24+$0x0] =	vst v3  }
0xff: {  	[tilespmem:s26+$0x0] =	vst v4;
	v3 =	vmul.f32 $3.200000000e+01, v5  }
0x100: {  	[tilespmem:s6+$0x0] =	vst v6;
	v4 =	vmul.f32 $3.200000000e+01, v9  }
0x101: {  	[tilespmem:s2+$0x0] =	vst v3;
	v3 =	vmul.f32 $3.200000000e+01, v10  }
0x102: {  	[tilespmem:s28+$0x0] =	vst v4;
	v4 =	vmul.f32 $3.200000000e+01, v7  }
0x103: {  	[tilespmem:s31+$0x0] =	vst v3;
	v3 =	vmul.f32 $3.200000000e+01, v8  }
0x104: {  	[tilespmem:s25+$0x0] =	vst v4  }
0x105: {  	[tilespmem:s21+$0x0] =	vst v3  }
0x106: {  	s0 =	simm.s32 $0x0;
	s20 =	simm.s32 $0x8100;
	s2 =	rddreg [dreg:$0x9]  }
0x107: {  	[hbm4b:s2+s0] =	stream.linear.scatter [tilespmem:s20], [sflag:$0x5], $0x2000, $0x38;
	[tilespmem:$0x18100] =	vst v63  }
0x108: {  	s22 =	simm.s32 $0xA100;
	s21 =	rddreg [dreg:$0xa]  }
0x109: {  	[hbm4b:s21+s0] =	stream.linear.scatter [tilespmem:s22], [sflag:$0x5], $0x2000, $0x38;
	[tilespmem:$0x18100] =	vst v63  }
0x10a: {  	s24 =	simm.s32 $0xC100;
	s23 =	rddreg [dreg:$0xb]  }
0x10b: {  	[hbm4b:s23+s0] =	stream.linear.scatter [tilespmem:s24], [sflag:$0x5], $0x2000, $0x38;
	[tilespmem:$0x18100] =	vst v63  }
0x10c: {  	s30 =	simm.s32 $0x3;
	s26 =	simm.s32 $0xE100;
	s25 =	rddreg [dreg:$0xc]  }
0x10d: {  	[hbm4b:s25+s0] =	stream.linear.scatter [tilespmem:s26], [sflag:$0x5], $0x2000, $0x38;
	[tilespmem:$0x18100] =	vst v63  }
0x10e: {  	_ =	swait.ge [sflag:s30], $0x8000  }
0x10f: {  	[sflag:s30] =	ssyncset.done $0x0  }
0x110: {  	[sflag:s30] =	ssyncadd.s32 $0xFFFF8000  }
0x111: {  	_ =	swait.ge [sflag:s12], $0x2000  }
0x112: {  	[sflag:s12] =	ssyncset.done $0x0  }
0x113: {  	[sflag:s12] =	ssyncadd.s32 $0xFFFFE000  }
0x114: {  	_ =	swait.ge [sflag:s12], $0x2000  }
0x115: {  	[sflag:s12] =	ssyncset.done $0x0  }
0x116: {  	[sflag:s12] =	ssyncadd.s32 $0xFFFFE000  }
0x117: {  	_ =	swait.ge [sflag:s12], $0x2000  }
0x118: {  	[sflag:s12] =	ssyncset.done $0x0  }
0x119: {  	[sflag:s12] =	ssyncadd.s32 $0xFFFFE000  }
0x11a: {  	_ =	swait.ge [sflag:s12], $0x2000  }
0x11b: {  	[sflag:s12] =	ssyncset.done $0x0  }
0x11c: {  	[sflag:s12] =	ssyncadd.s32 $0xFFFFE000  }
0x11d: {  	v3 =	vld [tilespmem:$0x60];
	_ =	sdelay $0x4  }
0x11e: {  	v4 =	vshll.u32 v3, $0x3  }
0x11f: {  	v3 =	vand.u32 $0x7, v3;
	v4 =	vand.u32 $0xFFFFFFC0, v4  }
0x120: {  	v3 =	vor.u32 v3, v4  }
0x121: {  	v4 =	vperm.xlane v3, v0;
	_ =	sdelay $0x1  }
0x122: {  	v4 =	vadd.s32 v1, v4;
	_ =	sdelay $0x3  }
0x123: {  	s6 =	simm.s32 $0x100  }
0x124: {  	[tilespmem:s6], [sflag:$0x1] =	stream.indirect_vreg.gather [hbm4b:s1+s0], $0x80, v4, vm0, $0xb8;
	[tilespmem:$0x18100] =	vst v63  }
0x125: {  	s9 =	simm.s32 $0x900;
	v3 =	vperm.xlane v3, v2  }
0x126: {  	[tilespmem:s9], [sflag:$0x1] =	stream.indirect_vreg.gather [hbm4b:s5+s0], $0x80, v4, vm0, $0xb8;
	[tilespmem:$0x18100] =	vst v63  }
0x127: {  	s10 =	simm.s32 $0x1100;
	v3 =	vadd.s32 v1, v3  }
0x128: {  	[tilespmem:s10], [sflag:$0x1] =	stream.indirect_vreg.gather [hbm4b:s7+s0], $0x80, v4, vm0, $0xb8;
	[tilespmem:$0x18100] =	vst v63  }
0x129: {  	s11 =	simm.s32 $0x1900  }
0x12a: {  	[tilespmem:s11], [sflag:$0x1] =	stream.indirect_vreg.gather [hbm4b:s8+s0], $0x80, v4, vm0, $0xb8;
	[tilespmem:$0x18100] =	vst v63  }
0x12b: {  	s13 =	simm.s32 $0x2100  }
0x12c: {  	[tilespmem:s13], [sflag:$0x1] =	stream.indirect_vreg.gather [hbm4b:s1+s0], $0x80, v3, vm0, $0xb8;
	[tilespmem:$0x18100] =	vst v63  }
0x12d: {  	s17 =	simm.s32 $0x2900  }
0x12e: {  	[tilespmem:s17], [sflag:$0x1] =	stream.indirect_vreg.gather [hbm4b:s5+s0], $0x80, v3, vm0, $0xb8;
	[tilespmem:$0x18100] =	vst v63  }
0x12f: {  	s18 =	simm.s32 $0x3100  }
0x130: {  	[tilespmem:s18], [sflag:$0x1] =	stream.indirect_vreg.gather [hbm4b:s7+s0], $0x80, v3, vm0, $0xb8;
	[tilespmem:$0x18100] =	vst v63  }
0x131: {  	s19 =	simm.s32 $0x3900  }
0x132: {  	[tilespmem:s19], [sflag:$0x1] =	stream.indirect_vreg.gather [hbm4b:s8+s0], $0x80, v3, vm0, $0xb8;
	[tilespmem:$0x18100] =	vst v63  }
0x133: {  	v3 =	vld [tilespmem:$0x70];
	_ =	sdelay $0x4  }
0x134: {  	v4 =	vshll.u32 v3, $0x3  }
0x135: {  	v3 =	vand.u32 $0x7, v3;
	v4 =	vand.u32 $0xFFFFFFC0, v4  }
0x136: {  	v3 =	vor.u32 v3, v4  }
0x137: {  	v4 =	vperm.xlane v3, v0;
	_ =	sdelay $0x1  }
0x138: {  	v4 =	vadd.s32 v1, v4;
	_ =	sdelay $0x3  }
0x139: {  	s20 =	simm.s32 $0x4100  }
0x13a: {  	[tilespmem:s20], [sflag:$0x1] =	stream.indirect_vreg.gather [hbm4b:s1+s0], $0x80, v4, vm0, $0xb8;
	[tilespmem:$0x18100] =	vst v63  }
0x13b: {  	s21 =	simm.s32 $0x4900;
	v3 =	vperm.xlane v3, v2  }
0x13c: {  	[tilespmem:s21], [sflag:$0x1] =	stream.indirect_vreg.gather [hbm4b:s5+s0], $0x80, v4, vm0, $0xb8;
	[tilespmem:$0x18100] =	vst v63  }
0x13d: {  	s22 =	simm.s32 $0x5100;
	v3 =	vadd.s32 v1, v3  }
0x13e: {  	[tilespmem:s22], [sflag:$0x1] =	stream.indirect_vreg.gather [hbm4b:s7+s0], $0x80, v4, vm0, $0xb8;
	[tilespmem:$0x18100] =	vst v63  }
0x13f: {  	s23 =	simm.s32 $0x5900  }
0x140: {  	[tilespmem:s23], [sflag:$0x1] =	stream.indirect_vreg.gather [hbm4b:s8+s0], $0x80, v4, vm0, $0xb8;
	[tilespmem:$0x18100] =	vst v63  }
0x141: {  	s24 =	simm.s32 $0x6100  }
0x142: {  	[tilespmem:s24], [sflag:$0x1] =	stream.indirect_vreg.gather [hbm4b:s1+s0], $0x80, v3, vm0, $0xb8;
	[tilespmem:$0x18100] =	vst v63  }
0x143: {  	s25 =	simm.s32 $0x6900;
	s6 =	simm.s32 $0x0  }
0x144: {  	[tilespmem:s25], [sflag:$0x1] =	stream.indirect_vreg.gather [hbm4b:s5+s0], $0x80, v3, vm0, $0xb8;
	[tilespmem:$0x18100] =	vst v63  }
0x145: {  	s26 =	simm.s32 $0x7100;
	s2 =	sand.u32 $0x380, s6;
	s9 =	sand.u32 $0x1C00, s0  }
0x146: {  	[tilespmem:s26], [sflag:$0x1] =	stream.indirect_vreg.gather [hbm4b:s7+s0], $0x80, v3, vm0, $0xb8;
	[tilespmem:$0x18100] =	vst v63  }
0x147: {  	s30 =	simm.s32 $0x7900;
	s2 =	sor.u32 s9, s2  }
0x148: {  	[tilespmem:s30], [sflag:$0x1] =	stream.indirect_vreg.gather [hbm4b:s8+s0], $0x80, v3, vm0, $0xb8;
	[tilespmem:$0x18100] =	vst v63  }
0x149: {  	s10 =	sadd.s32 $0x10100, s2;
	s0 =	sand.u32 $0x60, s0  }
0x14a: {  	s6 =	sadd.s32 $0x16100, s2;
	s9 =	sor.u32 $0x10, s0;
	s17 =	sor.u32 s0, s10  }
0x14b: {  	s13 =	sadd.s32 $0x12100, s2;
	s11 =	sor.u32 s9, s6;
	v4 =	vld [tilespmem:s17+$0x0]  }
0x14c: {  	s2 =	sadd.s32 $0x14100, s2;
	s18 =	sor.u32 s0, s13;
	v3 =	vld [tilespmem:s11+$0x0]  }
0x14d: {  	s21 =	sor.u32 s0, s2;
	v5 =	vld [tilespmem:s18+$0x0]  }
0x14e: {  	s22 =	simm.s32 $0x100;
	v6 =	vld [tilespmem:s21+$0x0];
	s30 =	sor.u32 s9, s10  }
0x14f: {  	s24 =	sand.u32 $0x1C00, s22;
	s23 =	sor.u32 s0, s6;
	s10 =	simm.s32 $0x4;
	v8 =	vld [tilespmem:s30+$0x0]  }
0x150: {  	s19 =	sor.u32 s9, s13;
	v7 =	vld [tilespmem:s23+$0x0];
	s13 =	simm.s32 $0x20;
	s0 =	sand.u32 $0x380, s10;
	v4 =	vmul.f32 $3.200000000e+01, v4  }
0x151: {  	s20 =	sor.u32 s9, s2;
	v9 =	vld [tilespmem:s19+$0x0];
	s2 =	sand.u32 $0x60, s13;
	s6 =	sor.u32 s24, s0;
	v3 =	vmul.f32 $3.200000000e+01, v3  }
0x152: {  	v10 =	vld [tilespmem:s20+$0x0];
	s10 =	sor.u32 $0x10, s2;
	s25 =	sadd.s32 $0x16100, s6;
	v5 =	vmul.f32 $3.200000000e+01, v5;
	[tilespmem:s17+$0x0] =	vst v4  }
0x153: {  	s13 =	sadd.s32 $0x10100, s6;
	s24 =	sor.u32 s10, s25;
	v4 =	vmul.f32 $3.200000000e+01, v6;
	[tilespmem:s11+$0x0] =	vst v3  }
0x154: {  	s0 =	simm.s32 $0x2;
	s26 =	sor.u32 s2, s13;
	v8 =	vmul.f32 $3.200000000e+01, v8;
	s17 =	sadd.s32 $0x12100, s6;
	[tilespmem:s18+$0x0] =	vst v5;
	v3 =	vld [tilespmem:s24+$0x0]  }
0x155: {  	s28 =	sor.u32 s2, s25;
	v5 =	vmul.f32 $3.200000000e+01, v7;
	s18 =	sadd.s32 $0x14100, s6;
	s6 =	sor.u32 s2, s17;
	[tilespmem:s21+$0x0] =	vst v4;
	v4 =	vld [tilespmem:s26+$0x0]  }
0x156: {  	s31 =	sor.u32 s10, s13;
	s25 =	sor.u32 s10, s17;
	s2 =	sor.u32 s2, s18;
	v6 =	vld [tilespmem:s6+$0x0];
	[tilespmem:s30+$0x0] =	vst v8  }
0x157: {  	v7 =	vmul.f32 $3.200000000e+01, v9;
	s17 =	simm.s32 $0x20;
	s21 =	sor.u32 s10, s18;
	s10 =	simm.s32 $0x40;
	v8 =	vmul.f32 $3.200000000e+01, v10;
	[tilespmem:s23+$0x0] =	vst v5;
	v5 =	vld [tilespmem:s2+$0x0]  }
.LBB2_6:
0x158: {  	s9 =	sshrl.u32 s17, $0x2;
	s0 =	sadd.s32 $0x2, s0  }
0x159: {  	v9 =	vld [tilespmem:s28+$0x0];
	s22 =	sadd.s32 $0x100, s22;
	[tilespmem:s19+$0x0] =	vst v7;
	s19 =	smov.u32 s25;
	s13 =	sand.u32 $0x60, s10  }
0x15a: {  	s11 =	sand.u32 $0x1C00, s22;
	s9 =	sand.u32 $0x380, s9;
	p0 =	slt.u32 s0, $0x1FE;
	v7 =	vld [tilespmem:s31+$0x0];
	v3 =	vmul.f32 $3.200000000e+01, v3;
	[tilespmem:s20+$0x0] =	vst v8  }
0x15b: {  	s20 =	smov.u32 s21;
	s21 =	sor.u32 $0x10, s13;
	s9 =	sor.u32 s11, s9;
	v4 =	vmul.f32 $3.200000000e+01, v4;
	v8 =	vld [tilespmem:s19+$0x0]  }
0x15c: {  	s11 =	sadd.s32 $0x10100, s9;
	s18 =	sadd.s32 $0x16100, s9;
	v6 =	vmul.f32 $3.200000000e+01, v6;
	v10 =	vld [tilespmem:s20+$0x0];
	[tilespmem:s24+$0x0] =	vst v3;
	s23 =	sadd.s32 $0x12100, s9  }
.Ltmp2:
0x15d: {  	s9 =	sadd.s32 $0x14100, s9;
	s24 =	sor.u32 s21, s18;
	[tilespmem:s26+$0x0] =	vst v4;
	v5 =	vmul.f32 $3.200000000e+01, v5;
	(pc) =	sbr.rel @p0 .LBB2_6-.Ltmp2, $4  }
0x15e: {  	s26 =	sor.u32 s13, s11;
	s30 =	sor.u32 s13, s9;
	v3 =	vld [tilespmem:s24+$0x0];
	[tilespmem:s6+$0x0] =	vst v6;
	s6 =	sor.u32 s13, s23;
	v9 =	vmul.f32 $3.200000000e+01, v9  }
0x15f: {  	s11 =	sor.u32 s21, s11;
	s25 =	sor.u32 s21, s23;
	s13 =	sor.u32 s13, s18;
	v4 =	vld [tilespmem:s26+$0x0];
	[tilespmem:s2+$0x0] =	vst v5;
	v11 =	vmul.f32 $3.200000000e+01, v7  }
0x160: {  	s21 =	sor.u32 s21, s9;
	s2 =	smov.u32 s30;
	v6 =	vld [tilespmem:s6+$0x0];
	[tilespmem:s28+$0x0] =	vst v9;
	v7 =	vmul.f32 $3.200000000e+01, v8;
	s28 =	smov.u32 s13  }
0x161: {  	s10 =	sadd.s32 $0x20, s10;
	s17 =	sadd.s32 $0x10, s17;
	v5 =	vld [tilespmem:s2+$0x0];
	[tilespmem:s31+$0x0] =	vst v11;
	v8 =	vmul.f32 $3.200000000e+01, v10;
	s31 =	smov.u32 s11  }
0x162: {  	v9 =	vld [tilespmem:s28+$0x0]  }
0x163: {  	v10 =	vld [tilespmem:s31+$0x0];
	[tilespmem:s19+$0x0] =	vst v7;
	v3 =	vmul.f32 $3.200000000e+01, v3  }
0x164: {  	v7 =	vld [tilespmem:s25+$0x0];
	[tilespmem:s20+$0x0] =	vst v8;
	v4 =	vmul.f32 $3.200000000e+01, v4  }
0x165: {  	v8 =	vld [tilespmem:s21+$0x0];
	v6 =	vmul.f32 $3.200000000e+01, v6;
	[tilespmem:s24+$0x0] =	vst v3  }
0x166: {  	[tilespmem:s26+$0x0] =	vst v4;
	v3 =	vmul.f32 $3.200000000e+01, v5  }
0x167: {  	[tilespmem:s6+$0x0] =	vst v6;
	v4 =	vmul.f32 $3.200000000e+01, v9  }
0x168: {  	[tilespmem:s2+$0x0] =	vst v3;
	v3 =	vmul.f32 $3.200000000e+01, v10  }
0x169: {  	[tilespmem:s28+$0x0] =	vst v4;
	v4 =	vmul.f32 $3.200000000e+01, v7  }
0x16a: {  	[tilespmem:s31+$0x0] =	vst v3;
	v3 =	vmul.f32 $3.200000000e+01, v8  }
0x16b: {  	[tilespmem:s25+$0x0] =	vst v4  }
0x16c: {  	[tilespmem:s21+$0x0] =	vst v3  }
0x16d: {  	s0 =	simm.s32 $0x0;
	s21 =	simm.s32 $0x10100;
	s2 =	rddreg [dreg:$0xd]  }
0x16e: {  	[hbm4b:s2+s0] =	stream.linear.scatter [tilespmem:s21], [sflag:$0x6], $0x2000, $0x38;
	[tilespmem:$0x18100] =	vst v63  }
0x16f: {  	s23 =	simm.s32 $0x12100;
	s22 =	rddreg [dreg:$0xe]  }
0x170: {  	[hbm4b:s22+s0] =	stream.linear.scatter [tilespmem:s23], [sflag:$0x6], $0x2000, $0x38;
	[tilespmem:$0x18100] =	vst v63  }
0x171: {  	s25 =	simm.s32 $0x14100;
	s24 =	rddreg [dreg:$0xf]  }
0x172: {  	[hbm4b:s24+s0] =	stream.linear.scatter [tilespmem:s25], [sflag:$0x6], $0x2000, $0x38;
	[tilespmem:$0x18100] =	vst v63  }
0x173: {  	s30 =	simm.s32 $0x16100;
	s26 =	rddreg [dreg:$0x10]  }
0x174: {  	[hbm4b:s26+s0] =	stream.linear.scatter [tilespmem:s30], [sflag:$0x6], $0x2000, $0x38;
	[tilespmem:$0x18100] =	vst v63  }
0x175: {  	_ =	swait.ge [sflag:s4], $0x8000  }
0x176: {  	[sflag:s4] =	ssyncset.done $0x0  }
0x177: {  	[sflag:s4] =	ssyncadd.s32 $0xFFFF8000  }
0x178: {  	_ =	swait.ge [sflag:s14], $0x2000  }
0x179: {  	[sflag:s14] =	ssyncset.done $0x0  }
0x17a: {  	[sflag:s14] =	ssyncadd.s32 $0xFFFFE000  }
0x17b: {  	_ =	swait.ge [sflag:s14], $0x2000  }
0x17c: {  	[sflag:s14] =	ssyncset.done $0x0  }
0x17d: {  	[sflag:s14] =	ssyncadd.s32 $0xFFFFE000  }
0x17e: {  	_ =	swait.ge [sflag:s14], $0x2000  }
0x17f: {  	[sflag:s14] =	ssyncset.done $0x0  }
0x180: {  	[sflag:s14] =	ssyncadd.s32 $0xFFFFE000  }
0x181: {  	_ =	swait.ge [sflag:s14], $0x2000  }
0x182: {  	[sflag:s14] =	ssyncset.done $0x0  }
0x183: {  	[sflag:s14] =	ssyncadd.s32 $0xFFFFE000  }
0x184: {  	v3 =	vld [tilespmem:$0x80];
	_ =	sdelay $0x4  }
0x185: {  	v4 =	vshll.u32 v3, $0x3  }
0x186: {  	v3 =	vand.u32 $0x7, v3;
	v4 =	vand.u32 $0xFFFFFFC0, v4  }
0x187: {  	v3 =	vor.u32 v3, v4  }
0x188: {  	v4 =	vperm.xlane v3, v0;
	_ =	sdelay $0x1  }
0x189: {  	v4 =	vadd.s32 v1, v4;
	_ =	sdelay $0x3  }
0x18a: {  	s6 =	simm.s32 $0x8100  }
0x18b: {  	[tilespmem:s6], [sflag:$0x2] =	stream.indirect_vreg.gather [hbm4b:s1+s0], $0x80, v4, vm0, $0xb8;
	[tilespmem:$0x18100] =	vst v63  }
0x18c: {  	s9 =	simm.s32 $0x8900;
	v3 =	vperm.xlane v3, v2  }
0x18d: {  	[tilespmem:s9], [sflag:$0x2] =	stream.indirect_vreg.gather [hbm4b:s5+s0], $0x80, v4, vm0, $0xb8;
	[tilespmem:$0x18100] =	vst v63  }
0x18e: {  	s10 =	simm.s32 $0x9100;
	v3 =	vadd.s32 v1, v3  }
0x18f: {  	[tilespmem:s10], [sflag:$0x2] =	stream.indirect_vreg.gather [hbm4b:s7+s0], $0x80, v4, vm0, $0xb8;
	[tilespmem:$0x18100] =	vst v63  }
0x190: {  	s11 =	simm.s32 $0x9900  }
0x191: {  	[tilespmem:s11], [sflag:$0x2] =	stream.indirect_vreg.gather [hbm4b:s8+s0], $0x80, v4, vm0, $0xb8;
	[tilespmem:$0x18100] =	vst v63  }
0x192: {  	s13 =	simm.s32 $0xA100  }
0x193: {  	[tilespmem:s13], [sflag:$0x2] =	stream.indirect_vreg.gather [hbm4b:s1+s0], $0x80, v3, vm0, $0xb8;
	[tilespmem:$0x18100] =	vst v63  }
0x194: {  	s17 =	simm.s32 $0xA900  }
0x195: {  	[tilespmem:s17], [sflag:$0x2] =	stream.indirect_vreg.gather [hbm4b:s5+s0], $0x80, v3, vm0, $0xb8;
	[tilespmem:$0x18100] =	vst v63  }
0x196: {  	s18 =	simm.s32 $0xB100  }
0x197: {  	[tilespmem:s18], [sflag:$0x2] =	stream.indirect_vreg.gather [hbm4b:s7+s0], $0x80, v3, vm0, $0xb8;
	[tilespmem:$0x18100] =	vst v63  }
0x198: {  	s19 =	simm.s32 $0xB900  }
0x199: {  	[tilespmem:s19], [sflag:$0x2] =	stream.indirect_vreg.gather [hbm4b:s8+s0], $0x80, v3, vm0, $0xb8;
	[tilespmem:$0x18100] =	vst v63  }
0x19a: {  	v3 =	vld [tilespmem:$0x90];
	_ =	sdelay $0x4  }
0x19b: {  	v4 =	vshll.u32 v3, $0x3  }
0x19c: {  	v3 =	vand.u32 $0x7, v3;
	v4 =	vand.u32 $0xFFFFFFC0, v4  }
0x19d: {  	v3 =	vor.u32 v3, v4  }
0x19e: {  	v4 =	vperm.xlane v3, v0;
	_ =	sdelay $0x1  }
0x19f: {  	v4 =	vadd.s32 v1, v4;
	_ =	sdelay $0x3  }
0x1a0: {  	s20 =	simm.s32 $0xC100  }
0x1a1: {  	[tilespmem:s20], [sflag:$0x2] =	stream.indirect_vreg.gather [hbm4b:s1+s0], $0x80, v4, vm0, $0xb8;
	[tilespmem:$0x18100] =	vst v63  }
0x1a2: {  	s21 =	simm.s32 $0xC900;
	v3 =	vperm.xlane v3, v2  }
0x1a3: {  	[tilespmem:s21], [sflag:$0x2] =	stream.indirect_vreg.gather [hbm4b:s5+s0], $0x80, v4, vm0, $0xb8;
	[tilespmem:$0x18100] =	vst v63  }
0x1a4: {  	s22 =	simm.s32 $0xD100;
	v3 =	vadd.s32 v1, v3  }
0x1a5: {  	[tilespmem:s22], [sflag:$0x2] =	stream.indirect_vreg.gather [hbm4b:s7+s0], $0x80, v4, vm0, $0xb8;
	[tilespmem:$0x18100] =	vst v63  }
0x1a6: {  	s23 =	simm.s32 $0xD900  }
0x1a7: {  	[tilespmem:s23], [sflag:$0x2] =	stream.indirect_vreg.gather [hbm4b:s8+s0], $0x80, v4, vm0, $0xb8;
	[tilespmem:$0x18100] =	vst v63  }
0x1a8: {  	s24 =	simm.s32 $0xE100  }
0x1a9: {  	[tilespmem:s24], [sflag:$0x2] =	stream.indirect_vreg.gather [hbm4b:s1+s0], $0x80, v3, vm0, $0xb8;
	[tilespmem:$0x18100] =	vst v63  }
0x1aa: {  	s25 =	simm.s32 $0xE900;
	s6 =	simm.s32 $0x0  }
0x1ab: {  	[tilespmem:s25], [sflag:$0x2] =	stream.indirect_vreg.gather [hbm4b:s5+s0], $0x80, v3, vm0, $0xb8;
	[tilespmem:$0x18100] =	vst v63  }
0x1ac: {  	s26 =	simm.s32 $0xF100;
	s2 =	sand.u32 $0x380, s6;
	s9 =	sand.u32 $0x1C00, s0  }
0x1ad: {  	[tilespmem:s26], [sflag:$0x2] =	stream.indirect_vreg.gather [hbm4b:s7+s0], $0x80, v3, vm0, $0xb8;
	[tilespmem:$0x18100] =	vst v63  }
0x1ae: {  	s30 =	simm.s32 $0xF900;
	s2 =	sor.u32 s9, s2  }
0x1af: {  	[tilespmem:s30], [sflag:$0x2] =	stream.indirect_vreg.gather [hbm4b:s8+s0], $0x80, v3, vm0, $0xb8;
	[tilespmem:$0x18100] =	vst v63  }
0x1b0: {  	s10 =	sadd.s32 $0x100, s2;
	s0 =	sand.u32 $0x60, s0  }
0x1b1: {  	s6 =	sadd.s32 $0x6100, s2;
	s9 =	sor.u32 $0x10, s0;
	s17 =	sor.u32 s0, s10  }
0x1b2: {  	s13 =	sadd.s32 $0x2100, s2;
	s11 =	sor.u32 s9, s6;
	v4 =	vld [tilespmem:s17+$0x0]  }
0x1b3: {  	s2 =	sadd.s32 $0x4100, s2;
	s18 =	sor.u32 s0, s13;
	v3 =	vld [tilespmem:s11+$0x0]  }
0x1b4: {  	s21 =	sor.u32 s0, s2;
	v5 =	vld [tilespmem:s18+$0x0]  }
0x1b5: {  	s22 =	simm.s32 $0x100;
	v6 =	vld [tilespmem:s21+$0x0];
	s30 =	sor.u32 s9, s10  }
0x1b6: {  	s24 =	sand.u32 $0x1C00, s22;
	s23 =	sor.u32 s0, s6;
	s10 =	simm.s32 $0x4;
	v8 =	vld [tilespmem:s30+$0x0]  }
0x1b7: {  	s19 =	sor.u32 s9, s13;
	v7 =	vld [tilespmem:s23+$0x0];
	s13 =	simm.s32 $0x20;
	s0 =	sand.u32 $0x380, s10;
	v4 =	vmul.f32 $3.200000000e+01, v4  }
0x1b8: {  	s20 =	sor.u32 s9, s2;
	v9 =	vld [tilespmem:s19+$0x0];
	s2 =	sand.u32 $0x60, s13;
	s6 =	sor.u32 s24, s0;
	v3 =	vmul.f32 $3.200000000e+01, v3  }
0x1b9: {  	v10 =	vld [tilespmem:s20+$0x0];
	s10 =	sor.u32 $0x10, s2;
	s25 =	sadd.s32 $0x6100, s6;
	v5 =	vmul.f32 $3.200000000e+01, v5;
	[tilespmem:s17+$0x0] =	vst v4  }
0x1ba: {  	s13 =	sadd.s32 $0x100, s6;
	s24 =	sor.u32 s10, s25;
	v4 =	vmul.f32 $3.200000000e+01, v6;
	[tilespmem:s11+$0x0] =	vst v3  }
0x1bb: {  	s0 =	simm.s32 $0x2;
	s26 =	sor.u32 s2, s13;
	v8 =	vmul.f32 $3.200000000e+01, v8;
	s17 =	sadd.s32 $0x2100, s6;
	[tilespmem:s18+$0x0] =	vst v5;
	v3 =	vld [tilespmem:s24+$0x0]  }
0x1bc: {  	s28 =	sor.u32 s2, s25;
	v5 =	vmul.f32 $3.200000000e+01, v7;
	s18 =	sadd.s32 $0x4100, s6;
	s6 =	sor.u32 s2, s17;
	[tilespmem:s21+$0x0] =	vst v4;
	v4 =	vld [tilespmem:s26+$0x0]  }
0x1bd: {  	s31 =	sor.u32 s10, s13;
	s25 =	sor.u32 s10, s17;
	s2 =	sor.u32 s2, s18;
	v6 =	vld [tilespmem:s6+$0x0];
	[tilespmem:s30+$0x0] =	vst v8  }
0x1be: {  	v7 =	vmul.f32 $3.200000000e+01, v9;
	s17 =	simm.s32 $0x20;
	s21 =	sor.u32 s10, s18;
	s10 =	simm.s32 $0x40;
	v8 =	vmul.f32 $3.200000000e+01, v10;
	[tilespmem:s23+$0x0] =	vst v5;
	v5 =	vld [tilespmem:s2+$0x0]  }
.LBB2_8:
0x1bf: {  	s9 =	sshrl.u32 s17, $0x2;
	s0 =	sadd.s32 $0x2, s0  }
0x1c0: {  	v9 =	vld [tilespmem:s28+$0x0];
	s22 =	sadd.s32 $0x100, s22;
	[tilespmem:s19+$0x0] =	vst v7;
	s19 =	smov.u32 s25;
	s13 =	sand.u32 $0x60, s10  }
0x1c1: {  	s11 =	sand.u32 $0x1C00, s22;
	s9 =	sand.u32 $0x380, s9;
	p0 =	slt.u32 s0, $0x1FE;
	v7 =	vld [tilespmem:s31+$0x0];
	v3 =	vmul.f32 $3.200000000e+01, v3;
	[tilespmem:s20+$0x0] =	vst v8  }
0x1c2: {  	s20 =	smov.u32 s21;
	s21 =	sor.u32 $0x10, s13;
	s9 =	sor.u32 s11, s9;
	v4 =	vmul.f32 $3.200000000e+01, v4;
	v8 =	vld [tilespmem:s19+$0x0]  }
0x1c3: {  	s11 =	sadd.s32 $0x100, s9;
	s18 =	sadd.s32 $0x6100, s9;
	v6 =	vmul.f32 $3.200000000e+01, v6;
	v10 =	vld [tilespmem:s20+$0x0];
	[tilespmem:s24+$0x0] =	vst v3;
	s23 =	sadd.s32 $0x2100, s9  }
.Ltmp3:
0x1c4: {  	s9 =	sadd.s32 $0x4100, s9;
	s24 =	sor.u32 s21, s18;
	[tilespmem:s26+$0x0] =	vst v4;
	v5 =	vmul.f32 $3.200000000e+01, v5;
	(pc) =	sbr.rel @p0 .LBB2_8-.Ltmp3, $4  }
0x1c5: {  	s26 =	sor.u32 s13, s11;
	s30 =	sor.u32 s13, s9;
	v3 =	vld [tilespmem:s24+$0x0];
	[tilespmem:s6+$0x0] =	vst v6;
	s6 =	sor.u32 s13, s23;
	v9 =	vmul.f32 $3.200000000e+01, v9  }
0x1c6: {  	s11 =	sor.u32 s21, s11;
	s25 =	sor.u32 s21, s23;
	s13 =	sor.u32 s13, s18;
	v4 =	vld [tilespmem:s26+$0x0];
	[tilespmem:s2+$0x0] =	vst v5;
	v11 =	vmul.f32 $3.200000000e+01, v7  }
0x1c7: {  	s21 =	sor.u32 s21, s9;
	s2 =	smov.u32 s30;
	v6 =	vld [tilespmem:s6+$0x0];
	[tilespmem:s28+$0x0] =	vst v9;
	v7 =	vmul.f32 $3.200000000e+01, v8;
	s28 =	smov.u32 s13  }
0x1c8: {  	s10 =	sadd.s32 $0x20, s10;
	s17 =	sadd.s32 $0x10, s17;
	v5 =	vld [tilespmem:s2+$0x0];
	[tilespmem:s31+$0x0] =	vst v11;
	v8 =	vmul.f32 $3.200000000e+01, v10;
	s31 =	smov.u32 s11  }
0x1c9: {  	v9 =	vld [tilespmem:s28+$0x0]  }
0x1ca: {  	v10 =	vld [tilespmem:s31+$0x0];
	[tilespmem:s19+$0x0] =	vst v7;
	v3 =	vmul.f32 $3.200000000e+01, v3  }
0x1cb: {  	v7 =	vld [tilespmem:s25+$0x0];
	[tilespmem:s20+$0x0] =	vst v8;
	v4 =	vmul.f32 $3.200000000e+01, v4  }
0x1cc: {  	v8 =	vld [tilespmem:s21+$0x0];
	v6 =	vmul.f32 $3.200000000e+01, v6;
	[tilespmem:s24+$0x0] =	vst v3  }
0x1cd: {  	[tilespmem:s26+$0x0] =	vst v4;
	v3 =	vmul.f32 $3.200000000e+01, v5  }
0x1ce: {  	[tilespmem:s6+$0x0] =	vst v6;
	v4 =	vmul.f32 $3.200000000e+01, v9  }
0x1cf: {  	[tilespmem:s2+$0x0] =	vst v3;
	v3 =	vmul.f32 $3.200000000e+01, v10  }
0x1d0: {  	[tilespmem:s28+$0x0] =	vst v4;
	v4 =	vmul.f32 $3.200000000e+01, v7  }
0x1d1: {  	[tilespmem:s31+$0x0] =	vst v3;
	v3 =	vmul.f32 $3.200000000e+01, v8  }
0x1d2: {  	[tilespmem:s25+$0x0] =	vst v4  }
0x1d3: {  	[tilespmem:s21+$0x0] =	vst v3  }
0x1d4: {  	s0 =	simm.s32 $0x0;
	s21 =	simm.s32 $0x100;
	s2 =	rddreg [dreg:$0x11]  }
0x1d5: {  	[hbm4b:s2+s0] =	stream.linear.scatter [tilespmem:s21], [sflag:$0x4], $0x2000, $0x38;
	[tilespmem:$0x18100] =	vst v63  }
0x1d6: {  	s23 =	simm.s32 $0x2100;
	s22 =	rddreg [dreg:$0x12]  }
0x1d7: {  	[hbm4b:s22+s0] =	stream.linear.scatter [tilespmem:s23], [sflag:$0x4], $0x2000, $0x38;
	[tilespmem:$0x18100] =	vst v63  }
0x1d8: {  	s25 =	simm.s32 $0x4100;
	s24 =	rddreg [dreg:$0x13]  }
0x1d9: {  	[hbm4b:s24+s0] =	stream.linear.scatter [tilespmem:s25], [sflag:$0x4], $0x2000, $0x38;
	[tilespmem:$0x18100] =	vst v63  }
0x1da: {  	s30 =	simm.s32 $0x6100;
	s26 =	rddreg [dreg:$0x14]  }
0x1db: {  	[hbm4b:s26+s0] =	stream.linear.scatter [tilespmem:s30], [sflag:$0x4], $0x2000, $0x38;
	[tilespmem:$0x18100] =	vst v63  }
0x1dc: {  	_ =	swait.ge [sflag:s29], $0x8000  }
0x1dd: {  	[sflag:s29] =	ssyncset.done $0x0  }
0x1de: {  	[sflag:s29] =	ssyncadd.s32 $0xFFFF8000  }
0x1df: {  	_ =	swait.ge [sflag:s15], $0x2000  }
0x1e0: {  	[sflag:s15] =	ssyncset.done $0x0  }
0x1e1: {  	[sflag:s15] =	ssyncadd.s32 $0xFFFFE000  }
0x1e2: {  	_ =	swait.ge [sflag:s15], $0x2000  }
0x1e3: {  	[sflag:s15] =	ssyncset.done $0x0  }
0x1e4: {  	[sflag:s15] =	ssyncadd.s32 $0xFFFFE000  }
0x1e5: {  	_ =	swait.ge [sflag:s15], $0x2000  }
0x1e6: {  	[sflag:s15] =	ssyncset.done $0x0  }
0x1e7: {  	[sflag:s15] =	ssyncadd.s32 $0xFFFFE000  }
0x1e8: {  	_ =	swait.ge [sflag:s15], $0x2000  }
0x1e9: {  	[sflag:s15] =	ssyncset.done $0x0  }
0x1ea: {  	[sflag:s15] =	ssyncadd.s32 $0xFFFFE000  }
0x1eb: {  	v3 =	vld [tilespmem:$0xA0];
	_ =	sdelay $0x4  }
0x1ec: {  	v4 =	vshll.u32 v3, $0x3  }
0x1ed: {  	v3 =	vand.u32 $0x7, v3;
	v4 =	vand.u32 $0xFFFFFFC0, v4  }
0x1ee: {  	v3 =	vor.u32 v3, v4  }
0x1ef: {  	v4 =	vperm.xlane v3, v0;
	_ =	sdelay $0x1  }
0x1f0: {  	v4 =	vadd.s32 v1, v4;
	_ =	sdelay $0x3  }
0x1f1: {  	s6 =	simm.s32 $0x10100  }
0x1f2: {  	[tilespmem:s6], [sflag:$0x3] =	stream.indirect_vreg.gather [hbm4b:s1+s0], $0x80, v4, vm0, $0xb8;
	[tilespmem:$0x18100] =	vst v63  }
0x1f3: {  	s9 =	simm.s32 $0x10900;
	v3 =	vperm.xlane v3, v2  }
0x1f4: {  	[tilespmem:s9], [sflag:$0x3] =	stream.indirect_vreg.gather [hbm4b:s5+s0], $0x80, v4, vm0, $0xb8;
	[tilespmem:$0x18100] =	vst v63  }
0x1f5: {  	s10 =	simm.s32 $0x11100;
	v3 =	vadd.s32 v1, v3  }
0x1f6: {  	[tilespmem:s10], [sflag:$0x3] =	stream.indirect_vreg.gather [hbm4b:s7+s0], $0x80, v4, vm0, $0xb8;
	[tilespmem:$0x18100] =	vst v63  }
0x1f7: {  	s11 =	simm.s32 $0x11900  }
0x1f8: {  	[tilespmem:s11], [sflag:$0x3] =	stream.indirect_vreg.gather [hbm4b:s8+s0], $0x80, v4, vm0, $0xb8;
	[tilespmem:$0x18100] =	vst v63  }
0x1f9: {  	s13 =	simm.s32 $0x12100  }
0x1fa: {  	[tilespmem:s13], [sflag:$0x3] =	stream.indirect_vreg.gather [hbm4b:s1+s0], $0x80, v3, vm0, $0xb8;
	[tilespmem:$0x18100] =	vst v63  }
0x1fb: {  	s17 =	simm.s32 $0x12900  }
0x1fc: {  	[tilespmem:s17], [sflag:$0x3] =	stream.indirect_vreg.gather [hbm4b:s5+s0], $0x80, v3, vm0, $0xb8;
	[tilespmem:$0x18100] =	vst v63  }
0x1fd: {  	s18 =	simm.s32 $0x13100  }
0x1fe: {  	[tilespmem:s18], [sflag:$0x3] =	stream.indirect_vreg.gather [hbm4b:s7+s0], $0x80, v3, vm0, $0xb8;
	[tilespmem:$0x18100] =	vst v63  }
0x1ff: {  	s19 =	simm.s32 $0x13900  }
0x200: {  	[tilespmem:s19], [sflag:$0x3] =	stream.indirect_vreg.gather [hbm4b:s8+s0], $0x80, v3, vm0, $0xb8;
	[tilespmem:$0x18100] =	vst v63  }
0x201: {  	v3 =	vld [tilespmem:$0xB0];
	_ =	sdelay $0x4  }
0x202: {  	v4 =	vshll.u32 v3, $0x3  }
0x203: {  	v3 =	vand.u32 $0x7, v3;
	v4 =	vand.u32 $0xFFFFFFC0, v4  }
0x204: {  	v3 =	vor.u32 v3, v4  }
0x205: {  	v4 =	vperm.xlane v3, v0;
	_ =	sdelay $0x1  }
0x206: {  	v4 =	vadd.s32 v1, v4;
	_ =	sdelay $0x3  }
0x207: {  	s20 =	simm.s32 $0x14100  }
0x208: {  	[tilespmem:s20], [sflag:$0x3] =	stream.indirect_vreg.gather [hbm4b:s1+s0], $0x80, v4, vm0, $0xb8;
	[tilespmem:$0x18100] =	vst v63  }
0x209: {  	s21 =	simm.s32 $0x14900;
	v3 =	vperm.xlane v3, v2  }
0x20a: {  	[tilespmem:s21], [sflag:$0x3] =	stream.indirect_vreg.gather [hbm4b:s5+s0], $0x80, v4, vm0, $0xb8;
	[tilespmem:$0x18100] =	vst v63  }
0x20b: {  	s22 =	simm.s32 $0x15100;
	v3 =	vadd.s32 v1, v3  }
0x20c: {  	[tilespmem:s22], [sflag:$0x3] =	stream.indirect_vreg.gather [hbm4b:s7+s0], $0x80, v4, vm0, $0xb8;
	[tilespmem:$0x18100] =	vst v63  }
0x20d: {  	s23 =	simm.s32 $0x15900  }
0x20e: {  	[tilespmem:s23], [sflag:$0x3] =	stream.indirect_vreg.gather [hbm4b:s8+s0], $0x80, v4, vm0, $0xb8;
	[tilespmem:$0x18100] =	vst v63  }
0x20f: {  	s24 =	simm.s32 $0x16100  }
0x210: {  	[tilespmem:s24], [sflag:$0x3] =	stream.indirect_vreg.gather [hbm4b:s1+s0], $0x80, v3, vm0, $0xb8;
	[tilespmem:$0x18100] =	vst v63  }
0x211: {  	s25 =	simm.s32 $0x16900;
	s6 =	simm.s32 $0x0  }
0x212: {  	[tilespmem:s25], [sflag:$0x3] =	stream.indirect_vreg.gather [hbm4b:s5+s0], $0x80, v3, vm0, $0xb8;
	[tilespmem:$0x18100] =	vst v63  }
0x213: {  	s26 =	simm.s32 $0x17100;
	s2 =	sand.u32 $0x380, s6;
	s9 =	sand.u32 $0x1C00, s0  }
0x214: {  	[tilespmem:s26], [sflag:$0x3] =	stream.indirect_vreg.gather [hbm4b:s7+s0], $0x80, v3, vm0, $0xb8;
	[tilespmem:$0x18100] =	vst v63  }
0x215: {  	s30 =	simm.s32 $0x17900;
	s2 =	sor.u32 s9, s2  }
0x216: {  	[tilespmem:s30], [sflag:$0x3] =	stream.indirect_vreg.gather [hbm4b:s8+s0], $0x80, v3, vm0, $0xb8;
	[tilespmem:$0x18100] =	vst v63  }
0x217: {  	s10 =	sadd.s32 $0x8100, s2;
	s0 =	sand.u32 $0x60, s0  }
0x218: {  	s6 =	sadd.s32 $0xE100, s2;
	s9 =	sor.u32 $0x10, s0;
	s17 =	sor.u32 s0, s10  }
0x219: {  	s13 =	sadd.s32 $0xA100, s2;
	s11 =	sor.u32 s9, s6;
	v4 =	vld [tilespmem:s17+$0x0]  }
0x21a: {  	s2 =	sadd.s32 $0xC100, s2;
	s18 =	sor.u32 s0, s13;
	v3 =	vld [tilespmem:s11+$0x0]  }
0x21b: {  	s21 =	sor.u32 s0, s2;
	v5 =	vld [tilespmem:s18+$0x0]  }
0x21c: {  	s22 =	simm.s32 $0x100;
	v6 =	vld [tilespmem:s21+$0x0];
	s30 =	sor.u32 s9, s10  }
0x21d: {  	s24 =	sand.u32 $0x1C00, s22;
	s23 =	sor.u32 s0, s6;
	s10 =	simm.s32 $0x4;
	v8 =	vld [tilespmem:s30+$0x0]  }
0x21e: {  	s19 =	sor.u32 s9, s13;
	v7 =	vld [tilespmem:s23+$0x0];
	s13 =	simm.s32 $0x20;
	s0 =	sand.u32 $0x380, s10;
	v4 =	vmul.f32 $3.200000000e+01, v4  }
0x21f: {  	s20 =	sor.u32 s9, s2;
	v9 =	vld [tilespmem:s19+$0x0];
	s2 =	sand.u32 $0x60, s13;
	s6 =	sor.u32 s24, s0;
	v3 =	vmul.f32 $3.200000000e+01, v3  }
0x220: {  	v10 =	vld [tilespmem:s20+$0x0];
	s10 =	sor.u32 $0x10, s2;
	s25 =	sadd.s32 $0xE100, s6;
	v5 =	vmul.f32 $3.200000000e+01, v5;
	[tilespmem:s17+$0x0] =	vst v4  }
0x221: {  	s13 =	sadd.s32 $0x8100, s6;
	s24 =	sor.u32 s10, s25;
	v4 =	vmul.f32 $3.200000000e+01, v6;
	[tilespmem:s11+$0x0] =	vst v3  }
0x222: {  	s0 =	simm.s32 $0x2;
	s26 =	sor.u32 s2, s13;
	v8 =	vmul.f32 $3.200000000e+01, v8;
	s17 =	sadd.s32 $0xA100, s6;
	[tilespmem:s18+$0x0] =	vst v5;
	v3 =	vld [tilespmem:s24+$0x0]  }
0x223: {  	s28 =	sor.u32 s2, s25;
	v5 =	vmul.f32 $3.200000000e+01, v7;
	s18 =	sadd.s32 $0xC100, s6;
	s6 =	sor.u32 s2, s17;
	[tilespmem:s21+$0x0] =	vst v4;
	v4 =	vld [tilespmem:s26+$0x0]  }
0x224: {  	s31 =	sor.u32 s10, s13;
	s25 =	sor.u32 s10, s17;
	s2 =	sor.u32 s2, s18;
	v6 =	vld [tilespmem:s6+$0x0];
	[tilespmem:s30+$0x0] =	vst v8  }
0x225: {  	v7 =	vmul.f32 $3.200000000e+01, v9;
	s17 =	simm.s32 $0x20;
	s21 =	sor.u32 s10, s18;
	s10 =	simm.s32 $0x40;
	v8 =	vmul.f32 $3.200000000e+01, v10;
	[tilespmem:s23+$0x0] =	vst v5;
	v5 =	vld [tilespmem:s2+$0x0]  }
.LBB2_10:
0x226: {  	s9 =	sshrl.u32 s17, $0x2;
	s0 =	sadd.s32 $0x2, s0  }
0x227: {  	v9 =	vld [tilespmem:s28+$0x0];
	s22 =	sadd.s32 $0x100, s22;
	[tilespmem:s19+$0x0] =	vst v7;
	s19 =	smov.u32 s25;
	s13 =	sand.u32 $0x60, s10  }
0x228: {  	s11 =	sand.u32 $0x1C00, s22;
	s9 =	sand.u32 $0x380, s9;
	p0 =	slt.u32 s0, $0x1FE;
	v7 =	vld [tilespmem:s31+$0x0];
	v3 =	vmul.f32 $3.200000000e+01, v3;
	[tilespmem:s20+$0x0] =	vst v8  }
0x229: {  	s20 =	smov.u32 s21;
	s21 =	sor.u32 $0x10, s13;
	s9 =	sor.u32 s11, s9;
	v4 =	vmul.f32 $3.200000000e+01, v4;
	v8 =	vld [tilespmem:s19+$0x0]  }
0x22a: {  	s11 =	sadd.s32 $0x8100, s9;
	s18 =	sadd.s32 $0xE100, s9;
	v6 =	vmul.f32 $3.200000000e+01, v6;
	v10 =	vld [tilespmem:s20+$0x0];
	[tilespmem:s24+$0x0] =	vst v3;
	s23 =	sadd.s32 $0xA100, s9  }
.Ltmp4:
0x22b: {  	s9 =	sadd.s32 $0xC100, s9;
	s24 =	sor.u32 s21, s18;
	[tilespmem:s26+$0x0] =	vst v4;
	v5 =	vmul.f32 $3.200000000e+01, v5;
	(pc) =	sbr.rel @p0 .LBB2_10-.Ltmp4, $4  }
0x22c: {  	s26 =	sor.u32 s13, s11;
	s30 =	sor.u32 s13, s9;
	v3 =	vld [tilespmem:s24+$0x0];
	[tilespmem:s6+$0x0] =	vst v6;
	s6 =	sor.u32 s13, s23;
	v9 =	vmul.f32 $3.200000000e+01, v9  }
0x22d: {  	s11 =	sor.u32 s21, s11;
	s25 =	sor.u32 s21, s23;
	s13 =	sor.u32 s13, s18;
	v4 =	vld [tilespmem:s26+$0x0];
	[tilespmem:s2+$0x0] =	vst v5;
	v11 =	vmul.f32 $3.200000000e+01, v7  }
0x22e: {  	s21 =	sor.u32 s21, s9;
	s2 =	smov.u32 s30;
	v6 =	vld [tilespmem:s6+$0x0];
	[tilespmem:s28+$0x0] =	vst v9;
	v7 =	vmul.f32 $3.200000000e+01, v8;
	s28 =	smov.u32 s13  }
0x22f: {  	s10 =	sadd.s32 $0x20, s10;
	s17 =	sadd.s32 $0x10, s17;
	v5 =	vld [tilespmem:s2+$0x0];
	[tilespmem:s31+$0x0] =	vst v11;
	v8 =	vmul.f32 $3.200000000e+01, v10;
	s31 =	smov.u32 s11  }
0x230: {  	v9 =	vld [tilespmem:s28+$0x0]  }
0x231: {  	v10 =	vld [tilespmem:s31+$0x0];
	[tilespmem:s19+$0x0] =	vst v7;
	v3 =	vmul.f32 $3.200000000e+01, v3  }
0x232: {  	v7 =	vld [tilespmem:s25+$0x0];
	[tilespmem:s20+$0x0] =	vst v8;
	v4 =	vmul.f32 $3.200000000e+01, v4  }
0x233: {  	v8 =	vld [tilespmem:s21+$0x0];
	v6 =	vmul.f32 $3.200000000e+01, v6;
	[tilespmem:s24+$0x0] =	vst v3  }
0x234: {  	[tilespmem:s26+$0x0] =	vst v4;
	v3 =	vmul.f32 $3.200000000e+01, v5  }
0x235: {  	[tilespmem:s6+$0x0] =	vst v6;
	v4 =	vmul.f32 $3.200000000e+01, v9  }
0x236: {  	[tilespmem:s2+$0x0] =	vst v3;
	v3 =	vmul.f32 $3.200000000e+01, v10  }
0x237: {  	[tilespmem:s28+$0x0] =	vst v4;
	v4 =	vmul.f32 $3.200000000e+01, v7  }
0x238: {  	[tilespmem:s31+$0x0] =	vst v3;
	v3 =	vmul.f32 $3.200000000e+01, v8  }
0x239: {  	[tilespmem:s25+$0x0] =	vst v4  }
0x23a: {  	[tilespmem:s21+$0x0] =	vst v3  }
0x23b: {  	s0 =	simm.s32 $0x0;
	s20 =	simm.s32 $0x8100;
	s2 =	rddreg [dreg:$0x15]  }
0x23c: {  	[hbm4b:s2+s0] =	stream.linear.scatter [tilespmem:s20], [sflag:$0x5], $0x2000, $0x38;
	[tilespmem:$0x18100] =	vst v63  }
0x23d: {  	s22 =	simm.s32 $0xA100;
	s21 =	rddreg [dreg:$0x17]  }
0x23e: {  	[hbm4b:s21+s0] =	stream.linear.scatter [tilespmem:s22], [sflag:$0x5], $0x2000, $0x38;
	[tilespmem:$0x18100] =	vst v63  }
0x23f: {  	s24 =	simm.s32 $0xC100;
	s23 =	rddreg [dreg:$0x18]  }
0x240: {  	[hbm4b:s23+s0] =	stream.linear.scatter [tilespmem:s24], [sflag:$0x5], $0x2000, $0x38;
	[tilespmem:$0x18100] =	vst v63  }
0x241: {  	s30 =	simm.s32 $0x3;
	s26 =	simm.s32 $0xE100;
	s25 =	rddreg [dreg:$0x19]  }
0x242: {  	[hbm4b:s25+s0] =	stream.linear.scatter [tilespmem:s26], [sflag:$0x5], $0x2000, $0x38;
	[tilespmem:$0x18100] =	vst v63  }
0x243: {  	_ =	swait.ge [sflag:s30], $0x8000  }
0x244: {  	[sflag:s30] =	ssyncset.done $0x0  }
0x245: {  	[sflag:s30] =	ssyncadd.s32 $0xFFFF8000  }
0x246: {  	_ =	swait.ge [sflag:s12], $0x2000  }
0x247: {  	[sflag:s12] =	ssyncset.done $0x0  }
0x248: {  	[sflag:s12] =	ssyncadd.s32 $0xFFFFE000  }
0x249: {  	_ =	swait.ge [sflag:s12], $0x2000  }
0x24a: {  	[sflag:s12] =	ssyncset.done $0x0  }
0x24b: {  	[sflag:s12] =	ssyncadd.s32 $0xFFFFE000  }
0x24c: {  	_ =	swait.ge [sflag:s12], $0x2000  }
0x24d: {  	[sflag:s12] =	ssyncset.done $0x0  }
0x24e: {  	[sflag:s12] =	ssyncadd.s32 $0xFFFFE000  }
0x24f: {  	_ =	swait.ge [sflag:s12], $0x2000  }
0x250: {  	[sflag:s12] =	ssyncset.done $0x0  }
0x251: {  	[sflag:s12] =	ssyncadd.s32 $0xFFFFE000  }
0x252: {  	v3 =	vld [tilespmem:$0xC0];
	_ =	sdelay $0x4  }
0x253: {  	v4 =	vshll.u32 v3, $0x3  }
0x254: {  	v3 =	vand.u32 $0x7, v3;
	v4 =	vand.u32 $0xFFFFFFC0, v4  }
0x255: {  	v3 =	vor.u32 v3, v4  }
0x256: {  	v4 =	vperm.xlane v3, v0;
	_ =	sdelay $0x1  }
0x257: {  	v4 =	vadd.s32 v1, v4;
	_ =	sdelay $0x3  }
0x258: {  	s6 =	simm.s32 $0x100  }
0x259: {  	[tilespmem:s6], [sflag:$0x1] =	stream.indirect_vreg.gather [hbm4b:s1+s0], $0x80, v4, vm0, $0xb8;
	[tilespmem:$0x18100] =	vst v63  }
0x25a: {  	s9 =	simm.s32 $0x900;
	v3 =	vperm.xlane v3, v2  }
0x25b: {  	[tilespmem:s9], [sflag:$0x1] =	stream.indirect_vreg.gather [hbm4b:s5+s0], $0x80, v4, vm0, $0xb8;
	[tilespmem:$0x18100] =	vst v63  }
0x25c: {  	s10 =	simm.s32 $0x1100;
	v3 =	vadd.s32 v1, v3  }
0x25d: {  	[tilespmem:s10], [sflag:$0x1] =	stream.indirect_vreg.gather [hbm4b:s7+s0], $0x80, v4, vm0, $0xb8;
	[tilespmem:$0x18100] =	vst v63  }
0x25e: {  	s11 =	simm.s32 $0x1900  }
0x25f: {  	[tilespmem:s11], [sflag:$0x1] =	stream.indirect_vreg.gather [hbm4b:s8+s0], $0x80, v4, vm0, $0xb8;
	[tilespmem:$0x18100] =	vst v63  }
0x260: {  	s13 =	simm.s32 $0x2100  }
0x261: {  	[tilespmem:s13], [sflag:$0x1] =	stream.indirect_vreg.gather [hbm4b:s1+s0], $0x80, v3, vm0, $0xb8;
	[tilespmem:$0x18100] =	vst v63  }
0x262: {  	s17 =	simm.s32 $0x2900  }
0x263: {  	[tilespmem:s17], [sflag:$0x1] =	stream.indirect_vreg.gather [hbm4b:s5+s0], $0x80, v3, vm0, $0xb8;
	[tilespmem:$0x18100] =	vst v63  }
0x264: {  	s18 =	simm.s32 $0x3100  }
0x265: {  	[tilespmem:s18], [sflag:$0x1] =	stream.indirect_vreg.gather [hbm4b:s7+s0], $0x80, v3, vm0, $0xb8;
	[tilespmem:$0x18100] =	vst v63  }
0x266: {  	s19 =	simm.s32 $0x3900  }
0x267: {  	[tilespmem:s19], [sflag:$0x1] =	stream.indirect_vreg.gather [hbm4b:s8+s0], $0x80, v3, vm0, $0xb8;
	[tilespmem:$0x18100] =	vst v63  }
0x268: {  	v3 =	vld [tilespmem:$0xD0];
	_ =	sdelay $0x4  }
0x269: {  	v4 =	vshll.u32 v3, $0x3  }
0x26a: {  	v3 =	vand.u32 $0x7, v3;
	v4 =	vand.u32 $0xFFFFFFC0, v4  }
0x26b: {  	v3 =	vor.u32 v3, v4  }
0x26c: {  	v4 =	vperm.xlane v3, v0;
	_ =	sdelay $0x1  }
0x26d: {  	v4 =	vadd.s32 v1, v4;
	_ =	sdelay $0x3  }
0x26e: {  	s20 =	simm.s32 $0x4100  }
0x26f: {  	[tilespmem:s20], [sflag:$0x1] =	stream.indirect_vreg.gather [hbm4b:s1+s0], $0x80, v4, vm0, $0xb8;
	[tilespmem:$0x18100] =	vst v63  }
0x270: {  	s21 =	simm.s32 $0x4900;
	v3 =	vperm.xlane v3, v2  }
0x271: {  	[tilespmem:s21], [sflag:$0x1] =	stream.indirect_vreg.gather [hbm4b:s5+s0], $0x80, v4, vm0, $0xb8;
	[tilespmem:$0x18100] =	vst v63  }
0x272: {  	s22 =	simm.s32 $0x5100;
	v3 =	vadd.s32 v1, v3  }
0x273: {  	[tilespmem:s22], [sflag:$0x1] =	stream.indirect_vreg.gather [hbm4b:s7+s0], $0x80, v4, vm0, $0xb8;
	[tilespmem:$0x18100] =	vst v63  }
0x274: {  	s23 =	simm.s32 $0x5900  }
0x275: {  	[tilespmem:s23], [sflag:$0x1] =	stream.indirect_vreg.gather [hbm4b:s8+s0], $0x80, v4, vm0, $0xb8;
	[tilespmem:$0x18100] =	vst v63  }
0x276: {  	s24 =	simm.s32 $0x6100  }
0x277: {  	[tilespmem:s24], [sflag:$0x1] =	stream.indirect_vreg.gather [hbm4b:s1+s0], $0x80, v3, vm0, $0xb8;
	[tilespmem:$0x18100] =	vst v63  }
0x278: {  	s25 =	simm.s32 $0x6900;
	s6 =	simm.s32 $0x0  }
0x279: {  	[tilespmem:s25], [sflag:$0x1] =	stream.indirect_vreg.gather [hbm4b:s5+s0], $0x80, v3, vm0, $0xb8;
	[tilespmem:$0x18100] =	vst v63  }
0x27a: {  	s26 =	simm.s32 $0x7100;
	s2 =	sand.u32 $0x380, s6;
	s9 =	sand.u32 $0x1C00, s0  }
0x27b: {  	[tilespmem:s26], [sflag:$0x1] =	stream.indirect_vreg.gather [hbm4b:s7+s0], $0x80, v3, vm0, $0xb8;
	[tilespmem:$0x18100] =	vst v63  }
0x27c: {  	s30 =	simm.s32 $0x7900;
	s2 =	sor.u32 s9, s2  }
0x27d: {  	[tilespmem:s30], [sflag:$0x1] =	stream.indirect_vreg.gather [hbm4b:s8+s0], $0x80, v3, vm0, $0xb8;
	[tilespmem:$0x18100] =	vst v63  }
0x27e: {  	s10 =	sadd.s32 $0x10100, s2;
	s0 =	sand.u32 $0x60, s0  }
0x27f: {  	s6 =	sadd.s32 $0x16100, s2;
	s9 =	sor.u32 $0x10, s0;
	s17 =	sor.u32 s0, s10  }
0x280: {  	s13 =	sadd.s32 $0x12100, s2;
	s11 =	sor.u32 s9, s6;
	v4 =	vld [tilespmem:s17+$0x0]  }
0x281: {  	s2 =	sadd.s32 $0x14100, s2;
	s18 =	sor.u32 s0, s13;
	v3 =	vld [tilespmem:s11+$0x0]  }
0x282: {  	s21 =	sor.u32 s0, s2;
	v5 =	vld [tilespmem:s18+$0x0]  }
0x283: {  	s22 =	simm.s32 $0x100;
	v6 =	vld [tilespmem:s21+$0x0];
	s30 =	sor.u32 s9, s10  }
0x284: {  	s24 =	sand.u32 $0x1C00, s22;
	s23 =	sor.u32 s0, s6;
	s10 =	simm.s32 $0x4;
	v8 =	vld [tilespmem:s30+$0x0]  }
0x285: {  	s19 =	sor.u32 s9, s13;
	v7 =	vld [tilespmem:s23+$0x0];
	s13 =	simm.s32 $0x20;
	s0 =	sand.u32 $0x380, s10;
	v4 =	vmul.f32 $3.200000000e+01, v4  }
0x286: {  	s20 =	sor.u32 s9, s2;
	v9 =	vld [tilespmem:s19+$0x0];
	s2 =	sand.u32 $0x60, s13;
	s6 =	sor.u32 s24, s0;
	v3 =	vmul.f32 $3.200000000e+01, v3  }
0x287: {  	v10 =	vld [tilespmem:s20+$0x0];
	s10 =	sor.u32 $0x10, s2;
	s25 =	sadd.s32 $0x16100, s6;
	v5 =	vmul.f32 $3.200000000e+01, v5;
	[tilespmem:s17+$0x0] =	vst v4  }
0x288: {  	s13 =	sadd.s32 $0x10100, s6;
	s24 =	sor.u32 s10, s25;
	v4 =	vmul.f32 $3.200000000e+01, v6;
	[tilespmem:s11+$0x0] =	vst v3  }
0x289: {  	s0 =	simm.s32 $0x2;
	s26 =	sor.u32 s2, s13;
	v8 =	vmul.f32 $3.200000000e+01, v8;
	s17 =	sadd.s32 $0x12100, s6;
	[tilespmem:s18+$0x0] =	vst v5;
	v3 =	vld [tilespmem:s24+$0x0]  }
0x28a: {  	s28 =	sor.u32 s2, s25;
	v5 =	vmul.f32 $3.200000000e+01, v7;
	s18 =	sadd.s32 $0x14100, s6;
	s6 =	sor.u32 s2, s17;
	[tilespmem:s21+$0x0] =	vst v4;
	v4 =	vld [tilespmem:s26+$0x0]  }
0x28b: {  	s31 =	sor.u32 s10, s13;
	s25 =	sor.u32 s10, s17;
	s2 =	sor.u32 s2, s18;
	v6 =	vld [tilespmem:s6+$0x0];
	[tilespmem:s30+$0x0] =	vst v8  }
0x28c: {  	v7 =	vmul.f32 $3.200000000e+01, v9;
	s17 =	simm.s32 $0x20;
	s21 =	sor.u32 s10, s18;
	s10 =	simm.s32 $0x40;
	v8 =	vmul.f32 $3.200000000e+01, v10;
	[tilespmem:s23+$0x0] =	vst v5;
	v5 =	vld [tilespmem:s2+$0x0]  }
.LBB2_12:
0x28d: {  	s9 =	sshrl.u32 s17, $0x2;
	s0 =	sadd.s32 $0x2, s0  }
0x28e: {  	v9 =	vld [tilespmem:s28+$0x0];
	s22 =	sadd.s32 $0x100, s22;
	[tilespmem:s19+$0x0] =	vst v7;
	s19 =	smov.u32 s25;
	s13 =	sand.u32 $0x60, s10  }
0x28f: {  	s11 =	sand.u32 $0x1C00, s22;
	s9 =	sand.u32 $0x380, s9;
	p0 =	slt.u32 s0, $0x1FE;
	v7 =	vld [tilespmem:s31+$0x0];
	v3 =	vmul.f32 $3.200000000e+01, v3;
	[tilespmem:s20+$0x0] =	vst v8  }
0x290: {  	s20 =	smov.u32 s21;
	s21 =	sor.u32 $0x10, s13;
	s9 =	sor.u32 s11, s9;
	v4 =	vmul.f32 $3.200000000e+01, v4;
	v8 =	vld [tilespmem:s19+$0x0]  }
0x291: {  	s11 =	sadd.s32 $0x10100, s9;
	s18 =	sadd.s32 $0x16100, s9;
	v6 =	vmul.f32 $3.200000000e+01, v6;
	v10 =	vld [tilespmem:s20+$0x0];
	[tilespmem:s24+$0x0] =	vst v3;
	s23 =	sadd.s32 $0x12100, s9  }
.Ltmp5:
0x292: {  	s9 =	sadd.s32 $0x14100, s9;
	s24 =	sor.u32 s21, s18;
	[tilespmem:s26+$0x0] =	vst v4;
	v5 =	vmul.f32 $3.200000000e+01, v5;
	(pc) =	sbr.rel @p0 .LBB2_12-.Ltmp5, $4  }
0x293: {  	s26 =	sor.u32 s13, s11;
	s30 =	sor.u32 s13, s9;
	v3 =	vld [tilespmem:s24+$0x0];
	[tilespmem:s6+$0x0] =	vst v6;
	s6 =	sor.u32 s13, s23;
	v9 =	vmul.f32 $3.200000000e+01, v9  }
0x294: {  	s11 =	sor.u32 s21, s11;
	s25 =	sor.u32 s21, s23;
	s13 =	sor.u32 s13, s18;
	v4 =	vld [tilespmem:s26+$0x0];
	[tilespmem:s2+$0x0] =	vst v5;
	v11 =	vmul.f32 $3.200000000e+01, v7  }
0x295: {  	s21 =	sor.u32 s21, s9;
	s2 =	smov.u32 s30;
	v6 =	vld [tilespmem:s6+$0x0];
	[tilespmem:s28+$0x0] =	vst v9;
	v7 =	vmul.f32 $3.200000000e+01, v8;
	s28 =	smov.u32 s13  }
0x296: {  	s10 =	sadd.s32 $0x20, s10;
	s17 =	sadd.s32 $0x10, s17;
	v5 =	vld [tilespmem:s2+$0x0];
	[tilespmem:s31+$0x0] =	vst v11;
	v8 =	vmul.f32 $3.200000000e+01, v10;
	s31 =	smov.u32 s11  }
0x297: {  	v9 =	vld [tilespmem:s28+$0x0]  }
0x298: {  	v10 =	vld [tilespmem:s31+$0x0];
	[tilespmem:s19+$0x0] =	vst v7;
	v3 =	vmul.f32 $3.200000000e+01, v3  }
0x299: {  	v7 =	vld [tilespmem:s25+$0x0];
	[tilespmem:s20+$0x0] =	vst v8;
	v4 =	vmul.f32 $3.200000000e+01, v4  }
0x29a: {  	v8 =	vld [tilespmem:s21+$0x0];
	v6 =	vmul.f32 $3.200000000e+01, v6;
	[tilespmem:s24+$0x0] =	vst v3  }
0x29b: {  	[tilespmem:s26+$0x0] =	vst v4;
	v3 =	vmul.f32 $3.200000000e+01, v5  }
0x29c: {  	[tilespmem:s6+$0x0] =	vst v6;
	v4 =	vmul.f32 $3.200000000e+01, v9  }
0x29d: {  	[tilespmem:s2+$0x0] =	vst v3;
	v3 =	vmul.f32 $3.200000000e+01, v10  }
0x29e: {  	[tilespmem:s28+$0x0] =	vst v4;
	v4 =	vmul.f32 $3.200000000e+01, v7  }
0x29f: {  	[tilespmem:s31+$0x0] =	vst v3;
	v3 =	vmul.f32 $3.200000000e+01, v8  }
0x2a0: {  	[tilespmem:s25+$0x0] =	vst v4  }
0x2a1: {  	[tilespmem:s21+$0x0] =	vst v3  }
0x2a2: {  	s0 =	simm.s32 $0x0;
	s21 =	simm.s32 $0x10100;
	s2 =	rddreg [dreg:$0x1a]  }
0x2a3: {  	[hbm4b:s2+s0] =	stream.linear.scatter [tilespmem:s21], [sflag:$0x6], $0x2000, $0x38;
	[tilespmem:$0x18100] =	vst v63  }
0x2a4: {  	s23 =	simm.s32 $0x12100;
	s22 =	rddreg [dreg:$0x1b]  }
0x2a5: {  	[hbm4b:s22+s0] =	stream.linear.scatter [tilespmem:s23], [sflag:$0x6], $0x2000, $0x38;
	[tilespmem:$0x18100] =	vst v63  }
0x2a6: {  	s25 =	simm.s32 $0x14100;
	s24 =	rddreg [dreg:$0x1c]  }
0x2a7: {  	[hbm4b:s24+s0] =	stream.linear.scatter [tilespmem:s25], [sflag:$0x6], $0x2000, $0x38;
	[tilespmem:$0x18100] =	vst v63  }
0x2a8: {  	s30 =	simm.s32 $0x16100;
	s26 =	rddreg [dreg:$0x1d]  }
0x2a9: {  	[hbm4b:s26+s0] =	stream.linear.scatter [tilespmem:s30], [sflag:$0x6], $0x2000, $0x38;
	[tilespmem:$0x18100] =	vst v63  }
0x2aa: {  	_ =	swait.ge [sflag:s4], $0x8000  }
0x2ab: {  	[sflag:s4] =	ssyncset.done $0x0  }
0x2ac: {  	[sflag:s4] =	ssyncadd.s32 $0xFFFF8000  }
0x2ad: {  	_ =	swait.ge [sflag:s14], $0x2000  }
0x2ae: {  	[sflag:s14] =	ssyncset.done $0x0  }
0x2af: {  	[sflag:s14] =	ssyncadd.s32 $0xFFFFE000  }
0x2b0: {  	_ =	swait.ge [sflag:s14], $0x2000  }
0x2b1: {  	[sflag:s14] =	ssyncset.done $0x0  }
0x2b2: {  	[sflag:s14] =	ssyncadd.s32 $0xFFFFE000  }
0x2b3: {  	_ =	swait.ge [sflag:s14], $0x2000  }
0x2b4: {  	[sflag:s14] =	ssyncset.done $0x0  }
0x2b5: {  	[sflag:s14] =	ssyncadd.s32 $0xFFFFE000  }
0x2b6: {  	_ =	swait.ge [sflag:s14], $0x2000  }
0x2b7: {  	[sflag:s14] =	ssyncset.done $0x0  }
0x2b8: {  	[sflag:s14] =	ssyncadd.s32 $0xFFFFE000  }
0x2b9: {  	v3 =	vld [tilespmem:$0xE0];
	_ =	sdelay $0x4  }
0x2ba: {  	v4 =	vshll.u32 v3, $0x3  }
0x2bb: {  	v3 =	vand.u32 $0x7, v3;
	v4 =	vand.u32 $0xFFFFFFC0, v4  }
0x2bc: {  	v3 =	vor.u32 v3, v4  }
0x2bd: {  	v4 =	vperm.xlane v3, v0;
	_ =	sdelay $0x1  }
0x2be: {  	v4 =	vadd.s32 v1, v4;
	_ =	sdelay $0x3  }
0x2bf: {  	s6 =	simm.s32 $0x8100  }
0x2c0: {  	[tilespmem:s6], [sflag:$0x2] =	stream.indirect_vreg.gather [hbm4b:s1+s0], $0x80, v4, vm0, $0xb8;
	[tilespmem:$0x18100] =	vst v63  }
0x2c1: {  	s9 =	simm.s32 $0x8900;
	v3 =	vperm.xlane v3, v2  }
0x2c2: {  	[tilespmem:s9], [sflag:$0x2] =	stream.indirect_vreg.gather [hbm4b:s5+s0], $0x80, v4, vm0, $0xb8;
	[tilespmem:$0x18100] =	vst v63  }
0x2c3: {  	s10 =	simm.s32 $0x9100;
	v3 =	vadd.s32 v1, v3  }
0x2c4: {  	[tilespmem:s10], [sflag:$0x2] =	stream.indirect_vreg.gather [hbm4b:s7+s0], $0x80, v4, vm0, $0xb8;
	[tilespmem:$0x18100] =	vst v63  }
0x2c5: {  	s11 =	simm.s32 $0x9900  }
0x2c6: {  	[tilespmem:s11], [sflag:$0x2] =	stream.indirect_vreg.gather [hbm4b:s8+s0], $0x80, v4, vm0, $0xb8;
	[tilespmem:$0x18100] =	vst v63  }
0x2c7: {  	s13 =	simm.s32 $0xA100  }
0x2c8: {  	[tilespmem:s13], [sflag:$0x2] =	stream.indirect_vreg.gather [hbm4b:s1+s0], $0x80, v3, vm0, $0xb8;
	[tilespmem:$0x18100] =	vst v63  }
0x2c9: {  	s17 =	simm.s32 $0xA900  }
0x2ca: {  	[tilespmem:s17], [sflag:$0x2] =	stream.indirect_vreg.gather [hbm4b:s5+s0], $0x80, v3, vm0, $0xb8;
	[tilespmem:$0x18100] =	vst v63  }
0x2cb: {  	s18 =	simm.s32 $0xB100  }
0x2cc: {  	[tilespmem:s18], [sflag:$0x2] =	stream.indirect_vreg.gather [hbm4b:s7+s0], $0x80, v3, vm0, $0xb8;
	[tilespmem:$0x18100] =	vst v63  }
0x2cd: {  	s19 =	simm.s32 $0xB900  }
0x2ce: {  	[tilespmem:s19], [sflag:$0x2] =	stream.indirect_vreg.gather [hbm4b:s8+s0], $0x80, v3, vm0, $0xb8;
	[tilespmem:$0x18100] =	vst v63  }
0x2cf: {  	v3 =	vld [tilespmem:$0xF0];
	_ =	sdelay $0x4  }
0x2d0: {  	v4 =	vshll.u32 v3, $0x3  }
0x2d1: {  	v3 =	vand.u32 $0x7, v3;
	v4 =	vand.u32 $0xFFFFFFC0, v4  }
0x2d2: {  	v3 =	vor.u32 v3, v4  }
0x2d3: {  	v4 =	vperm.xlane v3, v0;
	_ =	sdelay $0x1  }
0x2d4: {  	v4 =	vadd.s32 v1, v4;
	_ =	sdelay $0x3  }
0x2d5: {  	s20 =	simm.s32 $0xC100  }
0x2d6: {  	[tilespmem:s20], [sflag:$0x2] =	stream.indirect_vreg.gather [hbm4b:s1+s0], $0x80, v4, vm0, $0xb8;
	[tilespmem:$0x18100] =	vst v63  }
0x2d7: {  	s21 =	simm.s32 $0xC900;
	v3 =	vperm.xlane v3, v2  }
0x2d8: {  	[tilespmem:s21], [sflag:$0x2] =	stream.indirect_vreg.gather [hbm4b:s5+s0], $0x80, v4, vm0, $0xb8;
	[tilespmem:$0x18100] =	vst v63  }
0x2d9: {  	s22 =	simm.s32 $0xD100;
	v3 =	vadd.s32 v1, v3  }
0x2da: {  	[tilespmem:s22], [sflag:$0x2] =	stream.indirect_vreg.gather [hbm4b:s7+s0], $0x80, v4, vm0, $0xb8;
	[tilespmem:$0x18100] =	vst v63  }
0x2db: {  	s23 =	simm.s32 $0xD900  }
0x2dc: {  	[tilespmem:s23], [sflag:$0x2] =	stream.indirect_vreg.gather [hbm4b:s8+s0], $0x80, v4, vm0, $0xb8;
	[tilespmem:$0x18100] =	vst v63  }
0x2dd: {  	s24 =	simm.s32 $0xE100  }
0x2de: {  	[tilespmem:s24], [sflag:$0x2] =	stream.indirect_vreg.gather [hbm4b:s1+s0], $0x80, v3, vm0, $0xb8;
	[tilespmem:$0x18100] =	vst v63  }
0x2df: {  	s25 =	simm.s32 $0xE900;
	s6 =	simm.s32 $0x0  }
0x2e0: {  	[tilespmem:s25], [sflag:$0x2] =	stream.indirect_vreg.gather [hbm4b:s5+s0], $0x80, v3, vm0, $0xb8;
	[tilespmem:$0x18100] =	vst v63  }
0x2e1: {  	s26 =	simm.s32 $0xF100;
	s2 =	sand.u32 $0x380, s6;
	s9 =	sand.u32 $0x1C00, s0  }
0x2e2: {  	[tilespmem:s26], [sflag:$0x2] =	stream.indirect_vreg.gather [hbm4b:s7+s0], $0x80, v3, vm0, $0xb8;
	[tilespmem:$0x18100] =	vst v63  }
0x2e3: {  	s30 =	simm.s32 $0xF900;
	s2 =	sor.u32 s9, s2  }
0x2e4: {  	[tilespmem:s30], [sflag:$0x2] =	stream.indirect_vreg.gather [hbm4b:s8+s0], $0x80, v3, vm0, $0xb8;
	[tilespmem:$0x18100] =	vst v63  }
0x2e5: {  	s10 =	sadd.s32 $0x100, s2;
	s0 =	sand.u32 $0x60, s0  }
0x2e6: {  	s6 =	sadd.s32 $0x6100, s2;
	s9 =	sor.u32 $0x10, s0;
	s17 =	sor.u32 s0, s10  }
0x2e7: {  	s13 =	sadd.s32 $0x2100, s2;
	s11 =	sor.u32 s9, s6;
	v4 =	vld [tilespmem:s17+$0x0]  }
0x2e8: {  	s2 =	sadd.s32 $0x4100, s2;
	s18 =	sor.u32 s0, s13;
	v3 =	vld [tilespmem:s11+$0x0]  }
0x2e9: {  	s21 =	sor.u32 s0, s2;
	v5 =	vld [tilespmem:s18+$0x0]  }
0x2ea: {  	s22 =	simm.s32 $0x100;
	v6 =	vld [tilespmem:s21+$0x0];
	s30 =	sor.u32 s9, s10  }
0x2eb: {  	s24 =	sand.u32 $0x1C00, s22;
	s23 =	sor.u32 s0, s6;
	s10 =	simm.s32 $0x4;
	v8 =	vld [tilespmem:s30+$0x0]  }
0x2ec: {  	s19 =	sor.u32 s9, s13;
	v7 =	vld [tilespmem:s23+$0x0];
	s13 =	simm.s32 $0x20;
	s0 =	sand.u32 $0x380, s10;
	v4 =	vmul.f32 $3.200000000e+01, v4  }
0x2ed: {  	s20 =	sor.u32 s9, s2;
	v9 =	vld [tilespmem:s19+$0x0];
	s2 =	sand.u32 $0x60, s13;
	s6 =	sor.u32 s24, s0;
	v3 =	vmul.f32 $3.200000000e+01, v3  }
0x2ee: {  	v10 =	vld [tilespmem:s20+$0x0];
	s10 =	sor.u32 $0x10, s2;
	s25 =	sadd.s32 $0x6100, s6;
	v5 =	vmul.f32 $3.200000000e+01, v5;
	[tilespmem:s17+$0x0] =	vst v4  }
0x2ef: {  	s13 =	sadd.s32 $0x100, s6;
	s24 =	sor.u32 s10, s25;
	v4 =	vmul.f32 $3.200000000e+01, v6;
	[tilespmem:s11+$0x0] =	vst v3  }
0x2f0: {  	s0 =	simm.s32 $0x2;
	s26 =	sor.u32 s2, s13;
	v8 =	vmul.f32 $3.200000000e+01, v8;
	s17 =	sadd.s32 $0x2100, s6;
	[tilespmem:s18+$0x0] =	vst v5;
	v3 =	vld [tilespmem:s24+$0x0]  }
0x2f1: {  	s28 =	sor.u32 s2, s25;
	v5 =	vmul.f32 $3.200000000e+01, v7;
	s18 =	sadd.s32 $0x4100, s6;
	s6 =	sor.u32 s2, s17;
	[tilespmem:s21+$0x0] =	vst v4;
	v4 =	vld [tilespmem:s26+$0x0]  }
0x2f2: {  	s31 =	sor.u32 s10, s13;
	s25 =	sor.u32 s10, s17;
	s2 =	sor.u32 s2, s18;
	v6 =	vld [tilespmem:s6+$0x0];
	[tilespmem:s30+$0x0] =	vst v8  }
0x2f3: {  	v7 =	vmul.f32 $3.200000000e+01, v9;
	s17 =	simm.s32 $0x20;
	s21 =	sor.u32 s10, s18;
	s10 =	simm.s32 $0x40;
	v8 =	vmul.f32 $3.200000000e+01, v10;
	[tilespmem:s23+$0x0] =	vst v5;
	v5 =	vld [tilespmem:s2+$0x0]  }
.LBB2_14:
0x2f4: {  	s9 =	sshrl.u32 s17, $0x2;
	s0 =	sadd.s32 $0x2, s0  }
0x2f5: {  	v9 =	vld [tilespmem:s28+$0x0];
	s22 =	sadd.s32 $0x100, s22;
	[tilespmem:s19+$0x0] =	vst v7;
	s19 =	smov.u32 s25;
	s13 =	sand.u32 $0x60, s10  }
0x2f6: {  	s11 =	sand.u32 $0x1C00, s22;
	s9 =	sand.u32 $0x380, s9;
	p0 =	slt.u32 s0, $0x1FE;
	v7 =	vld [tilespmem:s31+$0x0];
	v3 =	vmul.f32 $3.200000000e+01, v3;
	[tilespmem:s20+$0x0] =	vst v8  }
0x2f7: {  	s20 =	smov.u32 s21;
	s21 =	sor.u32 $0x10, s13;
	s9 =	sor.u32 s11, s9;
	v4 =	vmul.f32 $3.200000000e+01, v4;
	v8 =	vld [tilespmem:s19+$0x0]  }
0x2f8: {  	s11 =	sadd.s32 $0x100, s9;
	s18 =	sadd.s32 $0x6100, s9;
	v6 =	vmul.f32 $3.200000000e+01, v6;
	v10 =	vld [tilespmem:s20+$0x0];
	[tilespmem:s24+$0x0] =	vst v3;
	s23 =	sadd.s32 $0x2100, s9  }
.Ltmp6:
0x2f9: {  	s9 =	sadd.s32 $0x4100, s9;
	s24 =	sor.u32 s21, s18;
	[tilespmem:s26+$0x0] =	vst v4;
	v5 =	vmul.f32 $3.200000000e+01, v5;
	(pc) =	sbr.rel @p0 .LBB2_14-.Ltmp6, $4  }
0x2fa: {  	s26 =	sor.u32 s13, s11;
	s30 =	sor.u32 s13, s9;
	v3 =	vld [tilespmem:s24+$0x0];
	[tilespmem:s6+$0x0] =	vst v6;
	s6 =	sor.u32 s13, s23;
	v9 =	vmul.f32 $3.200000000e+01, v9  }
0x2fb: {  	s11 =	sor.u32 s21, s11;
	s25 =	sor.u32 s21, s23;
	s13 =	sor.u32 s13, s18;
	v4 =	vld [tilespmem:s26+$0x0];
	[tilespmem:s2+$0x0] =	vst v5;
	v11 =	vmul.f32 $3.200000000e+01, v7  }
0x2fc: {  	s21 =	sor.u32 s21, s9;
	s2 =	smov.u32 s30;
	v6 =	vld [tilespmem:s6+$0x0];
	[tilespmem:s28+$0x0] =	vst v9;
	v7 =	vmul.f32 $3.200000000e+01, v8;
	s28 =	smov.u32 s13  }
0x2fd: {  	s10 =	sadd.s32 $0x20, s10;
	s17 =	sadd.s32 $0x10, s17;
	v5 =	vld [tilespmem:s2+$0x0];
	[tilespmem:s31+$0x0] =	vst v11;
	v8 =	vmul.f32 $3.200000000e+01, v10;
	s31 =	smov.u32 s11  }
0x2fe: {  	v9 =	vld [tilespmem:s28+$0x0]  }
0x2ff: {  	v10 =	vld [tilespmem:s31+$0x0];
	[tilespmem:s19+$0x0] =	vst v7;
	v3 =	vmul.f32 $3.200000000e+01, v3  }
0x300: {  	v7 =	vld [tilespmem:s25+$0x0];
	[tilespmem:s20+$0x0] =	vst v8;
	v4 =	vmul.f32 $3.200000000e+01, v4  }
0x301: {  	v8 =	vld [tilespmem:s21+$0x0];
	v6 =	vmul.f32 $3.200000000e+01, v6;
	[tilespmem:s24+$0x0] =	vst v3  }
0x302: {  	[tilespmem:s26+$0x0] =	vst v4;
	v3 =	vmul.f32 $3.200000000e+01, v5  }
0x303: {  	[tilespmem:s6+$0x0] =	vst v6;
	v4 =	vmul.f32 $3.200000000e+01, v9  }
0x304: {  	[tilespmem:s2+$0x0] =	vst v3;
	v3 =	vmul.f32 $3.200000000e+01, v10  }
0x305: {  	[tilespmem:s28+$0x0] =	vst v4;
	v4 =	vmul.f32 $3.200000000e+01, v7  }
0x306: {  	[tilespmem:s31+$0x0] =	vst v3;
	v3 =	vmul.f32 $3.200000000e+01, v8  }
0x307: {  	[tilespmem:s25+$0x0] =	vst v4  }
0x308: {  	[tilespmem:s21+$0x0] =	vst v3  }
0x309: {  	s2 =	rddreg [dreg:$0x1e]  }
0x30a: {  	s0 =	simm.s32 $0x0;
	s21 =	simm.s32 $0x100;
	s22 =	rddreg [dreg:$0x1f]  }
0x30b: {  	[hbm4b:s2+s0] =	stream.linear.scatter [tilespmem:s21], [sflag:$0x4], $0x2000, $0x38;
	[tilespmem:$0x18100] =	vst v63  }
0x30c: {  	s23 =	simm.s32 $0x2100;
	s24 =	sld [smem:$0x7F8]  }
0x30d: {  	[hbm4b:s22+s0] =	stream.linear.scatter [tilespmem:s23], [sflag:$0x4], $0x2000, $0x38;
	[tilespmem:$0x18100] =	vst v63  }
0x30e: {  	s25 =	simm.s32 $0x4100;
	s26 =	sld [smem:$0x7F9]  }
0x30f: {  	[hbm4b:s24+s0] =	stream.linear.scatter [tilespmem:s25], [sflag:$0x4], $0x2000, $0x38;
	[tilespmem:$0x18100] =	vst v63  }
0x310: {  	s30 =	simm.s32 $0x6100  }
0x311: {  	[hbm4b:s26+s0] =	stream.linear.scatter [tilespmem:s30], [sflag:$0x4], $0x2000, $0x38;
	[tilespmem:$0x18100] =	vst v63  }
0x312: {  	_ =	swait.ge [sflag:s29], $0x8000  }
0x313: {  	[sflag:s29] =	ssyncset.done $0x0  }
0x314: {  	[sflag:s29] =	ssyncadd.s32 $0xFFFF8000  }
0x315: {  	_ =	swait.ge [sflag:s15], $0x2000  }
0x316: {  	[sflag:s15] =	ssyncset.done $0x0  }
0x317: {  	[sflag:s15] =	ssyncadd.s32 $0xFFFFE000  }
0x318: {  	_ =	swait.ge [sflag:s15], $0x2000  }
0x319: {  	[sflag:s15] =	ssyncset.done $0x0  }
0x31a: {  	[sflag:s15] =	ssyncadd.s32 $0xFFFFE000  }
0x31b: {  	_ =	swait.ge [sflag:s15], $0x2000  }
0x31c: {  	s6 =	simm.s32 $0x0;
	[sflag:s15] =	ssyncset.done $0x0  }
0x31d: {  	s9 =	sand.u32 $0x1C00, s0;
	s2 =	sand.u32 $0x380, s6;
	[sflag:s15] =	ssyncadd.s32 $0xFFFFE000  }
0x31e: {  	s2 =	sor.u32 s9, s2;
	s0 =	sand.u32 $0x60, s0;
	_ =	swait.ge [sflag:s15], $0x2000  }
0x31f: {  	s6 =	sadd.s32 $0xE100, s2;
	s9 =	sor.u32 $0x10, s0;
	[sflag:s15] =	ssyncset.done $0x0  }
0x320: {  	s10 =	sadd.s32 $0x8100, s2;
	s11 =	sor.u32 s9, s6;
	[sflag:s15] =	ssyncadd.s32 $0xFFFFE000  }
0x321: {  	s13 =	sadd.s32 $0xA100, s2;
	s17 =	sor.u32 s0, s10;
	v3 =	vld [tilespmem:s11+$0x0]  }
0x322: {  	s2 =	sadd.s32 $0xC100, s2;
	s18 =	sor.u32 s0, s13;
	v4 =	vld [tilespmem:s17+$0x0]  }
0x323: {  	s21 =	sor.u32 s0, s2;
	v5 =	vld [tilespmem:s18+$0x0]  }
0x324: {  	s22 =	simm.s32 $0x100;
	s30 =	sor.u32 s9, s10;
	v6 =	vld [tilespmem:s21+$0x0]  }
0x325: {  	s24 =	sand.u32 $0x1C00, s22;
	s23 =	sor.u32 s0, s6;
	s10 =	simm.s32 $0x4;
	v8 =	vld [tilespmem:s30+$0x0]  }
0x326: {  	s19 =	sor.u32 s9, s13;
	s13 =	simm.s32 $0x20;
	s0 =	sand.u32 $0x380, s10;
	v7 =	vld [tilespmem:s23+$0x0];
	v3 =	vmul.f32 $3.200000000e+01, v3  }
0x327: {  	s20 =	sor.u32 s9, s2;
	s2 =	sand.u32 $0x60, s13;
	s6 =	sor.u32 s24, s0;
	v9 =	vld [tilespmem:s19+$0x0];
	v4 =	vmul.f32 $3.200000000e+01, v4  }
0x328: {  	s10 =	sor.u32 $0x10, s2;
	s25 =	sadd.s32 $0xE100, s6;
	v10 =	vld [tilespmem:s20+$0x0];
	v5 =	vmul.f32 $3.200000000e+01, v5;
	[tilespmem:s11+$0x0] =	vst v3  }
0x329: {  	s13 =	sadd.s32 $0x8100, s6;
	s24 =	sor.u32 s10, s25;
	[tilespmem:s17+$0x0] =	vst v4;
	v4 =	vmul.f32 $3.200000000e+01, v6  }
0x32a: {  	s0 =	simm.s32 $0x2;
	s26 =	sor.u32 s2, s13;
	v8 =	vmul.f32 $3.200000000e+01, v8;
	s17 =	sadd.s32 $0xA100, s6;
	v3 =	vld [tilespmem:s24+$0x0];
	[tilespmem:s18+$0x0] =	vst v5  }
0x32b: {  	s28 =	sor.u32 s2, s25;
	v5 =	vmul.f32 $3.200000000e+01, v7;
	s18 =	sadd.s32 $0xC100, s6;
	s6 =	sor.u32 s2, s17;
	[tilespmem:s21+$0x0] =	vst v4;
	v4 =	vld [tilespmem:s26+$0x0]  }
0x32c: {  	s31 =	sor.u32 s10, s13;
	s25 =	sor.u32 s10, s17;
	[tilespmem:s30+$0x0] =	vst v8;
	s2 =	sor.u32 s2, s18;
	v6 =	vld [tilespmem:s6+$0x0]  }
0x32d: {  	v7 =	vmul.f32 $3.200000000e+01, v9;
	s17 =	simm.s32 $0x20;
	v8 =	vmul.f32 $3.200000000e+01, v10;
	s21 =	sor.u32 s10, s18;
	s10 =	simm.s32 $0x40;
	[tilespmem:s23+$0x0] =	vst v5;
	v5 =	vld [tilespmem:s2+$0x0]  }
.LBB2_16:
0x32e: {  	s9 =	sshrl.u32 s17, $0x2;
	s0 =	sadd.s32 $0x2, s0  }
0x32f: {  	v9 =	vld [tilespmem:s28+$0x0];
	s22 =	sadd.s32 $0x100, s22;
	[tilespmem:s19+$0x0] =	vst v7;
	s19 =	smov.u32 s25;
	s13 =	sand.u32 $0x60, s10  }
0x330: {  	s11 =	sand.u32 $0x1C00, s22;
	s9 =	sand.u32 $0x380, s9;
	p0 =	slt.u32 s0, $0x1FE;
	v7 =	vld [tilespmem:s31+$0x0];
	v3 =	vmul.f32 $3.200000000e+01, v3;
	[tilespmem:s20+$0x0] =	vst v8  }
0x331: {  	s20 =	smov.u32 s21;
	s21 =	sor.u32 $0x10, s13;
	s9 =	sor.u32 s11, s9;
	v4 =	vmul.f32 $3.200000000e+01, v4;
	v8 =	vld [tilespmem:s19+$0x0]  }
0x332: {  	s11 =	sadd.s32 $0x8100, s9;
	s18 =	sadd.s32 $0xE100, s9;
	v6 =	vmul.f32 $3.200000000e+01, v6;
	v10 =	vld [tilespmem:s20+$0x0];
	[tilespmem:s24+$0x0] =	vst v3;
	s23 =	sadd.s32 $0xA100, s9  }
.Ltmp7:
0x333: {  	s9 =	sadd.s32 $0xC100, s9;
	s24 =	sor.u32 s21, s18;
	[tilespmem:s26+$0x0] =	vst v4;
	v5 =	vmul.f32 $3.200000000e+01, v5;
	(pc) =	sbr.rel @p0 .LBB2_16-.Ltmp7, $4  }
0x334: {  	s26 =	sor.u32 s13, s11;
	s30 =	sor.u32 s13, s9;
	v3 =	vld [tilespmem:s24+$0x0];
	[tilespmem:s6+$0x0] =	vst v6;
	s6 =	sor.u32 s13, s23;
	v9 =	vmul.f32 $3.200000000e+01, v9  }
0x335: {  	s11 =	sor.u32 s21, s11;
	s25 =	sor.u32 s21, s23;
	s13 =	sor.u32 s13, s18;
	v4 =	vld [tilespmem:s26+$0x0];
	[tilespmem:s2+$0x0] =	vst v5;
	v11 =	vmul.f32 $3.200000000e+01, v7  }
0x336: {  	s21 =	sor.u32 s21, s9;
	s2 =	smov.u32 s30;
	v6 =	vld [tilespmem:s6+$0x0];
	[tilespmem:s28+$0x0] =	vst v9;
	v7 =	vmul.f32 $3.200000000e+01, v8;
	s28 =	smov.u32 s13  }
0x337: {  	s10 =	sadd.s32 $0x20, s10;
	s17 =	sadd.s32 $0x10, s17;
	v5 =	vld [tilespmem:s2+$0x0];
	[tilespmem:s31+$0x0] =	vst v11;
	v8 =	vmul.f32 $3.200000000e+01, v10;
	s31 =	smov.u32 s11  }
0x338: {  	v9 =	vld [tilespmem:s28+$0x0]  }
0x339: {  	v10 =	vld [tilespmem:s31+$0x0];
	[tilespmem:s19+$0x0] =	vst v7;
	v3 =	vmul.f32 $3.200000000e+01, v3  }
0x33a: {  	v60 =	vld [tilespmem:s25+$0x0];
	[tilespmem:s20+$0x0] =	vst v8;
	v4 =	vmul.f32 $3.200000000e+01, v4  }
0x33b: {  	v61 =	vld [tilespmem:s21+$0x0];
	v6 =	vmul.f32 $3.200000000e+01, v6;
	[tilespmem:s24+$0x0] =	vst v3  }
0x33c: {  	[tilespmem:s26+$0x0] =	vst v4;
	v3 =	vmul.f32 $3.200000000e+01, v5  }
0x33d: {  	[tilespmem:s6+$0x0] =	vst v6;
	v62 =	vmul.f32 $3.200000000e+01, v9  }
0x33e: {  	[tilespmem:s2+$0x0] =	vst v3;
	v3 =	vmul.f32 $3.200000000e+01, v10  }
0x33f: {  	v63 =	vmul.f32 $3.200000000e+01, v60;
	[tilespmem:s28+$0x0] =	vst v62  }
0x340: {  	[tilespmem:s31+$0x0] =	vst v3;
	v3 =	vmul.f32 $3.200000000e+01, v61  }
0x341: {  	[tilespmem:s25+$0x0] =	vst v63  }
0x342: {  	[tilespmem:s21+$0x0] =	vst v3  }
0x343: {  	s0 =	sld [smem:$0x7FA];
	_ =	sdelay $0x1  }
0x344: {  	s2 =	simm.s32 $0x8100;
	s26 =	sld [smem:$0x7FB]  }
0x345: {  	[hbm4b:s0+s3] =	stream.linear.scatter [tilespmem:s2], [sflag:$0x5], $0x2000, $0x38;
	[tilespmem:$0x18100] =	vst v63  }
0x346: {  	s6 =	simm.s32 $0xA100;
	s28 =	sld [smem:$0x7FC]  }
0x347: {  	[hbm4b:s26+s3] =	stream.linear.scatter [tilespmem:s6], [sflag:$0x5], $0x2000, $0x38;
	[tilespmem:$0x18100] =	vst v63  }
0x348: {  	s9 =	simm.s32 $0xC100;
	s30 =	sld [smem:$0x7FD]  }
0x349: {  	[hbm4b:s28+s3] =	stream.linear.scatter [tilespmem:s9], [sflag:$0x5], $0x2000, $0x38;
	[tilespmem:$0x18100] =	vst v63  }
0x34a: {  	s10 =	simm.s32 $0xE100  }
0x34b: {  	[hbm4b:s30+s3] =	stream.linear.scatter [tilespmem:s10], [sflag:$0x5], $0x2000, $0x38;
	[tilespmem:$0x18100] =	vst v63  }
0x34c: {  	_ =	swait.ge [sflag:s12], $0x2000  }
0x34d: {  	[sflag:s12] =	ssyncset.done $0x0  }
0x34e: {  	[sflag:s12] =	ssyncadd.s32 $0xFFFFE000  }
0x34f: {  	_ =	swait.ge [sflag:s12], $0x2000  }
0x350: {  	[sflag:s12] =	ssyncset.done $0x0  }
0x351: {  	[sflag:s12] =	ssyncadd.s32 $0xFFFFE000  }
0x352: {  	_ =	swait.ge [sflag:s12], $0x2000  }
0x353: {  	[sflag:s12] =	ssyncset.done $0x0  }
0x354: {  	[sflag:s12] =	ssyncadd.s32 $0xFFFFE000  }
0x355: {  	_ =	swait.ge [sflag:s12], $0x2000  }
0x356: {  	[sflag:s12] =	ssyncset.done $0x0  }
0x357: {  	[sflag:s12] =	ssyncadd.s32 $0xFFFFE000  }
0x358: {  	_ =	swait.ge [sflag:s14], $0x2000  }
0x359: {  	[sflag:s14] =	ssyncset.done $0x0  }
0x35a: {  	[sflag:s14] =	ssyncadd.s32 $0xFFFFE000  }
0x35b: {  	_ =	swait.ge [sflag:s14], $0x2000  }
0x35c: {  	[sflag:s14] =	ssyncset.done $0x0  }
0x35d: {  	[sflag:s14] =	ssyncadd.s32 $0xFFFFE000  }
0x35e: {  	_ =	swait.ge [sflag:s14], $0x2000  }
0x35f: {  	[sflag:s14] =	ssyncset.done $0x0  }
0x360: {  	[sflag:s14] =	ssyncadd.s32 $0xFFFFE000  }
0x361: {  	_ =	swait.ge [sflag:s14], $0x2000  }
0x362: {  	s16 =	sadd.s32 $0x1, s16;
	s31 =	rddreg [dreg:$0x16]  }
0x363: {  	p0 =	sne.s32 s16, s31  }
.Ltmp8:
0x364: {  	_ = 	snop;
	(pc) =	sbr.rel @p0 .LBB2_1-.Ltmp8, $3  }
0x365: {  	_ =	sdelay $0x1  }
0x366: {  	[sflag:s14] =	ssyncset.done $0x0  }
0x367: {  	[sflag:s14] =	ssyncadd.s32 $0xFFFFE000  }
0x368: {  	_ =	sfence.sel $0x180000  }
0x369: {  	[bflag:$0x0] =	sbarrier.arrive $0xFFFF  }
0x36a: {  	_ =	strace $0x90000047  }
0x36b: {  	s0 =	stileid.u32;
	[bflag:$0x2] =	sbarrier.arrive $0xFFFF  }
0x36c: {  	p0 =	sne.s32 s0, $0x0;
	s0 =	rddreg [dreg:$0x3]  }
0x36d: {  	s0 =	sadd.s32 @!p0 $0x100000, s0  }
0x36e: {  	[sflag:s0] =	ssyncadd.tile.s32 @!p0 $0x1;
	_ =	shalt  }
.Lfunc_end2:
_tile_overlayer_lowered:
.L_overlay_start_2:
0x36f: {  	(tag) =	ssettag $0x2  }
0x370: {  	s0 =	rddreg [dreg:$0x0];
	s2 =	stileid.u32  }
0x371: {  	s1 =	rddreg [dreg:$0x1];
	p0 =	sne.s32 s2, $0x0  }
0x372: {  	s3 =	rddreg [dreg:$0x2];
	[bflag:$0x3] =	sbarrier.arrive $0xFFFF;
	s2 =	simm.s32 @!p0 $0x1C07  }
0x373: {  	[timem:s3], [sflag:s2] =	dma.local @!p0 [hbm:s0], s1  }
0x374: {  	s0 =	simm.s32 @!p0 $0x7  }
0x375: {  	_ =	swait.ge @!p0 [sflag:s0], s1  }
0x376: {  	s1 =	ssub.s32 @!p0 $0x0, s1;
	[sflag:s0] =	ssyncset.done @!p0 $0x0  }
0x377: {  	[sflag:s0] =	ssyncadd.s32 @!p0 s1  }
0x378: {  	[bflag:$0x3] =	sbarrier.arrive $0xFFFF  }
0x379: {  	_ =	shalt  }

</sc_bundles>
